<compile_context>
chip_gen: v7x
topology: tpu7x:2x2x1
jax: 0.10.2.dev20260603
libtpu: 0.0.44.dev20260713+nightly
codegen_flags: <defaults>
</compile_context>

<pallas_src>
import functools
import jax
import jax.numpy as jnp
from jax import lax
from jax.experimental import pallas as pl
from jax.experimental.pallas import tpu as pltpu
from jax.experimental.pallas import tpu_sc as plsc


def kernel(x, row_embed):
    B = x.shape[0]
    W, D = row_embed.shape
    NC, NS = 2, 16
    NW = NC * NS
    bpw = B // NW
    RB = 8
    P = 4
    PW = W // P
    NCH = bpw // RB
    F = 5

    rep4 = jnp.broadcast_to(row_embed.reshape(P, PW, 1, D), (P, PW, RB, D))
    rep2 = rep4.reshape(2, 2 * PW, RB, D)

    mesh = plsc.VectorSubcoreMesh(
        core_axis_name="c", subcore_axis_name="s", num_cores=NC, num_subcores=NS
    )

    @functools.partial(
        pl.kernel,
        mesh=mesh,
        out_type=jax.ShapeDtypeStruct((W, B, D), jnp.float32),
        scratch_types=[
            pltpu.VMEM((2, PW, RB, D), jnp.float32),
            pltpu.VMEM_SHARED((2 * PW, RB, D), jnp.float32),
            pltpu.SemaphoreType.DMA,
            pltpu.SemaphoreType.DMA,
            pltpu.SemaphoreType.DMA,
        ],
    )
    def sc_broadcast(rep4_hbm, rep2_hbm, out_hbm, rep_v, shr_v, sem_f, sem_t, sem_s):
        c = lax.axis_index("c")
        s = lax.axis_index("s")
        wid = s * NC + c
        base = wid * bpw

        fetches = {0: pltpu.async_copy(rep4_hbm.at[0], rep_v.at[0], sem_f)}
        tile_outs = {}
        shr_outs = []
        for p in range(P):
            b = p % 2
            if p in (0, 2):
                for cp in shr_outs:
                    cp.wait()
                shr_outs = []
                plsc.subcore_barrier()

                @pl.when(s == 0)
                def _stage_shared():
                    pltpu.sync_copy(rep2_hbm.at[p // 2], shr_v)

                plsc.subcore_barrier()
            fetches[p].wait()
            tile_outs[p] = []
            for i in range(NCH):
                dst = out_hbm.at[pl.ds(p * PW, PW), pl.ds(base + i * RB, RB)]
                if i < F:
                    shr_outs.append(
                        pltpu.async_copy(shr_v.at[pl.ds(b * PW, PW)], dst, sem_s)
                    )
                else:
                    tile_outs[p].append(pltpu.async_copy(rep_v.at[b], dst, sem_t))
            if p + 1 < P:
                if p >= 1:
                    for cp in tile_outs[p - 1]:
                        cp.wait()
                fetches[p + 1] = pltpu.async_copy(
                    rep4_hbm.at[p + 1], rep_v.at[(p + 1) % 2], sem_f
                )
        for p in (P - 2, P - 1):
            for cp in tile_outs[p]:
                cp.wait()
        for cp in shr_outs:
            cp.wait()

    return jnp.transpose(sc_broadcast(rep4, rep2), (1, 0, 2))

# --- scband reference (transcript-rebuilt; emitter-appended) ---
"""Pipeline reference for scband-position-embedding-learned1-d-3186865734050 (READ-ONLY COPY).

The authoritative reference and input builder live on the scoring server;
editing this copy changes nothing except your own understanding.
"""

import jax, jax.numpy as jnp
import numpy as np

NUM_POS_FEATS = 256
TABLE_ROWS = 100

def setup_inputs(seed: int = 0) -> dict:
    key = jax.random.key(seed)
    k1, k2 = jax.random.split(key)
    x = jax.random.normal(k1, (4096, 100, NUM_POS_FEATS), dtype=jnp.float32)
    # nn.init.uniform_ defaults to U[0, 1)
    row_embed = jax.random.uniform(k2, (TABLE_ROWS, NUM_POS_FEATS), dtype=jnp.float32)
    return {"x": x, "row_embed": row_embed}

def reference(x, row_embed):
    w = x.shape[-2]
    i = jnp.arange(w)
    y_emb = jnp.take(row_embed, i, axis=0)            # embedding lookup [w, d]
    pos = jnp.broadcast_to(y_emb[None, :, :], (x.shape[0], w, row_embed.shape[1]))
    # rearrange 'b ... d -> b (...) d' is a no-op here since pos is already [b, w, d]
    pos = pos.reshape(pos.shape[0], -1, pos.shape[-1])
    return pos

if __name__ == "__main__":
    import jax
    _d = setup_inputs()
    print(jax.jit(kernel)(*tuple(_d.values())))

</pallas_src>

<mosaic_0001>
#map = affine_map<(d0, d1) -> (0, 0, 0, 0)>
#map1 = affine_map<(d0, d1) -> (0, 0, 0)>
module attributes {stable_mosaic.version = 14 : i64} {
  func.func @sc_broadcast(%arg0: i32, %arg1: i32, %arg2: memref<4x25x8x256xf32, #tpu.memory_space<hbm>>, %arg3: memref<2x50x8x256xf32, #tpu.memory_space<hbm>>, %arg4: memref<100x4096x256xf32, #tpu.memory_space<hbm>>, %arg5: memref<2x25x8x256xf32, #tpu.memory_space<vmem>>, %arg6: memref<50x8x256xf32, #tpu.memory_space<vmem_shared>>, %arg7: memref<!tpu.dma_semaphore, #tpu.memory_space<semaphore_mem>>, %arg8: memref<!tpu.dma_semaphore, #tpu.memory_space<semaphore_mem>>, %arg9: memref<!tpu.dma_semaphore, #tpu.memory_space<semaphore_mem>>) attributes {dimension_semantics = [#tpu.dimension_semantics<core_parallel>, #tpu.dimension_semantics<subcore_parallel>], iteration_bounds = array<i64: 2, 16>, scalar_prefetch = 0 : i64, scratch_operands = 5 : i64, tpu.core_type = #tpu.core_type<sc_vector_subcore>, window_params = [{transform_indices = #map}, {transform_indices = #map}, {transform_indices = #map1}]} {
    %mul3A = arith.constant 2 : i32
    %mul3A_0 = arith.muli %arg1, %mul3A : i32
    %add3A = arith.addi %mul3A_0, %arg0 : i32
    %mul3A_1 = arith.constant 128 : i32
    %mul3A_2 = arith.muli %add3A, %mul3A_1 : i32
    %dma_start3A = arith.constant 0 : i32
    %dma_start3A_3 = arith.constant 0 : i32
    %dma_start3A_4 = arith.constant 0 : i32
    %dma_start3A_5 = arith.constant 0 : i32
    %dma_start3A_6 = arith.constant 0 : i32
    %dma_start3A_7 = tpu.memref_slice %arg5[%dma_start3A_3, %dma_start3A_4, %dma_start3A_5, %dma_start3A_6] : memref<2x25x8x256xf32, #tpu.memory_space<vmem>> -> memref<1x25x8x256xf32, #tpu.memory_space<vmem>>
    %dma_start3A_8 = tpu.memref_squeeze %dma_start3A_7 : memref<1x25x8x256xf32, #tpu.memory_space<vmem>> -> memref<25x8x256xf32, #tpu.memory_space<vmem>>
    %dma_start3A_9 = arith.constant 0 : i32
    %dma_start3A_10 = arith.constant 0 : i32
    %dma_start3A_11 = arith.constant 0 : i32
    %dma_start3A_12 = tpu.memref_slice %arg2[%dma_start3A, %dma_start3A_9, %dma_start3A_10, %dma_start3A_11] : memref<4x25x8x256xf32, #tpu.memory_space<hbm>> -> memref<1x25x8x256xf32, #tpu.memory_space<hbm>>
    %dma_start3A_13 = tpu.memref_squeeze %dma_start3A_12 : memref<1x25x8x256xf32, #tpu.memory_space<hbm>> -> memref<25x8x256xf32, #tpu.memory_space<hbm>>
    %dma_start3A_14 = arith.constant 0 : i32
    %dma_start3A_15 = arith.constant 0 : i32
    %dma_start3A_16 = arith.constant 0 : i32
    %dma_start3A_17 = tpu.memref_slice %arg5[%dma_start3A_3, %dma_start3A_14, %dma_start3A_15, %dma_start3A_16] : memref<2x25x8x256xf32, #tpu.memory_space<vmem>> -> memref<1x25x8x256xf32, #tpu.memory_space<vmem>>
    %dma_start3A_18 = tpu.memref_squeeze %dma_start3A_17 : memref<1x25x8x256xf32, #tpu.memory_space<vmem>> -> memref<25x8x256xf32, #tpu.memory_space<vmem>>
    %dma_start3A_19 = arith.constant 0 : i32
    %dma_start3A_20 = arith.constant 0 : i32
    %dma_start3A_21 = arith.constant 0 : i32
    %dma_start3A_22 = tpu.memref_slice %arg2[%dma_start3A, %dma_start3A_19, %dma_start3A_20, %dma_start3A_21] : memref<4x25x8x256xf32, #tpu.memory_space<hbm>> -> memref<1x25x8x256xf32, #tpu.memory_space<hbm>>
    %dma_start3A_23 = tpu.memref_squeeze %dma_start3A_22 : memref<1x25x8x256xf32, #tpu.memory_space<hbm>> -> memref<25x8x256xf32, #tpu.memory_space<hbm>>
    tpu.enqueue_dma source(%dma_start3A_23 : memref<25x8x256xf32, #tpu.memory_space<hbm>>) target(%dma_start3A_18 : memref<25x8x256xf32, #tpu.memory_space<vmem>>) target_semaphore(%arg7 : memref<!tpu.dma_semaphore, #tpu.memory_space<semaphore_mem>>)
    %barrier3A = arith.constant 0 : index
    tpu.barrier barrier_id(%barrier3A)
    %eq3A = arith.constant 0 : i32
    %eq3A_24 = arith.cmpi eq, %arg1, %eq3A : i32
    %convert_element_type3A = arith.extui %eq3A_24 : i1 to i32
    %cond3A = arith.constant 0 : i32
    %cond3A_25 = arith.cmpi ne, %convert_element_type3A, %cond3A : i32
    scf.if %cond3A_25 {
      %run_scoped3A = arith.constant 0 : i32
      "tpu.region"() ({
        %run_scoped3A_2091 = tpu.sem_alloc : memref<!tpu.dma_semaphore, #tpu.memory_space<semaphore_mem>>
        %dma_start3A_2092 = arith.constant 0 : i32
        %dma_start3A_2093 = arith.constant 0 : i32
        %dma_start3A_2094 = arith.constant 0 : i32
        %dma_start3A_2095 = tpu.memref_slice %arg3[%run_scoped3A, %dma_start3A_2092, %dma_start3A_2093, %dma_start3A_2094] : memref<2x50x8x256xf32, #tpu.memory_space<hbm>> -> memref<1x50x8x256xf32, #tpu.memory_space<hbm>>
        %dma_start3A_2096 = tpu.memref_squeeze %dma_start3A_2095 : memref<1x50x8x256xf32, #tpu.memory_space<hbm>> -> memref<50x8x256xf32, #tpu.memory_space<hbm>>
        tpu.enqueue_dma source(%dma_start3A_2096 : memref<50x8x256xf32, #tpu.memory_space<hbm>>) target(%arg6 : memref<50x8x256xf32, #tpu.memory_space<vmem_shared>>) target_semaphore(%run_scoped3A_2091 : memref<!tpu.dma_semaphore, #tpu.memory_space<semaphore_mem>>)
        %dma_wait3A_2097 = arith.constant 0 : i32
        %dma_wait3A_2098 = arith.constant 0 : i32
        %dma_wait3A_2099 = arith.constant 0 : i32
        %dma_wait3A_2100 = tpu.memref_slice %arg3[%run_scoped3A, %dma_wait3A_2097, %dma_wait3A_2098, %dma_wait3A_2099] : memref<2x50x8x256xf32, #tpu.memory_space<hbm>> -> memref<1x50x8x256xf32, #tpu.memory_space<hbm>>
        %dma_wait3A_2101 = tpu.memref_squeeze %dma_wait3A_2100 : memref<1x50x8x256xf32, #tpu.memory_space<hbm>> -> memref<50x8x256xf32, #tpu.memory_space<hbm>>
        tpu.wait_dma2 semaphore(%run_scoped3A_2091 : memref<!tpu.dma_semaphore, #tpu.memory_space<semaphore_mem>>) src(%dma_wait3A_2101 : memref<50x8x256xf32, #tpu.memory_space<hbm>>) dst(%arg6 : memref<50x8x256xf32, #tpu.memory_space<vmem_shared>>)
        tpu.yield
      }) : () -> ()
    } else {
    }
    %barrier3A_26 = arith.constant 0 : index
    tpu.barrier barrier_id(%barrier3A_26)
    %dma_wait3A = arith.constant 0 : i32
    %dma_wait3A_27 = arith.constant 0 : i32
    %dma_wait3A_28 = arith.constant 0 : i32
    %dma_wait3A_29 = arith.constant 0 : i32
    %dma_wait3A_30 = arith.constant 0 : i32
    %dma_wait3A_31 = tpu.memref_slice %arg5[%dma_wait3A_27, %dma_wait3A_28, %dma_wait3A_29, %dma_wait3A_30] : memref<2x25x8x256xf32, #tpu.memory_space<vmem>> -> memref<1x25x8x256xf32, #tpu.memory_space<vmem>>
    %dma_wait3A_32 = tpu.memref_squeeze %dma_wait3A_31 : memref<1x25x8x256xf32, #tpu.memory_space<vmem>> -> memref<25x8x256xf32, #tpu.memory_space<vmem>>
    %dma_wait3A_33 = arith.constant 0 : i32
    %dma_wait3A_34 = arith.constant 0 : i32
    %dma_wait3A_35 = arith.constant 0 : i32
    %dma_wait3A_36 = tpu.memref_slice %arg2[%dma_wait3A, %dma_wait3A_33, %dma_wait3A_34, %dma_wait3A_35] : memref<4x25x8x256xf32, #tpu.memory_space<hbm>> -> memref<1x25x8x256xf32, #tpu.memory_space<hbm>>
    %dma_wait3A_37 = tpu.memref_squeeze %dma_wait3A_36 : memref<1x25x8x256xf32, #tpu.memory_space<hbm>> -> memref<25x8x256xf32, #tpu.memory_space<hbm>>
    %dma_wait3A_38 = arith.constant 0 : i32
    %dma_wait3A_39 = arith.constant 0 : i32
    %dma_wait3A_40 = arith.constant 0 : i32
    %dma_wait3A_41 = tpu.memref_slice %arg5[%dma_wait3A_27, %dma_wait3A_38, %dma_wait3A_39, %dma_wait3A_40] : memref<2x25x8x256xf32, #tpu.memory_space<vmem>> -> memref<1x25x8x256xf32, #tpu.memory_space<vmem>>
    %dma_wait3A_42 = tpu.memref_squeeze %dma_wait3A_41 : memref<1x25x8x256xf32, #tpu.memory_space<vmem>> -> memref<25x8x256xf32, #tpu.memory_space<vmem>>
    %dma_wait3A_43 = arith.constant 0 : i32
    %dma_wait3A_44 = arith.constant 0 : i32
    %dma_wait3A_45 = arith.constant 0 : i32
    %dma_wait3A_46 = tpu.memref_slice %arg2[%dma_wait3A, %dma_wait3A_43, %dma_wait3A_44, %dma_wait3A_45] : memref<4x25x8x256xf32, #tpu.memory_space<hbm>> -> memref<1x25x8x256xf32, #tpu.memory_space<hbm>>
    %dma_wait3A_47 = tpu.memref_squeeze %dma_wait3A_46 : memref<1x25x8x256xf32, #tpu.memory_space<hbm>> -> memref<25x8x256xf32, #tpu.memory_space<hbm>>
    tpu.wait_dma2 semaphore(%arg7 : memref<!tpu.dma_semaphore, #tpu.memory_space<semaphore_mem>>) src(%dma_wait3A_47 : memref<25x8x256xf32, #tpu.memory_space<hbm>>) dst(%dma_wait3A_42 : memref<25x8x256xf32, #tpu.memory_space<vmem>>)
    %add3A_48 = arith.constant 0 : i32
    %add3A_49 = arith.addi %mul3A_2, %add3A_48 : i32
    %dma_start3A_50 = arith.constant 0 : i32
    %dma_start3A_51 = arith.constant 0 : i32
    %dma_start3A_52 = tpu.memref_slice %arg4[%dma_start3A_50, %add3A_49, %dma_start3A_51] : memref<100x4096x256xf32, #tpu.memory_space<hbm>> -> memref<25x8x256xf32, #tpu.memory_space<hbm>>
    %dma_start3A_53 = arith.constant 0 : i32
    %dma_start3A_54 = arith.constant 0 : i32
    %dma_start3A_55 = arith.constant 0 : i32
    %dma_start3A_56 = tpu.memref_slice %arg6[%dma_start3A_53, %dma_start3A_54, %dma_start3A_55] : memref<50x8x256xf32, #tpu.memory_space<vmem_shared>> -> memref<25x8x256xf32, #tpu.memory_space<vmem_shared>>
    tpu.enqueue_dma source(%dma_start3A_56 : memref<25x8x256xf32, #tpu.memory_space<vmem_shared>>) target(%dma_start3A_52 : memref<25x8x256xf32, #tpu.memory_space<hbm>>) target_semaphore(%arg9 : memref<!tpu.dma_semaphore, #tpu.memory_space<semaphore_mem>>)
    %add3A_57 = arith.constant 8 : i32
    %add3A_58 = arith.addi %mul3A_2, %add3A_57 : i32
    %dma_start3A_59 = arith.constant 0 : i32
    %dma_start3A_60 = arith.constant 0 : i32
    %dma_start3A_61 = tpu.memref_slice %arg4[%dma_start3A_59, %add3A_58, %dma_start3A_60] : memref<100x4096x256xf32, #tpu.memory_space<hbm>> -> memref<25x8x256xf32, #tpu.memory_space<hbm>>
    %dma_start3A_62 = arith.constant 0 : i32
    %dma_start3A_63 = arith.constant 0 : i32
    %dma_start3A_64 = arith.constant 0 : i32
    %dma_start3A_65 = tpu.memref_slice %arg6[%dma_start3A_62, %dma_start3A_63, %dma_start3A_64] : memref<50x8x256xf32, #tpu.memory_space<vmem_shared>> -> memref<25x8x256xf32, #tpu.memory_space<vmem_shared>>
    tpu.enqueue_dma source(%dma_start3A_65 : memref<25x8x256xf32, #tpu.memory_space<vmem_shared>>) target(%dma_start3A_61 : memref<25x8x256xf32, #tpu.memory_space<hbm>>) target_semaphore(%arg9 : memref<!tpu.dma_semaphore, #tpu.memory_space<semaphore_mem>>)
    %add3A_66 = arith.constant 16 : i32
    %add3A_67 = arith.addi %mul3A_2, %add3A_66 : i32
    %dma_start3A_68 = arith.constant 0 : i32
    %dma_start3A_69 = arith.constant 0 : i32
    %dma_start3A_70 = tpu.memref_slice %arg4[%dma_start3A_68, %add3A_67, %dma_start3A_69] : memref<100x4096x256xf32, #tpu.memory_space<hbm>> -> memref<25x8x256xf32, #tpu.memory_space<hbm>>
    %dma_start3A_71 = arith.constant 0 : i32
    %dma_start3A_72 = arith.constant 0 : i32
    %dma_start3A_73 = arith.constant 0 : i32
    %dma_start3A_74 = tpu.memref_slice %arg6[%dma_start3A_71, %dma_start3A_72, %dma_start3A_73] : memref<50x8x256xf32, #tpu.memory_space<vmem_shared>> -> memref<25x8x256xf32, #tpu.memory_space<vmem_shared>>
    tpu.enqueue_dma source(%dma_start3A_74 : memref<25x8x256xf32, #tpu.memory_space<vmem_shared>>) target(%dma_start3A_70 : memref<25x8x256xf32, #tpu.memory_space<hbm>>) target_semaphore(%arg9 : memref<!tpu.dma_semaphore, #tpu.memory_space<semaphore_mem>>)
    %add3A_75 = arith.constant 24 : i32
    %add3A_76 = arith.addi %mul3A_2, %add3A_75 : i32
    %dma_start3A_77 = arith.constant 0 : i32
    %dma_start3A_78 = arith.constant 0 : i32
    %dma_start3A_79 = tpu.memref_slice %arg4[%dma_start3A_77, %add3A_76, %dma_start3A_78] : memref<100x4096x256xf32, #tpu.memory_space<hbm>> -> memref<25x8x256xf32, #tpu.memory_space<hbm>>
    %dma_start3A_80 = arith.constant 0 : i32
    %dma_start3A_81 = arith.constant 0 : i32
    %dma_start3A_82 = arith.constant 0 : i32
    %dma_start3A_83 = tpu.memref_slice %arg6[%dma_start3A_80, %dma_start3A_81, %dma_start3A_82] : memref<50x8x256xf32, #tpu.memory_space<vmem_shared>> -> memref<25x8x256xf32, #tpu.memory_space<vmem_shared>>
    tpu.enqueue_dma source(%dma_start3A_83 : memref<25x8x256xf32, #tpu.memory_space<vmem_shared>>) target(%dma_start3A_79 : memref<25x8x256xf32, #tpu.memory_space<hbm>>) target_semaphore(%arg9 : memref<!tpu.dma_semaphore, #tpu.memory_space<semaphore_mem>>)
    %add3A_84 = arith.constant 32 : i32
    %add3A_85 = arith.addi %mul3A_2, %add3A_84 : i32
    %dma_start3A_86 = arith.constant 0 : i32
    %dma_start3A_87 = arith.constant 0 : i32
    %dma_start3A_88 = tpu.memref_slice %arg4[%dma_start3A_86, %add3A_85, %dma_start3A_87] : memref<100x4096x256xf32, #tpu.memory_space<hbm>> -> memref<25x8x256xf32, #tpu.memory_space<hbm>>
    %dma_start3A_89 = arith.constant 0 : i32
    %dma_start3A_90 = arith.constant 0 : i32
    %dma_start3A_91 = arith.constant 0 : i32
    %dma_start3A_92 = tpu.memref_slice %arg6[%dma_start3A_89, %dma_start3A_90, %dma_start3A_91] : memref<50x8x256xf32, #tpu.memory_space<vmem_shared>> -> memref<25x8x256xf32, #tpu.memory_space<vmem_shared>>
    tpu.enqueue_dma source(%dma_start3A_92 : memref<25x8x256xf32, #tpu.memory_space<vmem_shared>>) target(%dma_start3A_88 : memref<25x8x256xf32, #tpu.memory_space<hbm>>) target_semaphore(%arg9 : memref<!tpu.dma_semaphore, #tpu.memory_space<semaphore_mem>>)
    %add3A_93 = arith.constant 40 : i32
    %add3A_94 = arith.addi %mul3A_2, %add3A_93 : i32
    %dma_start3A_95 = arith.constant 0 : i32
    %dma_start3A_96 = arith.constant 0 : i32
    %dma_start3A_97 = arith.constant 0 : i32
    %dma_start3A_98 = arith.constant 0 : i32
    %dma_start3A_99 = tpu.memref_slice %arg5[%dma_start3A_95, %dma_start3A_96, %dma_start3A_97, %dma_start3A_98] : memref<2x25x8x256xf32, #tpu.memory_space<vmem>> -> memref<1x25x8x256xf32, #tpu.memory_space<vmem>>
    %dma_start3A_100 = tpu.memref_squeeze %dma_start3A_99 : memref<1x25x8x256xf32, #tpu.memory_space<vmem>> -> memref<25x8x256xf32, #tpu.memory_space<vmem>>
    %dma_start3A_101 = arith.constant 0 : i32
    %dma_start3A_102 = arith.constant 0 : i32
    %dma_start3A_103 = tpu.memref_slice %arg4[%dma_start3A_101, %add3A_94, %dma_start3A_102] : memref<100x4096x256xf32, #tpu.memory_space<hbm>> -> memref<25x8x256xf32, #tpu.memory_space<hbm>>
    %dma_start3A_104 = arith.constant 0 : i32
    %dma_start3A_105 = arith.constant 0 : i32
    %dma_start3A_106 = tpu.memref_slice %arg4[%dma_start3A_104, %add3A_94, %dma_start3A_105] : memref<100x4096x256xf32, #tpu.memory_space<hbm>> -> memref<25x8x256xf32, #tpu.memory_space<hbm>>
    %dma_start3A_107 = arith.constant 0 : i32
    %dma_start3A_108 = arith.constant 0 : i32
    %dma_start3A_109 = arith.constant 0 : i32
    %dma_start3A_110 = tpu.memref_slice %arg5[%dma_start3A_95, %dma_start3A_107, %dma_start3A_108, %dma_start3A_109] : memref<2x25x8x256xf32, #tpu.memory_space<vmem>> -> memref<1x25x8x256xf32, #tpu.memory_space<vmem>>
    %dma_start3A_111 = tpu.memref_squeeze %dma_start3A_110 : memref<1x25x8x256xf32, #tpu.memory_space<vmem>> -> memref<25x8x256xf32, #tpu.memory_space<vmem>>
    tpu.enqueue_dma source(%dma_start3A_111 : memref<25x8x256xf32, #tpu.memory_space<vmem>>) target(%dma_start3A_106 : memref<25x8x256xf32, #tpu.memory_space<hbm>>) target_semaphore(%arg8 : memref<!tpu.dma_semaphore, #tpu.memory_space<semaphore_mem>>)
    %add3A_112 = arith.constant 48 : i32
    %add3A_113 = arith.addi %mul3A_2, %add3A_112 : i32
    %dma_start3A_114 = arith.constant 0 : i32
    %dma_start3A_115 = arith.constant 0 : i32
    %dma_start3A_116 = arith.constant 0 : i32
    %dma_start3A_117 = arith.constant 0 : i32
    %dma_start3A_118 = tpu.memref_slice %arg5[%dma_start3A_114, %dma_start3A_115, %dma_start3A_116, %dma_start3A_117] : memref<2x25x8x256xf32, #tpu.memory_space<vmem>> -> memref<1x25x8x256xf32, #tpu.memory_space<vmem>>
    %dma_start3A_119 = tpu.memref_squeeze %dma_start3A_118 : memref<1x25x8x256xf32, #tpu.memory_space<vmem>> -> memref<25x8x256xf32, #tpu.memory_space<vmem>>
    %dma_start3A_120 = arith.constant 0 : i32
    %dma_start3A_121 = arith.constant 0 : i32
    %dma_start3A_122 = tpu.memref_slice %arg4[%dma_start3A_120, %add3A_113, %dma_start3A_121] : memref<100x4096x256xf32, #tpu.memory_space<hbm>> -> memref<25x8x256xf32, #tpu.memory_space<hbm>>
    %dma_start3A_123 = arith.constant 0 : i32
    %dma_start3A_124 = arith.constant 0 : i32
    %dma_start3A_125 = tpu.memref_slice %arg4[%dma_start3A_123, %add3A_113, %dma_start3A_124] : memref<100x4096x256xf32, #tpu.memory_space<hbm>> -> memref<25x8x256xf32, #tpu.memory_space<hbm>>
    %dma_start3A_126 = arith.constant 0 : i32
    %dma_start3A_127 = arith.constant 0 : i32
    %dma_start3A_128 = arith.constant 0 : i32
    %dma_start3A_129 = tpu.memref_slice %arg5[%dma_start3A_114, %dma_start3A_126, %dma_start3A_127, %dma_start3A_128] : memref<2x25x8x256xf32, #tpu.memory_space<vmem>> -> memref<1x25x8x256xf32, #tpu.memory_space<vmem>>
    %dma_start3A_130 = tpu.memref_squeeze %dma_start3A_129 : memref<1x25x8x256xf32, #tpu.memory_space<vmem>> -> memref<25x8x256xf32, #tpu.memory_space<vmem>>
    tpu.enqueue_dma source(%dma_start3A_130 : memref<25x8x256xf32, #tpu.memory_space<vmem>>) target(%dma_start3A_125 : memref<25x8x256xf32, #tpu.memory_space<hbm>>) target_semaphore(%arg8 : memref<!tpu.dma_semaphore, #tpu.memory_space<semaphore_mem>>)
    %add3A_131 = arith.constant 56 : i32
    %add3A_132 = arith.addi %mul3A_2, %add3A_131 : i32
    %dma_start3A_133 = arith.constant 0 : i32
    %dma_start3A_134 = arith.constant 0 : i32
    %dma_start3A_135 = arith.constant 0 : i32
    %dma_start3A_136 = arith.constant 0 : i32
    %dma_start3A_137 = tpu.memref_slice %arg5[%dma_start3A_133, %dma_start3A_134, %dma_start3A_135, %dma_start3A_136] : memref<2x25x8x256xf32, #tpu.memory_space<vmem>> -> memref<1x25x8x256xf32, #tpu.memory_space<vmem>>
    %dma_start3A_138 = tpu.memref_squeeze %dma_start3A_137 : memref<1x25x8x256xf32, #tpu.memory_space<vmem>> -> memref<25x8x256xf32, #tpu.memory_space<vmem>>
    %dma_start3A_139 = arith.constant 0 : i32
    %dma_start3A_140 = arith.constant 0 : i32
    %dma_start3A_141 = tpu.memref_slice %arg4[%dma_start3A_139, %add3A_132, %dma_start3A_140] : memref<100x4096x256xf32, #tpu.memory_space<hbm>> -> memref<25x8x256xf32, #tpu.memory_space<hbm>>
    %dma_start3A_142 = arith.constant 0 : i32
    %dma_start3A_143 = arith.constant 0 : i32
    %dma_start3A_144 = tpu.memref_slice %arg4[%dma_start3A_142, %add3A_132, %dma_start3A_143] : memref<100x4096x256xf32, #tpu.memory_space<hbm>> -> memref<25x8x256xf32, #tpu.memory_space<hbm>>
    %dma_start3A_145 = arith.constant 0 : i32
    %dma_start3A_146 = arith.constant 0 : i32
    %dma_start3A_147 = arith.constant 0 : i32
    %dma_start3A_148 = tpu.memref_slice %arg5[%dma_start3A_133, %dma_start3A_145, %dma_start3A_146, %dma_start3A_147] : memref<2x25x8x256xf32, #tpu.memory_space<vmem>> -> memref<1x25x8x256xf32, #tpu.memory_space<vmem>>
    %dma_start3A_149 = tpu.memref_squeeze %dma_start3A_148 : memref<1x25x8x256xf32, #tpu.memory_space<vmem>> -> memref<25x8x256xf32, #tpu.memory_space<vmem>>
    tpu.enqueue_dma source(%dma_start3A_149 : memref<25x8x256xf32, #tpu.memory_space<vmem>>) target(%dma_start3A_144 : memref<25x8x256xf32, #tpu.memory_space<hbm>>) target_semaphore(%arg8 : memref<!tpu.dma_semaphore, #tpu.memory_space<semaphore_mem>>)
    %add3A_150 = arith.constant 64 : i32
    %add3A_151 = arith.addi %mul3A_2, %add3A_150 : i32
    %dma_start3A_152 = arith.constant 0 : i32
    %dma_start3A_153 = arith.constant 0 : i32
    %dma_start3A_154 = arith.constant 0 : i32
    %dma_start3A_155 = arith.constant 0 : i32
    %dma_start3A_156 = tpu.memref_slice %arg5[%dma_start3A_152, %dma_start3A_153, %dma_start3A_154, %dma_start3A_155] : memref<2x25x8x256xf32, #tpu.memory_space<vmem>> -> memref<1x25x8x256xf32, #tpu.memory_space<vmem>>
    %dma_start3A_157 = tpu.memref_squeeze %dma_start3A_156 : memref<1x25x8x256xf32, #tpu.memory_space<vmem>> -> memref<25x8x256xf32, #tpu.memory_space<vmem>>
    %dma_start3A_158 = arith.constant 0 : i32
    %dma_start3A_159 = arith.constant 0 : i32
    %dma_start3A_160 = tpu.memref_slice %arg4[%dma_start3A_158, %add3A_151, %dma_start3A_159] : memref<100x4096x256xf32, #tpu.memory_space<hbm>> -> memref<25x8x256xf32, #tpu.memory_space<hbm>>
    %dma_start3A_161 = arith.constant 0 : i32
    %dma_start3A_162 = arith.constant 0 : i32
    %dma_start3A_163 = tpu.memref_slice %arg4[%dma_start3A_161, %add3A_151, %dma_start3A_162] : memref<100x4096x256xf32, #tpu.memory_space<hbm>> -> memref<25x8x256xf32, #tpu.memory_space<hbm>>
    %dma_start3A_164 = arith.constant 0 : i32
    %dma_start3A_165 = arith.constant 0 : i32
    %dma_start3A_166 = arith.constant 0 : i32
    %dma_start3A_167 = tpu.memref_slice %arg5[%dma_start3A_152, %dma_start3A_164, %dma_start3A_165, %dma_start3A_166] : memref<2x25x8x256xf32, #tpu.memory_space<vmem>> -> memref<1x25x8x256xf32, #tpu.memory_space<vmem>>
    %dma_start3A_168 = tpu.memref_squeeze %dma_start3A_167 : memref<1x25x8x256xf32, #tpu.memory_space<vmem>> -> memref<25x8x256xf32, #tpu.memory_space<vmem>>
    tpu.enqueue_dma source(%dma_start3A_168 : memref<25x8x256xf32, #tpu.memory_space<vmem>>) target(%dma_start3A_163 : memref<25x8x256xf32, #tpu.memory_space<hbm>>) target_semaphore(%arg8 : memref<!tpu.dma_semaphore, #tpu.memory_space<semaphore_mem>>)
    %add3A_169 = arith.constant 72 : i32
    %add3A_170 = arith.addi %mul3A_2, %add3A_169 : i32
    %dma_start3A_171 = arith.constant 0 : i32
    %dma_start3A_172 = arith.constant 0 : i32
    %dma_start3A_173 = arith.constant 0 : i32
    %dma_start3A_174 = arith.constant 0 : i32
    %dma_start3A_175 = tpu.memref_slice %arg5[%dma_start3A_171, %dma_start3A_172, %dma_start3A_173, %dma_start3A_174] : memref<2x25x8x256xf32, #tpu.memory_space<vmem>> -> memref<1x25x8x256xf32, #tpu.memory_space<vmem>>
    %dma_start3A_176 = tpu.memref_squeeze %dma_start3A_175 : memref<1x25x8x256xf32, #tpu.memory_space<vmem>> -> memref<25x8x256xf32, #tpu.memory_space<vmem>>
    %dma_start3A_177 = arith.constant 0 : i32
    %dma_start3A_178 = arith.constant 0 : i32
    %dma_start3A_179 = tpu.memref_slice %arg4[%dma_start3A_177, %add3A_170, %dma_start3A_178] : memref<100x4096x256xf32, #tpu.memory_space<hbm>> -> memref<25x8x256xf32, #tpu.memory_space<hbm>>
    %dma_start3A_180 = arith.constant 0 : i32
    %dma_start3A_181 = arith.constant 0 : i32
    %dma_start3A_182 = tpu.memref_slice %arg4[%dma_start3A_180, %add3A_170, %dma_start3A_181] : memref<100x4096x256xf32, #tpu.memory_space<hbm>> -> memref<25x8x256xf32, #tpu.memory_space<hbm>>
    %dma_start3A_183 = arith.constant 0 : i32
    %dma_start3A_184 = arith.constant 0 : i32
    %dma_start3A_185 = arith.constant 0 : i32
    %dma_start3A_186 = tpu.memref_slice %arg5[%dma_start3A_171, %dma_start3A_183, %dma_start3A_184, %dma_start3A_185] : memref<2x25x8x256xf32, #tpu.memory_space<vmem>> -> memref<1x25x8x256xf32, #tpu.memory_space<vmem>>
    %dma_start3A_187 = tpu.memref_squeeze %dma_start3A_186 : memref<1x25x8x256xf32, #tpu.memory_space<vmem>> -> memref<25x8x256xf32, #tpu.memory_space<vmem>>
    tpu.enqueue_dma source(%dma_start3A_187 : memref<25x8x256xf32, #tpu.memory_space<vmem>>) target(%dma_start3A_182 : memref<25x8x256xf32, #tpu.memory_space<hbm>>) target_semaphore(%arg8 : memref<!tpu.dma_semaphore, #tpu.memory_space<semaphore_mem>>)
    %add3A_188 = arith.constant 80 : i32
    %add3A_189 = arith.addi %mul3A_2, %add3A_188 : i32
    %dma_start3A_190 = arith.constant 0 : i32
    %dma_start3A_191 = arith.constant 0 : i32
    %dma_start3A_192 = arith.constant 0 : i32
    %dma_start3A_193 = arith.constant 0 : i32
    %dma_start3A_194 = tpu.memref_slice %arg5[%dma_start3A_190, %dma_start3A_191, %dma_start3A_192, %dma_start3A_193] : memref<2x25x8x256xf32, #tpu.memory_space<vmem>> -> memref<1x25x8x256xf32, #tpu.memory_space<vmem>>
    %dma_start3A_195 = tpu.memref_squeeze %dma_start3A_194 : memref<1x25x8x256xf32, #tpu.memory_space<vmem>> -> memref<25x8x256xf32, #tpu.memory_space<vmem>>
    %dma_start3A_196 = arith.constant 0 : i32
    %dma_start3A_197 = arith.constant 0 : i32
    %dma_start3A_198 = tpu.memref_slice %arg4[%dma_start3A_196, %add3A_189, %dma_start3A_197] : memref<100x4096x256xf32, #tpu.memory_space<hbm>> -> memref<25x8x256xf32, #tpu.memory_space<hbm>>
    %dma_start3A_199 = arith.constant 0 : i32
    %dma_start3A_200 = arith.constant 0 : i32
    %dma_start3A_201 = tpu.memref_slice %arg4[%dma_start3A_199, %add3A_189, %dma_start3A_200] : memref<100x4096x256xf32, #tpu.memory_space<hbm>> -> memref<25x8x256xf32, #tpu.memory_space<hbm>>
    %dma_start3A_202 = arith.constant 0 : i32
    %dma_start3A_203 = arith.constant 0 : i32
    %dma_start3A_204 = arith.constant 0 : i32
    %dma_start3A_205 = tpu.memref_slice %arg5[%dma_start3A_190, %dma_start3A_202, %dma_start3A_203, %dma_start3A_204] : memref<2x25x8x256xf32, #tpu.memory_space<vmem>> -> memref<1x25x8x256xf32, #tpu.memory_space<vmem>>
    %dma_start3A_206 = tpu.memref_squeeze %dma_start3A_205 : memref<1x25x8x256xf32, #tpu.memory_space<vmem>> -> memref<25x8x256xf32, #tpu.memory_space<vmem>>
    tpu.enqueue_dma source(%dma_start3A_206 : memref<25x8x256xf32, #tpu.memory_space<vmem>>) target(%dma_start3A_201 : memref<25x8x256xf32, #tpu.memory_space<hbm>>) target_semaphore(%arg8 : memref<!tpu.dma_semaphore, #tpu.memory_space<semaphore_mem>>)
    %add3A_207 = arith.constant 88 : i32
    %add3A_208 = arith.addi %mul3A_2, %add3A_207 : i32
    %dma_start3A_209 = arith.constant 0 : i32
    %dma_start3A_210 = arith.constant 0 : i32
    %dma_start3A_211 = arith.constant 0 : i32
    %dma_start3A_212 = arith.constant 0 : i32
    %dma_start3A_213 = tpu.memref_slice %arg5[%dma_start3A_209, %dma_start3A_210, %dma_start3A_211, %dma_start3A_212] : memref<2x25x8x256xf32, #tpu.memory_space<vmem>> -> memref<1x25x8x256xf32, #tpu.memory_space<vmem>>
    %dma_start3A_214 = tpu.memref_squeeze %dma_start3A_213 : memref<1x25x8x256xf32, #tpu.memory_space<vmem>> -> memref<25x8x256xf32, #tpu.memory_space<vmem>>
    %dma_start3A_215 = arith.constant 0 : i32
    %dma_start3A_216 = arith.constant 0 : i32
    %dma_start3A_217 = tpu.memref_slice %arg4[%dma_start3A_215, %add3A_208, %dma_start3A_216] : memref<100x4096x256xf32, #tpu.memory_space<hbm>> -> memref<25x8x256xf32, #tpu.memory_space<hbm>>
    %dma_start3A_218 = arith.constant 0 : i32
    %dma_start3A_219 = arith.constant 0 : i32
    %dma_start3A_220 = tpu.memref_slice %arg4[%dma_start3A_218, %add3A_208, %dma_start3A_219] : memref<100x4096x256xf32, #tpu.memory_space<hbm>> -> memref<25x8x256xf32, #tpu.memory_space<hbm>>
    %dma_start3A_221 = arith.constant 0 : i32
    %dma_start3A_222 = arith.constant 0 : i32
    %dma_start3A_223 = arith.constant 0 : i32
    %dma_start3A_224 = tpu.memref_slice %arg5[%dma_start3A_209, %dma_start3A_221, %dma_start3A_222, %dma_start3A_223] : memref<2x25x8x256xf32, #tpu.memory_space<vmem>> -> memref<1x25x8x256xf32, #tpu.memory_space<vmem>>
    %dma_start3A_225 = tpu.memref_squeeze %dma_start3A_224 : memref<1x25x8x256xf32, #tpu.memory_space<vmem>> -> memref<25x8x256xf32, #tpu.memory_space<vmem>>
    tpu.enqueue_dma source(%dma_start3A_225 : memref<25x8x256xf32, #tpu.memory_space<vmem>>) target(%dma_start3A_220 : memref<25x8x256xf32, #tpu.memory_space<hbm>>) target_semaphore(%arg8 : memref<!tpu.dma_semaphore, #tpu.memory_space<semaphore_mem>>)
    %add3A_226 = arith.constant 96 : i32
    %add3A_227 = arith.addi %mul3A_2, %add3A_226 : i32
    %dma_start3A_228 = arith.constant 0 : i32
    %dma_start3A_229 = arith.constant 0 : i32
    %dma_start3A_230 = arith.constant 0 : i32
    %dma_start3A_231 = arith.constant 0 : i32
    %dma_start3A_232 = tpu.memref_slice %arg5[%dma_start3A_228, %dma_start3A_229, %dma_start3A_230, %dma_start3A_231] : memref<2x25x8x256xf32, #tpu.memory_space<vmem>> -> memref<1x25x8x256xf32, #tpu.memory_space<vmem>>
    %dma_start3A_233 = tpu.memref_squeeze %dma_start3A_232 : memref<1x25x8x256xf32, #tpu.memory_space<vmem>> -> memref<25x8x256xf32, #tpu.memory_space<vmem>>
    %dma_start3A_234 = arith.constant 0 : i32
    %dma_start3A_235 = arith.constant 0 : i32
    %dma_start3A_236 = tpu.memref_slice %arg4[%dma_start3A_234, %add3A_227, %dma_start3A_235] : memref<100x4096x256xf32, #tpu.memory_space<hbm>> -> memref<25x8x256xf32, #tpu.memory_space<hbm>>
    %dma_start3A_237 = arith.constant 0 : i32
    %dma_start3A_238 = arith.constant 0 : i32
    %dma_start3A_239 = tpu.memref_slice %arg4[%dma_start3A_237, %add3A_227, %dma_start3A_238] : memref<100x4096x256xf32, #tpu.memory_space<hbm>> -> memref<25x8x256xf32, #tpu.memory_space<hbm>>
    %dma_start3A_240 = arith.constant 0 : i32
    %dma_start3A_241 = arith.constant 0 : i32
    %dma_start3A_242 = arith.constant 0 : i32
    %dma_start3A_243 = tpu.memref_slice %arg5[%dma_start3A_228, %dma_start3A_240, %dma_start3A_241, %dma_start3A_242] : memref<2x25x8x256xf32, #tpu.memory_space<vmem>> -> memref<1x25x8x256xf32, #tpu.memory_space<vmem>>
    %dma_start3A_244 = tpu.memref_squeeze %dma_start3A_243 : memref<1x25x8x256xf32, #tpu.memory_space<vmem>> -> memref<25x8x256xf32, #tpu.memory_space<vmem>>
    tpu.enqueue_dma source(%dma_start3A_244 : memref<25x8x256xf32, #tpu.memory_space<vmem>>) target(%dma_start3A_239 : memref<25x8x256xf32, #tpu.memory_space<hbm>>) target_semaphore(%arg8 : memref<!tpu.dma_semaphore, #tpu.memory_space<semaphore_mem>>)
    %add3A_245 = arith.constant 104 : i32
    %add3A_246 = arith.addi %mul3A_2, %add3A_245 : i32
    %dma_start3A_247 = arith.constant 0 : i32
    %dma_start3A_248 = arith.constant 0 : i32
    %dma_start3A_249 = arith.constant 0 : i32
    %dma_start3A_250 = arith.constant 0 : i32
    %dma_start3A_251 = tpu.memref_slice %arg5[%dma_start3A_247, %dma_start3A_248, %dma_start3A_249, %dma_start3A_250] : memref<2x25x8x256xf32, #tpu.memory_space<vmem>> -> memref<1x25x8x256xf32, #tpu.memory_space<vmem>>
    %dma_start3A_252 = tpu.memref_squeeze %dma_start3A_251 : memref<1x25x8x256xf32, #tpu.memory_space<vmem>> -> memref<25x8x256xf32, #tpu.memory_space<vmem>>
    %dma_start3A_253 = arith.constant 0 : i32
    %dma_start3A_254 = arith.constant 0 : i32
    %dma_start3A_255 = tpu.memref_slice %arg4[%dma_start3A_253, %add3A_246, %dma_start3A_254] : memref<100x4096x256xf32, #tpu.memory_space<hbm>> -> memref<25x8x256xf32, #tpu.memory_space<hbm>>
    %dma_start3A_256 = arith.constant 0 : i32
    %dma_start3A_257 = arith.constant 0 : i32
    %dma_start3A_258 = tpu.memref_slice %arg4[%dma_start3A_256, %add3A_246, %dma_start3A_257] : memref<100x4096x256xf32, #tpu.memory_space<hbm>> -> memref<25x8x256xf32, #tpu.memory_space<hbm>>
    %dma_start3A_259 = arith.constant 0 : i32
    %dma_start3A_260 = arith.constant 0 : i32
    %dma_start3A_261 = arith.constant 0 : i32
    %dma_start3A_262 = tpu.memref_slice %arg5[%dma_start3A_247, %dma_start3A_259, %dma_start3A_260, %dma_start3A_261] : memref<2x25x8x256xf32, #tpu.memory_space<vmem>> -> memref<1x25x8x256xf32, #tpu.memory_space<vmem>>
    %dma_start3A_263 = tpu.memref_squeeze %dma_start3A_262 : memref<1x25x8x256xf32, #tpu.memory_space<vmem>> -> memref<25x8x256xf32, #tpu.memory_space<vmem>>
    tpu.enqueue_dma source(%dma_start3A_263 : memref<25x8x256xf32, #tpu.memory_space<vmem>>) target(%dma_start3A_258 : memref<25x8x256xf32, #tpu.memory_space<hbm>>) target_semaphore(%arg8 : memref<!tpu.dma_semaphore, #tpu.memory_space<semaphore_mem>>)
    %add3A_264 = arith.constant 112 : i32
    %add3A_265 = arith.addi %mul3A_2, %add3A_264 : i32
    %dma_start3A_266 = arith.constant 0 : i32
    %dma_start3A_267 = arith.constant 0 : i32
    %dma_start3A_268 = arith.constant 0 : i32
    %dma_start3A_269 = arith.constant 0 : i32
    %dma_start3A_270 = tpu.memref_slice %arg5[%dma_start3A_266, %dma_start3A_267, %dma_start3A_268, %dma_start3A_269] : memref<2x25x8x256xf32, #tpu.memory_space<vmem>> -> memref<1x25x8x256xf32, #tpu.memory_space<vmem>>
    %dma_start3A_271 = tpu.memref_squeeze %dma_start3A_270 : memref<1x25x8x256xf32, #tpu.memory_space<vmem>> -> memref<25x8x256xf32, #tpu.memory_space<vmem>>
    %dma_start3A_272 = arith.constant 0 : i32
    %dma_start3A_273 = arith.constant 0 : i32
    %dma_start3A_274 = tpu.memref_slice %arg4[%dma_start3A_272, %add3A_265, %dma_start3A_273] : memref<100x4096x256xf32, #tpu.memory_space<hbm>> -> memref<25x8x256xf32, #tpu.memory_space<hbm>>
    %dma_start3A_275 = arith.constant 0 : i32
    %dma_start3A_276 = arith.constant 0 : i32
    %dma_start3A_277 = tpu.memref_slice %arg4[%dma_start3A_275, %add3A_265, %dma_start3A_276] : memref<100x4096x256xf32, #tpu.memory_space<hbm>> -> memref<25x8x256xf32, #tpu.memory_space<hbm>>
    %dma_start3A_278 = arith.constant 0 : i32
    %dma_start3A_279 = arith.constant 0 : i32
    %dma_start3A_280 = arith.constant 0 : i32
    %dma_start3A_281 = tpu.memref_slice %arg5[%dma_start3A_266, %dma_start3A_278, %dma_start3A_279, %dma_start3A_280] : memref<2x25x8x256xf32, #tpu.memory_space<vmem>> -> memref<1x25x8x256xf32, #tpu.memory_space<vmem>>
    %dma_start3A_282 = tpu.memref_squeeze %dma_start3A_281 : memref<1x25x8x256xf32, #tpu.memory_space<vmem>> -> memref<25x8x256xf32, #tpu.memory_space<vmem>>
    tpu.enqueue_dma source(%dma_start3A_282 : memref<25x8x256xf32, #tpu.memory_space<vmem>>) target(%dma_start3A_277 : memref<25x8x256xf32, #tpu.memory_space<hbm>>) target_semaphore(%arg8 : memref<!tpu.dma_semaphore, #tpu.memory_space<semaphore_mem>>)
    %add3A_283 = arith.constant 120 : i32
    %add3A_284 = arith.addi %mul3A_2, %add3A_283 : i32
    %dma_start3A_285 = arith.constant 0 : i32
    %dma_start3A_286 = arith.constant 0 : i32
    %dma_start3A_287 = arith.constant 0 : i32
    %dma_start3A_288 = arith.constant 0 : i32
    %dma_start3A_289 = tpu.memref_slice %arg5[%dma_start3A_285, %dma_start3A_286, %dma_start3A_287, %dma_start3A_288] : memref<2x25x8x256xf32, #tpu.memory_space<vmem>> -> memref<1x25x8x256xf32, #tpu.memory_space<vmem>>
    %dma_start3A_290 = tpu.memref_squeeze %dma_start3A_289 : memref<1x25x8x256xf32, #tpu.memory_space<vmem>> -> memref<25x8x256xf32, #tpu.memory_space<vmem>>
    %dma_start3A_291 = arith.constant 0 : i32
    %dma_start3A_292 = arith.constant 0 : i32
    %dma_start3A_293 = tpu.memref_slice %arg4[%dma_start3A_291, %add3A_284, %dma_start3A_292] : memref<100x4096x256xf32, #tpu.memory_space<hbm>> -> memref<25x8x256xf32, #tpu.memory_space<hbm>>
    %dma_start3A_294 = arith.constant 0 : i32
    %dma_start3A_295 = arith.constant 0 : i32
    %dma_start3A_296 = tpu.memref_slice %arg4[%dma_start3A_294, %add3A_284, %dma_start3A_295] : memref<100x4096x256xf32, #tpu.memory_space<hbm>> -> memref<25x8x256xf32, #tpu.memory_space<hbm>>
    %dma_start3A_297 = arith.constant 0 : i32
    %dma_start3A_298 = arith.constant 0 : i32
    %dma_start3A_299 = arith.constant 0 : i32
    %dma_start3A_300 = tpu.memref_slice %arg5[%dma_start3A_285, %dma_start3A_297, %dma_start3A_298, %dma_start3A_299] : memref<2x25x8x256xf32, #tpu.memory_space<vmem>> -> memref<1x25x8x256xf32, #tpu.memory_space<vmem>>
    %dma_start3A_301 = tpu.memref_squeeze %dma_start3A_300 : memref<1x25x8x256xf32, #tpu.memory_space<vmem>> -> memref<25x8x256xf32, #tpu.memory_space<vmem>>
    tpu.enqueue_dma source(%dma_start3A_301 : memref<25x8x256xf32, #tpu.memory_space<vmem>>) target(%dma_start3A_296 : memref<25x8x256xf32, #tpu.memory_space<hbm>>) target_semaphore(%arg8 : memref<!tpu.dma_semaphore, #tpu.memory_space<semaphore_mem>>)
    %dma_start3A_302 = arith.constant 1 : i32
    %dma_start3A_303 = arith.constant 1 : i32
    %dma_start3A_304 = arith.constant 0 : i32
    %dma_start3A_305 = arith.constant 0 : i32
    %dma_start3A_306 = arith.constant 0 : i32
    %dma_start3A_307 = tpu.memref_slice %arg5[%dma_start3A_303, %dma_start3A_304, %dma_start3A_305, %dma_start3A_306] : memref<2x25x8x256xf32, #tpu.memory_space<vmem>> -> memref<1x25x8x256xf32, #tpu.memory_space<vmem>>
    %dma_start3A_308 = tpu.memref_squeeze %dma_start3A_307 : memref<1x25x8x256xf32, #tpu.memory_space<vmem>> -> memref<25x8x256xf32, #tpu.memory_space<vmem>>
    %dma_start3A_309 = arith.constant 0 : i32
    %dma_start3A_310 = arith.constant 0 : i32
    %dma_start3A_311 = arith.constant 0 : i32
    %dma_start3A_312 = tpu.memref_slice %arg2[%dma_start3A_302, %dma_start3A_309, %dma_start3A_310, %dma_start3A_311] : memref<4x25x8x256xf32, #tpu.memory_space<hbm>> -> memref<1x25x8x256xf32, #tpu.memory_space<hbm>>
    %dma_start3A_313 = tpu.memref_squeeze %dma_start3A_312 : memref<1x25x8x256xf32, #tpu.memory_space<hbm>> -> memref<25x8x256xf32, #tpu.memory_space<hbm>>
    %dma_start3A_314 = arith.constant 0 : i32
    %dma_start3A_315 = arith.constant 0 : i32
    %dma_start3A_316 = arith.constant 0 : i32
    %dma_start3A_317 = tpu.memref_slice %arg5[%dma_start3A_303, %dma_start3A_314, %dma_start3A_315, %dma_start3A_316] : memref<2x25x8x256xf32, #tpu.memory_space<vmem>> -> memref<1x25x8x256xf32, #tpu.memory_space<vmem>>
    %dma_start3A_318 = tpu.memref_squeeze %dma_start3A_317 : memref<1x25x8x256xf32, #tpu.memory_space<vmem>> -> memref<25x8x256xf32, #tpu.memory_space<vmem>>
    %dma_start3A_319 = arith.constant 0 : i32
    %dma_start3A_320 = arith.constant 0 : i32
    %dma_start3A_321 = arith.constant 0 : i32
    %dma_start3A_322 = tpu.memref_slice %arg2[%dma_start3A_302, %dma_start3A_319, %dma_start3A_320, %dma_start3A_321] : memref<4x25x8x256xf32, #tpu.memory_space<hbm>> -> memref<1x25x8x256xf32, #tpu.memory_space<hbm>>
    %dma_start3A_323 = tpu.memref_squeeze %dma_start3A_322 : memref<1x25x8x256xf32, #tpu.memory_space<hbm>> -> memref<25x8x256xf32, #tpu.memory_space<hbm>>
    tpu.enqueue_dma source(%dma_start3A_323 : memref<25x8x256xf32, #tpu.memory_space<hbm>>) target(%dma_start3A_318 : memref<25x8x256xf32, #tpu.memory_space<vmem>>) target_semaphore(%arg7 : memref<!tpu.dma_semaphore, #tpu.memory_space<semaphore_mem>>)
    %dma_wait3A_324 = arith.constant 1 : i32
    %dma_wait3A_325 = arith.constant 1 : i32
    %dma_wait3A_326 = arith.constant 0 : i32
    %dma_wait3A_327 = arith.constant 0 : i32
    %dma_wait3A_328 = arith.constant 0 : i32
    %dma_wait3A_329 = tpu.memref_slice %arg5[%dma_wait3A_325, %dma_wait3A_326, %dma_wait3A_327, %dma_wait3A_328] : memref<2x25x8x256xf32, #tpu.memory_space<vmem>> -> memref<1x25x8x256xf32, #tpu.memory_space<vmem>>
    %dma_wait3A_330 = tpu.memref_squeeze %dma_wait3A_329 : memref<1x25x8x256xf32, #tpu.memory_space<vmem>> -> memref<25x8x256xf32, #tpu.memory_space<vmem>>
    %dma_wait3A_331 = arith.constant 0 : i32
    %dma_wait3A_332 = arith.constant 0 : i32
    %dma_wait3A_333 = arith.constant 0 : i32
    %dma_wait3A_334 = tpu.memref_slice %arg2[%dma_wait3A_324, %dma_wait3A_331, %dma_wait3A_332, %dma_wait3A_333] : memref<4x25x8x256xf32, #tpu.memory_space<hbm>> -> memref<1x25x8x256xf32, #tpu.memory_space<hbm>>
    %dma_wait3A_335 = tpu.memref_squeeze %dma_wait3A_334 : memref<1x25x8x256xf32, #tpu.memory_space<hbm>> -> memref<25x8x256xf32, #tpu.memory_space<hbm>>
    %dma_wait3A_336 = arith.constant 0 : i32
    %dma_wait3A_337 = arith.constant 0 : i32
    %dma_wait3A_338 = arith.constant 0 : i32
    %dma_wait3A_339 = tpu.memref_slice %arg5[%dma_wait3A_325, %dma_wait3A_336, %dma_wait3A_337, %dma_wait3A_338] : memref<2x25x8x256xf32, #tpu.memory_space<vmem>> -> memref<1x25x8x256xf32, #tpu.memory_space<vmem>>
    %dma_wait3A_340 = tpu.memref_squeeze %dma_wait3A_339 : memref<1x25x8x256xf32, #tpu.memory_space<vmem>> -> memref<25x8x256xf32, #tpu.memory_space<vmem>>
    %dma_wait3A_341 = arith.constant 0 : i32
    %dma_wait3A_342 = arith.constant 0 : i32
    %dma_wait3A_343 = arith.constant 0 : i32
    %dma_wait3A_344 = tpu.memref_slice %arg2[%dma_wait3A_324, %dma_wait3A_341, %dma_wait3A_342, %dma_wait3A_343] : memref<4x25x8x256xf32, #tpu.memory_space<hbm>> -> memref<1x25x8x256xf32, #tpu.memory_space<hbm>>
    %dma_wait3A_345 = tpu.memref_squeeze %dma_wait3A_344 : memref<1x25x8x256xf32, #tpu.memory_space<hbm>> -> memref<25x8x256xf32, #tpu.memory_space<hbm>>
    tpu.wait_dma2 semaphore(%arg7 : memref<!tpu.dma_semaphore, #tpu.memory_space<semaphore_mem>>) src(%dma_wait3A_345 : memref<25x8x256xf32, #tpu.memory_space<hbm>>) dst(%dma_wait3A_340 : memref<25x8x256xf32, #tpu.memory_space<vmem>>)
    %add3A_346 = arith.constant 0 : i32
    %add3A_347 = arith.addi %mul3A_2, %add3A_346 : i32
    %dma_start3A_348 = arith.constant 25 : i32
    %dma_start3A_349 = arith.constant 0 : i32
    %dma_start3A_350 = tpu.memref_slice %arg4[%dma_start3A_348, %add3A_347, %dma_start3A_349] : memref<100x4096x256xf32, #tpu.memory_space<hbm>> -> memref<25x8x256xf32, #tpu.memory_space<hbm>>
    %dma_start3A_351 = arith.constant 25 : i32
    %dma_start3A_352 = arith.constant 0 : i32
    %dma_start3A_353 = arith.constant 0 : i32
    %dma_start3A_354 = tpu.memref_slice %arg6[%dma_start3A_351, %dma_start3A_352, %dma_start3A_353] : memref<50x8x256xf32, #tpu.memory_space<vmem_shared>> -> memref<25x8x256xf32, #tpu.memory_space<vmem_shared>>
    tpu.enqueue_dma source(%dma_start3A_354 : memref<25x8x256xf32, #tpu.memory_space<vmem_shared>>) target(%dma_start3A_350 : memref<25x8x256xf32, #tpu.memory_space<hbm>>) target_semaphore(%arg9 : memref<!tpu.dma_semaphore, #tpu.memory_space<semaphore_mem>>)
    %add3A_355 = arith.constant 8 : i32
    %add3A_356 = arith.addi %mul3A_2, %add3A_355 : i32
    %dma_start3A_357 = arith.constant 25 : i32
    %dma_start3A_358 = arith.constant 0 : i32
    %dma_start3A_359 = tpu.memref_slice %arg4[%dma_start3A_357, %add3A_356, %dma_start3A_358] : memref<100x4096x256xf32, #tpu.memory_space<hbm>> -> memref<25x8x256xf32, #tpu.memory_space<hbm>>
    %dma_start3A_360 = arith.constant 25 : i32
    %dma_start3A_361 = arith.constant 0 : i32
    %dma_start3A_362 = arith.constant 0 : i32
    %dma_start3A_363 = tpu.memref_slice %arg6[%dma_start3A_360, %dma_start3A_361, %dma_start3A_362] : memref<50x8x256xf32, #tpu.memory_space<vmem_shared>> -> memref<25x8x256xf32, #tpu.memory_space<vmem_shared>>
    tpu.enqueue_dma source(%dma_start3A_363 : memref<25x8x256xf32, #tpu.memory_space<vmem_shared>>) target(%dma_start3A_359 : memref<25x8x256xf32, #tpu.memory_space<hbm>>) target_semaphore(%arg9 : memref<!tpu.dma_semaphore, #tpu.memory_space<semaphore_mem>>)
    %add3A_364 = arith.constant 16 : i32
    %add3A_365 = arith.addi %mul3A_2, %add3A_364 : i32
    %dma_start3A_366 = arith.constant 25 : i32
    %dma_start3A_367 = arith.constant 0 : i32
    %dma_start3A_368 = tpu.memref_slice %arg4[%dma_start3A_366, %add3A_365, %dma_start3A_367] : memref<100x4096x256xf32, #tpu.memory_space<hbm>> -> memref<25x8x256xf32, #tpu.memory_space<hbm>>
    %dma_start3A_369 = arith.constant 25 : i32
    %dma_start3A_370 = arith.constant 0 : i32
    %dma_start3A_371 = arith.constant 0 : i32
    %dma_start3A_372 = tpu.memref_slice %arg6[%dma_start3A_369, %dma_start3A_370, %dma_start3A_371] : memref<50x8x256xf32, #tpu.memory_space<vmem_shared>> -> memref<25x8x256xf32, #tpu.memory_space<vmem_shared>>
    tpu.enqueue_dma source(%dma_start3A_372 : memref<25x8x256xf32, #tpu.memory_space<vmem_shared>>) target(%dma_start3A_368 : memref<25x8x256xf32, #tpu.memory_space<hbm>>) target_semaphore(%arg9 : memref<!tpu.dma_semaphore, #tpu.memory_space<semaphore_mem>>)
    %add3A_373 = arith.constant 24 : i32
    %add3A_374 = arith.addi %mul3A_2, %add3A_373 : i32
    %dma_start3A_375 = arith.constant 25 : i32
    %dma_start3A_376 = arith.constant 0 : i32
    %dma_start3A_377 = tpu.memref_slice %arg4[%dma_start3A_375, %add3A_374, %dma_start3A_376] : memref<100x4096x256xf32, #tpu.memory_space<hbm>> -> memref<25x8x256xf32, #tpu.memory_space<hbm>>
    %dma_start3A_378 = arith.constant 25 : i32
    %dma_start3A_379 = arith.constant 0 : i32
    %dma_start3A_380 = arith.constant 0 : i32
    %dma_start3A_381 = tpu.memref_slice %arg6[%dma_start3A_378, %dma_start3A_379, %dma_start3A_380] : memref<50x8x256xf32, #tpu.memory_space<vmem_shared>> -> memref<25x8x256xf32, #tpu.memory_space<vmem_shared>>
    tpu.enqueue_dma source(%dma_start3A_381 : memref<25x8x256xf32, #tpu.memory_space<vmem_shared>>) target(%dma_start3A_377 : memref<25x8x256xf32, #tpu.memory_space<hbm>>) target_semaphore(%arg9 : memref<!tpu.dma_semaphore, #tpu.memory_space<semaphore_mem>>)
    %add3A_382 = arith.constant 32 : i32
    %add3A_383 = arith.addi %mul3A_2, %add3A_382 : i32
    %dma_start3A_384 = arith.constant 25 : i32
    %dma_start3A_385 = arith.constant 0 : i32
    %dma_start3A_386 = tpu.memref_slice %arg4[%dma_start3A_384, %add3A_383, %dma_start3A_385] : memref<100x4096x256xf32, #tpu.memory_space<hbm>> -> memref<25x8x256xf32, #tpu.memory_space<hbm>>
    %dma_start3A_387 = arith.constant 25 : i32
    %dma_start3A_388 = arith.constant 0 : i32
    %dma_start3A_389 = arith.constant 0 : i32
    %dma_start3A_390 = tpu.memref_slice %arg6[%dma_start3A_387, %dma_start3A_388, %dma_start3A_389] : memref<50x8x256xf32, #tpu.memory_space<vmem_shared>> -> memref<25x8x256xf32, #tpu.memory_space<vmem_shared>>
    tpu.enqueue_dma source(%dma_start3A_390 : memref<25x8x256xf32, #tpu.memory_space<vmem_shared>>) target(%dma_start3A_386 : memref<25x8x256xf32, #tpu.memory_space<hbm>>) target_semaphore(%arg9 : memref<!tpu.dma_semaphore, #tpu.memory_space<semaphore_mem>>)
    %add3A_391 = arith.constant 40 : i32
    %add3A_392 = arith.addi %mul3A_2, %add3A_391 : i32
    %dma_start3A_393 = arith.constant 1 : i32
    %dma_start3A_394 = arith.constant 0 : i32
    %dma_start3A_395 = arith.constant 0 : i32
    %dma_start3A_396 = arith.constant 0 : i32
    %dma_start3A_397 = tpu.memref_slice %arg5[%dma_start3A_393, %dma_start3A_394, %dma_start3A_395, %dma_start3A_396] : memref<2x25x8x256xf32, #tpu.memory_space<vmem>> -> memref<1x25x8x256xf32, #tpu.memory_space<vmem>>
    %dma_start3A_398 = tpu.memref_squeeze %dma_start3A_397 : memref<1x25x8x256xf32, #tpu.memory_space<vmem>> -> memref<25x8x256xf32, #tpu.memory_space<vmem>>
    %dma_start3A_399 = arith.constant 25 : i32
    %dma_start3A_400 = arith.constant 0 : i32
    %dma_start3A_401 = tpu.memref_slice %arg4[%dma_start3A_399, %add3A_392, %dma_start3A_400] : memref<100x4096x256xf32, #tpu.memory_space<hbm>> -> memref<25x8x256xf32, #tpu.memory_space<hbm>>
    %dma_start3A_402 = arith.constant 25 : i32
    %dma_start3A_403 = arith.constant 0 : i32
    %dma_start3A_404 = tpu.memref_slice %arg4[%dma_start3A_402, %add3A_392, %dma_start3A_403] : memref<100x4096x256xf32, #tpu.memory_space<hbm>> -> memref<25x8x256xf32, #tpu.memory_space<hbm>>
    %dma_start3A_405 = arith.constant 0 : i32
    %dma_start3A_406 = arith.constant 0 : i32
    %dma_start3A_407 = arith.constant 0 : i32
    %dma_start3A_408 = tpu.memref_slice %arg5[%dma_start3A_393, %dma_start3A_405, %dma_start3A_406, %dma_start3A_407] : memref<2x25x8x256xf32, #tpu.memory_space<vmem>> -> memref<1x25x8x256xf32, #tpu.memory_space<vmem>>
    %dma_start3A_409 = tpu.memref_squeeze %dma_start3A_408 : memref<1x25x8x256xf32, #tpu.memory_space<vmem>> -> memref<25x8x256xf32, #tpu.memory_space<vmem>>
    tpu.enqueue_dma source(%dma_start3A_409 : memref<25x8x256xf32, #tpu.memory_space<vmem>>) target(%dma_start3A_404 : memref<25x8x256xf32, #tpu.memory_space<hbm>>) target_semaphore(%arg8 : memref<!tpu.dma_semaphore, #tpu.memory_space<semaphore_mem>>)
    %add3A_410 = arith.constant 48 : i32
    %add3A_411 = arith.addi %mul3A_2, %add3A_410 : i32
    %dma_start3A_412 = arith.constant 1 : i32
    %dma_start3A_413 = arith.constant 0 : i32
    %dma_start3A_414 = arith.constant 0 : i32
    %dma_start3A_415 = arith.constant 0 : i32
    %dma_start3A_416 = tpu.memref_slice %arg5[%dma_start3A_412, %dma_start3A_413, %dma_start3A_414, %dma_start3A_415] : memref<2x25x8x256xf32, #tpu.memory_space<vmem>> -> memref<1x25x8x256xf32, #tpu.memory_space<vmem>>
    %dma_start3A_417 = tpu.memref_squeeze %dma_start3A_416 : memref<1x25x8x256xf32, #tpu.memory_space<vmem>> -> memref<25x8x256xf32, #tpu.memory_space<vmem>>
    %dma_start3A_418 = arith.constant 25 : i32
    %dma_start3A_419 = arith.constant 0 : i32
    %dma_start3A_420 = tpu.memref_slice %arg4[%dma_start3A_418, %add3A_411, %dma_start3A_419] : memref<100x4096x256xf32, #tpu.memory_space<hbm>> -> memref<25x8x256xf32, #tpu.memory_space<hbm>>
    %dma_start3A_421 = arith.constant 25 : i32
    %dma_start3A_422 = arith.constant 0 : i32
    %dma_start3A_423 = tpu.memref_slice %arg4[%dma_start3A_421, %add3A_411, %dma_start3A_422] : memref<100x4096x256xf32, #tpu.memory_space<hbm>> -> memref<25x8x256xf32, #tpu.memory_space<hbm>>
    %dma_start3A_424 = arith.constant 0 : i32
    %dma_start3A_425 = arith.constant 0 : i32
    %dma_start3A_426 = arith.constant 0 : i32
    %dma_start3A_427 = tpu.memref_slice %arg5[%dma_start3A_412, %dma_start3A_424, %dma_start3A_425, %dma_start3A_426] : memref<2x25x8x256xf32, #tpu.memory_space<vmem>> -> memref<1x25x8x256xf32, #tpu.memory_space<vmem>>
    %dma_start3A_428 = tpu.memref_squeeze %dma_start3A_427 : memref<1x25x8x256xf32, #tpu.memory_space<vmem>> -> memref<25x8x256xf32, #tpu.memory_space<vmem>>
    tpu.enqueue_dma source(%dma_start3A_428 : memref<25x8x256xf32, #tpu.memory_space<vmem>>) target(%dma_start3A_423 : memref<25x8x256xf32, #tpu.memory_space<hbm>>) target_semaphore(%arg8 : memref<!tpu.dma_semaphore, #tpu.memory_space<semaphore_mem>>)
    %add3A_429 = arith.constant 56 : i32
    %add3A_430 = arith.addi %mul3A_2, %add3A_429 : i32
    %dma_start3A_431 = arith.constant 1 : i32
    %dma_start3A_432 = arith.constant 0 : i32
    %dma_start3A_433 = arith.constant 0 : i32
    %dma_start3A_434 = arith.constant 0 : i32
    %dma_start3A_435 = tpu.memref_slice %arg5[%dma_start3A_431, %dma_start3A_432, %dma_start3A_433, %dma_start3A_434] : memref<2x25x8x256xf32, #tpu.memory_space<vmem>> -> memref<1x25x8x256xf32, #tpu.memory_space<vmem>>
    %dma_start3A_436 = tpu.memref_squeeze %dma_start3A_435 : memref<1x25x8x256xf32, #tpu.memory_space<vmem>> -> memref<25x8x256xf32, #tpu.memory_space<vmem>>
    %dma_start3A_437 = arith.constant 25 : i32
    %dma_start3A_438 = arith.constant 0 : i32
    %dma_start3A_439 = tpu.memref_slice %arg4[%dma_start3A_437, %add3A_430, %dma_start3A_438] : memref<100x4096x256xf32, #tpu.memory_space<hbm>> -> memref<25x8x256xf32, #tpu.memory_space<hbm>>
    %dma_start3A_440 = arith.constant 25 : i32
    %dma_start3A_441 = arith.constant 0 : i32
    %dma_start3A_442 = tpu.memref_slice %arg4[%dma_start3A_440, %add3A_430, %dma_start3A_441] : memref<100x4096x256xf32, #tpu.memory_space<hbm>> -> memref<25x8x256xf32, #tpu.memory_space<hbm>>
    %dma_start3A_443 = arith.constant 0 : i32
    %dma_start3A_444 = arith.constant 0 : i32
    %dma_start3A_445 = arith.constant 0 : i32
    %dma_start3A_446 = tpu.memref_slice %arg5[%dma_start3A_431, %dma_start3A_443, %dma_start3A_444, %dma_start3A_445] : memref<2x25x8x256xf32, #tpu.memory_space<vmem>> -> memref<1x25x8x256xf32, #tpu.memory_space<vmem>>
    %dma_start3A_447 = tpu.memref_squeeze %dma_start3A_446 : memref<1x25x8x256xf32, #tpu.memory_space<vmem>> -> memref<25x8x256xf32, #tpu.memory_space<vmem>>
    tpu.enqueue_dma source(%dma_start3A_447 : memref<25x8x256xf32, #tpu.memory_space<vmem>>) target(%dma_start3A_442 : memref<25x8x256xf32, #tpu.memory_space<hbm>>) target_semaphore(%arg8 : memref<!tpu.dma_semaphore, #tpu.memory_space<semaphore_mem>>)
    %add3A_448 = arith.constant 64 : i32
    %add3A_449 = arith.addi %mul3A_2, %add3A_448 : i32
    %dma_start3A_450 = arith.constant 1 : i32
    %dma_start3A_451 = arith.constant 0 : i32
    %dma_start3A_452 = arith.constant 0 : i32
    %dma_start3A_453 = arith.constant 0 : i32
    %dma_start3A_454 = tpu.memref_slice %arg5[%dma_start3A_450, %dma_start3A_451, %dma_start3A_452, %dma_start3A_453] : memref<2x25x8x256xf32, #tpu.memory_space<vmem>> -> memref<1x25x8x256xf32, #tpu.memory_space<vmem>>
    %dma_start3A_455 = tpu.memref_squeeze %dma_start3A_454 : memref<1x25x8x256xf32, #tpu.memory_space<vmem>> -> memref<25x8x256xf32, #tpu.memory_space<vmem>>
    %dma_start3A_456 = arith.constant 25 : i32
    %dma_start3A_457 = arith.constant 0 : i32
    %dma_start3A_458 = tpu.memref_slice %arg4[%dma_start3A_456, %add3A_449, %dma_start3A_457] : memref<100x4096x256xf32, #tpu.memory_space<hbm>> -> memref<25x8x256xf32, #tpu.memory_space<hbm>>
    %dma_start3A_459 = arith.constant 25 : i32
    %dma_start3A_460 = arith.constant 0 : i32
    %dma_start3A_461 = tpu.memref_slice %arg4[%dma_start3A_459, %add3A_449, %dma_start3A_460] : memref<100x4096x256xf32, #tpu.memory_space<hbm>> -> memref<25x8x256xf32, #tpu.memory_space<hbm>>
    %dma_start3A_462 = arith.constant 0 : i32
    %dma_start3A_463 = arith.constant 0 : i32
    %dma_start3A_464 = arith.constant 0 : i32
    %dma_start3A_465 = tpu.memref_slice %arg5[%dma_start3A_450, %dma_start3A_462, %dma_start3A_463, %dma_start3A_464] : memref<2x25x8x256xf32, #tpu.memory_space<vmem>> -> memref<1x25x8x256xf32, #tpu.memory_space<vmem>>
    %dma_start3A_466 = tpu.memref_squeeze %dma_start3A_465 : memref<1x25x8x256xf32, #tpu.memory_space<vmem>> -> memref<25x8x256xf32, #tpu.memory_space<vmem>>
    tpu.enqueue_dma source(%dma_start3A_466 : memref<25x8x256xf32, #tpu.memory_space<vmem>>) target(%dma_start3A_461 : memref<25x8x256xf32, #tpu.memory_space<hbm>>) target_semaphore(%arg8 : memref<!tpu.dma_semaphore, #tpu.memory_space<semaphore_mem>>)
    %add3A_467 = arith.constant 72 : i32
    %add3A_468 = arith.addi %mul3A_2, %add3A_467 : i32
    %dma_start3A_469 = arith.constant 1 : i32
    %dma_start3A_470 = arith.constant 0 : i32
    %dma_start3A_471 = arith.constant 0 : i32
    %dma_start3A_472 = arith.constant 0 : i32
    %dma_start3A_473 = tpu.memref_slice %arg5[%dma_start3A_469, %dma_start3A_470, %dma_start3A_471, %dma_start3A_472] : memref<2x25x8x256xf32, #tpu.memory_space<vmem>> -> memref<1x25x8x256xf32, #tpu.memory_space<vmem>>
    %dma_start3A_474 = tpu.memref_squeeze %dma_start3A_473 : memref<1x25x8x256xf32, #tpu.memory_space<vmem>> -> memref<25x8x256xf32, #tpu.memory_space<vmem>>
    %dma_start3A_475 = arith.constant 25 : i32
    %dma_start3A_476 = arith.constant 0 : i32
    %dma_start3A_477 = tpu.memref_slice %arg4[%dma_start3A_475, %add3A_468, %dma_start3A_476] : memref<100x4096x256xf32, #tpu.memory_space<hbm>> -> memref<25x8x256xf32, #tpu.memory_space<hbm>>
    %dma_start3A_478 = arith.constant 25 : i32
    %dma_start3A_479 = arith.constant 0 : i32
    %dma_start3A_480 = tpu.memref_slice %arg4[%dma_start3A_478, %add3A_468, %dma_start3A_479] : memref<100x4096x256xf32, #tpu.memory_space<hbm>> -> memref<25x8x256xf32, #tpu.memory_space<hbm>>
    %dma_start3A_481 = arith.constant 0 : i32
    %dma_start3A_482 = arith.constant 0 : i32
    %dma_start3A_483 = arith.constant 0 : i32
    %dma_start3A_484 = tpu.memref_slice %arg5[%dma_start3A_469, %dma_start3A_481, %dma_start3A_482, %dma_start3A_483] : memref<2x25x8x256xf32, #tpu.memory_space<vmem>> -> memref<1x25x8x256xf32, #tpu.memory_space<vmem>>
    %dma_start3A_485 = tpu.memref_squeeze %dma_start3A_484 : memref<1x25x8x256xf32, #tpu.memory_space<vmem>> -> memref<25x8x256xf32, #tpu.memory_space<vmem>>
    tpu.enqueue_dma source(%dma_start3A_485 : memref<25x8x256xf32, #tpu.memory_space<vmem>>) target(%dma_start3A_480 : memref<25x8x256xf32, #tpu.memory_space<hbm>>) target_semaphore(%arg8 : memref<!tpu.dma_semaphore, #tpu.memory_space<semaphore_mem>>)
    %add3A_486 = arith.constant 80 : i32
    %add3A_487 = arith.addi %mul3A_2, %add3A_486 : i32
    %dma_start3A_488 = arith.constant 1 : i32
    %dma_start3A_489 = arith.constant 0 : i32
    %dma_start3A_490 = arith.constant 0 : i32
    %dma_start3A_491 = arith.constant 0 : i32
    %dma_start3A_492 = tpu.memref_slice %arg5[%dma_start3A_488, %dma_start3A_489, %dma_start3A_490, %dma_start3A_491] : memref<2x25x8x256xf32, #tpu.memory_space<vmem>> -> memref<1x25x8x256xf32, #tpu.memory_space<vmem>>
    %dma_start3A_493 = tpu.memref_squeeze %dma_start3A_492 : memref<1x25x8x256xf32, #tpu.memory_space<vmem>> -> memref<25x8x256xf32, #tpu.memory_space<vmem>>
    %dma_start3A_494 = arith.constant 25 : i32
    %dma_start3A_495 = arith.constant 0 : i32
    %dma_start3A_496 = tpu.memref_slice %arg4[%dma_start3A_494, %add3A_487, %dma_start3A_495] : memref<100x4096x256xf32, #tpu.memory_space<hbm>> -> memref<25x8x256xf32, #tpu.memory_space<hbm>>
    %dma_start3A_497 = arith.constant 25 : i32
    %dma_start3A_498 = arith.constant 0 : i32
    %dma_start3A_499 = tpu.memref_slice %arg4[%dma_start3A_497, %add3A_487, %dma_start3A_498] : memref<100x4096x256xf32, #tpu.memory_space<hbm>> -> memref<25x8x256xf32, #tpu.memory_space<hbm>>
    %dma_start3A_500 = arith.constant 0 : i32
    %dma_start3A_501 = arith.constant 0 : i32
    %dma_start3A_502 = arith.constant 0 : i32
    %dma_start3A_503 = tpu.memref_slice %arg5[%dma_start3A_488, %dma_start3A_500, %dma_start3A_501, %dma_start3A_502] : memref<2x25x8x256xf32, #tpu.memory_space<vmem>> -> memref<1x25x8x256xf32, #tpu.memory_space<vmem>>
    %dma_start3A_504 = tpu.memref_squeeze %dma_start3A_503 : memref<1x25x8x256xf32, #tpu.memory_space<vmem>> -> memref<25x8x256xf32, #tpu.memory_space<vmem>>
    tpu.enqueue_dma source(%dma_start3A_504 : memref<25x8x256xf32, #tpu.memory_space<vmem>>) target(%dma_start3A_499 : memref<25x8x256xf32, #tpu.memory_space<hbm>>) target_semaphore(%arg8 : memref<!tpu.dma_semaphore, #tpu.memory_space<semaphore_mem>>)
    %add3A_505 = arith.constant 88 : i32
    %add3A_506 = arith.addi %mul3A_2, %add3A_505 : i32
    %dma_start3A_507 = arith.constant 1 : i32
    %dma_start3A_508 = arith.constant 0 : i32
    %dma_start3A_509 = arith.constant 0 : i32
    %dma_start3A_510 = arith.constant 0 : i32
    %dma_start3A_511 = tpu.memref_slice %arg5[%dma_start3A_507, %dma_start3A_508, %dma_start3A_509, %dma_start3A_510] : memref<2x25x8x256xf32, #tpu.memory_space<vmem>> -> memref<1x25x8x256xf32, #tpu.memory_space<vmem>>
    %dma_start3A_512 = tpu.memref_squeeze %dma_start3A_511 : memref<1x25x8x256xf32, #tpu.memory_space<vmem>> -> memref<25x8x256xf32, #tpu.memory_space<vmem>>
    %dma_start3A_513 = arith.constant 25 : i32
    %dma_start3A_514 = arith.constant 0 : i32
    %dma_start3A_515 = tpu.memref_slice %arg4[%dma_start3A_513, %add3A_506, %dma_start3A_514] : memref<100x4096x256xf32, #tpu.memory_space<hbm>> -> memref<25x8x256xf32, #tpu.memory_space<hbm>>
    %dma_start3A_516 = arith.constant 25 : i32
    %dma_start3A_517 = arith.constant 0 : i32
    %dma_start3A_518 = tpu.memref_slice %arg4[%dma_start3A_516, %add3A_506, %dma_start3A_517] : memref<100x4096x256xf32, #tpu.memory_space<hbm>> -> memref<25x8x256xf32, #tpu.memory_space<hbm>>
    %dma_start3A_519 = arith.constant 0 : i32
    %dma_start3A_520 = arith.constant 0 : i32
    %dma_start3A_521 = arith.constant 0 : i32
    %dma_start3A_522 = tpu.memref_slice %arg5[%dma_start3A_507, %dma_start3A_519, %dma_start3A_520, %dma_start3A_521] : memref<2x25x8x256xf32, #tpu.memory_space<vmem>> -> memref<1x25x8x256xf32, #tpu.memory_space<vmem>>
    %dma_start3A_523 = tpu.memref_squeeze %dma_start3A_522 : memref<1x25x8x256xf32, #tpu.memory_space<vmem>> -> memref<25x8x256xf32, #tpu.memory_space<vmem>>
    tpu.enqueue_dma source(%dma_start3A_523 : memref<25x8x256xf32, #tpu.memory_space<vmem>>) target(%dma_start3A_518 : memref<25x8x256xf32, #tpu.memory_space<hbm>>) target_semaphore(%arg8 : memref<!tpu.dma_semaphore, #tpu.memory_space<semaphore_mem>>)
    %add3A_524 = arith.constant 96 : i32
    %add3A_525 = arith.addi %mul3A_2, %add3A_524 : i32
    %dma_start3A_526 = arith.constant 1 : i32
    %dma_start3A_527 = arith.constant 0 : i32
    %dma_start3A_528 = arith.constant 0 : i32
    %dma_start3A_529 = arith.constant 0 : i32
    %dma_start3A_530 = tpu.memref_slice %arg5[%dma_start3A_526, %dma_start3A_527, %dma_start3A_528, %dma_start3A_529] : memref<2x25x8x256xf32, #tpu.memory_space<vmem>> -> memref<1x25x8x256xf32, #tpu.memory_space<vmem>>
    %dma_start3A_531 = tpu.memref_squeeze %dma_start3A_530 : memref<1x25x8x256xf32, #tpu.memory_space<vmem>> -> memref<25x8x256xf32, #tpu.memory_space<vmem>>
    %dma_start3A_532 = arith.constant 25 : i32
    %dma_start3A_533 = arith.constant 0 : i32
    %dma_start3A_534 = tpu.memref_slice %arg4[%dma_start3A_532, %add3A_525, %dma_start3A_533] : memref<100x4096x256xf32, #tpu.memory_space<hbm>> -> memref<25x8x256xf32, #tpu.memory_space<hbm>>
    %dma_start3A_535 = arith.constant 25 : i32
    %dma_start3A_536 = arith.constant 0 : i32
    %dma_start3A_537 = tpu.memref_slice %arg4[%dma_start3A_535, %add3A_525, %dma_start3A_536] : memref<100x4096x256xf32, #tpu.memory_space<hbm>> -> memref<25x8x256xf32, #tpu.memory_space<hbm>>
    %dma_start3A_538 = arith.constant 0 : i32
    %dma_start3A_539 = arith.constant 0 : i32
    %dma_start3A_540 = arith.constant 0 : i32
    %dma_start3A_541 = tpu.memref_slice %arg5[%dma_start3A_526, %dma_start3A_538, %dma_start3A_539, %dma_start3A_540] : memref<2x25x8x256xf32, #tpu.memory_space<vmem>> -> memref<1x25x8x256xf32, #tpu.memory_space<vmem>>
    %dma_start3A_542 = tpu.memref_squeeze %dma_start3A_541 : memref<1x25x8x256xf32, #tpu.memory_space<vmem>> -> memref<25x8x256xf32, #tpu.memory_space<vmem>>
    tpu.enqueue_dma source(%dma_start3A_542 : memref<25x8x256xf32, #tpu.memory_space<vmem>>) target(%dma_start3A_537 : memref<25x8x256xf32, #tpu.memory_space<hbm>>) target_semaphore(%arg8 : memref<!tpu.dma_semaphore, #tpu.memory_space<semaphore_mem>>)
    %add3A_543 = arith.constant 104 : i32
    %add3A_544 = arith.addi %mul3A_2, %add3A_543 : i32
    %dma_start3A_545 = arith.constant 1 : i32
    %dma_start3A_546 = arith.constant 0 : i32
    %dma_start3A_547 = arith.constant 0 : i32
    %dma_start3A_548 = arith.constant 0 : i32
    %dma_start3A_549 = tpu.memref_slice %arg5[%dma_start3A_545, %dma_start3A_546, %dma_start3A_547, %dma_start3A_548] : memref<2x25x8x256xf32, #tpu.memory_space<vmem>> -> memref<1x25x8x256xf32, #tpu.memory_space<vmem>>
    %dma_start3A_550 = tpu.memref_squeeze %dma_start3A_549 : memref<1x25x8x256xf32, #tpu.memory_space<vmem>> -> memref<25x8x256xf32, #tpu.memory_space<vmem>>
    %dma_start3A_551 = arith.constant 25 : i32
    %dma_start3A_552 = arith.constant 0 : i32
    %dma_start3A_553 = tpu.memref_slice %arg4[%dma_start3A_551, %add3A_544, %dma_start3A_552] : memref<100x4096x256xf32, #tpu.memory_space<hbm>> -> memref<25x8x256xf32, #tpu.memory_space<hbm>>
    %dma_start3A_554 = arith.constant 25 : i32
    %dma_start3A_555 = arith.constant 0 : i32
    %dma_start3A_556 = tpu.memref_slice %arg4[%dma_start3A_554, %add3A_544, %dma_start3A_555] : memref<100x4096x256xf32, #tpu.memory_space<hbm>> -> memref<25x8x256xf32, #tpu.memory_space<hbm>>
    %dma_start3A_557 = arith.constant 0 : i32
    %dma_start3A_558 = arith.constant 0 : i32
    %dma_start3A_559 = arith.constant 0 : i32
    %dma_start3A_560 = tpu.memref_slice %arg5[%dma_start3A_545, %dma_start3A_557, %dma_start3A_558, %dma_start3A_559] : memref<2x25x8x256xf32, #tpu.memory_space<vmem>> -> memref<1x25x8x256xf32, #tpu.memory_space<vmem>>
    %dma_start3A_561 = tpu.memref_squeeze %dma_start3A_560 : memref<1x25x8x256xf32, #tpu.memory_space<vmem>> -> memref<25x8x256xf32, #tpu.memory_space<vmem>>
    tpu.enqueue_dma source(%dma_start3A_561 : memref<25x8x256xf32, #tpu.memory_space<vmem>>) target(%dma_start3A_556 : memref<25x8x256xf32, #tpu.memory_space<hbm>>) target_semaphore(%arg8 : memref<!tpu.dma_semaphore, #tpu.memory_space<semaphore_mem>>)
    %add3A_562 = arith.constant 112 : i32
    %add3A_563 = arith.addi %mul3A_2, %add3A_562 : i32
    %dma_start3A_564 = arith.constant 1 : i32
    %dma_start3A_565 = arith.constant 0 : i32
    %dma_start3A_566 = arith.constant 0 : i32
    %dma_start3A_567 = arith.constant 0 : i32
    %dma_start3A_568 = tpu.memref_slice %arg5[%dma_start3A_564, %dma_start3A_565, %dma_start3A_566, %dma_start3A_567] : memref<2x25x8x256xf32, #tpu.memory_space<vmem>> -> memref<1x25x8x256xf32, #tpu.memory_space<vmem>>
    %dma_start3A_569 = tpu.memref_squeeze %dma_start3A_568 : memref<1x25x8x256xf32, #tpu.memory_space<vmem>> -> memref<25x8x256xf32, #tpu.memory_space<vmem>>
    %dma_start3A_570 = arith.constant 25 : i32
    %dma_start3A_571 = arith.constant 0 : i32
    %dma_start3A_572 = tpu.memref_slice %arg4[%dma_start3A_570, %add3A_563, %dma_start3A_571] : memref<100x4096x256xf32, #tpu.memory_space<hbm>> -> memref<25x8x256xf32, #tpu.memory_space<hbm>>
    %dma_start3A_573 = arith.constant 25 : i32
    %dma_start3A_574 = arith.constant 0 : i32
    %dma_start3A_575 = tpu.memref_slice %arg4[%dma_start3A_573, %add3A_563, %dma_start3A_574] : memref<100x4096x256xf32, #tpu.memory_space<hbm>> -> memref<25x8x256xf32, #tpu.memory_space<hbm>>
    %dma_start3A_576 = arith.constant 0 : i32
    %dma_start3A_577 = arith.constant 0 : i32
    %dma_start3A_578 = arith.constant 0 : i32
    %dma_start3A_579 = tpu.memref_slice %arg5[%dma_start3A_564, %dma_start3A_576, %dma_start3A_577, %dma_start3A_578] : memref<2x25x8x256xf32, #tpu.memory_space<vmem>> -> memref<1x25x8x256xf32, #tpu.memory_space<vmem>>
    %dma_start3A_580 = tpu.memref_squeeze %dma_start3A_579 : memref<1x25x8x256xf32, #tpu.memory_space<vmem>> -> memref<25x8x256xf32, #tpu.memory_space<vmem>>
    tpu.enqueue_dma source(%dma_start3A_580 : memref<25x8x256xf32, #tpu.memory_space<vmem>>) target(%dma_start3A_575 : memref<25x8x256xf32, #tpu.memory_space<hbm>>) target_semaphore(%arg8 : memref<!tpu.dma_semaphore, #tpu.memory_space<semaphore_mem>>)
    %add3A_581 = arith.constant 120 : i32
    %add3A_582 = arith.addi %mul3A_2, %add3A_581 : i32
    %dma_start3A_583 = arith.constant 1 : i32
    %dma_start3A_584 = arith.constant 0 : i32
    %dma_start3A_585 = arith.constant 0 : i32
    %dma_start3A_586 = arith.constant 0 : i32
    %dma_start3A_587 = tpu.memref_slice %arg5[%dma_start3A_583, %dma_start3A_584, %dma_start3A_585, %dma_start3A_586] : memref<2x25x8x256xf32, #tpu.memory_space<vmem>> -> memref<1x25x8x256xf32, #tpu.memory_space<vmem>>
    %dma_start3A_588 = tpu.memref_squeeze %dma_start3A_587 : memref<1x25x8x256xf32, #tpu.memory_space<vmem>> -> memref<25x8x256xf32, #tpu.memory_space<vmem>>
    %dma_start3A_589 = arith.constant 25 : i32
    %dma_start3A_590 = arith.constant 0 : i32
    %dma_start3A_591 = tpu.memref_slice %arg4[%dma_start3A_589, %add3A_582, %dma_start3A_590] : memref<100x4096x256xf32, #tpu.memory_space<hbm>> -> memref<25x8x256xf32, #tpu.memory_space<hbm>>
    %dma_start3A_592 = arith.constant 25 : i32
    %dma_start3A_593 = arith.constant 0 : i32
    %dma_start3A_594 = tpu.memref_slice %arg4[%dma_start3A_592, %add3A_582, %dma_start3A_593] : memref<100x4096x256xf32, #tpu.memory_space<hbm>> -> memref<25x8x256xf32, #tpu.memory_space<hbm>>
    %dma_start3A_595 = arith.constant 0 : i32
    %dma_start3A_596 = arith.constant 0 : i32
    %dma_start3A_597 = arith.constant 0 : i32
    %dma_start3A_598 = tpu.memref_slice %arg5[%dma_start3A_583, %dma_start3A_595, %dma_start3A_596, %dma_start3A_597] : memref<2x25x8x256xf32, #tpu.memory_space<vmem>> -> memref<1x25x8x256xf32, #tpu.memory_space<vmem>>
    %dma_start3A_599 = tpu.memref_squeeze %dma_start3A_598 : memref<1x25x8x256xf32, #tpu.memory_space<vmem>> -> memref<25x8x256xf32, #tpu.memory_space<vmem>>
    tpu.enqueue_dma source(%dma_start3A_599 : memref<25x8x256xf32, #tpu.memory_space<vmem>>) target(%dma_start3A_594 : memref<25x8x256xf32, #tpu.memory_space<hbm>>) target_semaphore(%arg8 : memref<!tpu.dma_semaphore, #tpu.memory_space<semaphore_mem>>)
    %dma_wait3A_600 = arith.constant 0 : i32
    %dma_wait3A_601 = arith.constant 0 : i32
    %dma_wait3A_602 = arith.constant 0 : i32
    %dma_wait3A_603 = arith.constant 0 : i32
    %dma_wait3A_604 = tpu.memref_slice %arg5[%dma_wait3A_600, %dma_wait3A_601, %dma_wait3A_602, %dma_wait3A_603] : memref<2x25x8x256xf32, #tpu.memory_space<vmem>> -> memref<1x25x8x256xf32, #tpu.memory_space<vmem>>
    %dma_wait3A_605 = tpu.memref_squeeze %dma_wait3A_604 : memref<1x25x8x256xf32, #tpu.memory_space<vmem>> -> memref<25x8x256xf32, #tpu.memory_space<vmem>>
    %dma_wait3A_606 = arith.constant 0 : i32
    %dma_wait3A_607 = arith.constant 0 : i32
    %dma_wait3A_608 = tpu.memref_slice %arg4[%dma_wait3A_606, %add3A_94, %dma_wait3A_607] : memref<100x4096x256xf32, #tpu.memory_space<hbm>> -> memref<25x8x256xf32, #tpu.memory_space<hbm>>
    %dma_wait3A_609 = arith.constant 0 : i32
    %dma_wait3A_610 = arith.constant 0 : i32
    %dma_wait3A_611 = tpu.memref_slice %arg4[%dma_wait3A_609, %add3A_94, %dma_wait3A_610] : memref<100x4096x256xf32, #tpu.memory_space<hbm>> -> memref<25x8x256xf32, #tpu.memory_space<hbm>>
    %dma_wait3A_612 = arith.constant 0 : i32
    %dma_wait3A_613 = arith.constant 0 : i32
    %dma_wait3A_614 = arith.constant 0 : i32
    %dma_wait3A_615 = tpu.memref_slice %arg5[%dma_wait3A_600, %dma_wait3A_612, %dma_wait3A_613, %dma_wait3A_614] : memref<2x25x8x256xf32, #tpu.memory_space<vmem>> -> memref<1x25x8x256xf32, #tpu.memory_space<vmem>>
    %dma_wait3A_616 = tpu.memref_squeeze %dma_wait3A_615 : memref<1x25x8x256xf32, #tpu.memory_space<vmem>> -> memref<25x8x256xf32, #tpu.memory_space<vmem>>
    tpu.wait_dma2 semaphore(%arg8 : memref<!tpu.dma_semaphore, #tpu.memory_space<semaphore_mem>>) src(%dma_wait3A_616 : memref<25x8x256xf32, #tpu.memory_space<vmem>>) dst(%dma_wait3A_611 : memref<25x8x256xf32, #tpu.memory_space<hbm>>)
    %dma_wait3A_617 = arith.constant 0 : i32
    %dma_wait3A_618 = arith.constant 0 : i32
    %dma_wait3A_619 = arith.constant 0 : i32
    %dma_wait3A_620 = arith.constant 0 : i32
    %dma_wait3A_621 = tpu.memref_slice %arg5[%dma_wait3A_617, %dma_wait3A_618, %dma_wait3A_619, %dma_wait3A_620] : memref<2x25x8x256xf32, #tpu.memory_space<vmem>> -> memref<1x25x8x256xf32, #tpu.memory_space<vmem>>
    %dma_wait3A_622 = tpu.memref_squeeze %dma_wait3A_621 : memref<1x25x8x256xf32, #tpu.memory_space<vmem>> -> memref<25x8x256xf32, #tpu.memory_space<vmem>>
    %dma_wait3A_623 = arith.constant 0 : i32
    %dma_wait3A_624 = arith.constant 0 : i32
    %dma_wait3A_625 = tpu.memref_slice %arg4[%dma_wait3A_623, %add3A_113, %dma_wait3A_624] : memref<100x4096x256xf32, #tpu.memory_space<hbm>> -> memref<25x8x256xf32, #tpu.memory_space<hbm>>
    %dma_wait3A_626 = arith.constant 0 : i32
    %dma_wait3A_627 = arith.constant 0 : i32
    %dma_wait3A_628 = tpu.memref_slice %arg4[%dma_wait3A_626, %add3A_113, %dma_wait3A_627] : memref<100x4096x256xf32, #tpu.memory_space<hbm>> -> memref<25x8x256xf32, #tpu.memory_space<hbm>>
    %dma_wait3A_629 = arith.constant 0 : i32
    %dma_wait3A_630 = arith.constant 0 : i32
    %dma_wait3A_631 = arith.constant 0 : i32
    %dma_wait3A_632 = tpu.memref_slice %arg5[%dma_wait3A_617, %dma_wait3A_629, %dma_wait3A_630, %dma_wait3A_631] : memref<2x25x8x256xf32, #tpu.memory_space<vmem>> -> memref<1x25x8x256xf32, #tpu.memory_space<vmem>>
    %dma_wait3A_633 = tpu.memref_squeeze %dma_wait3A_632 : memref<1x25x8x256xf32, #tpu.memory_space<vmem>> -> memref<25x8x256xf32, #tpu.memory_space<vmem>>
    tpu.wait_dma2 semaphore(%arg8 : memref<!tpu.dma_semaphore, #tpu.memory_space<semaphore_mem>>) src(%dma_wait3A_633 : memref<25x8x256xf32, #tpu.memory_space<vmem>>) dst(%dma_wait3A_628 : memref<25x8x256xf32, #tpu.memory_space<hbm>>)
    %dma_wait3A_634 = arith.constant 0 : i32
    %dma_wait3A_635 = arith.constant 0 : i32
    %dma_wait3A_636 = arith.constant 0 : i32
    %dma_wait3A_637 = arith.constant 0 : i32
    %dma_wait3A_638 = tpu.memref_slice %arg5[%dma_wait3A_634, %dma_wait3A_635, %dma_wait3A_636, %dma_wait3A_637] : memref<2x25x8x256xf32, #tpu.memory_space<vmem>> -> memref<1x25x8x256xf32, #tpu.memory_space<vmem>>
    %dma_wait3A_639 = tpu.memref_squeeze %dma_wait3A_638 : memref<1x25x8x256xf32, #tpu.memory_space<vmem>> -> memref<25x8x256xf32, #tpu.memory_space<vmem>>
    %dma_wait3A_640 = arith.constant 0 : i32
    %dma_wait3A_641 = arith.constant 0 : i32
    %dma_wait3A_642 = tpu.memref_slice %arg4[%dma_wait3A_640, %add3A_132, %dma_wait3A_641] : memref<100x4096x256xf32, #tpu.memory_space<hbm>> -> memref<25x8x256xf32, #tpu.memory_space<hbm>>
    %dma_wait3A_643 = arith.constant 0 : i32
    %dma_wait3A_644 = arith.constant 0 : i32
    %dma_wait3A_645 = tpu.memref_slice %arg4[%dma_wait3A_643, %add3A_132, %dma_wait3A_644] : memref<100x4096x256xf32, #tpu.memory_space<hbm>> -> memref<25x8x256xf32, #tpu.memory_space<hbm>>
    %dma_wait3A_646 = arith.constant 0 : i32
    %dma_wait3A_647 = arith.constant 0 : i32
    %dma_wait3A_648 = arith.constant 0 : i32
    %dma_wait3A_649 = tpu.memref_slice %arg5[%dma_wait3A_634, %dma_wait3A_646, %dma_wait3A_647, %dma_wait3A_648] : memref<2x25x8x256xf32, #tpu.memory_space<vmem>> -> memref<1x25x8x256xf32, #tpu.memory_space<vmem>>
    %dma_wait3A_650 = tpu.memref_squeeze %dma_wait3A_649 : memref<1x25x8x256xf32, #tpu.memory_space<vmem>> -> memref<25x8x256xf32, #tpu.memory_space<vmem>>
    tpu.wait_dma2 semaphore(%arg8 : memref<!tpu.dma_semaphore, #tpu.memory_space<semaphore_mem>>) src(%dma_wait3A_650 : memref<25x8x256xf32, #tpu.memory_space<vmem>>) dst(%dma_wait3A_645 : memref<25x8x256xf32, #tpu.memory_space<hbm>>)
    %dma_wait3A_651 = arith.constant 0 : i32
    %dma_wait3A_652 = arith.constant 0 : i32
    %dma_wait3A_653 = arith.constant 0 : i32
    %dma_wait3A_654 = arith.constant 0 : i32
    %dma_wait3A_655 = tpu.memref_slice %arg5[%dma_wait3A_651, %dma_wait3A_652, %dma_wait3A_653, %dma_wait3A_654] : memref<2x25x8x256xf32, #tpu.memory_space<vmem>> -> memref<1x25x8x256xf32, #tpu.memory_space<vmem>>
    %dma_wait3A_656 = tpu.memref_squeeze %dma_wait3A_655 : memref<1x25x8x256xf32, #tpu.memory_space<vmem>> -> memref<25x8x256xf32, #tpu.memory_space<vmem>>
    %dma_wait3A_657 = arith.constant 0 : i32
    %dma_wait3A_658 = arith.constant 0 : i32
    %dma_wait3A_659 = tpu.memref_slice %arg4[%dma_wait3A_657, %add3A_151, %dma_wait3A_658] : memref<100x4096x256xf32, #tpu.memory_space<hbm>> -> memref<25x8x256xf32, #tpu.memory_space<hbm>>
    %dma_wait3A_660 = arith.constant 0 : i32
    %dma_wait3A_661 = arith.constant 0 : i32
    %dma_wait3A_662 = tpu.memref_slice %arg4[%dma_wait3A_660, %add3A_151, %dma_wait3A_661] : memref<100x4096x256xf32, #tpu.memory_space<hbm>> -> memref<25x8x256xf32, #tpu.memory_space<hbm>>
    %dma_wait3A_663 = arith.constant 0 : i32
    %dma_wait3A_664 = arith.constant 0 : i32
    %dma_wait3A_665 = arith.constant 0 : i32
    %dma_wait3A_666 = tpu.memref_slice %arg5[%dma_wait3A_651, %dma_wait3A_663, %dma_wait3A_664, %dma_wait3A_665] : memref<2x25x8x256xf32, #tpu.memory_space<vmem>> -> memref<1x25x8x256xf32, #tpu.memory_space<vmem>>
    %dma_wait3A_667 = tpu.memref_squeeze %dma_wait3A_666 : memref<1x25x8x256xf32, #tpu.memory_space<vmem>> -> memref<25x8x256xf32, #tpu.memory_space<vmem>>
    tpu.wait_dma2 semaphore(%arg8 : memref<!tpu.dma_semaphore, #tpu.memory_space<semaphore_mem>>) src(%dma_wait3A_667 : memref<25x8x256xf32, #tpu.memory_space<vmem>>) dst(%dma_wait3A_662 : memref<25x8x256xf32, #tpu.memory_space<hbm>>)
    %dma_wait3A_668 = arith.constant 0 : i32
    %dma_wait3A_669 = arith.constant 0 : i32
    %dma_wait3A_670 = arith.constant 0 : i32
    %dma_wait3A_671 = arith.constant 0 : i32
    %dma_wait3A_672 = tpu.memref_slice %arg5[%dma_wait3A_668, %dma_wait3A_669, %dma_wait3A_670, %dma_wait3A_671] : memref<2x25x8x256xf32, #tpu.memory_space<vmem>> -> memref<1x25x8x256xf32, #tpu.memory_space<vmem>>
    %dma_wait3A_673 = tpu.memref_squeeze %dma_wait3A_672 : memref<1x25x8x256xf32, #tpu.memory_space<vmem>> -> memref<25x8x256xf32, #tpu.memory_space<vmem>>
    %dma_wait3A_674 = arith.constant 0 : i32
    %dma_wait3A_675 = arith.constant 0 : i32
    %dma_wait3A_676 = tpu.memref_slice %arg4[%dma_wait3A_674, %add3A_170, %dma_wait3A_675] : memref<100x4096x256xf32, #tpu.memory_space<hbm>> -> memref<25x8x256xf32, #tpu.memory_space<hbm>>
    %dma_wait3A_677 = arith.constant 0 : i32
    %dma_wait3A_678 = arith.constant 0 : i32
    %dma_wait3A_679 = tpu.memref_slice %arg4[%dma_wait3A_677, %add3A_170, %dma_wait3A_678] : memref<100x4096x256xf32, #tpu.memory_space<hbm>> -> memref<25x8x256xf32, #tpu.memory_space<hbm>>
    %dma_wait3A_680 = arith.constant 0 : i32
    %dma_wait3A_681 = arith.constant 0 : i32
    %dma_wait3A_682 = arith.constant 0 : i32
    %dma_wait3A_683 = tpu.memref_slice %arg5[%dma_wait3A_668, %dma_wait3A_680, %dma_wait3A_681, %dma_wait3A_682] : memref<2x25x8x256xf32, #tpu.memory_space<vmem>> -> memref<1x25x8x256xf32, #tpu.memory_space<vmem>>
    %dma_wait3A_684 = tpu.memref_squeeze %dma_wait3A_683 : memref<1x25x8x256xf32, #tpu.memory_space<vmem>> -> memref<25x8x256xf32, #tpu.memory_space<vmem>>
    tpu.wait_dma2 semaphore(%arg8 : memref<!tpu.dma_semaphore, #tpu.memory_space<semaphore_mem>>) src(%dma_wait3A_684 : memref<25x8x256xf32, #tpu.memory_space<vmem>>) dst(%dma_wait3A_679 : memref<25x8x256xf32, #tpu.memory_space<hbm>>)
    %dma_wait3A_685 = arith.constant 0 : i32
    %dma_wait3A_686 = arith.constant 0 : i32
    %dma_wait3A_687 = arith.constant 0 : i32
    %dma_wait3A_688 = arith.constant 0 : i32
    %dma_wait3A_689 = tpu.memref_slice %arg5[%dma_wait3A_685, %dma_wait3A_686, %dma_wait3A_687, %dma_wait3A_688] : memref<2x25x8x256xf32, #tpu.memory_space<vmem>> -> memref<1x25x8x256xf32, #tpu.memory_space<vmem>>
    %dma_wait3A_690 = tpu.memref_squeeze %dma_wait3A_689 : memref<1x25x8x256xf32, #tpu.memory_space<vmem>> -> memref<25x8x256xf32, #tpu.memory_space<vmem>>
    %dma_wait3A_691 = arith.constant 0 : i32
    %dma_wait3A_692 = arith.constant 0 : i32
    %dma_wait3A_693 = tpu.memref_slice %arg4[%dma_wait3A_691, %add3A_189, %dma_wait3A_692] : memref<100x4096x256xf32, #tpu.memory_space<hbm>> -> memref<25x8x256xf32, #tpu.memory_space<hbm>>
    %dma_wait3A_694 = arith.constant 0 : i32
    %dma_wait3A_695 = arith.constant 0 : i32
    %dma_wait3A_696 = tpu.memref_slice %arg4[%dma_wait3A_694, %add3A_189, %dma_wait3A_695] : memref<100x4096x256xf32, #tpu.memory_space<hbm>> -> memref<25x8x256xf32, #tpu.memory_space<hbm>>
    %dma_wait3A_697 = arith.constant 0 : i32
    %dma_wait3A_698 = arith.constant 0 : i32
    %dma_wait3A_699 = arith.constant 0 : i32
    %dma_wait3A_700 = tpu.memref_slice %arg5[%dma_wait3A_685, %dma_wait3A_697, %dma_wait3A_698, %dma_wait3A_699] : memref<2x25x8x256xf32, #tpu.memory_space<vmem>> -> memref<1x25x8x256xf32, #tpu.memory_space<vmem>>
    %dma_wait3A_701 = tpu.memref_squeeze %dma_wait3A_700 : memref<1x25x8x256xf32, #tpu.memory_space<vmem>> -> memref<25x8x256xf32, #tpu.memory_space<vmem>>
    tpu.wait_dma2 semaphore(%arg8 : memref<!tpu.dma_semaphore, #tpu.memory_space<semaphore_mem>>) src(%dma_wait3A_701 : memref<25x8x256xf32, #tpu.memory_space<vmem>>) dst(%dma_wait3A_696 : memref<25x8x256xf32, #tpu.memory_space<hbm>>)
    %dma_wait3A_702 = arith.constant 0 : i32
    %dma_wait3A_703 = arith.constant 0 : i32
    %dma_wait3A_704 = arith.constant 0 : i32
    %dma_wait3A_705 = arith.constant 0 : i32
    %dma_wait3A_706 = tpu.memref_slice %arg5[%dma_wait3A_702, %dma_wait3A_703, %dma_wait3A_704, %dma_wait3A_705] : memref<2x25x8x256xf32, #tpu.memory_space<vmem>> -> memref<1x25x8x256xf32, #tpu.memory_space<vmem>>
    %dma_wait3A_707 = tpu.memref_squeeze %dma_wait3A_706 : memref<1x25x8x256xf32, #tpu.memory_space<vmem>> -> memref<25x8x256xf32, #tpu.memory_space<vmem>>
    %dma_wait3A_708 = arith.constant 0 : i32
    %dma_wait3A_709 = arith.constant 0 : i32
    %dma_wait3A_710 = tpu.memref_slice %arg4[%dma_wait3A_708, %add3A_208, %dma_wait3A_709] : memref<100x4096x256xf32, #tpu.memory_space<hbm>> -> memref<25x8x256xf32, #tpu.memory_space<hbm>>
    %dma_wait3A_711 = arith.constant 0 : i32
    %dma_wait3A_712 = arith.constant 0 : i32
    %dma_wait3A_713 = tpu.memref_slice %arg4[%dma_wait3A_711, %add3A_208, %dma_wait3A_712] : memref<100x4096x256xf32, #tpu.memory_space<hbm>> -> memref<25x8x256xf32, #tpu.memory_space<hbm>>
    %dma_wait3A_714 = arith.constant 0 : i32
    %dma_wait3A_715 = arith.constant 0 : i32
    %dma_wait3A_716 = arith.constant 0 : i32
    %dma_wait3A_717 = tpu.memref_slice %arg5[%dma_wait3A_702, %dma_wait3A_714, %dma_wait3A_715, %dma_wait3A_716] : memref<2x25x8x256xf32, #tpu.memory_space<vmem>> -> memref<1x25x8x256xf32, #tpu.memory_space<vmem>>
    %dma_wait3A_718 = tpu.memref_squeeze %dma_wait3A_717 : memref<1x25x8x256xf32, #tpu.memory_space<vmem>> -> memref<25x8x256xf32, #tpu.memory_space<vmem>>
    tpu.wait_dma2 semaphore(%arg8 : memref<!tpu.dma_semaphore, #tpu.memory_space<semaphore_mem>>) src(%dma_wait3A_718 : memref<25x8x256xf32, #tpu.memory_space<vmem>>) dst(%dma_wait3A_713 : memref<25x8x256xf32, #tpu.memory_space<hbm>>)
    %dma_wait3A_719 = arith.constant 0 : i32
    %dma_wait3A_720 = arith.constant 0 : i32
    %dma_wait3A_721 = arith.constant 0 : i32
    %dma_wait3A_722 = arith.constant 0 : i32
    %dma_wait3A_723 = tpu.memref_slice %arg5[%dma_wait3A_719, %dma_wait3A_720, %dma_wait3A_721, %dma_wait3A_722] : memref<2x25x8x256xf32, #tpu.memory_space<vmem>> -> memref<1x25x8x256xf32, #tpu.memory_space<vmem>>
    %dma_wait3A_724 = tpu.memref_squeeze %dma_wait3A_723 : memref<1x25x8x256xf32, #tpu.memory_space<vmem>> -> memref<25x8x256xf32, #tpu.memory_space<vmem>>
    %dma_wait3A_725 = arith.constant 0 : i32
    %dma_wait3A_726 = arith.constant 0 : i32
    %dma_wait3A_727 = tpu.memref_slice %arg4[%dma_wait3A_725, %add3A_227, %dma_wait3A_726] : memref<100x4096x256xf32, #tpu.memory_space<hbm>> -> memref<25x8x256xf32, #tpu.memory_space<hbm>>
    %dma_wait3A_728 = arith.constant 0 : i32
    %dma_wait3A_729 = arith.constant 0 : i32
    %dma_wait3A_730 = tpu.memref_slice %arg4[%dma_wait3A_728, %add3A_227, %dma_wait3A_729] : memref<100x4096x256xf32, #tpu.memory_space<hbm>> -> memref<25x8x256xf32, #tpu.memory_space<hbm>>
    %dma_wait3A_731 = arith.constant 0 : i32
    %dma_wait3A_732 = arith.constant 0 : i32
    %dma_wait3A_733 = arith.constant 0 : i32
    %dma_wait3A_734 = tpu.memref_slice %arg5[%dma_wait3A_719, %dma_wait3A_731, %dma_wait3A_732, %dma_wait3A_733] : memref<2x25x8x256xf32, #tpu.memory_space<vmem>> -> memref<1x25x8x256xf32, #tpu.memory_space<vmem>>
    %dma_wait3A_735 = tpu.memref_squeeze %dma_wait3A_734 : memref<1x25x8x256xf32, #tpu.memory_space<vmem>> -> memref<25x8x256xf32, #tpu.memory_space<vmem>>
    tpu.wait_dma2 semaphore(%arg8 : memref<!tpu.dma_semaphore, #tpu.memory_space<semaphore_mem>>) src(%dma_wait3A_735 : memref<25x8x256xf32, #tpu.memory_space<vmem>>) dst(%dma_wait3A_730 : memref<25x8x256xf32, #tpu.memory_space<hbm>>)
    %dma_wait3A_736 = arith.constant 0 : i32
    %dma_wait3A_737 = arith.constant 0 : i32
    %dma_wait3A_738 = arith.constant 0 : i32
    %dma_wait3A_739 = arith.constant 0 : i32
    %dma_wait3A_740 = tpu.memref_slice %arg5[%dma_wait3A_736, %dma_wait3A_737, %dma_wait3A_738, %dma_wait3A_739] : memref<2x25x8x256xf32, #tpu.memory_space<vmem>> -> memref<1x25x8x256xf32, #tpu.memory_space<vmem>>
    %dma_wait3A_741 = tpu.memref_squeeze %dma_wait3A_740 : memref<1x25x8x256xf32, #tpu.memory_space<vmem>> -> memref<25x8x256xf32, #tpu.memory_space<vmem>>
    %dma_wait3A_742 = arith.constant 0 : i32
    %dma_wait3A_743 = arith.constant 0 : i32
    %dma_wait3A_744 = tpu.memref_slice %arg4[%dma_wait3A_742, %add3A_246, %dma_wait3A_743] : memref<100x4096x256xf32, #tpu.memory_space<hbm>> -> memref<25x8x256xf32, #tpu.memory_space<hbm>>
    %dma_wait3A_745 = arith.constant 0 : i32
    %dma_wait3A_746 = arith.constant 0 : i32
    %dma_wait3A_747 = tpu.memref_slice %arg4[%dma_wait3A_745, %add3A_246, %dma_wait3A_746] : memref<100x4096x256xf32, #tpu.memory_space<hbm>> -> memref<25x8x256xf32, #tpu.memory_space<hbm>>
    %dma_wait3A_748 = arith.constant 0 : i32
    %dma_wait3A_749 = arith.constant 0 : i32
    %dma_wait3A_750 = arith.constant 0 : i32
    %dma_wait3A_751 = tpu.memref_slice %arg5[%dma_wait3A_736, %dma_wait3A_748, %dma_wait3A_749, %dma_wait3A_750] : memref<2x25x8x256xf32, #tpu.memory_space<vmem>> -> memref<1x25x8x256xf32, #tpu.memory_space<vmem>>
    %dma_wait3A_752 = tpu.memref_squeeze %dma_wait3A_751 : memref<1x25x8x256xf32, #tpu.memory_space<vmem>> -> memref<25x8x256xf32, #tpu.memory_space<vmem>>
    tpu.wait_dma2 semaphore(%arg8 : memref<!tpu.dma_semaphore, #tpu.memory_space<semaphore_mem>>) src(%dma_wait3A_752 : memref<25x8x256xf32, #tpu.memory_space<vmem>>) dst(%dma_wait3A_747 : memref<25x8x256xf32, #tpu.memory_space<hbm>>)
    %dma_wait3A_753 = arith.constant 0 : i32
    %dma_wait3A_754 = arith.constant 0 : i32
    %dma_wait3A_755 = arith.constant 0 : i32
    %dma_wait3A_756 = arith.constant 0 : i32
    %dma_wait3A_757 = tpu.memref_slice %arg5[%dma_wait3A_753, %dma_wait3A_754, %dma_wait3A_755, %dma_wait3A_756] : memref<2x25x8x256xf32, #tpu.memory_space<vmem>> -> memref<1x25x8x256xf32, #tpu.memory_space<vmem>>
    %dma_wait3A_758 = tpu.memref_squeeze %dma_wait3A_757 : memref<1x25x8x256xf32, #tpu.memory_space<vmem>> -> memref<25x8x256xf32, #tpu.memory_space<vmem>>
    %dma_wait3A_759 = arith.constant 0 : i32
    %dma_wait3A_760 = arith.constant 0 : i32
    %dma_wait3A_761 = tpu.memref_slice %arg4[%dma_wait3A_759, %add3A_265, %dma_wait3A_760] : memref<100x4096x256xf32, #tpu.memory_space<hbm>> -> memref<25x8x256xf32, #tpu.memory_space<hbm>>
    %dma_wait3A_762 = arith.constant 0 : i32
    %dma_wait3A_763 = arith.constant 0 : i32
    %dma_wait3A_764 = tpu.memref_slice %arg4[%dma_wait3A_762, %add3A_265, %dma_wait3A_763] : memref<100x4096x256xf32, #tpu.memory_space<hbm>> -> memref<25x8x256xf32, #tpu.memory_space<hbm>>
    %dma_wait3A_765 = arith.constant 0 : i32
    %dma_wait3A_766 = arith.constant 0 : i32
    %dma_wait3A_767 = arith.constant 0 : i32
    %dma_wait3A_768 = tpu.memref_slice %arg5[%dma_wait3A_753, %dma_wait3A_765, %dma_wait3A_766, %dma_wait3A_767] : memref<2x25x8x256xf32, #tpu.memory_space<vmem>> -> memref<1x25x8x256xf32, #tpu.memory_space<vmem>>
    %dma_wait3A_769 = tpu.memref_squeeze %dma_wait3A_768 : memref<1x25x8x256xf32, #tpu.memory_space<vmem>> -> memref<25x8x256xf32, #tpu.memory_space<vmem>>
    tpu.wait_dma2 semaphore(%arg8 : memref<!tpu.dma_semaphore, #tpu.memory_space<semaphore_mem>>) src(%dma_wait3A_769 : memref<25x8x256xf32, #tpu.memory_space<vmem>>) dst(%dma_wait3A_764 : memref<25x8x256xf32, #tpu.memory_space<hbm>>)
    %dma_wait3A_770 = arith.constant 0 : i32
    %dma_wait3A_771 = arith.constant 0 : i32
    %dma_wait3A_772 = arith.constant 0 : i32
    %dma_wait3A_773 = arith.constant 0 : i32
    %dma_wait3A_774 = tpu.memref_slice %arg5[%dma_wait3A_770, %dma_wait3A_771, %dma_wait3A_772, %dma_wait3A_773] : memref<2x25x8x256xf32, #tpu.memory_space<vmem>> -> memref<1x25x8x256xf32, #tpu.memory_space<vmem>>
    %dma_wait3A_775 = tpu.memref_squeeze %dma_wait3A_774 : memref<1x25x8x256xf32, #tpu.memory_space<vmem>> -> memref<25x8x256xf32, #tpu.memory_space<vmem>>
    %dma_wait3A_776 = arith.constant 0 : i32
    %dma_wait3A_777 = arith.constant 0 : i32
    %dma_wait3A_778 = tpu.memref_slice %arg4[%dma_wait3A_776, %add3A_284, %dma_wait3A_777] : memref<100x4096x256xf32, #tpu.memory_space<hbm>> -> memref<25x8x256xf32, #tpu.memory_space<hbm>>
    %dma_wait3A_779 = arith.constant 0 : i32
    %dma_wait3A_780 = arith.constant 0 : i32
    %dma_wait3A_781 = tpu.memref_slice %arg4[%dma_wait3A_779, %add3A_284, %dma_wait3A_780] : memref<100x4096x256xf32, #tpu.memory_space<hbm>> -> memref<25x8x256xf32, #tpu.memory_space<hbm>>
    %dma_wait3A_782 = arith.constant 0 : i32
    %dma_wait3A_783 = arith.constant 0 : i32
    %dma_wait3A_784 = arith.constant 0 : i32
    %dma_wait3A_785 = tpu.memref_slice %arg5[%dma_wait3A_770, %dma_wait3A_782, %dma_wait3A_783, %dma_wait3A_784] : memref<2x25x8x256xf32, #tpu.memory_space<vmem>> -> memref<1x25x8x256xf32, #tpu.memory_space<vmem>>
    %dma_wait3A_786 = tpu.memref_squeeze %dma_wait3A_785 : memref<1x25x8x256xf32, #tpu.memory_space<vmem>> -> memref<25x8x256xf32, #tpu.memory_space<vmem>>
    tpu.wait_dma2 semaphore(%arg8 : memref<!tpu.dma_semaphore, #tpu.memory_space<semaphore_mem>>) src(%dma_wait3A_786 : memref<25x8x256xf32, #tpu.memory_space<vmem>>) dst(%dma_wait3A_781 : memref<25x8x256xf32, #tpu.memory_space<hbm>>)
    %dma_start3A_787 = arith.constant 2 : i32
    %dma_start3A_788 = arith.constant 0 : i32
    %dma_start3A_789 = arith.constant 0 : i32
    %dma_start3A_790 = arith.constant 0 : i32
    %dma_start3A_791 = arith.constant 0 : i32
    %dma_start3A_792 = tpu.memref_slice %arg5[%dma_start3A_788, %dma_start3A_789, %dma_start3A_790, %dma_start3A_791] : memref<2x25x8x256xf32, #tpu.memory_space<vmem>> -> memref<1x25x8x256xf32, #tpu.memory_space<vmem>>
    %dma_start3A_793 = tpu.memref_squeeze %dma_start3A_792 : memref<1x25x8x256xf32, #tpu.memory_space<vmem>> -> memref<25x8x256xf32, #tpu.memory_space<vmem>>
    %dma_start3A_794 = arith.constant 0 : i32
    %dma_start3A_795 = arith.constant 0 : i32
    %dma_start3A_796 = arith.constant 0 : i32
    %dma_start3A_797 = tpu.memref_slice %arg2[%dma_start3A_787, %dma_start3A_794, %dma_start3A_795, %dma_start3A_796] : memref<4x25x8x256xf32, #tpu.memory_space<hbm>> -> memref<1x25x8x256xf32, #tpu.memory_space<hbm>>
    %dma_start3A_798 = tpu.memref_squeeze %dma_start3A_797 : memref<1x25x8x256xf32, #tpu.memory_space<hbm>> -> memref<25x8x256xf32, #tpu.memory_space<hbm>>
    %dma_start3A_799 = arith.constant 0 : i32
    %dma_start3A_800 = arith.constant 0 : i32
    %dma_start3A_801 = arith.constant 0 : i32
    %dma_start3A_802 = tpu.memref_slice %arg5[%dma_start3A_788, %dma_start3A_799, %dma_start3A_800, %dma_start3A_801] : memref<2x25x8x256xf32, #tpu.memory_space<vmem>> -> memref<1x25x8x256xf32, #tpu.memory_space<vmem>>
    %dma_start3A_803 = tpu.memref_squeeze %dma_start3A_802 : memref<1x25x8x256xf32, #tpu.memory_space<vmem>> -> memref<25x8x256xf32, #tpu.memory_space<vmem>>
    %dma_start3A_804 = arith.constant 0 : i32
    %dma_start3A_805 = arith.constant 0 : i32
    %dma_start3A_806 = arith.constant 0 : i32
    %dma_start3A_807 = tpu.memref_slice %arg2[%dma_start3A_787, %dma_start3A_804, %dma_start3A_805, %dma_start3A_806] : memref<4x25x8x256xf32, #tpu.memory_space<hbm>> -> memref<1x25x8x256xf32, #tpu.memory_space<hbm>>
    %dma_start3A_808 = tpu.memref_squeeze %dma_start3A_807 : memref<1x25x8x256xf32, #tpu.memory_space<hbm>> -> memref<25x8x256xf32, #tpu.memory_space<hbm>>
    tpu.enqueue_dma source(%dma_start3A_808 : memref<25x8x256xf32, #tpu.memory_space<hbm>>) target(%dma_start3A_803 : memref<25x8x256xf32, #tpu.memory_space<vmem>>) target_semaphore(%arg7 : memref<!tpu.dma_semaphore, #tpu.memory_space<semaphore_mem>>)
    %dma_wait3A_809 = arith.constant 0 : i32
    %dma_wait3A_810 = arith.constant 0 : i32
    %dma_wait3A_811 = tpu.memref_slice %arg4[%dma_wait3A_809, %add3A_49, %dma_wait3A_810] : memref<100x4096x256xf32, #tpu.memory_space<hbm>> -> memref<25x8x256xf32, #tpu.memory_space<hbm>>
    %dma_wait3A_812 = arith.constant 0 : i32
    %dma_wait3A_813 = arith.constant 0 : i32
    %dma_wait3A_814 = arith.constant 0 : i32
    %dma_wait3A_815 = tpu.memref_slice %arg6[%dma_wait3A_812, %dma_wait3A_813, %dma_wait3A_814] : memref<50x8x256xf32, #tpu.memory_space<vmem_shared>> -> memref<25x8x256xf32, #tpu.memory_space<vmem_shared>>
    tpu.wait_dma2 semaphore(%arg9 : memref<!tpu.dma_semaphore, #tpu.memory_space<semaphore_mem>>) src(%dma_wait3A_815 : memref<25x8x256xf32, #tpu.memory_space<vmem_shared>>) dst(%dma_wait3A_811 : memref<25x8x256xf32, #tpu.memory_space<hbm>>)
    %dma_wait3A_816 = arith.constant 0 : i32
    %dma_wait3A_817 = arith.constant 0 : i32
    %dma_wait3A_818 = tpu.memref_slice %arg4[%dma_wait3A_816, %add3A_58, %dma_wait3A_817] : memref<100x4096x256xf32, #tpu.memory_space<hbm>> -> memref<25x8x256xf32, #tpu.memory_space<hbm>>
    %dma_wait3A_819 = arith.constant 0 : i32
    %dma_wait3A_820 = arith.constant 0 : i32
    %dma_wait3A_821 = arith.constant 0 : i32
    %dma_wait3A_822 = tpu.memref_slice %arg6[%dma_wait3A_819, %dma_wait3A_820, %dma_wait3A_821] : memref<50x8x256xf32, #tpu.memory_space<vmem_shared>> -> memref<25x8x256xf32, #tpu.memory_space<vmem_shared>>
    tpu.wait_dma2 semaphore(%arg9 : memref<!tpu.dma_semaphore, #tpu.memory_space<semaphore_mem>>) src(%dma_wait3A_822 : memref<25x8x256xf32, #tpu.memory_space<vmem_shared>>) dst(%dma_wait3A_818 : memref<25x8x256xf32, #tpu.memory_space<hbm>>)
    %dma_wait3A_823 = arith.constant 0 : i32
    %dma_wait3A_824 = arith.constant 0 : i32
    %dma_wait3A_825 = tpu.memref_slice %arg4[%dma_wait3A_823, %add3A_67, %dma_wait3A_824] : memref<100x4096x256xf32, #tpu.memory_space<hbm>> -> memref<25x8x256xf32, #tpu.memory_space<hbm>>
    %dma_wait3A_826 = arith.constant 0 : i32
    %dma_wait3A_827 = arith.constant 0 : i32
    %dma_wait3A_828 = arith.constant 0 : i32
    %dma_wait3A_829 = tpu.memref_slice %arg6[%dma_wait3A_826, %dma_wait3A_827, %dma_wait3A_828] : memref<50x8x256xf32, #tpu.memory_space<vmem_shared>> -> memref<25x8x256xf32, #tpu.memory_space<vmem_shared>>
    tpu.wait_dma2 semaphore(%arg9 : memref<!tpu.dma_semaphore, #tpu.memory_space<semaphore_mem>>) src(%dma_wait3A_829 : memref<25x8x256xf32, #tpu.memory_space<vmem_shared>>) dst(%dma_wait3A_825 : memref<25x8x256xf32, #tpu.memory_space<hbm>>)
    %dma_wait3A_830 = arith.constant 0 : i32
    %dma_wait3A_831 = arith.constant 0 : i32
    %dma_wait3A_832 = tpu.memref_slice %arg4[%dma_wait3A_830, %add3A_76, %dma_wait3A_831] : memref<100x4096x256xf32, #tpu.memory_space<hbm>> -> memref<25x8x256xf32, #tpu.memory_space<hbm>>
    %dma_wait3A_833 = arith.constant 0 : i32
    %dma_wait3A_834 = arith.constant 0 : i32
    %dma_wait3A_835 = arith.constant 0 : i32
    %dma_wait3A_836 = tpu.memref_slice %arg6[%dma_wait3A_833, %dma_wait3A_834, %dma_wait3A_835] : memref<50x8x256xf32, #tpu.memory_space<vmem_shared>> -> memref<25x8x256xf32, #tpu.memory_space<vmem_shared>>
    tpu.wait_dma2 semaphore(%arg9 : memref<!tpu.dma_semaphore, #tpu.memory_space<semaphore_mem>>) src(%dma_wait3A_836 : memref<25x8x256xf32, #tpu.memory_space<vmem_shared>>) dst(%dma_wait3A_832 : memref<25x8x256xf32, #tpu.memory_space<hbm>>)
    %dma_wait3A_837 = arith.constant 0 : i32
    %dma_wait3A_838 = arith.constant 0 : i32
    %dma_wait3A_839 = tpu.memref_slice %arg4[%dma_wait3A_837, %add3A_85, %dma_wait3A_838] : memref<100x4096x256xf32, #tpu.memory_space<hbm>> -> memref<25x8x256xf32, #tpu.memory_space<hbm>>
    %dma_wait3A_840 = arith.constant 0 : i32
    %dma_wait3A_841 = arith.constant 0 : i32
    %dma_wait3A_842 = arith.constant 0 : i32
    %dma_wait3A_843 = tpu.memref_slice %arg6[%dma_wait3A_840, %dma_wait3A_841, %dma_wait3A_842] : memref<50x8x256xf32, #tpu.memory_space<vmem_shared>> -> memref<25x8x256xf32, #tpu.memory_space<vmem_shared>>
    tpu.wait_dma2 semaphore(%arg9 : memref<!tpu.dma_semaphore, #tpu.memory_space<semaphore_mem>>) src(%dma_wait3A_843 : memref<25x8x256xf32, #tpu.memory_space<vmem_shared>>) dst(%dma_wait3A_839 : memref<25x8x256xf32, #tpu.memory_space<hbm>>)
    %dma_wait3A_844 = arith.constant 25 : i32
    %dma_wait3A_845 = arith.constant 0 : i32
    %dma_wait3A_846 = tpu.memref_slice %arg4[%dma_wait3A_844, %add3A_347, %dma_wait3A_845] : memref<100x4096x256xf32, #tpu.memory_space<hbm>> -> memref<25x8x256xf32, #tpu.memory_space<hbm>>
    %dma_wait3A_847 = arith.constant 25 : i32
    %dma_wait3A_848 = arith.constant 0 : i32
    %dma_wait3A_849 = arith.constant 0 : i32
    %dma_wait3A_850 = tpu.memref_slice %arg6[%dma_wait3A_847, %dma_wait3A_848, %dma_wait3A_849] : memref<50x8x256xf32, #tpu.memory_space<vmem_shared>> -> memref<25x8x256xf32, #tpu.memory_space<vmem_shared>>
    tpu.wait_dma2 semaphore(%arg9 : memref<!tpu.dma_semaphore, #tpu.memory_space<semaphore_mem>>) src(%dma_wait3A_850 : memref<25x8x256xf32, #tpu.memory_space<vmem_shared>>) dst(%dma_wait3A_846 : memref<25x8x256xf32, #tpu.memory_space<hbm>>)
    %dma_wait3A_851 = arith.constant 25 : i32
    %dma_wait3A_852 = arith.constant 0 : i32
    %dma_wait3A_853 = tpu.memref_slice %arg4[%dma_wait3A_851, %add3A_356, %dma_wait3A_852] : memref<100x4096x256xf32, #tpu.memory_space<hbm>> -> memref<25x8x256xf32, #tpu.memory_space<hbm>>
    %dma_wait3A_854 = arith.constant 25 : i32
    %dma_wait3A_855 = arith.constant 0 : i32
    %dma_wait3A_856 = arith.constant 0 : i32
    %dma_wait3A_857 = tpu.memref_slice %arg6[%dma_wait3A_854, %dma_wait3A_855, %dma_wait3A_856] : memref<50x8x256xf32, #tpu.memory_space<vmem_shared>> -> memref<25x8x256xf32, #tpu.memory_space<vmem_shared>>
    tpu.wait_dma2 semaphore(%arg9 : memref<!tpu.dma_semaphore, #tpu.memory_space<semaphore_mem>>) src(%dma_wait3A_857 : memref<25x8x256xf32, #tpu.memory_space<vmem_shared>>) dst(%dma_wait3A_853 : memref<25x8x256xf32, #tpu.memory_space<hbm>>)
    %dma_wait3A_858 = arith.constant 25 : i32
    %dma_wait3A_859 = arith.constant 0 : i32
    %dma_wait3A_860 = tpu.memref_slice %arg4[%dma_wait3A_858, %add3A_365, %dma_wait3A_859] : memref<100x4096x256xf32, #tpu.memory_space<hbm>> -> memref<25x8x256xf32, #tpu.memory_space<hbm>>
    %dma_wait3A_861 = arith.constant 25 : i32
    %dma_wait3A_862 = arith.constant 0 : i32
    %dma_wait3A_863 = arith.constant 0 : i32
    %dma_wait3A_864 = tpu.memref_slice %arg6[%dma_wait3A_861, %dma_wait3A_862, %dma_wait3A_863] : memref<50x8x256xf32, #tpu.memory_space<vmem_shared>> -> memref<25x8x256xf32, #tpu.memory_space<vmem_shared>>
    tpu.wait_dma2 semaphore(%arg9 : memref<!tpu.dma_semaphore, #tpu.memory_space<semaphore_mem>>) src(%dma_wait3A_864 : memref<25x8x256xf32, #tpu.memory_space<vmem_shared>>) dst(%dma_wait3A_860 : memref<25x8x256xf32, #tpu.memory_space<hbm>>)
    %dma_wait3A_865 = arith.constant 25 : i32
    %dma_wait3A_866 = arith.constant 0 : i32
    %dma_wait3A_867 = tpu.memref_slice %arg4[%dma_wait3A_865, %add3A_374, %dma_wait3A_866] : memref<100x4096x256xf32, #tpu.memory_space<hbm>> -> memref<25x8x256xf32, #tpu.memory_space<hbm>>
    %dma_wait3A_868 = arith.constant 25 : i32
    %dma_wait3A_869 = arith.constant 0 : i32
    %dma_wait3A_870 = arith.constant 0 : i32
    %dma_wait3A_871 = tpu.memref_slice %arg6[%dma_wait3A_868, %dma_wait3A_869, %dma_wait3A_870] : memref<50x8x256xf32, #tpu.memory_space<vmem_shared>> -> memref<25x8x256xf32, #tpu.memory_space<vmem_shared>>
    tpu.wait_dma2 semaphore(%arg9 : memref<!tpu.dma_semaphore, #tpu.memory_space<semaphore_mem>>) src(%dma_wait3A_871 : memref<25x8x256xf32, #tpu.memory_space<vmem_shared>>) dst(%dma_wait3A_867 : memref<25x8x256xf32, #tpu.memory_space<hbm>>)
    %dma_wait3A_872 = arith.constant 25 : i32
    %dma_wait3A_873 = arith.constant 0 : i32
    %dma_wait3A_874 = tpu.memref_slice %arg4[%dma_wait3A_872, %add3A_383, %dma_wait3A_873] : memref<100x4096x256xf32, #tpu.memory_space<hbm>> -> memref<25x8x256xf32, #tpu.memory_space<hbm>>
    %dma_wait3A_875 = arith.constant 25 : i32
    %dma_wait3A_876 = arith.constant 0 : i32
    %dma_wait3A_877 = arith.constant 0 : i32
    %dma_wait3A_878 = tpu.memref_slice %arg6[%dma_wait3A_875, %dma_wait3A_876, %dma_wait3A_877] : memref<50x8x256xf32, #tpu.memory_space<vmem_shared>> -> memref<25x8x256xf32, #tpu.memory_space<vmem_shared>>
    tpu.wait_dma2 semaphore(%arg9 : memref<!tpu.dma_semaphore, #tpu.memory_space<semaphore_mem>>) src(%dma_wait3A_878 : memref<25x8x256xf32, #tpu.memory_space<vmem_shared>>) dst(%dma_wait3A_874 : memref<25x8x256xf32, #tpu.memory_space<hbm>>)
    %barrier3A_879 = arith.constant 0 : index
    tpu.barrier barrier_id(%barrier3A_879)
    %eq3A_880 = arith.constant 0 : i32
    %eq3A_881 = arith.cmpi eq, %arg1, %eq3A_880 : i32
    %convert_element_type3A_882 = arith.extui %eq3A_881 : i1 to i32
    %cond3A_883 = arith.constant 0 : i32
    %cond3A_884 = arith.cmpi ne, %convert_element_type3A_882, %cond3A_883 : i32
    scf.if %cond3A_884 {
      %run_scoped3A = arith.constant 1 : i32
      "tpu.region"() ({
        %run_scoped3A_2091 = tpu.sem_alloc : memref<!tpu.dma_semaphore, #tpu.memory_space<semaphore_mem>>
        %dma_start3A_2092 = arith.constant 0 : i32
        %dma_start3A_2093 = arith.constant 0 : i32
        %dma_start3A_2094 = arith.constant 0 : i32
        %dma_start3A_2095 = tpu.memref_slice %arg3[%run_scoped3A, %dma_start3A_2092, %dma_start3A_2093, %dma_start3A_2094] : memref<2x50x8x256xf32, #tpu.memory_space<hbm>> -> memref<1x50x8x256xf32, #tpu.memory_space<hbm>>
        %dma_start3A_2096 = tpu.memref_squeeze %dma_start3A_2095 : memref<1x50x8x256xf32, #tpu.memory_space<hbm>> -> memref<50x8x256xf32, #tpu.memory_space<hbm>>
        tpu.enqueue_dma source(%dma_start3A_2096 : memref<50x8x256xf32, #tpu.memory_space<hbm>>) target(%arg6 : memref<50x8x256xf32, #tpu.memory_space<vmem_shared>>) target_semaphore(%run_scoped3A_2091 : memref<!tpu.dma_semaphore, #tpu.memory_space<semaphore_mem>>)
        %dma_wait3A_2097 = arith.constant 0 : i32
        %dma_wait3A_2098 = arith.constant 0 : i32
        %dma_wait3A_2099 = arith.constant 0 : i32
        %dma_wait3A_2100 = tpu.memref_slice %arg3[%run_scoped3A, %dma_wait3A_2097, %dma_wait3A_2098, %dma_wait3A_2099] : memref<2x50x8x256xf32, #tpu.memory_space<hbm>> -> memref<1x50x8x256xf32, #tpu.memory_space<hbm>>
        %dma_wait3A_2101 = tpu.memref_squeeze %dma_wait3A_2100 : memref<1x50x8x256xf32, #tpu.memory_space<hbm>> -> memref<50x8x256xf32, #tpu.memory_space<hbm>>
        tpu.wait_dma2 semaphore(%run_scoped3A_2091 : memref<!tpu.dma_semaphore, #tpu.memory_space<semaphore_mem>>) src(%dma_wait3A_2101 : memref<50x8x256xf32, #tpu.memory_space<hbm>>) dst(%arg6 : memref<50x8x256xf32, #tpu.memory_space<vmem_shared>>)
        tpu.yield
      }) : () -> ()
    } else {
    }
    %barrier3A_885 = arith.constant 0 : index
    tpu.barrier barrier_id(%barrier3A_885)
    %dma_wait3A_886 = arith.constant 2 : i32
    %dma_wait3A_887 = arith.constant 0 : i32
    %dma_wait3A_888 = arith.constant 0 : i32
    %dma_wait3A_889 = arith.constant 0 : i32
    %dma_wait3A_890 = arith.constant 0 : i32
    %dma_wait3A_891 = tpu.memref_slice %arg5[%dma_wait3A_887, %dma_wait3A_888, %dma_wait3A_889, %dma_wait3A_890] : memref<2x25x8x256xf32, #tpu.memory_space<vmem>> -> memref<1x25x8x256xf32, #tpu.memory_space<vmem>>
    %dma_wait3A_892 = tpu.memref_squeeze %dma_wait3A_891 : memref<1x25x8x256xf32, #tpu.memory_space<vmem>> -> memref<25x8x256xf32, #tpu.memory_space<vmem>>
    %dma_wait3A_893 = arith.constant 0 : i32
    %dma_wait3A_894 = arith.constant 0 : i32
    %dma_wait3A_895 = arith.constant 0 : i32
    %dma_wait3A_896 = tpu.memref_slice %arg2[%dma_wait3A_886, %dma_wait3A_893, %dma_wait3A_894, %dma_wait3A_895] : memref<4x25x8x256xf32, #tpu.memory_space<hbm>> -> memref<1x25x8x256xf32, #tpu.memory_space<hbm>>
    %dma_wait3A_897 = tpu.memref_squeeze %dma_wait3A_896 : memref<1x25x8x256xf32, #tpu.memory_space<hbm>> -> memref<25x8x256xf32, #tpu.memory_space<hbm>>
    %dma_wait3A_898 = arith.constant 0 : i32
    %dma_wait3A_899 = arith.constant 0 : i32
    %dma_wait3A_900 = arith.constant 0 : i32
    %dma_wait3A_901 = tpu.memref_slice %arg5[%dma_wait3A_887, %dma_wait3A_898, %dma_wait3A_899, %dma_wait3A_900] : memref<2x25x8x256xf32, #tpu.memory_space<vmem>> -> memref<1x25x8x256xf32, #tpu.memory_space<vmem>>
    %dma_wait3A_902 = tpu.memref_squeeze %dma_wait3A_901 : memref<1x25x8x256xf32, #tpu.memory_space<vmem>> -> memref<25x8x256xf32, #tpu.memory_space<vmem>>
    %dma_wait3A_903 = arith.constant 0 : i32
    %dma_wait3A_904 = arith.constant 0 : i32
    %dma_wait3A_905 = arith.constant 0 : i32
    %dma_wait3A_906 = tpu.memref_slice %arg2[%dma_wait3A_886, %dma_wait3A_903, %dma_wait3A_904, %dma_wait3A_905] : memref<4x25x8x256xf32, #tpu.memory_space<hbm>> -> memref<1x25x8x256xf32, #tpu.memory_space<hbm>>
    %dma_wait3A_907 = tpu.memref_squeeze %dma_wait3A_906 : memref<1x25x8x256xf32, #tpu.memory_space<hbm>> -> memref<25x8x256xf32, #tpu.memory_space<hbm>>
    tpu.wait_dma2 semaphore(%arg7 : memref<!tpu.dma_semaphore, #tpu.memory_space<semaphore_mem>>) src(%dma_wait3A_907 : memref<25x8x256xf32, #tpu.memory_space<hbm>>) dst(%dma_wait3A_902 : memref<25x8x256xf32, #tpu.memory_space<vmem>>)
    %add3A_908 = arith.constant 0 : i32
    %add3A_909 = arith.addi %mul3A_2, %add3A_908 : i32
    %dma_start3A_910 = arith.constant 50 : i32
    %dma_start3A_911 = arith.constant 0 : i32
    %dma_start3A_912 = tpu.memref_slice %arg4[%dma_start3A_910, %add3A_909, %dma_start3A_911] : memref<100x4096x256xf32, #tpu.memory_space<hbm>> -> memref<25x8x256xf32, #tpu.memory_space<hbm>>
    %dma_start3A_913 = arith.constant 0 : i32
    %dma_start3A_914 = arith.constant 0 : i32
    %dma_start3A_915 = arith.constant 0 : i32
    %dma_start3A_916 = tpu.memref_slice %arg6[%dma_start3A_913, %dma_start3A_914, %dma_start3A_915] : memref<50x8x256xf32, #tpu.memory_space<vmem_shared>> -> memref<25x8x256xf32, #tpu.memory_space<vmem_shared>>
    tpu.enqueue_dma source(%dma_start3A_916 : memref<25x8x256xf32, #tpu.memory_space<vmem_shared>>) target(%dma_start3A_912 : memref<25x8x256xf32, #tpu.memory_space<hbm>>) target_semaphore(%arg9 : memref<!tpu.dma_semaphore, #tpu.memory_space<semaphore_mem>>)
    %add3A_917 = arith.constant 8 : i32
    %add3A_918 = arith.addi %mul3A_2, %add3A_917 : i32
    %dma_start3A_919 = arith.constant 50 : i32
    %dma_start3A_920 = arith.constant 0 : i32
    %dma_start3A_921 = tpu.memref_slice %arg4[%dma_start3A_919, %add3A_918, %dma_start3A_920] : memref<100x4096x256xf32, #tpu.memory_space<hbm>> -> memref<25x8x256xf32, #tpu.memory_space<hbm>>
    %dma_start3A_922 = arith.constant 0 : i32
    %dma_start3A_923 = arith.constant 0 : i32
    %dma_start3A_924 = arith.constant 0 : i32
    %dma_start3A_925 = tpu.memref_slice %arg6[%dma_start3A_922, %dma_start3A_923, %dma_start3A_924] : memref<50x8x256xf32, #tpu.memory_space<vmem_shared>> -> memref<25x8x256xf32, #tpu.memory_space<vmem_shared>>
    tpu.enqueue_dma source(%dma_start3A_925 : memref<25x8x256xf32, #tpu.memory_space<vmem_shared>>) target(%dma_start3A_921 : memref<25x8x256xf32, #tpu.memory_space<hbm>>) target_semaphore(%arg9 : memref<!tpu.dma_semaphore, #tpu.memory_space<semaphore_mem>>)
    %add3A_926 = arith.constant 16 : i32
    %add3A_927 = arith.addi %mul3A_2, %add3A_926 : i32
    %dma_start3A_928 = arith.constant 50 : i32
    %dma_start3A_929 = arith.constant 0 : i32
    %dma_start3A_930 = tpu.memref_slice %arg4[%dma_start3A_928, %add3A_927, %dma_start3A_929] : memref<100x4096x256xf32, #tpu.memory_space<hbm>> -> memref<25x8x256xf32, #tpu.memory_space<hbm>>
    %dma_start3A_931 = arith.constant 0 : i32
    %dma_start3A_932 = arith.constant 0 : i32
    %dma_start3A_933 = arith.constant 0 : i32
    %dma_start3A_934 = tpu.memref_slice %arg6[%dma_start3A_931, %dma_start3A_932, %dma_start3A_933] : memref<50x8x256xf32, #tpu.memory_space<vmem_shared>> -> memref<25x8x256xf32, #tpu.memory_space<vmem_shared>>
    tpu.enqueue_dma source(%dma_start3A_934 : memref<25x8x256xf32, #tpu.memory_space<vmem_shared>>) target(%dma_start3A_930 : memref<25x8x256xf32, #tpu.memory_space<hbm>>) target_semaphore(%arg9 : memref<!tpu.dma_semaphore, #tpu.memory_space<semaphore_mem>>)
    %add3A_935 = arith.constant 24 : i32
    %add3A_936 = arith.addi %mul3A_2, %add3A_935 : i32
    %dma_start3A_937 = arith.constant 50 : i32
    %dma_start3A_938 = arith.constant 0 : i32
    %dma_start3A_939 = tpu.memref_slice %arg4[%dma_start3A_937, %add3A_936, %dma_start3A_938] : memref<100x4096x256xf32, #tpu.memory_space<hbm>> -> memref<25x8x256xf32, #tpu.memory_space<hbm>>
    %dma_start3A_940 = arith.constant 0 : i32
    %dma_start3A_941 = arith.constant 0 : i32
    %dma_start3A_942 = arith.constant 0 : i32
    %dma_start3A_943 = tpu.memref_slice %arg6[%dma_start3A_940, %dma_start3A_941, %dma_start3A_942] : memref<50x8x256xf32, #tpu.memory_space<vmem_shared>> -> memref<25x8x256xf32, #tpu.memory_space<vmem_shared>>
    tpu.enqueue_dma source(%dma_start3A_943 : memref<25x8x256xf32, #tpu.memory_space<vmem_shared>>) target(%dma_start3A_939 : memref<25x8x256xf32, #tpu.memory_space<hbm>>) target_semaphore(%arg9 : memref<!tpu.dma_semaphore, #tpu.memory_space<semaphore_mem>>)
    %add3A_944 = arith.constant 32 : i32
    %add3A_945 = arith.addi %mul3A_2, %add3A_944 : i32
    %dma_start3A_946 = arith.constant 50 : i32
    %dma_start3A_947 = arith.constant 0 : i32
    %dma_start3A_948 = tpu.memref_slice %arg4[%dma_start3A_946, %add3A_945, %dma_start3A_947] : memref<100x4096x256xf32, #tpu.memory_space<hbm>> -> memref<25x8x256xf32, #tpu.memory_space<hbm>>
    %dma_start3A_949 = arith.constant 0 : i32
    %dma_start3A_950 = arith.constant 0 : i32
    %dma_start3A_951 = arith.constant 0 : i32
    %dma_start3A_952 = tpu.memref_slice %arg6[%dma_start3A_949, %dma_start3A_950, %dma_start3A_951] : memref<50x8x256xf32, #tpu.memory_space<vmem_shared>> -> memref<25x8x256xf32, #tpu.memory_space<vmem_shared>>
    tpu.enqueue_dma source(%dma_start3A_952 : memref<25x8x256xf32, #tpu.memory_space<vmem_shared>>) target(%dma_start3A_948 : memref<25x8x256xf32, #tpu.memory_space<hbm>>) target_semaphore(%arg9 : memref<!tpu.dma_semaphore, #tpu.memory_space<semaphore_mem>>)
    %add3A_953 = arith.constant 40 : i32
    %add3A_954 = arith.addi %mul3A_2, %add3A_953 : i32
    %dma_start3A_955 = arith.constant 0 : i32
    %dma_start3A_956 = arith.constant 0 : i32
    %dma_start3A_957 = arith.constant 0 : i32
    %dma_start3A_958 = arith.constant 0 : i32
    %dma_start3A_959 = tpu.memref_slice %arg5[%dma_start3A_955, %dma_start3A_956, %dma_start3A_957, %dma_start3A_958] : memref<2x25x8x256xf32, #tpu.memory_space<vmem>> -> memref<1x25x8x256xf32, #tpu.memory_space<vmem>>
    %dma_start3A_960 = tpu.memref_squeeze %dma_start3A_959 : memref<1x25x8x256xf32, #tpu.memory_space<vmem>> -> memref<25x8x256xf32, #tpu.memory_space<vmem>>
    %dma_start3A_961 = arith.constant 50 : i32
    %dma_start3A_962 = arith.constant 0 : i32
    %dma_start3A_963 = tpu.memref_slice %arg4[%dma_start3A_961, %add3A_954, %dma_start3A_962] : memref<100x4096x256xf32, #tpu.memory_space<hbm>> -> memref<25x8x256xf32, #tpu.memory_space<hbm>>
    %dma_start3A_964 = arith.constant 50 : i32
    %dma_start3A_965 = arith.constant 0 : i32
    %dma_start3A_966 = tpu.memref_slice %arg4[%dma_start3A_964, %add3A_954, %dma_start3A_965] : memref<100x4096x256xf32, #tpu.memory_space<hbm>> -> memref<25x8x256xf32, #tpu.memory_space<hbm>>
    %dma_start3A_967 = arith.constant 0 : i32
    %dma_start3A_968 = arith.constant 0 : i32
    %dma_start3A_969 = arith.constant 0 : i32
    %dma_start3A_970 = tpu.memref_slice %arg5[%dma_start3A_955, %dma_start3A_967, %dma_start3A_968, %dma_start3A_969] : memref<2x25x8x256xf32, #tpu.memory_space<vmem>> -> memref<1x25x8x256xf32, #tpu.memory_space<vmem>>
    %dma_start3A_971 = tpu.memref_squeeze %dma_start3A_970 : memref<1x25x8x256xf32, #tpu.memory_space<vmem>> -> memref<25x8x256xf32, #tpu.memory_space<vmem>>
    tpu.enqueue_dma source(%dma_start3A_971 : memref<25x8x256xf32, #tpu.memory_space<vmem>>) target(%dma_start3A_966 : memref<25x8x256xf32, #tpu.memory_space<hbm>>) target_semaphore(%arg8 : memref<!tpu.dma_semaphore, #tpu.memory_space<semaphore_mem>>)
    %add3A_972 = arith.constant 48 : i32
    %add3A_973 = arith.addi %mul3A_2, %add3A_972 : i32
    %dma_start3A_974 = arith.constant 0 : i32
    %dma_start3A_975 = arith.constant 0 : i32
    %dma_start3A_976 = arith.constant 0 : i32
    %dma_start3A_977 = arith.constant 0 : i32
    %dma_start3A_978 = tpu.memref_slice %arg5[%dma_start3A_974, %dma_start3A_975, %dma_start3A_976, %dma_start3A_977] : memref<2x25x8x256xf32, #tpu.memory_space<vmem>> -> memref<1x25x8x256xf32, #tpu.memory_space<vmem>>
    %dma_start3A_979 = tpu.memref_squeeze %dma_start3A_978 : memref<1x25x8x256xf32, #tpu.memory_space<vmem>> -> memref<25x8x256xf32, #tpu.memory_space<vmem>>
    %dma_start3A_980 = arith.constant 50 : i32
    %dma_start3A_981 = arith.constant 0 : i32
    %dma_start3A_982 = tpu.memref_slice %arg4[%dma_start3A_980, %add3A_973, %dma_start3A_981] : memref<100x4096x256xf32, #tpu.memory_space<hbm>> -> memref<25x8x256xf32, #tpu.memory_space<hbm>>
    %dma_start3A_983 = arith.constant 50 : i32
    %dma_start3A_984 = arith.constant 0 : i32
    %dma_start3A_985 = tpu.memref_slice %arg4[%dma_start3A_983, %add3A_973, %dma_start3A_984] : memref<100x4096x256xf32, #tpu.memory_space<hbm>> -> memref<25x8x256xf32, #tpu.memory_space<hbm>>
    %dma_start3A_986 = arith.constant 0 : i32
    %dma_start3A_987 = arith.constant 0 : i32
    %dma_start3A_988 = arith.constant 0 : i32
    %dma_start3A_989 = tpu.memref_slice %arg5[%dma_start3A_974, %dma_start3A_986, %dma_start3A_987, %dma_start3A_988] : memref<2x25x8x256xf32, #tpu.memory_space<vmem>> -> memref<1x25x8x256xf32, #tpu.memory_space<vmem>>
    %dma_start3A_990 = tpu.memref_squeeze %dma_start3A_989 : memref<1x25x8x256xf32, #tpu.memory_space<vmem>> -> memref<25x8x256xf32, #tpu.memory_space<vmem>>
    tpu.enqueue_dma source(%dma_start3A_990 : memref<25x8x256xf32, #tpu.memory_space<vmem>>) target(%dma_start3A_985 : memref<25x8x256xf32, #tpu.memory_space<hbm>>) target_semaphore(%arg8 : memref<!tpu.dma_semaphore, #tpu.memory_space<semaphore_mem>>)
    %add3A_991 = arith.constant 56 : i32
    %add3A_992 = arith.addi %mul3A_2, %add3A_991 : i32
    %dma_start3A_993 = arith.constant 0 : i32
    %dma_start3A_994 = arith.constant 0 : i32
    %dma_start3A_995 = arith.constant 0 : i32
    %dma_start3A_996 = arith.constant 0 : i32
    %dma_start3A_997 = tpu.memref_slice %arg5[%dma_start3A_993, %dma_start3A_994, %dma_start3A_995, %dma_start3A_996] : memref<2x25x8x256xf32, #tpu.memory_space<vmem>> -> memref<1x25x8x256xf32, #tpu.memory_space<vmem>>
    %dma_start3A_998 = tpu.memref_squeeze %dma_start3A_997 : memref<1x25x8x256xf32, #tpu.memory_space<vmem>> -> memref<25x8x256xf32, #tpu.memory_space<vmem>>
    %dma_start3A_999 = arith.constant 50 : i32
    %dma_start3A_1000 = arith.constant 0 : i32
    %dma_start3A_1001 = tpu.memref_slice %arg4[%dma_start3A_999, %add3A_992, %dma_start3A_1000] : memref<100x4096x256xf32, #tpu.memory_space<hbm>> -> memref<25x8x256xf32, #tpu.memory_space<hbm>>
    %dma_start3A_1002 = arith.constant 50 : i32
    %dma_start3A_1003 = arith.constant 0 : i32
    %dma_start3A_1004 = tpu.memref_slice %arg4[%dma_start3A_1002, %add3A_992, %dma_start3A_1003] : memref<100x4096x256xf32, #tpu.memory_space<hbm>> -> memref<25x8x256xf32, #tpu.memory_space<hbm>>
    %dma_start3A_1005 = arith.constant 0 : i32
    %dma_start3A_1006 = arith.constant 0 : i32
    %dma_start3A_1007 = arith.constant 0 : i32
    %dma_start3A_1008 = tpu.memref_slice %arg5[%dma_start3A_993, %dma_start3A_1005, %dma_start3A_1006, %dma_start3A_1007] : memref<2x25x8x256xf32, #tpu.memory_space<vmem>> -> memref<1x25x8x256xf32, #tpu.memory_space<vmem>>
    %dma_start3A_1009 = tpu.memref_squeeze %dma_start3A_1008 : memref<1x25x8x256xf32, #tpu.memory_space<vmem>> -> memref<25x8x256xf32, #tpu.memory_space<vmem>>
    tpu.enqueue_dma source(%dma_start3A_1009 : memref<25x8x256xf32, #tpu.memory_space<vmem>>) target(%dma_start3A_1004 : memref<25x8x256xf32, #tpu.memory_space<hbm>>) target_semaphore(%arg8 : memref<!tpu.dma_semaphore, #tpu.memory_space<semaphore_mem>>)
    %add3A_1010 = arith.constant 64 : i32
    %add3A_1011 = arith.addi %mul3A_2, %add3A_1010 : i32
    %dma_start3A_1012 = arith.constant 0 : i32
    %dma_start3A_1013 = arith.constant 0 : i32
    %dma_start3A_1014 = arith.constant 0 : i32
    %dma_start3A_1015 = arith.constant 0 : i32
    %dma_start3A_1016 = tpu.memref_slice %arg5[%dma_start3A_1012, %dma_start3A_1013, %dma_start3A_1014, %dma_start3A_1015] : memref<2x25x8x256xf32, #tpu.memory_space<vmem>> -> memref<1x25x8x256xf32, #tpu.memory_space<vmem>>
    %dma_start3A_1017 = tpu.memref_squeeze %dma_start3A_1016 : memref<1x25x8x256xf32, #tpu.memory_space<vmem>> -> memref<25x8x256xf32, #tpu.memory_space<vmem>>
    %dma_start3A_1018 = arith.constant 50 : i32
    %dma_start3A_1019 = arith.constant 0 : i32
    %dma_start3A_1020 = tpu.memref_slice %arg4[%dma_start3A_1018, %add3A_1011, %dma_start3A_1019] : memref<100x4096x256xf32, #tpu.memory_space<hbm>> -> memref<25x8x256xf32, #tpu.memory_space<hbm>>
    %dma_start3A_1021 = arith.constant 50 : i32
    %dma_start3A_1022 = arith.constant 0 : i32
    %dma_start3A_1023 = tpu.memref_slice %arg4[%dma_start3A_1021, %add3A_1011, %dma_start3A_1022] : memref<100x4096x256xf32, #tpu.memory_space<hbm>> -> memref<25x8x256xf32, #tpu.memory_space<hbm>>
    %dma_start3A_1024 = arith.constant 0 : i32
    %dma_start3A_1025 = arith.constant 0 : i32
    %dma_start3A_1026 = arith.constant 0 : i32
    %dma_start3A_1027 = tpu.memref_slice %arg5[%dma_start3A_1012, %dma_start3A_1024, %dma_start3A_1025, %dma_start3A_1026] : memref<2x25x8x256xf32, #tpu.memory_space<vmem>> -> memref<1x25x8x256xf32, #tpu.memory_space<vmem>>
    %dma_start3A_1028 = tpu.memref_squeeze %dma_start3A_1027 : memref<1x25x8x256xf32, #tpu.memory_space<vmem>> -> memref<25x8x256xf32, #tpu.memory_space<vmem>>
    tpu.enqueue_dma source(%dma_start3A_1028 : memref<25x8x256xf32, #tpu.memory_space<vmem>>) target(%dma_start3A_1023 : memref<25x8x256xf32, #tpu.memory_space<hbm>>) target_semaphore(%arg8 : memref<!tpu.dma_semaphore, #tpu.memory_space<semaphore_mem>>)
    %add3A_1029 = arith.constant 72 : i32
    %add3A_1030 = arith.addi %mul3A_2, %add3A_1029 : i32
    %dma_start3A_1031 = arith.constant 0 : i32
    %dma_start3A_1032 = arith.constant 0 : i32
    %dma_start3A_1033 = arith.constant 0 : i32
    %dma_start3A_1034 = arith.constant 0 : i32
    %dma_start3A_1035 = tpu.memref_slice %arg5[%dma_start3A_1031, %dma_start3A_1032, %dma_start3A_1033, %dma_start3A_1034] : memref<2x25x8x256xf32, #tpu.memory_space<vmem>> -> memref<1x25x8x256xf32, #tpu.memory_space<vmem>>
    %dma_start3A_1036 = tpu.memref_squeeze %dma_start3A_1035 : memref<1x25x8x256xf32, #tpu.memory_space<vmem>> -> memref<25x8x256xf32, #tpu.memory_space<vmem>>
    %dma_start3A_1037 = arith.constant 50 : i32
    %dma_start3A_1038 = arith.constant 0 : i32
    %dma_start3A_1039 = tpu.memref_slice %arg4[%dma_start3A_1037, %add3A_1030, %dma_start3A_1038] : memref<100x4096x256xf32, #tpu.memory_space<hbm>> -> memref<25x8x256xf32, #tpu.memory_space<hbm>>
    %dma_start3A_1040 = arith.constant 50 : i32
    %dma_start3A_1041 = arith.constant 0 : i32
    %dma_start3A_1042 = tpu.memref_slice %arg4[%dma_start3A_1040, %add3A_1030, %dma_start3A_1041] : memref<100x4096x256xf32, #tpu.memory_space<hbm>> -> memref<25x8x256xf32, #tpu.memory_space<hbm>>
    %dma_start3A_1043 = arith.constant 0 : i32
    %dma_start3A_1044 = arith.constant 0 : i32
    %dma_start3A_1045 = arith.constant 0 : i32
    %dma_start3A_1046 = tpu.memref_slice %arg5[%dma_start3A_1031, %dma_start3A_1043, %dma_start3A_1044, %dma_start3A_1045] : memref<2x25x8x256xf32, #tpu.memory_space<vmem>> -> memref<1x25x8x256xf32, #tpu.memory_space<vmem>>
    %dma_start3A_1047 = tpu.memref_squeeze %dma_start3A_1046 : memref<1x25x8x256xf32, #tpu.memory_space<vmem>> -> memref<25x8x256xf32, #tpu.memory_space<vmem>>
    tpu.enqueue_dma source(%dma_start3A_1047 : memref<25x8x256xf32, #tpu.memory_space<vmem>>) target(%dma_start3A_1042 : memref<25x8x256xf32, #tpu.memory_space<hbm>>) target_semaphore(%arg8 : memref<!tpu.dma_semaphore, #tpu.memory_space<semaphore_mem>>)
    %add3A_1048 = arith.constant 80 : i32
    %add3A_1049 = arith.addi %mul3A_2, %add3A_1048 : i32
    %dma_start3A_1050 = arith.constant 0 : i32
    %dma_start3A_1051 = arith.constant 0 : i32
    %dma_start3A_1052 = arith.constant 0 : i32
    %dma_start3A_1053 = arith.constant 0 : i32
    %dma_start3A_1054 = tpu.memref_slice %arg5[%dma_start3A_1050, %dma_start3A_1051, %dma_start3A_1052, %dma_start3A_1053] : memref<2x25x8x256xf32, #tpu.memory_space<vmem>> -> memref<1x25x8x256xf32, #tpu.memory_space<vmem>>
    %dma_start3A_1055 = tpu.memref_squeeze %dma_start3A_1054 : memref<1x25x8x256xf32, #tpu.memory_space<vmem>> -> memref<25x8x256xf32, #tpu.memory_space<vmem>>
    %dma_start3A_1056 = arith.constant 50 : i32
    %dma_start3A_1057 = arith.constant 0 : i32
    %dma_start3A_1058 = tpu.memref_slice %arg4[%dma_start3A_1056, %add3A_1049, %dma_start3A_1057] : memref<100x4096x256xf32, #tpu.memory_space<hbm>> -> memref<25x8x256xf32, #tpu.memory_space<hbm>>
    %dma_start3A_1059 = arith.constant 50 : i32
    %dma_start3A_1060 = arith.constant 0 : i32
    %dma_start3A_1061 = tpu.memref_slice %arg4[%dma_start3A_1059, %add3A_1049, %dma_start3A_1060] : memref<100x4096x256xf32, #tpu.memory_space<hbm>> -> memref<25x8x256xf32, #tpu.memory_space<hbm>>
    %dma_start3A_1062 = arith.constant 0 : i32
    %dma_start3A_1063 = arith.constant 0 : i32
    %dma_start3A_1064 = arith.constant 0 : i32
    %dma_start3A_1065 = tpu.memref_slice %arg5[%dma_start3A_1050, %dma_start3A_1062, %dma_start3A_1063, %dma_start3A_1064] : memref<2x25x8x256xf32, #tpu.memory_space<vmem>> -> memref<1x25x8x256xf32, #tpu.memory_space<vmem>>
    %dma_start3A_1066 = tpu.memref_squeeze %dma_start3A_1065 : memref<1x25x8x256xf32, #tpu.memory_space<vmem>> -> memref<25x8x256xf32, #tpu.memory_space<vmem>>
    tpu.enqueue_dma source(%dma_start3A_1066 : memref<25x8x256xf32, #tpu.memory_space<vmem>>) target(%dma_start3A_1061 : memref<25x8x256xf32, #tpu.memory_space<hbm>>) target_semaphore(%arg8 : memref<!tpu.dma_semaphore, #tpu.memory_space<semaphore_mem>>)
    %add3A_1067 = arith.constant 88 : i32
    %add3A_1068 = arith.addi %mul3A_2, %add3A_1067 : i32
    %dma_start3A_1069 = arith.constant 0 : i32
    %dma_start3A_1070 = arith.constant 0 : i32
    %dma_start3A_1071 = arith.constant 0 : i32
    %dma_start3A_1072 = arith.constant 0 : i32
    %dma_start3A_1073 = tpu.memref_slice %arg5[%dma_start3A_1069, %dma_start3A_1070, %dma_start3A_1071, %dma_start3A_1072] : memref<2x25x8x256xf32, #tpu.memory_space<vmem>> -> memref<1x25x8x256xf32, #tpu.memory_space<vmem>>
    %dma_start3A_1074 = tpu.memref_squeeze %dma_start3A_1073 : memref<1x25x8x256xf32, #tpu.memory_space<vmem>> -> memref<25x8x256xf32, #tpu.memory_space<vmem>>
    %dma_start3A_1075 = arith.constant 50 : i32
    %dma_start3A_1076 = arith.constant 0 : i32
    %dma_start3A_1077 = tpu.memref_slice %arg4[%dma_start3A_1075, %add3A_1068, %dma_start3A_1076] : memref<100x4096x256xf32, #tpu.memory_space<hbm>> -> memref<25x8x256xf32, #tpu.memory_space<hbm>>
    %dma_start3A_1078 = arith.constant 50 : i32
    %dma_start3A_1079 = arith.constant 0 : i32
    %dma_start3A_1080 = tpu.memref_slice %arg4[%dma_start3A_1078, %add3A_1068, %dma_start3A_1079] : memref<100x4096x256xf32, #tpu.memory_space<hbm>> -> memref<25x8x256xf32, #tpu.memory_space<hbm>>
    %dma_start3A_1081 = arith.constant 0 : i32
    %dma_start3A_1082 = arith.constant 0 : i32
    %dma_start3A_1083 = arith.constant 0 : i32
    %dma_start3A_1084 = tpu.memref_slice %arg5[%dma_start3A_1069, %dma_start3A_1081, %dma_start3A_1082, %dma_start3A_1083] : memref<2x25x8x256xf32, #tpu.memory_space<vmem>> -> memref<1x25x8x256xf32, #tpu.memory_space<vmem>>
    %dma_start3A_1085 = tpu.memref_squeeze %dma_start3A_1084 : memref<1x25x8x256xf32, #tpu.memory_space<vmem>> -> memref<25x8x256xf32, #tpu.memory_space<vmem>>
    tpu.enqueue_dma source(%dma_start3A_1085 : memref<25x8x256xf32, #tpu.memory_space<vmem>>) target(%dma_start3A_1080 : memref<25x8x256xf32, #tpu.memory_space<hbm>>) target_semaphore(%arg8 : memref<!tpu.dma_semaphore, #tpu.memory_space<semaphore_mem>>)
    %add3A_1086 = arith.constant 96 : i32
    %add3A_1087 = arith.addi %mul3A_2, %add3A_1086 : i32
    %dma_start3A_1088 = arith.constant 0 : i32
    %dma_start3A_1089 = arith.constant 0 : i32
    %dma_start3A_1090 = arith.constant 0 : i32
    %dma_start3A_1091 = arith.constant 0 : i32
    %dma_start3A_1092 = tpu.memref_slice %arg5[%dma_start3A_1088, %dma_start3A_1089, %dma_start3A_1090, %dma_start3A_1091] : memref<2x25x8x256xf32, #tpu.memory_space<vmem>> -> memref<1x25x8x256xf32, #tpu.memory_space<vmem>>
    %dma_start3A_1093 = tpu.memref_squeeze %dma_start3A_1092 : memref<1x25x8x256xf32, #tpu.memory_space<vmem>> -> memref<25x8x256xf32, #tpu.memory_space<vmem>>
    %dma_start3A_1094 = arith.constant 50 : i32
    %dma_start3A_1095 = arith.constant 0 : i32
    %dma_start3A_1096 = tpu.memref_slice %arg4[%dma_start3A_1094, %add3A_1087, %dma_start3A_1095] : memref<100x4096x256xf32, #tpu.memory_space<hbm>> -> memref<25x8x256xf32, #tpu.memory_space<hbm>>
    %dma_start3A_1097 = arith.constant 50 : i32
    %dma_start3A_1098 = arith.constant 0 : i32
    %dma_start3A_1099 = tpu.memref_slice %arg4[%dma_start3A_1097, %add3A_1087, %dma_start3A_1098] : memref<100x4096x256xf32, #tpu.memory_space<hbm>> -> memref<25x8x256xf32, #tpu.memory_space<hbm>>
    %dma_start3A_1100 = arith.constant 0 : i32
    %dma_start3A_1101 = arith.constant 0 : i32
    %dma_start3A_1102 = arith.constant 0 : i32
    %dma_start3A_1103 = tpu.memref_slice %arg5[%dma_start3A_1088, %dma_start3A_1100, %dma_start3A_1101, %dma_start3A_1102] : memref<2x25x8x256xf32, #tpu.memory_space<vmem>> -> memref<1x25x8x256xf32, #tpu.memory_space<vmem>>
    %dma_start3A_1104 = tpu.memref_squeeze %dma_start3A_1103 : memref<1x25x8x256xf32, #tpu.memory_space<vmem>> -> memref<25x8x256xf32, #tpu.memory_space<vmem>>
    tpu.enqueue_dma source(%dma_start3A_1104 : memref<25x8x256xf32, #tpu.memory_space<vmem>>) target(%dma_start3A_1099 : memref<25x8x256xf32, #tpu.memory_space<hbm>>) target_semaphore(%arg8 : memref<!tpu.dma_semaphore, #tpu.memory_space<semaphore_mem>>)
    %add3A_1105 = arith.constant 104 : i32
    %add3A_1106 = arith.addi %mul3A_2, %add3A_1105 : i32
    %dma_start3A_1107 = arith.constant 0 : i32
    %dma_start3A_1108 = arith.constant 0 : i32
    %dma_start3A_1109 = arith.constant 0 : i32
    %dma_start3A_1110 = arith.constant 0 : i32
    %dma_start3A_1111 = tpu.memref_slice %arg5[%dma_start3A_1107, %dma_start3A_1108, %dma_start3A_1109, %dma_start3A_1110] : memref<2x25x8x256xf32, #tpu.memory_space<vmem>> -> memref<1x25x8x256xf32, #tpu.memory_space<vmem>>
    %dma_start3A_1112 = tpu.memref_squeeze %dma_start3A_1111 : memref<1x25x8x256xf32, #tpu.memory_space<vmem>> -> memref<25x8x256xf32, #tpu.memory_space<vmem>>
    %dma_start3A_1113 = arith.constant 50 : i32
    %dma_start3A_1114 = arith.constant 0 : i32
    %dma_start3A_1115 = tpu.memref_slice %arg4[%dma_start3A_1113, %add3A_1106, %dma_start3A_1114] : memref<100x4096x256xf32, #tpu.memory_space<hbm>> -> memref<25x8x256xf32, #tpu.memory_space<hbm>>
    %dma_start3A_1116 = arith.constant 50 : i32
    %dma_start3A_1117 = arith.constant 0 : i32
    %dma_start3A_1118 = tpu.memref_slice %arg4[%dma_start3A_1116, %add3A_1106, %dma_start3A_1117] : memref<100x4096x256xf32, #tpu.memory_space<hbm>> -> memref<25x8x256xf32, #tpu.memory_space<hbm>>
    %dma_start3A_1119 = arith.constant 0 : i32
    %dma_start3A_1120 = arith.constant 0 : i32
    %dma_start3A_1121 = arith.constant 0 : i32
    %dma_start3A_1122 = tpu.memref_slice %arg5[%dma_start3A_1107, %dma_start3A_1119, %dma_start3A_1120, %dma_start3A_1121] : memref<2x25x8x256xf32, #tpu.memory_space<vmem>> -> memref<1x25x8x256xf32, #tpu.memory_space<vmem>>
    %dma_start3A_1123 = tpu.memref_squeeze %dma_start3A_1122 : memref<1x25x8x256xf32, #tpu.memory_space<vmem>> -> memref<25x8x256xf32, #tpu.memory_space<vmem>>
    tpu.enqueue_dma source(%dma_start3A_1123 : memref<25x8x256xf32, #tpu.memory_space<vmem>>) target(%dma_start3A_1118 : memref<25x8x256xf32, #tpu.memory_space<hbm>>) target_semaphore(%arg8 : memref<!tpu.dma_semaphore, #tpu.memory_space<semaphore_mem>>)
    %add3A_1124 = arith.constant 112 : i32
    %add3A_1125 = arith.addi %mul3A_2, %add3A_1124 : i32
    %dma_start3A_1126 = arith.constant 0 : i32
    %dma_start3A_1127 = arith.constant 0 : i32
    %dma_start3A_1128 = arith.constant 0 : i32
    %dma_start3A_1129 = arith.constant 0 : i32
    %dma_start3A_1130 = tpu.memref_slice %arg5[%dma_start3A_1126, %dma_start3A_1127, %dma_start3A_1128, %dma_start3A_1129] : memref<2x25x8x256xf32, #tpu.memory_space<vmem>> -> memref<1x25x8x256xf32, #tpu.memory_space<vmem>>
    %dma_start3A_1131 = tpu.memref_squeeze %dma_start3A_1130 : memref<1x25x8x256xf32, #tpu.memory_space<vmem>> -> memref<25x8x256xf32, #tpu.memory_space<vmem>>
    %dma_start3A_1132 = arith.constant 50 : i32
    %dma_start3A_1133 = arith.constant 0 : i32
    %dma_start3A_1134 = tpu.memref_slice %arg4[%dma_start3A_1132, %add3A_1125, %dma_start3A_1133] : memref<100x4096x256xf32, #tpu.memory_space<hbm>> -> memref<25x8x256xf32, #tpu.memory_space<hbm>>
    %dma_start3A_1135 = arith.constant 50 : i32
    %dma_start3A_1136 = arith.constant 0 : i32
    %dma_start3A_1137 = tpu.memref_slice %arg4[%dma_start3A_1135, %add3A_1125, %dma_start3A_1136] : memref<100x4096x256xf32, #tpu.memory_space<hbm>> -> memref<25x8x256xf32, #tpu.memory_space<hbm>>
    %dma_start3A_1138 = arith.constant 0 : i32
    %dma_start3A_1139 = arith.constant 0 : i32
    %dma_start3A_1140 = arith.constant 0 : i32
    %dma_start3A_1141 = tpu.memref_slice %arg5[%dma_start3A_1126, %dma_start3A_1138, %dma_start3A_1139, %dma_start3A_1140] : memref<2x25x8x256xf32, #tpu.memory_space<vmem>> -> memref<1x25x8x256xf32, #tpu.memory_space<vmem>>
    %dma_start3A_1142 = tpu.memref_squeeze %dma_start3A_1141 : memref<1x25x8x256xf32, #tpu.memory_space<vmem>> -> memref<25x8x256xf32, #tpu.memory_space<vmem>>
    tpu.enqueue_dma source(%dma_start3A_1142 : memref<25x8x256xf32, #tpu.memory_space<vmem>>) target(%dma_start3A_1137 : memref<25x8x256xf32, #tpu.memory_space<hbm>>) target_semaphore(%arg8 : memref<!tpu.dma_semaphore, #tpu.memory_space<semaphore_mem>>)
    %add3A_1143 = arith.constant 120 : i32
    %add3A_1144 = arith.addi %mul3A_2, %add3A_1143 : i32
    %dma_start3A_1145 = arith.constant 0 : i32
    %dma_start3A_1146 = arith.constant 0 : i32
    %dma_start3A_1147 = arith.constant 0 : i32
    %dma_start3A_1148 = arith.constant 0 : i32
    %dma_start3A_1149 = tpu.memref_slice %arg5[%dma_start3A_1145, %dma_start3A_1146, %dma_start3A_1147, %dma_start3A_1148] : memref<2x25x8x256xf32, #tpu.memory_space<vmem>> -> memref<1x25x8x256xf32, #tpu.memory_space<vmem>>
    %dma_start3A_1150 = tpu.memref_squeeze %dma_start3A_1149 : memref<1x25x8x256xf32, #tpu.memory_space<vmem>> -> memref<25x8x256xf32, #tpu.memory_space<vmem>>
    %dma_start3A_1151 = arith.constant 50 : i32
    %dma_start3A_1152 = arith.constant 0 : i32
    %dma_start3A_1153 = tpu.memref_slice %arg4[%dma_start3A_1151, %add3A_1144, %dma_start3A_1152] : memref<100x4096x256xf32, #tpu.memory_space<hbm>> -> memref<25x8x256xf32, #tpu.memory_space<hbm>>
    %dma_start3A_1154 = arith.constant 50 : i32
    %dma_start3A_1155 = arith.constant 0 : i32
    %dma_start3A_1156 = tpu.memref_slice %arg4[%dma_start3A_1154, %add3A_1144, %dma_start3A_1155] : memref<100x4096x256xf32, #tpu.memory_space<hbm>> -> memref<25x8x256xf32, #tpu.memory_space<hbm>>
    %dma_start3A_1157 = arith.constant 0 : i32
    %dma_start3A_1158 = arith.constant 0 : i32
    %dma_start3A_1159 = arith.constant 0 : i32
    %dma_start3A_1160 = tpu.memref_slice %arg5[%dma_start3A_1145, %dma_start3A_1157, %dma_start3A_1158, %dma_start3A_1159] : memref<2x25x8x256xf32, #tpu.memory_space<vmem>> -> memref<1x25x8x256xf32, #tpu.memory_space<vmem>>
    %dma_start3A_1161 = tpu.memref_squeeze %dma_start3A_1160 : memref<1x25x8x256xf32, #tpu.memory_space<vmem>> -> memref<25x8x256xf32, #tpu.memory_space<vmem>>
    tpu.enqueue_dma source(%dma_start3A_1161 : memref<25x8x256xf32, #tpu.memory_space<vmem>>) target(%dma_start3A_1156 : memref<25x8x256xf32, #tpu.memory_space<hbm>>) target_semaphore(%arg8 : memref<!tpu.dma_semaphore, #tpu.memory_space<semaphore_mem>>)
    %dma_wait3A_1162 = arith.constant 1 : i32
    %dma_wait3A_1163 = arith.constant 0 : i32
    %dma_wait3A_1164 = arith.constant 0 : i32
    %dma_wait3A_1165 = arith.constant 0 : i32
    %dma_wait3A_1166 = tpu.memref_slice %arg5[%dma_wait3A_1162, %dma_wait3A_1163, %dma_wait3A_1164, %dma_wait3A_1165] : memref<2x25x8x256xf32, #tpu.memory_space<vmem>> -> memref<1x25x8x256xf32, #tpu.memory_space<vmem>>
    %dma_wait3A_1167 = tpu.memref_squeeze %dma_wait3A_1166 : memref<1x25x8x256xf32, #tpu.memory_space<vmem>> -> memref<25x8x256xf32, #tpu.memory_space<vmem>>
    %dma_wait3A_1168 = arith.constant 25 : i32
    %dma_wait3A_1169 = arith.constant 0 : i32
    %dma_wait3A_1170 = tpu.memref_slice %arg4[%dma_wait3A_1168, %add3A_392, %dma_wait3A_1169] : memref<100x4096x256xf32, #tpu.memory_space<hbm>> -> memref<25x8x256xf32, #tpu.memory_space<hbm>>
    %dma_wait3A_1171 = arith.constant 25 : i32
    %dma_wait3A_1172 = arith.constant 0 : i32
    %dma_wait3A_1173 = tpu.memref_slice %arg4[%dma_wait3A_1171, %add3A_392, %dma_wait3A_1172] : memref<100x4096x256xf32, #tpu.memory_space<hbm>> -> memref<25x8x256xf32, #tpu.memory_space<hbm>>
    %dma_wait3A_1174 = arith.constant 0 : i32
    %dma_wait3A_1175 = arith.constant 0 : i32
    %dma_wait3A_1176 = arith.constant 0 : i32
    %dma_wait3A_1177 = tpu.memref_slice %arg5[%dma_wait3A_1162, %dma_wait3A_1174, %dma_wait3A_1175, %dma_wait3A_1176] : memref<2x25x8x256xf32, #tpu.memory_space<vmem>> -> memref<1x25x8x256xf32, #tpu.memory_space<vmem>>
    %dma_wait3A_1178 = tpu.memref_squeeze %dma_wait3A_1177 : memref<1x25x8x256xf32, #tpu.memory_space<vmem>> -> memref<25x8x256xf32, #tpu.memory_space<vmem>>
    tpu.wait_dma2 semaphore(%arg8 : memref<!tpu.dma_semaphore, #tpu.memory_space<semaphore_mem>>) src(%dma_wait3A_1178 : memref<25x8x256xf32, #tpu.memory_space<vmem>>) dst(%dma_wait3A_1173 : memref<25x8x256xf32, #tpu.memory_space<hbm>>)
    %dma_wait3A_1179 = arith.constant 1 : i32
    %dma_wait3A_1180 = arith.constant 0 : i32
    %dma_wait3A_1181 = arith.constant 0 : i32
    %dma_wait3A_1182 = arith.constant 0 : i32
    %dma_wait3A_1183 = tpu.memref_slice %arg5[%dma_wait3A_1179, %dma_wait3A_1180, %dma_wait3A_1181, %dma_wait3A_1182] : memref<2x25x8x256xf32, #tpu.memory_space<vmem>> -> memref<1x25x8x256xf32, #tpu.memory_space<vmem>>
    %dma_wait3A_1184 = tpu.memref_squeeze %dma_wait3A_1183 : memref<1x25x8x256xf32, #tpu.memory_space<vmem>> -> memref<25x8x256xf32, #tpu.memory_space<vmem>>
    %dma_wait3A_1185 = arith.constant 25 : i32
    %dma_wait3A_1186 = arith.constant 0 : i32
    %dma_wait3A_1187 = tpu.memref_slice %arg4[%dma_wait3A_1185, %add3A_411, %dma_wait3A_1186] : memref<100x4096x256xf32, #tpu.memory_space<hbm>> -> memref<25x8x256xf32, #tpu.memory_space<hbm>>
    %dma_wait3A_1188 = arith.constant 25 : i32
    %dma_wait3A_1189 = arith.constant 0 : i32
    %dma_wait3A_1190 = tpu.memref_slice %arg4[%dma_wait3A_1188, %add3A_411, %dma_wait3A_1189] : memref<100x4096x256xf32, #tpu.memory_space<hbm>> -> memref<25x8x256xf32, #tpu.memory_space<hbm>>
    %dma_wait3A_1191 = arith.constant 0 : i32
    %dma_wait3A_1192 = arith.constant 0 : i32
    %dma_wait3A_1193 = arith.constant 0 : i32
    %dma_wait3A_1194 = tpu.memref_slice %arg5[%dma_wait3A_1179, %dma_wait3A_1191, %dma_wait3A_1192, %dma_wait3A_1193] : memref<2x25x8x256xf32, #tpu.memory_space<vmem>> -> memref<1x25x8x256xf32, #tpu.memory_space<vmem>>
    %dma_wait3A_1195 = tpu.memref_squeeze %dma_wait3A_1194 : memref<1x25x8x256xf32, #tpu.memory_space<vmem>> -> memref<25x8x256xf32, #tpu.memory_space<vmem>>
    tpu.wait_dma2 semaphore(%arg8 : memref<!tpu.dma_semaphore, #tpu.memory_space<semaphore_mem>>) src(%dma_wait3A_1195 : memref<25x8x256xf32, #tpu.memory_space<vmem>>) dst(%dma_wait3A_1190 : memref<25x8x256xf32, #tpu.memory_space<hbm>>)
    %dma_wait3A_1196 = arith.constant 1 : i32
    %dma_wait3A_1197 = arith.constant 0 : i32
    %dma_wait3A_1198 = arith.constant 0 : i32
    %dma_wait3A_1199 = arith.constant 0 : i32
    %dma_wait3A_1200 = tpu.memref_slice %arg5[%dma_wait3A_1196, %dma_wait3A_1197, %dma_wait3A_1198, %dma_wait3A_1199] : memref<2x25x8x256xf32, #tpu.memory_space<vmem>> -> memref<1x25x8x256xf32, #tpu.memory_space<vmem>>
    %dma_wait3A_1201 = tpu.memref_squeeze %dma_wait3A_1200 : memref<1x25x8x256xf32, #tpu.memory_space<vmem>> -> memref<25x8x256xf32, #tpu.memory_space<vmem>>
    %dma_wait3A_1202 = arith.constant 25 : i32
    %dma_wait3A_1203 = arith.constant 0 : i32
    %dma_wait3A_1204 = tpu.memref_slice %arg4[%dma_wait3A_1202, %add3A_430, %dma_wait3A_1203] : memref<100x4096x256xf32, #tpu.memory_space<hbm>> -> memref<25x8x256xf32, #tpu.memory_space<hbm>>
    %dma_wait3A_1205 = arith.constant 25 : i32
    %dma_wait3A_1206 = arith.constant 0 : i32
    %dma_wait3A_1207 = tpu.memref_slice %arg4[%dma_wait3A_1205, %add3A_430, %dma_wait3A_1206] : memref<100x4096x256xf32, #tpu.memory_space<hbm>> -> memref<25x8x256xf32, #tpu.memory_space<hbm>>
    %dma_wait3A_1208 = arith.constant 0 : i32
    %dma_wait3A_1209 = arith.constant 0 : i32
    %dma_wait3A_1210 = arith.constant 0 : i32
    %dma_wait3A_1211 = tpu.memref_slice %arg5[%dma_wait3A_1196, %dma_wait3A_1208, %dma_wait3A_1209, %dma_wait3A_1210] : memref<2x25x8x256xf32, #tpu.memory_space<vmem>> -> memref<1x25x8x256xf32, #tpu.memory_space<vmem>>
    %dma_wait3A_1212 = tpu.memref_squeeze %dma_wait3A_1211 : memref<1x25x8x256xf32, #tpu.memory_space<vmem>> -> memref<25x8x256xf32, #tpu.memory_space<vmem>>
    tpu.wait_dma2 semaphore(%arg8 : memref<!tpu.dma_semaphore, #tpu.memory_space<semaphore_mem>>) src(%dma_wait3A_1212 : memref<25x8x256xf32, #tpu.memory_space<vmem>>) dst(%dma_wait3A_1207 : memref<25x8x256xf32, #tpu.memory_space<hbm>>)
    %dma_wait3A_1213 = arith.constant 1 : i32
    %dma_wait3A_1214 = arith.constant 0 : i32
    %dma_wait3A_1215 = arith.constant 0 : i32
    %dma_wait3A_1216 = arith.constant 0 : i32
    %dma_wait3A_1217 = tpu.memref_slice %arg5[%dma_wait3A_1213, %dma_wait3A_1214, %dma_wait3A_1215, %dma_wait3A_1216] : memref<2x25x8x256xf32, #tpu.memory_space<vmem>> -> memref<1x25x8x256xf32, #tpu.memory_space<vmem>>
    %dma_wait3A_1218 = tpu.memref_squeeze %dma_wait3A_1217 : memref<1x25x8x256xf32, #tpu.memory_space<vmem>> -> memref<25x8x256xf32, #tpu.memory_space<vmem>>
    %dma_wait3A_1219 = arith.constant 25 : i32
    %dma_wait3A_1220 = arith.constant 0 : i32
    %dma_wait3A_1221 = tpu.memref_slice %arg4[%dma_wait3A_1219, %add3A_449, %dma_wait3A_1220] : memref<100x4096x256xf32, #tpu.memory_space<hbm>> -> memref<25x8x256xf32, #tpu.memory_space<hbm>>
    %dma_wait3A_1222 = arith.constant 25 : i32
    %dma_wait3A_1223 = arith.constant 0 : i32
    %dma_wait3A_1224 = tpu.memref_slice %arg4[%dma_wait3A_1222, %add3A_449, %dma_wait3A_1223] : memref<100x4096x256xf32, #tpu.memory_space<hbm>> -> memref<25x8x256xf32, #tpu.memory_space<hbm>>
    %dma_wait3A_1225 = arith.constant 0 : i32
    %dma_wait3A_1226 = arith.constant 0 : i32
    %dma_wait3A_1227 = arith.constant 0 : i32
    %dma_wait3A_1228 = tpu.memref_slice %arg5[%dma_wait3A_1213, %dma_wait3A_1225, %dma_wait3A_1226, %dma_wait3A_1227] : memref<2x25x8x256xf32, #tpu.memory_space<vmem>> -> memref<1x25x8x256xf32, #tpu.memory_space<vmem>>
    %dma_wait3A_1229 = tpu.memref_squeeze %dma_wait3A_1228 : memref<1x25x8x256xf32, #tpu.memory_space<vmem>> -> memref<25x8x256xf32, #tpu.memory_space<vmem>>
    tpu.wait_dma2 semaphore(%arg8 : memref<!tpu.dma_semaphore, #tpu.memory_space<semaphore_mem>>) src(%dma_wait3A_1229 : memref<25x8x256xf32, #tpu.memory_space<vmem>>) dst(%dma_wait3A_1224 : memref<25x8x256xf32, #tpu.memory_space<hbm>>)
    %dma_wait3A_1230 = arith.constant 1 : i32
    %dma_wait3A_1231 = arith.constant 0 : i32
    %dma_wait3A_1232 = arith.constant 0 : i32
    %dma_wait3A_1233 = arith.constant 0 : i32
    %dma_wait3A_1234 = tpu.memref_slice %arg5[%dma_wait3A_1230, %dma_wait3A_1231, %dma_wait3A_1232, %dma_wait3A_1233] : memref<2x25x8x256xf32, #tpu.memory_space<vmem>> -> memref<1x25x8x256xf32, #tpu.memory_space<vmem>>
    %dma_wait3A_1235 = tpu.memref_squeeze %dma_wait3A_1234 : memref<1x25x8x256xf32, #tpu.memory_space<vmem>> -> memref<25x8x256xf32, #tpu.memory_space<vmem>>
    %dma_wait3A_1236 = arith.constant 25 : i32
    %dma_wait3A_1237 = arith.constant 0 : i32
    %dma_wait3A_1238 = tpu.memref_slice %arg4[%dma_wait3A_1236, %add3A_468, %dma_wait3A_1237] : memref<100x4096x256xf32, #tpu.memory_space<hbm>> -> memref<25x8x256xf32, #tpu.memory_space<hbm>>
    %dma_wait3A_1239 = arith.constant 25 : i32
    %dma_wait3A_1240 = arith.constant 0 : i32
    %dma_wait3A_1241 = tpu.memref_slice %arg4[%dma_wait3A_1239, %add3A_468, %dma_wait3A_1240] : memref<100x4096x256xf32, #tpu.memory_space<hbm>> -> memref<25x8x256xf32, #tpu.memory_space<hbm>>
    %dma_wait3A_1242 = arith.constant 0 : i32
    %dma_wait3A_1243 = arith.constant 0 : i32
    %dma_wait3A_1244 = arith.constant 0 : i32
    %dma_wait3A_1245 = tpu.memref_slice %arg5[%dma_wait3A_1230, %dma_wait3A_1242, %dma_wait3A_1243, %dma_wait3A_1244] : memref<2x25x8x256xf32, #tpu.memory_space<vmem>> -> memref<1x25x8x256xf32, #tpu.memory_space<vmem>>
    %dma_wait3A_1246 = tpu.memref_squeeze %dma_wait3A_1245 : memref<1x25x8x256xf32, #tpu.memory_space<vmem>> -> memref<25x8x256xf32, #tpu.memory_space<vmem>>
    tpu.wait_dma2 semaphore(%arg8 : memref<!tpu.dma_semaphore, #tpu.memory_space<semaphore_mem>>) src(%dma_wait3A_1246 : memref<25x8x256xf32, #tpu.memory_space<vmem>>) dst(%dma_wait3A_1241 : memref<25x8x256xf32, #tpu.memory_space<hbm>>)
    %dma_wait3A_1247 = arith.constant 1 : i32
    %dma_wait3A_1248 = arith.constant 0 : i32
    %dma_wait3A_1249 = arith.constant 0 : i32
    %dma_wait3A_1250 = arith.constant 0 : i32
    %dma_wait3A_1251 = tpu.memref_slice %arg5[%dma_wait3A_1247, %dma_wait3A_1248, %dma_wait3A_1249, %dma_wait3A_1250] : memref<2x25x8x256xf32, #tpu.memory_space<vmem>> -> memref<1x25x8x256xf32, #tpu.memory_space<vmem>>
    %dma_wait3A_1252 = tpu.memref_squeeze %dma_wait3A_1251 : memref<1x25x8x256xf32, #tpu.memory_space<vmem>> -> memref<25x8x256xf32, #tpu.memory_space<vmem>>
    %dma_wait3A_1253 = arith.constant 25 : i32
    %dma_wait3A_1254 = arith.constant 0 : i32
    %dma_wait3A_1255 = tpu.memref_slice %arg4[%dma_wait3A_1253, %add3A_487, %dma_wait3A_1254] : memref<100x4096x256xf32, #tpu.memory_space<hbm>> -> memref<25x8x256xf32, #tpu.memory_space<hbm>>
    %dma_wait3A_1256 = arith.constant 25 : i32
    %dma_wait3A_1257 = arith.constant 0 : i32
    %dma_wait3A_1258 = tpu.memref_slice %arg4[%dma_wait3A_1256, %add3A_487, %dma_wait3A_1257] : memref<100x4096x256xf32, #tpu.memory_space<hbm>> -> memref<25x8x256xf32, #tpu.memory_space<hbm>>
    %dma_wait3A_1259 = arith.constant 0 : i32
    %dma_wait3A_1260 = arith.constant 0 : i32
    %dma_wait3A_1261 = arith.constant 0 : i32
    %dma_wait3A_1262 = tpu.memref_slice %arg5[%dma_wait3A_1247, %dma_wait3A_1259, %dma_wait3A_1260, %dma_wait3A_1261] : memref<2x25x8x256xf32, #tpu.memory_space<vmem>> -> memref<1x25x8x256xf32, #tpu.memory_space<vmem>>
    %dma_wait3A_1263 = tpu.memref_squeeze %dma_wait3A_1262 : memref<1x25x8x256xf32, #tpu.memory_space<vmem>> -> memref<25x8x256xf32, #tpu.memory_space<vmem>>
    tpu.wait_dma2 semaphore(%arg8 : memref<!tpu.dma_semaphore, #tpu.memory_space<semaphore_mem>>) src(%dma_wait3A_1263 : memref<25x8x256xf32, #tpu.memory_space<vmem>>) dst(%dma_wait3A_1258 : memref<25x8x256xf32, #tpu.memory_space<hbm>>)
    %dma_wait3A_1264 = arith.constant 1 : i32
    %dma_wait3A_1265 = arith.constant 0 : i32
    %dma_wait3A_1266 = arith.constant 0 : i32
    %dma_wait3A_1267 = arith.constant 0 : i32
    %dma_wait3A_1268 = tpu.memref_slice %arg5[%dma_wait3A_1264, %dma_wait3A_1265, %dma_wait3A_1266, %dma_wait3A_1267] : memref<2x25x8x256xf32, #tpu.memory_space<vmem>> -> memref<1x25x8x256xf32, #tpu.memory_space<vmem>>
    %dma_wait3A_1269 = tpu.memref_squeeze %dma_wait3A_1268 : memref<1x25x8x256xf32, #tpu.memory_space<vmem>> -> memref<25x8x256xf32, #tpu.memory_space<vmem>>
    %dma_wait3A_1270 = arith.constant 25 : i32
    %dma_wait3A_1271 = arith.constant 0 : i32
    %dma_wait3A_1272 = tpu.memref_slice %arg4[%dma_wait3A_1270, %add3A_506, %dma_wait3A_1271] : memref<100x4096x256xf32, #tpu.memory_space<hbm>> -> memref<25x8x256xf32, #tpu.memory_space<hbm>>
    %dma_wait3A_1273 = arith.constant 25 : i32
    %dma_wait3A_1274 = arith.constant 0 : i32
    %dma_wait3A_1275 = tpu.memref_slice %arg4[%dma_wait3A_1273, %add3A_506, %dma_wait3A_1274] : memref<100x4096x256xf32, #tpu.memory_space<hbm>> -> memref<25x8x256xf32, #tpu.memory_space<hbm>>
    %dma_wait3A_1276 = arith.constant 0 : i32
    %dma_wait3A_1277 = arith.constant 0 : i32
    %dma_wait3A_1278 = arith.constant 0 : i32
    %dma_wait3A_1279 = tpu.memref_slice %arg5[%dma_wait3A_1264, %dma_wait3A_1276, %dma_wait3A_1277, %dma_wait3A_1278] : memref<2x25x8x256xf32, #tpu.memory_space<vmem>> -> memref<1x25x8x256xf32, #tpu.memory_space<vmem>>
    %dma_wait3A_1280 = tpu.memref_squeeze %dma_wait3A_1279 : memref<1x25x8x256xf32, #tpu.memory_space<vmem>> -> memref<25x8x256xf32, #tpu.memory_space<vmem>>
    tpu.wait_dma2 semaphore(%arg8 : memref<!tpu.dma_semaphore, #tpu.memory_space<semaphore_mem>>) src(%dma_wait3A_1280 : memref<25x8x256xf32, #tpu.memory_space<vmem>>) dst(%dma_wait3A_1275 : memref<25x8x256xf32, #tpu.memory_space<hbm>>)
    %dma_wait3A_1281 = arith.constant 1 : i32
    %dma_wait3A_1282 = arith.constant 0 : i32
    %dma_wait3A_1283 = arith.constant 0 : i32
    %dma_wait3A_1284 = arith.constant 0 : i32
    %dma_wait3A_1285 = tpu.memref_slice %arg5[%dma_wait3A_1281, %dma_wait3A_1282, %dma_wait3A_1283, %dma_wait3A_1284] : memref<2x25x8x256xf32, #tpu.memory_space<vmem>> -> memref<1x25x8x256xf32, #tpu.memory_space<vmem>>
    %dma_wait3A_1286 = tpu.memref_squeeze %dma_wait3A_1285 : memref<1x25x8x256xf32, #tpu.memory_space<vmem>> -> memref<25x8x256xf32, #tpu.memory_space<vmem>>
    %dma_wait3A_1287 = arith.constant 25 : i32
    %dma_wait3A_1288 = arith.constant 0 : i32
    %dma_wait3A_1289 = tpu.memref_slice %arg4[%dma_wait3A_1287, %add3A_525, %dma_wait3A_1288] : memref<100x4096x256xf32, #tpu.memory_space<hbm>> -> memref<25x8x256xf32, #tpu.memory_space<hbm>>
    %dma_wait3A_1290 = arith.constant 25 : i32
    %dma_wait3A_1291 = arith.constant 0 : i32
    %dma_wait3A_1292 = tpu.memref_slice %arg4[%dma_wait3A_1290, %add3A_525, %dma_wait3A_1291] : memref<100x4096x256xf32, #tpu.memory_space<hbm>> -> memref<25x8x256xf32, #tpu.memory_space<hbm>>
    %dma_wait3A_1293 = arith.constant 0 : i32
    %dma_wait3A_1294 = arith.constant 0 : i32
    %dma_wait3A_1295 = arith.constant 0 : i32
    %dma_wait3A_1296 = tpu.memref_slice %arg5[%dma_wait3A_1281, %dma_wait3A_1293, %dma_wait3A_1294, %dma_wait3A_1295] : memref<2x25x8x256xf32, #tpu.memory_space<vmem>> -> memref<1x25x8x256xf32, #tpu.memory_space<vmem>>
    %dma_wait3A_1297 = tpu.memref_squeeze %dma_wait3A_1296 : memref<1x25x8x256xf32, #tpu.memory_space<vmem>> -> memref<25x8x256xf32, #tpu.memory_space<vmem>>
    tpu.wait_dma2 semaphore(%arg8 : memref<!tpu.dma_semaphore, #tpu.memory_space<semaphore_mem>>) src(%dma_wait3A_1297 : memref<25x8x256xf32, #tpu.memory_space<vmem>>) dst(%dma_wait3A_1292 : memref<25x8x256xf32, #tpu.memory_space<hbm>>)
    %dma_wait3A_1298 = arith.constant 1 : i32
    %dma_wait3A_1299 = arith.constant 0 : i32
    %dma_wait3A_1300 = arith.constant 0 : i32
    %dma_wait3A_1301 = arith.constant 0 : i32
    %dma_wait3A_1302 = tpu.memref_slice %arg5[%dma_wait3A_1298, %dma_wait3A_1299, %dma_wait3A_1300, %dma_wait3A_1301] : memref<2x25x8x256xf32, #tpu.memory_space<vmem>> -> memref<1x25x8x256xf32, #tpu.memory_space<vmem>>
    %dma_wait3A_1303 = tpu.memref_squeeze %dma_wait3A_1302 : memref<1x25x8x256xf32, #tpu.memory_space<vmem>> -> memref<25x8x256xf32, #tpu.memory_space<vmem>>
    %dma_wait3A_1304 = arith.constant 25 : i32
    %dma_wait3A_1305 = arith.constant 0 : i32
    %dma_wait3A_1306 = tpu.memref_slice %arg4[%dma_wait3A_1304, %add3A_544, %dma_wait3A_1305] : memref<100x4096x256xf32, #tpu.memory_space<hbm>> -> memref<25x8x256xf32, #tpu.memory_space<hbm>>
    %dma_wait3A_1307 = arith.constant 25 : i32
    %dma_wait3A_1308 = arith.constant 0 : i32
    %dma_wait3A_1309 = tpu.memref_slice %arg4[%dma_wait3A_1307, %add3A_544, %dma_wait3A_1308] : memref<100x4096x256xf32, #tpu.memory_space<hbm>> -> memref<25x8x256xf32, #tpu.memory_space<hbm>>
    %dma_wait3A_1310 = arith.constant 0 : i32
    %dma_wait3A_1311 = arith.constant 0 : i32
    %dma_wait3A_1312 = arith.constant 0 : i32
    %dma_wait3A_1313 = tpu.memref_slice %arg5[%dma_wait3A_1298, %dma_wait3A_1310, %dma_wait3A_1311, %dma_wait3A_1312] : memref<2x25x8x256xf32, #tpu.memory_space<vmem>> -> memref<1x25x8x256xf32, #tpu.memory_space<vmem>>
    %dma_wait3A_1314 = tpu.memref_squeeze %dma_wait3A_1313 : memref<1x25x8x256xf32, #tpu.memory_space<vmem>> -> memref<25x8x256xf32, #tpu.memory_space<vmem>>
    tpu.wait_dma2 semaphore(%arg8 : memref<!tpu.dma_semaphore, #tpu.memory_space<semaphore_mem>>) src(%dma_wait3A_1314 : memref<25x8x256xf32, #tpu.memory_space<vmem>>) dst(%dma_wait3A_1309 : memref<25x8x256xf32, #tpu.memory_space<hbm>>)
    %dma_wait3A_1315 = arith.constant 1 : i32
    %dma_wait3A_1316 = arith.constant 0 : i32
    %dma_wait3A_1317 = arith.constant 0 : i32
    %dma_wait3A_1318 = arith.constant 0 : i32
    %dma_wait3A_1319 = tpu.memref_slice %arg5[%dma_wait3A_1315, %dma_wait3A_1316, %dma_wait3A_1317, %dma_wait3A_1318] : memref<2x25x8x256xf32, #tpu.memory_space<vmem>> -> memref<1x25x8x256xf32, #tpu.memory_space<vmem>>
    %dma_wait3A_1320 = tpu.memref_squeeze %dma_wait3A_1319 : memref<1x25x8x256xf32, #tpu.memory_space<vmem>> -> memref<25x8x256xf32, #tpu.memory_space<vmem>>
    %dma_wait3A_1321 = arith.constant 25 : i32
    %dma_wait3A_1322 = arith.constant 0 : i32
    %dma_wait3A_1323 = tpu.memref_slice %arg4[%dma_wait3A_1321, %add3A_563, %dma_wait3A_1322] : memref<100x4096x256xf32, #tpu.memory_space<hbm>> -> memref<25x8x256xf32, #tpu.memory_space<hbm>>
    %dma_wait3A_1324 = arith.constant 25 : i32
    %dma_wait3A_1325 = arith.constant 0 : i32
    %dma_wait3A_1326 = tpu.memref_slice %arg4[%dma_wait3A_1324, %add3A_563, %dma_wait3A_1325] : memref<100x4096x256xf32, #tpu.memory_space<hbm>> -> memref<25x8x256xf32, #tpu.memory_space<hbm>>
    %dma_wait3A_1327 = arith.constant 0 : i32
    %dma_wait3A_1328 = arith.constant 0 : i32
    %dma_wait3A_1329 = arith.constant 0 : i32
    %dma_wait3A_1330 = tpu.memref_slice %arg5[%dma_wait3A_1315, %dma_wait3A_1327, %dma_wait3A_1328, %dma_wait3A_1329] : memref<2x25x8x256xf32, #tpu.memory_space<vmem>> -> memref<1x25x8x256xf32, #tpu.memory_space<vmem>>
    %dma_wait3A_1331 = tpu.memref_squeeze %dma_wait3A_1330 : memref<1x25x8x256xf32, #tpu.memory_space<vmem>> -> memref<25x8x256xf32, #tpu.memory_space<vmem>>
    tpu.wait_dma2 semaphore(%arg8 : memref<!tpu.dma_semaphore, #tpu.memory_space<semaphore_mem>>) src(%dma_wait3A_1331 : memref<25x8x256xf32, #tpu.memory_space<vmem>>) dst(%dma_wait3A_1326 : memref<25x8x256xf32, #tpu.memory_space<hbm>>)
    %dma_wait3A_1332 = arith.constant 1 : i32
    %dma_wait3A_1333 = arith.constant 0 : i32
    %dma_wait3A_1334 = arith.constant 0 : i32
    %dma_wait3A_1335 = arith.constant 0 : i32
    %dma_wait3A_1336 = tpu.memref_slice %arg5[%dma_wait3A_1332, %dma_wait3A_1333, %dma_wait3A_1334, %dma_wait3A_1335] : memref<2x25x8x256xf32, #tpu.memory_space<vmem>> -> memref<1x25x8x256xf32, #tpu.memory_space<vmem>>
    %dma_wait3A_1337 = tpu.memref_squeeze %dma_wait3A_1336 : memref<1x25x8x256xf32, #tpu.memory_space<vmem>> -> memref<25x8x256xf32, #tpu.memory_space<vmem>>
    %dma_wait3A_1338 = arith.constant 25 : i32
    %dma_wait3A_1339 = arith.constant 0 : i32
    %dma_wait3A_1340 = tpu.memref_slice %arg4[%dma_wait3A_1338, %add3A_582, %dma_wait3A_1339] : memref<100x4096x256xf32, #tpu.memory_space<hbm>> -> memref<25x8x256xf32, #tpu.memory_space<hbm>>
    %dma_wait3A_1341 = arith.constant 25 : i32
    %dma_wait3A_1342 = arith.constant 0 : i32
    %dma_wait3A_1343 = tpu.memref_slice %arg4[%dma_wait3A_1341, %add3A_582, %dma_wait3A_1342] : memref<100x4096x256xf32, #tpu.memory_space<hbm>> -> memref<25x8x256xf32, #tpu.memory_space<hbm>>
    %dma_wait3A_1344 = arith.constant 0 : i32
    %dma_wait3A_1345 = arith.constant 0 : i32
    %dma_wait3A_1346 = arith.constant 0 : i32
    %dma_wait3A_1347 = tpu.memref_slice %arg5[%dma_wait3A_1332, %dma_wait3A_1344, %dma_wait3A_1345, %dma_wait3A_1346] : memref<2x25x8x256xf32, #tpu.memory_space<vmem>> -> memref<1x25x8x256xf32, #tpu.memory_space<vmem>>
    %dma_wait3A_1348 = tpu.memref_squeeze %dma_wait3A_1347 : memref<1x25x8x256xf32, #tpu.memory_space<vmem>> -> memref<25x8x256xf32, #tpu.memory_space<vmem>>
    tpu.wait_dma2 semaphore(%arg8 : memref<!tpu.dma_semaphore, #tpu.memory_space<semaphore_mem>>) src(%dma_wait3A_1348 : memref<25x8x256xf32, #tpu.memory_space<vmem>>) dst(%dma_wait3A_1343 : memref<25x8x256xf32, #tpu.memory_space<hbm>>)
    %dma_start3A_1349 = arith.constant 3 : i32
    %dma_start3A_1350 = arith.constant 1 : i32
    %dma_start3A_1351 = arith.constant 0 : i32
    %dma_start3A_1352 = arith.constant 0 : i32
    %dma_start3A_1353 = arith.constant 0 : i32
    %dma_start3A_1354 = tpu.memref_slice %arg5[%dma_start3A_1350, %dma_start3A_1351, %dma_start3A_1352, %dma_start3A_1353] : memref<2x25x8x256xf32, #tpu.memory_space<vmem>> -> memref<1x25x8x256xf32, #tpu.memory_space<vmem>>
    %dma_start3A_1355 = tpu.memref_squeeze %dma_start3A_1354 : memref<1x25x8x256xf32, #tpu.memory_space<vmem>> -> memref<25x8x256xf32, #tpu.memory_space<vmem>>
    %dma_start3A_1356 = arith.constant 0 : i32
    %dma_start3A_1357 = arith.constant 0 : i32
    %dma_start3A_1358 = arith.constant 0 : i32
    %dma_start3A_1359 = tpu.memref_slice %arg2[%dma_start3A_1349, %dma_start3A_1356, %dma_start3A_1357, %dma_start3A_1358] : memref<4x25x8x256xf32, #tpu.memory_space<hbm>> -> memref<1x25x8x256xf32, #tpu.memory_space<hbm>>
    %dma_start3A_1360 = tpu.memref_squeeze %dma_start3A_1359 : memref<1x25x8x256xf32, #tpu.memory_space<hbm>> -> memref<25x8x256xf32, #tpu.memory_space<hbm>>
    %dma_start3A_1361 = arith.constant 0 : i32
    %dma_start3A_1362 = arith.constant 0 : i32
    %dma_start3A_1363 = arith.constant 0 : i32
    %dma_start3A_1364 = tpu.memref_slice %arg5[%dma_start3A_1350, %dma_start3A_1361, %dma_start3A_1362, %dma_start3A_1363] : memref<2x25x8x256xf32, #tpu.memory_space<vmem>> -> memref<1x25x8x256xf32, #tpu.memory_space<vmem>>
    %dma_start3A_1365 = tpu.memref_squeeze %dma_start3A_1364 : memref<1x25x8x256xf32, #tpu.memory_space<vmem>> -> memref<25x8x256xf32, #tpu.memory_space<vmem>>
    %dma_start3A_1366 = arith.constant 0 : i32
    %dma_start3A_1367 = arith.constant 0 : i32
    %dma_start3A_1368 = arith.constant 0 : i32
    %dma_start3A_1369 = tpu.memref_slice %arg2[%dma_start3A_1349, %dma_start3A_1366, %dma_start3A_1367, %dma_start3A_1368] : memref<4x25x8x256xf32, #tpu.memory_space<hbm>> -> memref<1x25x8x256xf32, #tpu.memory_space<hbm>>
    %dma_start3A_1370 = tpu.memref_squeeze %dma_start3A_1369 : memref<1x25x8x256xf32, #tpu.memory_space<hbm>> -> memref<25x8x256xf32, #tpu.memory_space<hbm>>
    tpu.enqueue_dma source(%dma_start3A_1370 : memref<25x8x256xf32, #tpu.memory_space<hbm>>) target(%dma_start3A_1365 : memref<25x8x256xf32, #tpu.memory_space<vmem>>) target_semaphore(%arg7 : memref<!tpu.dma_semaphore, #tpu.memory_space<semaphore_mem>>)
    %dma_wait3A_1371 = arith.constant 3 : i32
    %dma_wait3A_1372 = arith.constant 1 : i32
    %dma_wait3A_1373 = arith.constant 0 : i32
    %dma_wait3A_1374 = arith.constant 0 : i32
    %dma_wait3A_1375 = arith.constant 0 : i32
    %dma_wait3A_1376 = tpu.memref_slice %arg5[%dma_wait3A_1372, %dma_wait3A_1373, %dma_wait3A_1374, %dma_wait3A_1375] : memref<2x25x8x256xf32, #tpu.memory_space<vmem>> -> memref<1x25x8x256xf32, #tpu.memory_space<vmem>>
    %dma_wait3A_1377 = tpu.memref_squeeze %dma_wait3A_1376 : memref<1x25x8x256xf32, #tpu.memory_space<vmem>> -> memref<25x8x256xf32, #tpu.memory_space<vmem>>
    %dma_wait3A_1378 = arith.constant 0 : i32
    %dma_wait3A_1379 = arith.constant 0 : i32
    %dma_wait3A_1380 = arith.constant 0 : i32
    %dma_wait3A_1381 = tpu.memref_slice %arg2[%dma_wait3A_1371, %dma_wait3A_1378, %dma_wait3A_1379, %dma_wait3A_1380] : memref<4x25x8x256xf32, #tpu.memory_space<hbm>> -> memref<1x25x8x256xf32, #tpu.memory_space<hbm>>
    %dma_wait3A_1382 = tpu.memref_squeeze %dma_wait3A_1381 : memref<1x25x8x256xf32, #tpu.memory_space<hbm>> -> memref<25x8x256xf32, #tpu.memory_space<hbm>>
    %dma_wait3A_1383 = arith.constant 0 : i32
    %dma_wait3A_1384 = arith.constant 0 : i32
    %dma_wait3A_1385 = arith.constant 0 : i32
    %dma_wait3A_1386 = tpu.memref_slice %arg5[%dma_wait3A_1372, %dma_wait3A_1383, %dma_wait3A_1384, %dma_wait3A_1385] : memref<2x25x8x256xf32, #tpu.memory_space<vmem>> -> memref<1x25x8x256xf32, #tpu.memory_space<vmem>>
    %dma_wait3A_1387 = tpu.memref_squeeze %dma_wait3A_1386 : memref<1x25x8x256xf32, #tpu.memory_space<vmem>> -> memref<25x8x256xf32, #tpu.memory_space<vmem>>
    %dma_wait3A_1388 = arith.constant 0 : i32
    %dma_wait3A_1389 = arith.constant 0 : i32
    %dma_wait3A_1390 = arith.constant 0 : i32
    %dma_wait3A_1391 = tpu.memref_slice %arg2[%dma_wait3A_1371, %dma_wait3A_1388, %dma_wait3A_1389, %dma_wait3A_1390] : memref<4x25x8x256xf32, #tpu.memory_space<hbm>> -> memref<1x25x8x256xf32, #tpu.memory_space<hbm>>
    %dma_wait3A_1392 = tpu.memref_squeeze %dma_wait3A_1391 : memref<1x25x8x256xf32, #tpu.memory_space<hbm>> -> memref<25x8x256xf32, #tpu.memory_space<hbm>>
    tpu.wait_dma2 semaphore(%arg7 : memref<!tpu.dma_semaphore, #tpu.memory_space<semaphore_mem>>) src(%dma_wait3A_1392 : memref<25x8x256xf32, #tpu.memory_space<hbm>>) dst(%dma_wait3A_1387 : memref<25x8x256xf32, #tpu.memory_space<vmem>>)
    %add3A_1393 = arith.constant 0 : i32
    %add3A_1394 = arith.addi %mul3A_2, %add3A_1393 : i32
    %dma_start3A_1395 = arith.constant 75 : i32
    %dma_start3A_1396 = arith.constant 0 : i32
    %dma_start3A_1397 = tpu.memref_slice %arg4[%dma_start3A_1395, %add3A_1394, %dma_start3A_1396] : memref<100x4096x256xf32, #tpu.memory_space<hbm>> -> memref<25x8x256xf32, #tpu.memory_space<hbm>>
    %dma_start3A_1398 = arith.constant 25 : i32
    %dma_start3A_1399 = arith.constant 0 : i32
    %dma_start3A_1400 = arith.constant 0 : i32
    %dma_start3A_1401 = tpu.memref_slice %arg6[%dma_start3A_1398, %dma_start3A_1399, %dma_start3A_1400] : memref<50x8x256xf32, #tpu.memory_space<vmem_shared>> -> memref<25x8x256xf32, #tpu.memory_space<vmem_shared>>
    tpu.enqueue_dma source(%dma_start3A_1401 : memref<25x8x256xf32, #tpu.memory_space<vmem_shared>>) target(%dma_start3A_1397 : memref<25x8x256xf32, #tpu.memory_space<hbm>>) target_semaphore(%arg9 : memref<!tpu.dma_semaphore, #tpu.memory_space<semaphore_mem>>)
    %add3A_1402 = arith.constant 8 : i32
    %add3A_1403 = arith.addi %mul3A_2, %add3A_1402 : i32
    %dma_start3A_1404 = arith.constant 75 : i32
    %dma_start3A_1405 = arith.constant 0 : i32
    %dma_start3A_1406 = tpu.memref_slice %arg4[%dma_start3A_1404, %add3A_1403, %dma_start3A_1405] : memref<100x4096x256xf32, #tpu.memory_space<hbm>> -> memref<25x8x256xf32, #tpu.memory_space<hbm>>
    %dma_start3A_1407 = arith.constant 25 : i32
    %dma_start3A_1408 = arith.constant 0 : i32
    %dma_start3A_1409 = arith.constant 0 : i32
    %dma_start3A_1410 = tpu.memref_slice %arg6[%dma_start3A_1407, %dma_start3A_1408, %dma_start3A_1409] : memref<50x8x256xf32, #tpu.memory_space<vmem_shared>> -> memref<25x8x256xf32, #tpu.memory_space<vmem_shared>>
    tpu.enqueue_dma source(%dma_start3A_1410 : memref<25x8x256xf32, #tpu.memory_space<vmem_shared>>) target(%dma_start3A_1406 : memref<25x8x256xf32, #tpu.memory_space<hbm>>) target_semaphore(%arg9 : memref<!tpu.dma_semaphore, #tpu.memory_space<semaphore_mem>>)
    %add3A_1411 = arith.constant 16 : i32
    %add3A_1412 = arith.addi %mul3A_2, %add3A_1411 : i32
    %dma_start3A_1413 = arith.constant 75 : i32
    %dma_start3A_1414 = arith.constant 0 : i32
    %dma_start3A_1415 = tpu.memref_slice %arg4[%dma_start3A_1413, %add3A_1412, %dma_start3A_1414] : memref<100x4096x256xf32, #tpu.memory_space<hbm>> -> memref<25x8x256xf32, #tpu.memory_space<hbm>>
    %dma_start3A_1416 = arith.constant 25 : i32
    %dma_start3A_1417 = arith.constant 0 : i32
    %dma_start3A_1418 = arith.constant 0 : i32
    %dma_start3A_1419 = tpu.memref_slice %arg6[%dma_start3A_1416, %dma_start3A_1417, %dma_start3A_1418] : memref<50x8x256xf32, #tpu.memory_space<vmem_shared>> -> memref<25x8x256xf32, #tpu.memory_space<vmem_shared>>
    tpu.enqueue_dma source(%dma_start3A_1419 : memref<25x8x256xf32, #tpu.memory_space<vmem_shared>>) target(%dma_start3A_1415 : memref<25x8x256xf32, #tpu.memory_space<hbm>>) target_semaphore(%arg9 : memref<!tpu.dma_semaphore, #tpu.memory_space<semaphore_mem>>)
    %add3A_1420 = arith.constant 24 : i32
    %add3A_1421 = arith.addi %mul3A_2, %add3A_1420 : i32
    %dma_start3A_1422 = arith.constant 75 : i32
    %dma_start3A_1423 = arith.constant 0 : i32
    %dma_start3A_1424 = tpu.memref_slice %arg4[%dma_start3A_1422, %add3A_1421, %dma_start3A_1423] : memref<100x4096x256xf32, #tpu.memory_space<hbm>> -> memref<25x8x256xf32, #tpu.memory_space<hbm>>
    %dma_start3A_1425 = arith.constant 25 : i32
    %dma_start3A_1426 = arith.constant 0 : i32
    %dma_start3A_1427 = arith.constant 0 : i32
    %dma_start3A_1428 = tpu.memref_slice %arg6[%dma_start3A_1425, %dma_start3A_1426, %dma_start3A_1427] : memref<50x8x256xf32, #tpu.memory_space<vmem_shared>> -> memref<25x8x256xf32, #tpu.memory_space<vmem_shared>>
    tpu.enqueue_dma source(%dma_start3A_1428 : memref<25x8x256xf32, #tpu.memory_space<vmem_shared>>) target(%dma_start3A_1424 : memref<25x8x256xf32, #tpu.memory_space<hbm>>) target_semaphore(%arg9 : memref<!tpu.dma_semaphore, #tpu.memory_space<semaphore_mem>>)
    %add3A_1429 = arith.constant 32 : i32
    %add3A_1430 = arith.addi %mul3A_2, %add3A_1429 : i32
    %dma_start3A_1431 = arith.constant 75 : i32
    %dma_start3A_1432 = arith.constant 0 : i32
    %dma_start3A_1433 = tpu.memref_slice %arg4[%dma_start3A_1431, %add3A_1430, %dma_start3A_1432] : memref<100x4096x256xf32, #tpu.memory_space<hbm>> -> memref<25x8x256xf32, #tpu.memory_space<hbm>>
    %dma_start3A_1434 = arith.constant 25 : i32
    %dma_start3A_1435 = arith.constant 0 : i32
    %dma_start3A_1436 = arith.constant 0 : i32
    %dma_start3A_1437 = tpu.memref_slice %arg6[%dma_start3A_1434, %dma_start3A_1435, %dma_start3A_1436] : memref<50x8x256xf32, #tpu.memory_space<vmem_shared>> -> memref<25x8x256xf32, #tpu.memory_space<vmem_shared>>
    tpu.enqueue_dma source(%dma_start3A_1437 : memref<25x8x256xf32, #tpu.memory_space<vmem_shared>>) target(%dma_start3A_1433 : memref<25x8x256xf32, #tpu.memory_space<hbm>>) target_semaphore(%arg9 : memref<!tpu.dma_semaphore, #tpu.memory_space<semaphore_mem>>)
    %add3A_1438 = arith.constant 40 : i32
    %add3A_1439 = arith.addi %mul3A_2, %add3A_1438 : i32
    %dma_start3A_1440 = arith.constant 1 : i32
    %dma_start3A_1441 = arith.constant 0 : i32
    %dma_start3A_1442 = arith.constant 0 : i32
    %dma_start3A_1443 = arith.constant 0 : i32
    %dma_start3A_1444 = tpu.memref_slice %arg5[%dma_start3A_1440, %dma_start3A_1441, %dma_start3A_1442, %dma_start3A_1443] : memref<2x25x8x256xf32, #tpu.memory_space<vmem>> -> memref<1x25x8x256xf32, #tpu.memory_space<vmem>>
    %dma_start3A_1445 = tpu.memref_squeeze %dma_start3A_1444 : memref<1x25x8x256xf32, #tpu.memory_space<vmem>> -> memref<25x8x256xf32, #tpu.memory_space<vmem>>
    %dma_start3A_1446 = arith.constant 75 : i32
    %dma_start3A_1447 = arith.constant 0 : i32
    %dma_start3A_1448 = tpu.memref_slice %arg4[%dma_start3A_1446, %add3A_1439, %dma_start3A_1447] : memref<100x4096x256xf32, #tpu.memory_space<hbm>> -> memref<25x8x256xf32, #tpu.memory_space<hbm>>
    %dma_start3A_1449 = arith.constant 75 : i32
    %dma_start3A_1450 = arith.constant 0 : i32
    %dma_start3A_1451 = tpu.memref_slice %arg4[%dma_start3A_1449, %add3A_1439, %dma_start3A_1450] : memref<100x4096x256xf32, #tpu.memory_space<hbm>> -> memref<25x8x256xf32, #tpu.memory_space<hbm>>
    %dma_start3A_1452 = arith.constant 0 : i32
    %dma_start3A_1453 = arith.constant 0 : i32
    %dma_start3A_1454 = arith.constant 0 : i32
    %dma_start3A_1455 = tpu.memref_slice %arg5[%dma_start3A_1440, %dma_start3A_1452, %dma_start3A_1453, %dma_start3A_1454] : memref<2x25x8x256xf32, #tpu.memory_space<vmem>> -> memref<1x25x8x256xf32, #tpu.memory_space<vmem>>
    %dma_start3A_1456 = tpu.memref_squeeze %dma_start3A_1455 : memref<1x25x8x256xf32, #tpu.memory_space<vmem>> -> memref<25x8x256xf32, #tpu.memory_space<vmem>>
    tpu.enqueue_dma source(%dma_start3A_1456 : memref<25x8x256xf32, #tpu.memory_space<vmem>>) target(%dma_start3A_1451 : memref<25x8x256xf32, #tpu.memory_space<hbm>>) target_semaphore(%arg8 : memref<!tpu.dma_semaphore, #tpu.memory_space<semaphore_mem>>)
    %add3A_1457 = arith.constant 48 : i32
    %add3A_1458 = arith.addi %mul3A_2, %add3A_1457 : i32
    %dma_start3A_1459 = arith.constant 1 : i32
    %dma_start3A_1460 = arith.constant 0 : i32
    %dma_start3A_1461 = arith.constant 0 : i32
    %dma_start3A_1462 = arith.constant 0 : i32
    %dma_start3A_1463 = tpu.memref_slice %arg5[%dma_start3A_1459, %dma_start3A_1460, %dma_start3A_1461, %dma_start3A_1462] : memref<2x25x8x256xf32, #tpu.memory_space<vmem>> -> memref<1x25x8x256xf32, #tpu.memory_space<vmem>>
    %dma_start3A_1464 = tpu.memref_squeeze %dma_start3A_1463 : memref<1x25x8x256xf32, #tpu.memory_space<vmem>> -> memref<25x8x256xf32, #tpu.memory_space<vmem>>
    %dma_start3A_1465 = arith.constant 75 : i32
    %dma_start3A_1466 = arith.constant 0 : i32
    %dma_start3A_1467 = tpu.memref_slice %arg4[%dma_start3A_1465, %add3A_1458, %dma_start3A_1466] : memref<100x4096x256xf32, #tpu.memory_space<hbm>> -> memref<25x8x256xf32, #tpu.memory_space<hbm>>
    %dma_start3A_1468 = arith.constant 75 : i32
    %dma_start3A_1469 = arith.constant 0 : i32
    %dma_start3A_1470 = tpu.memref_slice %arg4[%dma_start3A_1468, %add3A_1458, %dma_start3A_1469] : memref<100x4096x256xf32, #tpu.memory_space<hbm>> -> memref<25x8x256xf32, #tpu.memory_space<hbm>>
    %dma_start3A_1471 = arith.constant 0 : i32
    %dma_start3A_1472 = arith.constant 0 : i32
    %dma_start3A_1473 = arith.constant 0 : i32
    %dma_start3A_1474 = tpu.memref_slice %arg5[%dma_start3A_1459, %dma_start3A_1471, %dma_start3A_1472, %dma_start3A_1473] : memref<2x25x8x256xf32, #tpu.memory_space<vmem>> -> memref<1x25x8x256xf32, #tpu.memory_space<vmem>>
    %dma_start3A_1475 = tpu.memref_squeeze %dma_start3A_1474 : memref<1x25x8x256xf32, #tpu.memory_space<vmem>> -> memref<25x8x256xf32, #tpu.memory_space<vmem>>
    tpu.enqueue_dma source(%dma_start3A_1475 : memref<25x8x256xf32, #tpu.memory_space<vmem>>) target(%dma_start3A_1470 : memref<25x8x256xf32, #tpu.memory_space<hbm>>) target_semaphore(%arg8 : memref<!tpu.dma_semaphore, #tpu.memory_space<semaphore_mem>>)
    %add3A_1476 = arith.constant 56 : i32
    %add3A_1477 = arith.addi %mul3A_2, %add3A_1476 : i32
    %dma_start3A_1478 = arith.constant 1 : i32
    %dma_start3A_1479 = arith.constant 0 : i32
    %dma_start3A_1480 = arith.constant 0 : i32
    %dma_start3A_1481 = arith.constant 0 : i32
    %dma_start3A_1482 = tpu.memref_slice %arg5[%dma_start3A_1478, %dma_start3A_1479, %dma_start3A_1480, %dma_start3A_1481] : memref<2x25x8x256xf32, #tpu.memory_space<vmem>> -> memref<1x25x8x256xf32, #tpu.memory_space<vmem>>
    %dma_start3A_1483 = tpu.memref_squeeze %dma_start3A_1482 : memref<1x25x8x256xf32, #tpu.memory_space<vmem>> -> memref<25x8x256xf32, #tpu.memory_space<vmem>>
    %dma_start3A_1484 = arith.constant 75 : i32
    %dma_start3A_1485 = arith.constant 0 : i32
    %dma_start3A_1486 = tpu.memref_slice %arg4[%dma_start3A_1484, %add3A_1477, %dma_start3A_1485] : memref<100x4096x256xf32, #tpu.memory_space<hbm>> -> memref<25x8x256xf32, #tpu.memory_space<hbm>>
    %dma_start3A_1487 = arith.constant 75 : i32
    %dma_start3A_1488 = arith.constant 0 : i32
    %dma_start3A_1489 = tpu.memref_slice %arg4[%dma_start3A_1487, %add3A_1477, %dma_start3A_1488] : memref<100x4096x256xf32, #tpu.memory_space<hbm>> -> memref<25x8x256xf32, #tpu.memory_space<hbm>>
    %dma_start3A_1490 = arith.constant 0 : i32
    %dma_start3A_1491 = arith.constant 0 : i32
    %dma_start3A_1492 = arith.constant 0 : i32
    %dma_start3A_1493 = tpu.memref_slice %arg5[%dma_start3A_1478, %dma_start3A_1490, %dma_start3A_1491, %dma_start3A_1492] : memref<2x25x8x256xf32, #tpu.memory_space<vmem>> -> memref<1x25x8x256xf32, #tpu.memory_space<vmem>>
    %dma_start3A_1494 = tpu.memref_squeeze %dma_start3A_1493 : memref<1x25x8x256xf32, #tpu.memory_space<vmem>> -> memref<25x8x256xf32, #tpu.memory_space<vmem>>
    tpu.enqueue_dma source(%dma_start3A_1494 : memref<25x8x256xf32, #tpu.memory_space<vmem>>) target(%dma_start3A_1489 : memref<25x8x256xf32, #tpu.memory_space<hbm>>) target_semaphore(%arg8 : memref<!tpu.dma_semaphore, #tpu.memory_space<semaphore_mem>>)
    %add3A_1495 = arith.constant 64 : i32
    %add3A_1496 = arith.addi %mul3A_2, %add3A_1495 : i32
    %dma_start3A_1497 = arith.constant 1 : i32
    %dma_start3A_1498 = arith.constant 0 : i32
    %dma_start3A_1499 = arith.constant 0 : i32
    %dma_start3A_1500 = arith.constant 0 : i32
    %dma_start3A_1501 = tpu.memref_slice %arg5[%dma_start3A_1497, %dma_start3A_1498, %dma_start3A_1499, %dma_start3A_1500] : memref<2x25x8x256xf32, #tpu.memory_space<vmem>> -> memref<1x25x8x256xf32, #tpu.memory_space<vmem>>
    %dma_start3A_1502 = tpu.memref_squeeze %dma_start3A_1501 : memref<1x25x8x256xf32, #tpu.memory_space<vmem>> -> memref<25x8x256xf32, #tpu.memory_space<vmem>>
    %dma_start3A_1503 = arith.constant 75 : i32
    %dma_start3A_1504 = arith.constant 0 : i32
    %dma_start3A_1505 = tpu.memref_slice %arg4[%dma_start3A_1503, %add3A_1496, %dma_start3A_1504] : memref<100x4096x256xf32, #tpu.memory_space<hbm>> -> memref<25x8x256xf32, #tpu.memory_space<hbm>>
    %dma_start3A_1506 = arith.constant 75 : i32
    %dma_start3A_1507 = arith.constant 0 : i32
    %dma_start3A_1508 = tpu.memref_slice %arg4[%dma_start3A_1506, %add3A_1496, %dma_start3A_1507] : memref<100x4096x256xf32, #tpu.memory_space<hbm>> -> memref<25x8x256xf32, #tpu.memory_space<hbm>>
    %dma_start3A_1509 = arith.constant 0 : i32
    %dma_start3A_1510 = arith.constant 0 : i32
    %dma_start3A_1511 = arith.constant 0 : i32
    %dma_start3A_1512 = tpu.memref_slice %arg5[%dma_start3A_1497, %dma_start3A_1509, %dma_start3A_1510, %dma_start3A_1511] : memref<2x25x8x256xf32, #tpu.memory_space<vmem>> -> memref<1x25x8x256xf32, #tpu.memory_space<vmem>>
    %dma_start3A_1513 = tpu.memref_squeeze %dma_start3A_1512 : memref<1x25x8x256xf32, #tpu.memory_space<vmem>> -> memref<25x8x256xf32, #tpu.memory_space<vmem>>
    tpu.enqueue_dma source(%dma_start3A_1513 : memref<25x8x256xf32, #tpu.memory_space<vmem>>) target(%dma_start3A_1508 : memref<25x8x256xf32, #tpu.memory_space<hbm>>) target_semaphore(%arg8 : memref<!tpu.dma_semaphore, #tpu.memory_space<semaphore_mem>>)
    %add3A_1514 = arith.constant 72 : i32
    %add3A_1515 = arith.addi %mul3A_2, %add3A_1514 : i32
    %dma_start3A_1516 = arith.constant 1 : i32
    %dma_start3A_1517 = arith.constant 0 : i32
    %dma_start3A_1518 = arith.constant 0 : i32
    %dma_start3A_1519 = arith.constant 0 : i32
    %dma_start3A_1520 = tpu.memref_slice %arg5[%dma_start3A_1516, %dma_start3A_1517, %dma_start3A_1518, %dma_start3A_1519] : memref<2x25x8x256xf32, #tpu.memory_space<vmem>> -> memref<1x25x8x256xf32, #tpu.memory_space<vmem>>
    %dma_start3A_1521 = tpu.memref_squeeze %dma_start3A_1520 : memref<1x25x8x256xf32, #tpu.memory_space<vmem>> -> memref<25x8x256xf32, #tpu.memory_space<vmem>>
    %dma_start3A_1522 = arith.constant 75 : i32
    %dma_start3A_1523 = arith.constant 0 : i32
    %dma_start3A_1524 = tpu.memref_slice %arg4[%dma_start3A_1522, %add3A_1515, %dma_start3A_1523] : memref<100x4096x256xf32, #tpu.memory_space<hbm>> -> memref<25x8x256xf32, #tpu.memory_space<hbm>>
    %dma_start3A_1525 = arith.constant 75 : i32
    %dma_start3A_1526 = arith.constant 0 : i32
    %dma_start3A_1527 = tpu.memref_slice %arg4[%dma_start3A_1525, %add3A_1515, %dma_start3A_1526] : memref<100x4096x256xf32, #tpu.memory_space<hbm>> -> memref<25x8x256xf32, #tpu.memory_space<hbm>>
    %dma_start3A_1528 = arith.constant 0 : i32
    %dma_start3A_1529 = arith.constant 0 : i32
    %dma_start3A_1530 = arith.constant 0 : i32
    %dma_start3A_1531 = tpu.memref_slice %arg5[%dma_start3A_1516, %dma_start3A_1528, %dma_start3A_1529, %dma_start3A_1530] : memref<2x25x8x256xf32, #tpu.memory_space<vmem>> -> memref<1x25x8x256xf32, #tpu.memory_space<vmem>>
    %dma_start3A_1532 = tpu.memref_squeeze %dma_start3A_1531 : memref<1x25x8x256xf32, #tpu.memory_space<vmem>> -> memref<25x8x256xf32, #tpu.memory_space<vmem>>
    tpu.enqueue_dma source(%dma_start3A_1532 : memref<25x8x256xf32, #tpu.memory_space<vmem>>) target(%dma_start3A_1527 : memref<25x8x256xf32, #tpu.memory_space<hbm>>) target_semaphore(%arg8 : memref<!tpu.dma_semaphore, #tpu.memory_space<semaphore_mem>>)
    %add3A_1533 = arith.constant 80 : i32
    %add3A_1534 = arith.addi %mul3A_2, %add3A_1533 : i32
    %dma_start3A_1535 = arith.constant 1 : i32
    %dma_start3A_1536 = arith.constant 0 : i32
    %dma_start3A_1537 = arith.constant 0 : i32
    %dma_start3A_1538 = arith.constant 0 : i32
    %dma_start3A_1539 = tpu.memref_slice %arg5[%dma_start3A_1535, %dma_start3A_1536, %dma_start3A_1537, %dma_start3A_1538] : memref<2x25x8x256xf32, #tpu.memory_space<vmem>> -> memref<1x25x8x256xf32, #tpu.memory_space<vmem>>
    %dma_start3A_1540 = tpu.memref_squeeze %dma_start3A_1539 : memref<1x25x8x256xf32, #tpu.memory_space<vmem>> -> memref<25x8x256xf32, #tpu.memory_space<vmem>>
    %dma_start3A_1541 = arith.constant 75 : i32
    %dma_start3A_1542 = arith.constant 0 : i32
    %dma_start3A_1543 = tpu.memref_slice %arg4[%dma_start3A_1541, %add3A_1534, %dma_start3A_1542] : memref<100x4096x256xf32, #tpu.memory_space<hbm>> -> memref<25x8x256xf32, #tpu.memory_space<hbm>>
    %dma_start3A_1544 = arith.constant 75 : i32
    %dma_start3A_1545 = arith.constant 0 : i32
    %dma_start3A_1546 = tpu.memref_slice %arg4[%dma_start3A_1544, %add3A_1534, %dma_start3A_1545] : memref<100x4096x256xf32, #tpu.memory_space<hbm>> -> memref<25x8x256xf32, #tpu.memory_space<hbm>>
    %dma_start3A_1547 = arith.constant 0 : i32
    %dma_start3A_1548 = arith.constant 0 : i32
    %dma_start3A_1549 = arith.constant 0 : i32
    %dma_start3A_1550 = tpu.memref_slice %arg5[%dma_start3A_1535, %dma_start3A_1547, %dma_start3A_1548, %dma_start3A_1549] : memref<2x25x8x256xf32, #tpu.memory_space<vmem>> -> memref<1x25x8x256xf32, #tpu.memory_space<vmem>>
    %dma_start3A_1551 = tpu.memref_squeeze %dma_start3A_1550 : memref<1x25x8x256xf32, #tpu.memory_space<vmem>> -> memref<25x8x256xf32, #tpu.memory_space<vmem>>
    tpu.enqueue_dma source(%dma_start3A_1551 : memref<25x8x256xf32, #tpu.memory_space<vmem>>) target(%dma_start3A_1546 : memref<25x8x256xf32, #tpu.memory_space<hbm>>) target_semaphore(%arg8 : memref<!tpu.dma_semaphore, #tpu.memory_space<semaphore_mem>>)
    %add3A_1552 = arith.constant 88 : i32
    %add3A_1553 = arith.addi %mul3A_2, %add3A_1552 : i32
    %dma_start3A_1554 = arith.constant 1 : i32
    %dma_start3A_1555 = arith.constant 0 : i32
    %dma_start3A_1556 = arith.constant 0 : i32
    %dma_start3A_1557 = arith.constant 0 : i32
    %dma_start3A_1558 = tpu.memref_slice %arg5[%dma_start3A_1554, %dma_start3A_1555, %dma_start3A_1556, %dma_start3A_1557] : memref<2x25x8x256xf32, #tpu.memory_space<vmem>> -> memref<1x25x8x256xf32, #tpu.memory_space<vmem>>
    %dma_start3A_1559 = tpu.memref_squeeze %dma_start3A_1558 : memref<1x25x8x256xf32, #tpu.memory_space<vmem>> -> memref<25x8x256xf32, #tpu.memory_space<vmem>>
    %dma_start3A_1560 = arith.constant 75 : i32
    %dma_start3A_1561 = arith.constant 0 : i32
    %dma_start3A_1562 = tpu.memref_slice %arg4[%dma_start3A_1560, %add3A_1553, %dma_start3A_1561] : memref<100x4096x256xf32, #tpu.memory_space<hbm>> -> memref<25x8x256xf32, #tpu.memory_space<hbm>>
    %dma_start3A_1563 = arith.constant 75 : i32
    %dma_start3A_1564 = arith.constant 0 : i32
    %dma_start3A_1565 = tpu.memref_slice %arg4[%dma_start3A_1563, %add3A_1553, %dma_start3A_1564] : memref<100x4096x256xf32, #tpu.memory_space<hbm>> -> memref<25x8x256xf32, #tpu.memory_space<hbm>>
    %dma_start3A_1566 = arith.constant 0 : i32
    %dma_start3A_1567 = arith.constant 0 : i32
    %dma_start3A_1568 = arith.constant 0 : i32
    %dma_start3A_1569 = tpu.memref_slice %arg5[%dma_start3A_1554, %dma_start3A_1566, %dma_start3A_1567, %dma_start3A_1568] : memref<2x25x8x256xf32, #tpu.memory_space<vmem>> -> memref<1x25x8x256xf32, #tpu.memory_space<vmem>>
    %dma_start3A_1570 = tpu.memref_squeeze %dma_start3A_1569 : memref<1x25x8x256xf32, #tpu.memory_space<vmem>> -> memref<25x8x256xf32, #tpu.memory_space<vmem>>
    tpu.enqueue_dma source(%dma_start3A_1570 : memref<25x8x256xf32, #tpu.memory_space<vmem>>) target(%dma_start3A_1565 : memref<25x8x256xf32, #tpu.memory_space<hbm>>) target_semaphore(%arg8 : memref<!tpu.dma_semaphore, #tpu.memory_space<semaphore_mem>>)
    %add3A_1571 = arith.constant 96 : i32
    %add3A_1572 = arith.addi %mul3A_2, %add3A_1571 : i32
    %dma_start3A_1573 = arith.constant 1 : i32
    %dma_start3A_1574 = arith.constant 0 : i32
    %dma_start3A_1575 = arith.constant 0 : i32
    %dma_start3A_1576 = arith.constant 0 : i32
    %dma_start3A_1577 = tpu.memref_slice %arg5[%dma_start3A_1573, %dma_start3A_1574, %dma_start3A_1575, %dma_start3A_1576] : memref<2x25x8x256xf32, #tpu.memory_space<vmem>> -> memref<1x25x8x256xf32, #tpu.memory_space<vmem>>
    %dma_start3A_1578 = tpu.memref_squeeze %dma_start3A_1577 : memref<1x25x8x256xf32, #tpu.memory_space<vmem>> -> memref<25x8x256xf32, #tpu.memory_space<vmem>>
    %dma_start3A_1579 = arith.constant 75 : i32
    %dma_start3A_1580 = arith.constant 0 : i32
    %dma_start3A_1581 = tpu.memref_slice %arg4[%dma_start3A_1579, %add3A_1572, %dma_start3A_1580] : memref<100x4096x256xf32, #tpu.memory_space<hbm>> -> memref<25x8x256xf32, #tpu.memory_space<hbm>>
    %dma_start3A_1582 = arith.constant 75 : i32
    %dma_start3A_1583 = arith.constant 0 : i32
    %dma_start3A_1584 = tpu.memref_slice %arg4[%dma_start3A_1582, %add3A_1572, %dma_start3A_1583] : memref<100x4096x256xf32, #tpu.memory_space<hbm>> -> memref<25x8x256xf32, #tpu.memory_space<hbm>>
    %dma_start3A_1585 = arith.constant 0 : i32
    %dma_start3A_1586 = arith.constant 0 : i32
    %dma_start3A_1587 = arith.constant 0 : i32
    %dma_start3A_1588 = tpu.memref_slice %arg5[%dma_start3A_1573, %dma_start3A_1585, %dma_start3A_1586, %dma_start3A_1587] : memref<2x25x8x256xf32, #tpu.memory_space<vmem>> -> memref<1x25x8x256xf32, #tpu.memory_space<vmem>>
    %dma_start3A_1589 = tpu.memref_squeeze %dma_start3A_1588 : memref<1x25x8x256xf32, #tpu.memory_space<vmem>> -> memref<25x8x256xf32, #tpu.memory_space<vmem>>
    tpu.enqueue_dma source(%dma_start3A_1589 : memref<25x8x256xf32, #tpu.memory_space<vmem>>) target(%dma_start3A_1584 : memref<25x8x256xf32, #tpu.memory_space<hbm>>) target_semaphore(%arg8 : memref<!tpu.dma_semaphore, #tpu.memory_space<semaphore_mem>>)
    %add3A_1590 = arith.constant 104 : i32
    %add3A_1591 = arith.addi %mul3A_2, %add3A_1590 : i32
    %dma_start3A_1592 = arith.constant 1 : i32
    %dma_start3A_1593 = arith.constant 0 : i32
    %dma_start3A_1594 = arith.constant 0 : i32
    %dma_start3A_1595 = arith.constant 0 : i32
    %dma_start3A_1596 = tpu.memref_slice %arg5[%dma_start3A_1592, %dma_start3A_1593, %dma_start3A_1594, %dma_start3A_1595] : memref<2x25x8x256xf32, #tpu.memory_space<vmem>> -> memref<1x25x8x256xf32, #tpu.memory_space<vmem>>
    %dma_start3A_1597 = tpu.memref_squeeze %dma_start3A_1596 : memref<1x25x8x256xf32, #tpu.memory_space<vmem>> -> memref<25x8x256xf32, #tpu.memory_space<vmem>>
    %dma_start3A_1598 = arith.constant 75 : i32
    %dma_start3A_1599 = arith.constant 0 : i32
    %dma_start3A_1600 = tpu.memref_slice %arg4[%dma_start3A_1598, %add3A_1591, %dma_start3A_1599] : memref<100x4096x256xf32, #tpu.memory_space<hbm>> -> memref<25x8x256xf32, #tpu.memory_space<hbm>>
    %dma_start3A_1601 = arith.constant 75 : i32
    %dma_start3A_1602 = arith.constant 0 : i32
    %dma_start3A_1603 = tpu.memref_slice %arg4[%dma_start3A_1601, %add3A_1591, %dma_start3A_1602] : memref<100x4096x256xf32, #tpu.memory_space<hbm>> -> memref<25x8x256xf32, #tpu.memory_space<hbm>>
    %dma_start3A_1604 = arith.constant 0 : i32
    %dma_start3A_1605 = arith.constant 0 : i32
    %dma_start3A_1606 = arith.constant 0 : i32
    %dma_start3A_1607 = tpu.memref_slice %arg5[%dma_start3A_1592, %dma_start3A_1604, %dma_start3A_1605, %dma_start3A_1606] : memref<2x25x8x256xf32, #tpu.memory_space<vmem>> -> memref<1x25x8x256xf32, #tpu.memory_space<vmem>>
    %dma_start3A_1608 = tpu.memref_squeeze %dma_start3A_1607 : memref<1x25x8x256xf32, #tpu.memory_space<vmem>> -> memref<25x8x256xf32, #tpu.memory_space<vmem>>
    tpu.enqueue_dma source(%dma_start3A_1608 : memref<25x8x256xf32, #tpu.memory_space<vmem>>) target(%dma_start3A_1603 : memref<25x8x256xf32, #tpu.memory_space<hbm>>) target_semaphore(%arg8 : memref<!tpu.dma_semaphore, #tpu.memory_space<semaphore_mem>>)
    %add3A_1609 = arith.constant 112 : i32
    %add3A_1610 = arith.addi %mul3A_2, %add3A_1609 : i32
    %dma_start3A_1611 = arith.constant 1 : i32
    %dma_start3A_1612 = arith.constant 0 : i32
    %dma_start3A_1613 = arith.constant 0 : i32
    %dma_start3A_1614 = arith.constant 0 : i32
    %dma_start3A_1615 = tpu.memref_slice %arg5[%dma_start3A_1611, %dma_start3A_1612, %dma_start3A_1613, %dma_start3A_1614] : memref<2x25x8x256xf32, #tpu.memory_space<vmem>> -> memref<1x25x8x256xf32, #tpu.memory_space<vmem>>
    %dma_start3A_1616 = tpu.memref_squeeze %dma_start3A_1615 : memref<1x25x8x256xf32, #tpu.memory_space<vmem>> -> memref<25x8x256xf32, #tpu.memory_space<vmem>>
    %dma_start3A_1617 = arith.constant 75 : i32
    %dma_start3A_1618 = arith.constant 0 : i32
    %dma_start3A_1619 = tpu.memref_slice %arg4[%dma_start3A_1617, %add3A_1610, %dma_start3A_1618] : memref<100x4096x256xf32, #tpu.memory_space<hbm>> -> memref<25x8x256xf32, #tpu.memory_space<hbm>>
    %dma_start3A_1620 = arith.constant 75 : i32
    %dma_start3A_1621 = arith.constant 0 : i32
    %dma_start3A_1622 = tpu.memref_slice %arg4[%dma_start3A_1620, %add3A_1610, %dma_start3A_1621] : memref<100x4096x256xf32, #tpu.memory_space<hbm>> -> memref<25x8x256xf32, #tpu.memory_space<hbm>>
    %dma_start3A_1623 = arith.constant 0 : i32
    %dma_start3A_1624 = arith.constant 0 : i32
    %dma_start3A_1625 = arith.constant 0 : i32
    %dma_start3A_1626 = tpu.memref_slice %arg5[%dma_start3A_1611, %dma_start3A_1623, %dma_start3A_1624, %dma_start3A_1625] : memref<2x25x8x256xf32, #tpu.memory_space<vmem>> -> memref<1x25x8x256xf32, #tpu.memory_space<vmem>>
    %dma_start3A_1627 = tpu.memref_squeeze %dma_start3A_1626 : memref<1x25x8x256xf32, #tpu.memory_space<vmem>> -> memref<25x8x256xf32, #tpu.memory_space<vmem>>
    tpu.enqueue_dma source(%dma_start3A_1627 : memref<25x8x256xf32, #tpu.memory_space<vmem>>) target(%dma_start3A_1622 : memref<25x8x256xf32, #tpu.memory_space<hbm>>) target_semaphore(%arg8 : memref<!tpu.dma_semaphore, #tpu.memory_space<semaphore_mem>>)
    %add3A_1628 = arith.constant 120 : i32
    %add3A_1629 = arith.addi %mul3A_2, %add3A_1628 : i32
    %dma_start3A_1630 = arith.constant 1 : i32
    %dma_start3A_1631 = arith.constant 0 : i32
    %dma_start3A_1632 = arith.constant 0 : i32
    %dma_start3A_1633 = arith.constant 0 : i32
    %dma_start3A_1634 = tpu.memref_slice %arg5[%dma_start3A_1630, %dma_start3A_1631, %dma_start3A_1632, %dma_start3A_1633] : memref<2x25x8x256xf32, #tpu.memory_space<vmem>> -> memref<1x25x8x256xf32, #tpu.memory_space<vmem>>
    %dma_start3A_1635 = tpu.memref_squeeze %dma_start3A_1634 : memref<1x25x8x256xf32, #tpu.memory_space<vmem>> -> memref<25x8x256xf32, #tpu.memory_space<vmem>>
    %dma_start3A_1636 = arith.constant 75 : i32
    %dma_start3A_1637 = arith.constant 0 : i32
    %dma_start3A_1638 = tpu.memref_slice %arg4[%dma_start3A_1636, %add3A_1629, %dma_start3A_1637] : memref<100x4096x256xf32, #tpu.memory_space<hbm>> -> memref<25x8x256xf32, #tpu.memory_space<hbm>>
    %dma_start3A_1639 = arith.constant 75 : i32
    %dma_start3A_1640 = arith.constant 0 : i32
    %dma_start3A_1641 = tpu.memref_slice %arg4[%dma_start3A_1639, %add3A_1629, %dma_start3A_1640] : memref<100x4096x256xf32, #tpu.memory_space<hbm>> -> memref<25x8x256xf32, #tpu.memory_space<hbm>>
    %dma_start3A_1642 = arith.constant 0 : i32
    %dma_start3A_1643 = arith.constant 0 : i32
    %dma_start3A_1644 = arith.constant 0 : i32
    %dma_start3A_1645 = tpu.memref_slice %arg5[%dma_start3A_1630, %dma_start3A_1642, %dma_start3A_1643, %dma_start3A_1644] : memref<2x25x8x256xf32, #tpu.memory_space<vmem>> -> memref<1x25x8x256xf32, #tpu.memory_space<vmem>>
    %dma_start3A_1646 = tpu.memref_squeeze %dma_start3A_1645 : memref<1x25x8x256xf32, #tpu.memory_space<vmem>> -> memref<25x8x256xf32, #tpu.memory_space<vmem>>
    tpu.enqueue_dma source(%dma_start3A_1646 : memref<25x8x256xf32, #tpu.memory_space<vmem>>) target(%dma_start3A_1641 : memref<25x8x256xf32, #tpu.memory_space<hbm>>) target_semaphore(%arg8 : memref<!tpu.dma_semaphore, #tpu.memory_space<semaphore_mem>>)
    %dma_wait3A_1647 = arith.constant 0 : i32
    %dma_wait3A_1648 = arith.constant 0 : i32
    %dma_wait3A_1649 = arith.constant 0 : i32
    %dma_wait3A_1650 = arith.constant 0 : i32
    %dma_wait3A_1651 = tpu.memref_slice %arg5[%dma_wait3A_1647, %dma_wait3A_1648, %dma_wait3A_1649, %dma_wait3A_1650] : memref<2x25x8x256xf32, #tpu.memory_space<vmem>> -> memref<1x25x8x256xf32, #tpu.memory_space<vmem>>
    %dma_wait3A_1652 = tpu.memref_squeeze %dma_wait3A_1651 : memref<1x25x8x256xf32, #tpu.memory_space<vmem>> -> memref<25x8x256xf32, #tpu.memory_space<vmem>>
    %dma_wait3A_1653 = arith.constant 50 : i32
    %dma_wait3A_1654 = arith.constant 0 : i32
    %dma_wait3A_1655 = tpu.memref_slice %arg4[%dma_wait3A_1653, %add3A_954, %dma_wait3A_1654] : memref<100x4096x256xf32, #tpu.memory_space<hbm>> -> memref<25x8x256xf32, #tpu.memory_space<hbm>>
    %dma_wait3A_1656 = arith.constant 50 : i32
    %dma_wait3A_1657 = arith.constant 0 : i32
    %dma_wait3A_1658 = tpu.memref_slice %arg4[%dma_wait3A_1656, %add3A_954, %dma_wait3A_1657] : memref<100x4096x256xf32, #tpu.memory_space<hbm>> -> memref<25x8x256xf32, #tpu.memory_space<hbm>>
    %dma_wait3A_1659 = arith.constant 0 : i32
    %dma_wait3A_1660 = arith.constant 0 : i32
    %dma_wait3A_1661 = arith.constant 0 : i32
    %dma_wait3A_1662 = tpu.memref_slice %arg5[%dma_wait3A_1647, %dma_wait3A_1659, %dma_wait3A_1660, %dma_wait3A_1661] : memref<2x25x8x256xf32, #tpu.memory_space<vmem>> -> memref<1x25x8x256xf32, #tpu.memory_space<vmem>>
    %dma_wait3A_1663 = tpu.memref_squeeze %dma_wait3A_1662 : memref<1x25x8x256xf32, #tpu.memory_space<vmem>> -> memref<25x8x256xf32, #tpu.memory_space<vmem>>
    tpu.wait_dma2 semaphore(%arg8 : memref<!tpu.dma_semaphore, #tpu.memory_space<semaphore_mem>>) src(%dma_wait3A_1663 : memref<25x8x256xf32, #tpu.memory_space<vmem>>) dst(%dma_wait3A_1658 : memref<25x8x256xf32, #tpu.memory_space<hbm>>)
    %dma_wait3A_1664 = arith.constant 0 : i32
    %dma_wait3A_1665 = arith.constant 0 : i32
    %dma_wait3A_1666 = arith.constant 0 : i32
    %dma_wait3A_1667 = arith.constant 0 : i32
    %dma_wait3A_1668 = tpu.memref_slice %arg5[%dma_wait3A_1664, %dma_wait3A_1665, %dma_wait3A_1666, %dma_wait3A_1667] : memref<2x25x8x256xf32, #tpu.memory_space<vmem>> -> memref<1x25x8x256xf32, #tpu.memory_space<vmem>>
    %dma_wait3A_1669 = tpu.memref_squeeze %dma_wait3A_1668 : memref<1x25x8x256xf32, #tpu.memory_space<vmem>> -> memref<25x8x256xf32, #tpu.memory_space<vmem>>
    %dma_wait3A_1670 = arith.constant 50 : i32
    %dma_wait3A_1671 = arith.constant 0 : i32
    %dma_wait3A_1672 = tpu.memref_slice %arg4[%dma_wait3A_1670, %add3A_973, %dma_wait3A_1671] : memref<100x4096x256xf32, #tpu.memory_space<hbm>> -> memref<25x8x256xf32, #tpu.memory_space<hbm>>
    %dma_wait3A_1673 = arith.constant 50 : i32
    %dma_wait3A_1674 = arith.constant 0 : i32
    %dma_wait3A_1675 = tpu.memref_slice %arg4[%dma_wait3A_1673, %add3A_973, %dma_wait3A_1674] : memref<100x4096x256xf32, #tpu.memory_space<hbm>> -> memref<25x8x256xf32, #tpu.memory_space<hbm>>
    %dma_wait3A_1676 = arith.constant 0 : i32
    %dma_wait3A_1677 = arith.constant 0 : i32
    %dma_wait3A_1678 = arith.constant 0 : i32
    %dma_wait3A_1679 = tpu.memref_slice %arg5[%dma_wait3A_1664, %dma_wait3A_1676, %dma_wait3A_1677, %dma_wait3A_1678] : memref<2x25x8x256xf32, #tpu.memory_space<vmem>> -> memref<1x25x8x256xf32, #tpu.memory_space<vmem>>
    %dma_wait3A_1680 = tpu.memref_squeeze %dma_wait3A_1679 : memref<1x25x8x256xf32, #tpu.memory_space<vmem>> -> memref<25x8x256xf32, #tpu.memory_space<vmem>>
    tpu.wait_dma2 semaphore(%arg8 : memref<!tpu.dma_semaphore, #tpu.memory_space<semaphore_mem>>) src(%dma_wait3A_1680 : memref<25x8x256xf32, #tpu.memory_space<vmem>>) dst(%dma_wait3A_1675 : memref<25x8x256xf32, #tpu.memory_space<hbm>>)
    %dma_wait3A_1681 = arith.constant 0 : i32
    %dma_wait3A_1682 = arith.constant 0 : i32
    %dma_wait3A_1683 = arith.constant 0 : i32
    %dma_wait3A_1684 = arith.constant 0 : i32
    %dma_wait3A_1685 = tpu.memref_slice %arg5[%dma_wait3A_1681, %dma_wait3A_1682, %dma_wait3A_1683, %dma_wait3A_1684] : memref<2x25x8x256xf32, #tpu.memory_space<vmem>> -> memref<1x25x8x256xf32, #tpu.memory_space<vmem>>
    %dma_wait3A_1686 = tpu.memref_squeeze %dma_wait3A_1685 : memref<1x25x8x256xf32, #tpu.memory_space<vmem>> -> memref<25x8x256xf32, #tpu.memory_space<vmem>>
    %dma_wait3A_1687 = arith.constant 50 : i32
    %dma_wait3A_1688 = arith.constant 0 : i32
    %dma_wait3A_1689 = tpu.memref_slice %arg4[%dma_wait3A_1687, %add3A_992, %dma_wait3A_1688] : memref<100x4096x256xf32, #tpu.memory_space<hbm>> -> memref<25x8x256xf32, #tpu.memory_space<hbm>>
    %dma_wait3A_1690 = arith.constant 50 : i32
    %dma_wait3A_1691 = arith.constant 0 : i32
    %dma_wait3A_1692 = tpu.memref_slice %arg4[%dma_wait3A_1690, %add3A_992, %dma_wait3A_1691] : memref<100x4096x256xf32, #tpu.memory_space<hbm>> -> memref<25x8x256xf32, #tpu.memory_space<hbm>>
    %dma_wait3A_1693 = arith.constant 0 : i32
    %dma_wait3A_1694 = arith.constant 0 : i32
    %dma_wait3A_1695 = arith.constant 0 : i32
    %dma_wait3A_1696 = tpu.memref_slice %arg5[%dma_wait3A_1681, %dma_wait3A_1693, %dma_wait3A_1694, %dma_wait3A_1695] : memref<2x25x8x256xf32, #tpu.memory_space<vmem>> -> memref<1x25x8x256xf32, #tpu.memory_space<vmem>>
    %dma_wait3A_1697 = tpu.memref_squeeze %dma_wait3A_1696 : memref<1x25x8x256xf32, #tpu.memory_space<vmem>> -> memref<25x8x256xf32, #tpu.memory_space<vmem>>
    tpu.wait_dma2 semaphore(%arg8 : memref<!tpu.dma_semaphore, #tpu.memory_space<semaphore_mem>>) src(%dma_wait3A_1697 : memref<25x8x256xf32, #tpu.memory_space<vmem>>) dst(%dma_wait3A_1692 : memref<25x8x256xf32, #tpu.memory_space<hbm>>)
    %dma_wait3A_1698 = arith.constant 0 : i32
    %dma_wait3A_1699 = arith.constant 0 : i32
    %dma_wait3A_1700 = arith.constant 0 : i32
    %dma_wait3A_1701 = arith.constant 0 : i32
    %dma_wait3A_1702 = tpu.memref_slice %arg5[%dma_wait3A_1698, %dma_wait3A_1699, %dma_wait3A_1700, %dma_wait3A_1701] : memref<2x25x8x256xf32, #tpu.memory_space<vmem>> -> memref<1x25x8x256xf32, #tpu.memory_space<vmem>>
    %dma_wait3A_1703 = tpu.memref_squeeze %dma_wait3A_1702 : memref<1x25x8x256xf32, #tpu.memory_space<vmem>> -> memref<25x8x256xf32, #tpu.memory_space<vmem>>
    %dma_wait3A_1704 = arith.constant 50 : i32
    %dma_wait3A_1705 = arith.constant 0 : i32
    %dma_wait3A_1706 = tpu.memref_slice %arg4[%dma_wait3A_1704, %add3A_1011, %dma_wait3A_1705] : memref<100x4096x256xf32, #tpu.memory_space<hbm>> -> memref<25x8x256xf32, #tpu.memory_space<hbm>>
    %dma_wait3A_1707 = arith.constant 50 : i32
    %dma_wait3A_1708 = arith.constant 0 : i32
    %dma_wait3A_1709 = tpu.memref_slice %arg4[%dma_wait3A_1707, %add3A_1011, %dma_wait3A_1708] : memref<100x4096x256xf32, #tpu.memory_space<hbm>> -> memref<25x8x256xf32, #tpu.memory_space<hbm>>
    %dma_wait3A_1710 = arith.constant 0 : i32
    %dma_wait3A_1711 = arith.constant 0 : i32
    %dma_wait3A_1712 = arith.constant 0 : i32
    %dma_wait3A_1713 = tpu.memref_slice %arg5[%dma_wait3A_1698, %dma_wait3A_1710, %dma_wait3A_1711, %dma_wait3A_1712] : memref<2x25x8x256xf32, #tpu.memory_space<vmem>> -> memref<1x25x8x256xf32, #tpu.memory_space<vmem>>
    %dma_wait3A_1714 = tpu.memref_squeeze %dma_wait3A_1713 : memref<1x25x8x256xf32, #tpu.memory_space<vmem>> -> memref<25x8x256xf32, #tpu.memory_space<vmem>>
    tpu.wait_dma2 semaphore(%arg8 : memref<!tpu.dma_semaphore, #tpu.memory_space<semaphore_mem>>) src(%dma_wait3A_1714 : memref<25x8x256xf32, #tpu.memory_space<vmem>>) dst(%dma_wait3A_1709 : memref<25x8x256xf32, #tpu.memory_space<hbm>>)
    %dma_wait3A_1715 = arith.constant 0 : i32
    %dma_wait3A_1716 = arith.constant 0 : i32
    %dma_wait3A_1717 = arith.constant 0 : i32
    %dma_wait3A_1718 = arith.constant 0 : i32
    %dma_wait3A_1719 = tpu.memref_slice %arg5[%dma_wait3A_1715, %dma_wait3A_1716, %dma_wait3A_1717, %dma_wait3A_1718] : memref<2x25x8x256xf32, #tpu.memory_space<vmem>> -> memref<1x25x8x256xf32, #tpu.memory_space<vmem>>
    %dma_wait3A_1720 = tpu.memref_squeeze %dma_wait3A_1719 : memref<1x25x8x256xf32, #tpu.memory_space<vmem>> -> memref<25x8x256xf32, #tpu.memory_space<vmem>>
    %dma_wait3A_1721 = arith.constant 50 : i32
    %dma_wait3A_1722 = arith.constant 0 : i32
    %dma_wait3A_1723 = tpu.memref_slice %arg4[%dma_wait3A_1721, %add3A_1030, %dma_wait3A_1722] : memref<100x4096x256xf32, #tpu.memory_space<hbm>> -> memref<25x8x256xf32, #tpu.memory_space<hbm>>
    %dma_wait3A_1724 = arith.constant 50 : i32
    %dma_wait3A_1725 = arith.constant 0 : i32
    %dma_wait3A_1726 = tpu.memref_slice %arg4[%dma_wait3A_1724, %add3A_1030, %dma_wait3A_1725] : memref<100x4096x256xf32, #tpu.memory_space<hbm>> -> memref<25x8x256xf32, #tpu.memory_space<hbm>>
    %dma_wait3A_1727 = arith.constant 0 : i32
    %dma_wait3A_1728 = arith.constant 0 : i32
    %dma_wait3A_1729 = arith.constant 0 : i32
    %dma_wait3A_1730 = tpu.memref_slice %arg5[%dma_wait3A_1715, %dma_wait3A_1727, %dma_wait3A_1728, %dma_wait3A_1729] : memref<2x25x8x256xf32, #tpu.memory_space<vmem>> -> memref<1x25x8x256xf32, #tpu.memory_space<vmem>>
    %dma_wait3A_1731 = tpu.memref_squeeze %dma_wait3A_1730 : memref<1x25x8x256xf32, #tpu.memory_space<vmem>> -> memref<25x8x256xf32, #tpu.memory_space<vmem>>
    tpu.wait_dma2 semaphore(%arg8 : memref<!tpu.dma_semaphore, #tpu.memory_space<semaphore_mem>>) src(%dma_wait3A_1731 : memref<25x8x256xf32, #tpu.memory_space<vmem>>) dst(%dma_wait3A_1726 : memref<25x8x256xf32, #tpu.memory_space<hbm>>)
    %dma_wait3A_1732 = arith.constant 0 : i32
    %dma_wait3A_1733 = arith.constant 0 : i32
    %dma_wait3A_1734 = arith.constant 0 : i32
    %dma_wait3A_1735 = arith.constant 0 : i32
    %dma_wait3A_1736 = tpu.memref_slice %arg5[%dma_wait3A_1732, %dma_wait3A_1733, %dma_wait3A_1734, %dma_wait3A_1735] : memref<2x25x8x256xf32, #tpu.memory_space<vmem>> -> memref<1x25x8x256xf32, #tpu.memory_space<vmem>>
    %dma_wait3A_1737 = tpu.memref_squeeze %dma_wait3A_1736 : memref<1x25x8x256xf32, #tpu.memory_space<vmem>> -> memref<25x8x256xf32, #tpu.memory_space<vmem>>
    %dma_wait3A_1738 = arith.constant 50 : i32
    %dma_wait3A_1739 = arith.constant 0 : i32
    %dma_wait3A_1740 = tpu.memref_slice %arg4[%dma_wait3A_1738, %add3A_1049, %dma_wait3A_1739] : memref<100x4096x256xf32, #tpu.memory_space<hbm>> -> memref<25x8x256xf32, #tpu.memory_space<hbm>>
    %dma_wait3A_1741 = arith.constant 50 : i32
    %dma_wait3A_1742 = arith.constant 0 : i32
    %dma_wait3A_1743 = tpu.memref_slice %arg4[%dma_wait3A_1741, %add3A_1049, %dma_wait3A_1742] : memref<100x4096x256xf32, #tpu.memory_space<hbm>> -> memref<25x8x256xf32, #tpu.memory_space<hbm>>
    %dma_wait3A_1744 = arith.constant 0 : i32
    %dma_wait3A_1745 = arith.constant 0 : i32
    %dma_wait3A_1746 = arith.constant 0 : i32
    %dma_wait3A_1747 = tpu.memref_slice %arg5[%dma_wait3A_1732, %dma_wait3A_1744, %dma_wait3A_1745, %dma_wait3A_1746] : memref<2x25x8x256xf32, #tpu.memory_space<vmem>> -> memref<1x25x8x256xf32, #tpu.memory_space<vmem>>
    %dma_wait3A_1748 = tpu.memref_squeeze %dma_wait3A_1747 : memref<1x25x8x256xf32, #tpu.memory_space<vmem>> -> memref<25x8x256xf32, #tpu.memory_space<vmem>>
    tpu.wait_dma2 semaphore(%arg8 : memref<!tpu.dma_semaphore, #tpu.memory_space<semaphore_mem>>) src(%dma_wait3A_1748 : memref<25x8x256xf32, #tpu.memory_space<vmem>>) dst(%dma_wait3A_1743 : memref<25x8x256xf32, #tpu.memory_space<hbm>>)
    %dma_wait3A_1749 = arith.constant 0 : i32
    %dma_wait3A_1750 = arith.constant 0 : i32
    %dma_wait3A_1751 = arith.constant 0 : i32
    %dma_wait3A_1752 = arith.constant 0 : i32
    %dma_wait3A_1753 = tpu.memref_slice %arg5[%dma_wait3A_1749, %dma_wait3A_1750, %dma_wait3A_1751, %dma_wait3A_1752] : memref<2x25x8x256xf32, #tpu.memory_space<vmem>> -> memref<1x25x8x256xf32, #tpu.memory_space<vmem>>
    %dma_wait3A_1754 = tpu.memref_squeeze %dma_wait3A_1753 : memref<1x25x8x256xf32, #tpu.memory_space<vmem>> -> memref<25x8x256xf32, #tpu.memory_space<vmem>>
    %dma_wait3A_1755 = arith.constant 50 : i32
    %dma_wait3A_1756 = arith.constant 0 : i32
    %dma_wait3A_1757 = tpu.memref_slice %arg4[%dma_wait3A_1755, %add3A_1068, %dma_wait3A_1756] : memref<100x4096x256xf32, #tpu.memory_space<hbm>> -> memref<25x8x256xf32, #tpu.memory_space<hbm>>
    %dma_wait3A_1758 = arith.constant 50 : i32
    %dma_wait3A_1759 = arith.constant 0 : i32
    %dma_wait3A_1760 = tpu.memref_slice %arg4[%dma_wait3A_1758, %add3A_1068, %dma_wait3A_1759] : memref<100x4096x256xf32, #tpu.memory_space<hbm>> -> memref<25x8x256xf32, #tpu.memory_space<hbm>>
    %dma_wait3A_1761 = arith.constant 0 : i32
    %dma_wait3A_1762 = arith.constant 0 : i32
    %dma_wait3A_1763 = arith.constant 0 : i32
    %dma_wait3A_1764 = tpu.memref_slice %arg5[%dma_wait3A_1749, %dma_wait3A_1761, %dma_wait3A_1762, %dma_wait3A_1763] : memref<2x25x8x256xf32, #tpu.memory_space<vmem>> -> memref<1x25x8x256xf32, #tpu.memory_space<vmem>>
    %dma_wait3A_1765 = tpu.memref_squeeze %dma_wait3A_1764 : memref<1x25x8x256xf32, #tpu.memory_space<vmem>> -> memref<25x8x256xf32, #tpu.memory_space<vmem>>
    tpu.wait_dma2 semaphore(%arg8 : memref<!tpu.dma_semaphore, #tpu.memory_space<semaphore_mem>>) src(%dma_wait3A_1765 : memref<25x8x256xf32, #tpu.memory_space<vmem>>) dst(%dma_wait3A_1760 : memref<25x8x256xf32, #tpu.memory_space<hbm>>)
    %dma_wait3A_1766 = arith.constant 0 : i32
    %dma_wait3A_1767 = arith.constant 0 : i32
    %dma_wait3A_1768 = arith.constant 0 : i32
    %dma_wait3A_1769 = arith.constant 0 : i32
    %dma_wait3A_1770 = tpu.memref_slice %arg5[%dma_wait3A_1766, %dma_wait3A_1767, %dma_wait3A_1768, %dma_wait3A_1769] : memref<2x25x8x256xf32, #tpu.memory_space<vmem>> -> memref<1x25x8x256xf32, #tpu.memory_space<vmem>>
    %dma_wait3A_1771 = tpu.memref_squeeze %dma_wait3A_1770 : memref<1x25x8x256xf32, #tpu.memory_space<vmem>> -> memref<25x8x256xf32, #tpu.memory_space<vmem>>
    %dma_wait3A_1772 = arith.constant 50 : i32
    %dma_wait3A_1773 = arith.constant 0 : i32
    %dma_wait3A_1774 = tpu.memref_slice %arg4[%dma_wait3A_1772, %add3A_1087, %dma_wait3A_1773] : memref<100x4096x256xf32, #tpu.memory_space<hbm>> -> memref<25x8x256xf32, #tpu.memory_space<hbm>>
    %dma_wait3A_1775 = arith.constant 50 : i32
    %dma_wait3A_1776 = arith.constant 0 : i32
    %dma_wait3A_1777 = tpu.memref_slice %arg4[%dma_wait3A_1775, %add3A_1087, %dma_wait3A_1776] : memref<100x4096x256xf32, #tpu.memory_space<hbm>> -> memref<25x8x256xf32, #tpu.memory_space<hbm>>
    %dma_wait3A_1778 = arith.constant 0 : i32
    %dma_wait3A_1779 = arith.constant 0 : i32
    %dma_wait3A_1780 = arith.constant 0 : i32
    %dma_wait3A_1781 = tpu.memref_slice %arg5[%dma_wait3A_1766, %dma_wait3A_1778, %dma_wait3A_1779, %dma_wait3A_1780] : memref<2x25x8x256xf32, #tpu.memory_space<vmem>> -> memref<1x25x8x256xf32, #tpu.memory_space<vmem>>
    %dma_wait3A_1782 = tpu.memref_squeeze %dma_wait3A_1781 : memref<1x25x8x256xf32, #tpu.memory_space<vmem>> -> memref<25x8x256xf32, #tpu.memory_space<vmem>>
    tpu.wait_dma2 semaphore(%arg8 : memref<!tpu.dma_semaphore, #tpu.memory_space<semaphore_mem>>) src(%dma_wait3A_1782 : memref<25x8x256xf32, #tpu.memory_space<vmem>>) dst(%dma_wait3A_1777 : memref<25x8x256xf32, #tpu.memory_space<hbm>>)
    %dma_wait3A_1783 = arith.constant 0 : i32
    %dma_wait3A_1784 = arith.constant 0 : i32
    %dma_wait3A_1785 = arith.constant 0 : i32
    %dma_wait3A_1786 = arith.constant 0 : i32
    %dma_wait3A_1787 = tpu.memref_slice %arg5[%dma_wait3A_1783, %dma_wait3A_1784, %dma_wait3A_1785, %dma_wait3A_1786] : memref<2x25x8x256xf32, #tpu.memory_space<vmem>> -> memref<1x25x8x256xf32, #tpu.memory_space<vmem>>
    %dma_wait3A_1788 = tpu.memref_squeeze %dma_wait3A_1787 : memref<1x25x8x256xf32, #tpu.memory_space<vmem>> -> memref<25x8x256xf32, #tpu.memory_space<vmem>>
    %dma_wait3A_1789 = arith.constant 50 : i32
    %dma_wait3A_1790 = arith.constant 0 : i32
    %dma_wait3A_1791 = tpu.memref_slice %arg4[%dma_wait3A_1789, %add3A_1106, %dma_wait3A_1790] : memref<100x4096x256xf32, #tpu.memory_space<hbm>> -> memref<25x8x256xf32, #tpu.memory_space<hbm>>
    %dma_wait3A_1792 = arith.constant 50 : i32
    %dma_wait3A_1793 = arith.constant 0 : i32
    %dma_wait3A_1794 = tpu.memref_slice %arg4[%dma_wait3A_1792, %add3A_1106, %dma_wait3A_1793] : memref<100x4096x256xf32, #tpu.memory_space<hbm>> -> memref<25x8x256xf32, #tpu.memory_space<hbm>>
    %dma_wait3A_1795 = arith.constant 0 : i32
    %dma_wait3A_1796 = arith.constant 0 : i32
    %dma_wait3A_1797 = arith.constant 0 : i32
    %dma_wait3A_1798 = tpu.memref_slice %arg5[%dma_wait3A_1783, %dma_wait3A_1795, %dma_wait3A_1796, %dma_wait3A_1797] : memref<2x25x8x256xf32, #tpu.memory_space<vmem>> -> memref<1x25x8x256xf32, #tpu.memory_space<vmem>>
    %dma_wait3A_1799 = tpu.memref_squeeze %dma_wait3A_1798 : memref<1x25x8x256xf32, #tpu.memory_space<vmem>> -> memref<25x8x256xf32, #tpu.memory_space<vmem>>
    tpu.wait_dma2 semaphore(%arg8 : memref<!tpu.dma_semaphore, #tpu.memory_space<semaphore_mem>>) src(%dma_wait3A_1799 : memref<25x8x256xf32, #tpu.memory_space<vmem>>) dst(%dma_wait3A_1794 : memref<25x8x256xf32, #tpu.memory_space<hbm>>)
    %dma_wait3A_1800 = arith.constant 0 : i32
    %dma_wait3A_1801 = arith.constant 0 : i32
    %dma_wait3A_1802 = arith.constant 0 : i32
    %dma_wait3A_1803 = arith.constant 0 : i32
    %dma_wait3A_1804 = tpu.memref_slice %arg5[%dma_wait3A_1800, %dma_wait3A_1801, %dma_wait3A_1802, %dma_wait3A_1803] : memref<2x25x8x256xf32, #tpu.memory_space<vmem>> -> memref<1x25x8x256xf32, #tpu.memory_space<vmem>>
    %dma_wait3A_1805 = tpu.memref_squeeze %dma_wait3A_1804 : memref<1x25x8x256xf32, #tpu.memory_space<vmem>> -> memref<25x8x256xf32, #tpu.memory_space<vmem>>
    %dma_wait3A_1806 = arith.constant 50 : i32
    %dma_wait3A_1807 = arith.constant 0 : i32
    %dma_wait3A_1808 = tpu.memref_slice %arg4[%dma_wait3A_1806, %add3A_1125, %dma_wait3A_1807] : memref<100x4096x256xf32, #tpu.memory_space<hbm>> -> memref<25x8x256xf32, #tpu.memory_space<hbm>>
    %dma_wait3A_1809 = arith.constant 50 : i32
    %dma_wait3A_1810 = arith.constant 0 : i32
    %dma_wait3A_1811 = tpu.memref_slice %arg4[%dma_wait3A_1809, %add3A_1125, %dma_wait3A_1810] : memref<100x4096x256xf32, #tpu.memory_space<hbm>> -> memref<25x8x256xf32, #tpu.memory_space<hbm>>
    %dma_wait3A_1812 = arith.constant 0 : i32
    %dma_wait3A_1813 = arith.constant 0 : i32
    %dma_wait3A_1814 = arith.constant 0 : i32
    %dma_wait3A_1815 = tpu.memref_slice %arg5[%dma_wait3A_1800, %dma_wait3A_1812, %dma_wait3A_1813, %dma_wait3A_1814] : memref<2x25x8x256xf32, #tpu.memory_space<vmem>> -> memref<1x25x8x256xf32, #tpu.memory_space<vmem>>
    %dma_wait3A_1816 = tpu.memref_squeeze %dma_wait3A_1815 : memref<1x25x8x256xf32, #tpu.memory_space<vmem>> -> memref<25x8x256xf32, #tpu.memory_space<vmem>>
    tpu.wait_dma2 semaphore(%arg8 : memref<!tpu.dma_semaphore, #tpu.memory_space<semaphore_mem>>) src(%dma_wait3A_1816 : memref<25x8x256xf32, #tpu.memory_space<vmem>>) dst(%dma_wait3A_1811 : memref<25x8x256xf32, #tpu.memory_space<hbm>>)
    %dma_wait3A_1817 = arith.constant 0 : i32
    %dma_wait3A_1818 = arith.constant 0 : i32
    %dma_wait3A_1819 = arith.constant 0 : i32
    %dma_wait3A_1820 = arith.constant 0 : i32
    %dma_wait3A_1821 = tpu.memref_slice %arg5[%dma_wait3A_1817, %dma_wait3A_1818, %dma_wait3A_1819, %dma_wait3A_1820] : memref<2x25x8x256xf32, #tpu.memory_space<vmem>> -> memref<1x25x8x256xf32, #tpu.memory_space<vmem>>
    %dma_wait3A_1822 = tpu.memref_squeeze %dma_wait3A_1821 : memref<1x25x8x256xf32, #tpu.memory_space<vmem>> -> memref<25x8x256xf32, #tpu.memory_space<vmem>>
    %dma_wait3A_1823 = arith.constant 50 : i32
    %dma_wait3A_1824 = arith.constant 0 : i32
    %dma_wait3A_1825 = tpu.memref_slice %arg4[%dma_wait3A_1823, %add3A_1144, %dma_wait3A_1824] : memref<100x4096x256xf32, #tpu.memory_space<hbm>> -> memref<25x8x256xf32, #tpu.memory_space<hbm>>
    %dma_wait3A_1826 = arith.constant 50 : i32
    %dma_wait3A_1827 = arith.constant 0 : i32
    %dma_wait3A_1828 = tpu.memref_slice %arg4[%dma_wait3A_1826, %add3A_1144, %dma_wait3A_1827] : memref<100x4096x256xf32, #tpu.memory_space<hbm>> -> memref<25x8x256xf32, #tpu.memory_space<hbm>>
    %dma_wait3A_1829 = arith.constant 0 : i32
    %dma_wait3A_1830 = arith.constant 0 : i32
    %dma_wait3A_1831 = arith.constant 0 : i32
    %dma_wait3A_1832 = tpu.memref_slice %arg5[%dma_wait3A_1817, %dma_wait3A_1829, %dma_wait3A_1830, %dma_wait3A_1831] : memref<2x25x8x256xf32, #tpu.memory_space<vmem>> -> memref<1x25x8x256xf32, #tpu.memory_space<vmem>>
    %dma_wait3A_1833 = tpu.memref_squeeze %dma_wait3A_1832 : memref<1x25x8x256xf32, #tpu.memory_space<vmem>> -> memref<25x8x256xf32, #tpu.memory_space<vmem>>
    tpu.wait_dma2 semaphore(%arg8 : memref<!tpu.dma_semaphore, #tpu.memory_space<semaphore_mem>>) src(%dma_wait3A_1833 : memref<25x8x256xf32, #tpu.memory_space<vmem>>) dst(%dma_wait3A_1828 : memref<25x8x256xf32, #tpu.memory_space<hbm>>)
    %dma_wait3A_1834 = arith.constant 1 : i32
    %dma_wait3A_1835 = arith.constant 0 : i32
    %dma_wait3A_1836 = arith.constant 0 : i32
    %dma_wait3A_1837 = arith.constant 0 : i32
    %dma_wait3A_1838 = tpu.memref_slice %arg5[%dma_wait3A_1834, %dma_wait3A_1835, %dma_wait3A_1836, %dma_wait3A_1837] : memref<2x25x8x256xf32, #tpu.memory_space<vmem>> -> memref<1x25x8x256xf32, #tpu.memory_space<vmem>>
    %dma_wait3A_1839 = tpu.memref_squeeze %dma_wait3A_1838 : memref<1x25x8x256xf32, #tpu.memory_space<vmem>> -> memref<25x8x256xf32, #tpu.memory_space<vmem>>
    %dma_wait3A_1840 = arith.constant 75 : i32
    %dma_wait3A_1841 = arith.constant 0 : i32
    %dma_wait3A_1842 = tpu.memref_slice %arg4[%dma_wait3A_1840, %add3A_1439, %dma_wait3A_1841] : memref<100x4096x256xf32, #tpu.memory_space<hbm>> -> memref<25x8x256xf32, #tpu.memory_space<hbm>>
    %dma_wait3A_1843 = arith.constant 75 : i32
    %dma_wait3A_1844 = arith.constant 0 : i32
    %dma_wait3A_1845 = tpu.memref_slice %arg4[%dma_wait3A_1843, %add3A_1439, %dma_wait3A_1844] : memref<100x4096x256xf32, #tpu.memory_space<hbm>> -> memref<25x8x256xf32, #tpu.memory_space<hbm>>
    %dma_wait3A_1846 = arith.constant 0 : i32
    %dma_wait3A_1847 = arith.constant 0 : i32
    %dma_wait3A_1848 = arith.constant 0 : i32
    %dma_wait3A_1849 = tpu.memref_slice %arg5[%dma_wait3A_1834, %dma_wait3A_1846, %dma_wait3A_1847, %dma_wait3A_1848] : memref<2x25x8x256xf32, #tpu.memory_space<vmem>> -> memref<1x25x8x256xf32, #tpu.memory_space<vmem>>
    %dma_wait3A_1850 = tpu.memref_squeeze %dma_wait3A_1849 : memref<1x25x8x256xf32, #tpu.memory_space<vmem>> -> memref<25x8x256xf32, #tpu.memory_space<vmem>>
    tpu.wait_dma2 semaphore(%arg8 : memref<!tpu.dma_semaphore, #tpu.memory_space<semaphore_mem>>) src(%dma_wait3A_1850 : memref<25x8x256xf32, #tpu.memory_space<vmem>>) dst(%dma_wait3A_1845 : memref<25x8x256xf32, #tpu.memory_space<hbm>>)
    %dma_wait3A_1851 = arith.constant 1 : i32
    %dma_wait3A_1852 = arith.constant 0 : i32
    %dma_wait3A_1853 = arith.constant 0 : i32
    %dma_wait3A_1854 = arith.constant 0 : i32
    %dma_wait3A_1855 = tpu.memref_slice %arg5[%dma_wait3A_1851, %dma_wait3A_1852, %dma_wait3A_1853, %dma_wait3A_1854] : memref<2x25x8x256xf32, #tpu.memory_space<vmem>> -> memref<1x25x8x256xf32, #tpu.memory_space<vmem>>
    %dma_wait3A_1856 = tpu.memref_squeeze %dma_wait3A_1855 : memref<1x25x8x256xf32, #tpu.memory_space<vmem>> -> memref<25x8x256xf32, #tpu.memory_space<vmem>>
    %dma_wait3A_1857 = arith.constant 75 : i32
    %dma_wait3A_1858 = arith.constant 0 : i32
    %dma_wait3A_1859 = tpu.memref_slice %arg4[%dma_wait3A_1857, %add3A_1458, %dma_wait3A_1858] : memref<100x4096x256xf32, #tpu.memory_space<hbm>> -> memref<25x8x256xf32, #tpu.memory_space<hbm>>
    %dma_wait3A_1860 = arith.constant 75 : i32
    %dma_wait3A_1861 = arith.constant 0 : i32
    %dma_wait3A_1862 = tpu.memref_slice %arg4[%dma_wait3A_1860, %add3A_1458, %dma_wait3A_1861] : memref<100x4096x256xf32, #tpu.memory_space<hbm>> -> memref<25x8x256xf32, #tpu.memory_space<hbm>>
    %dma_wait3A_1863 = arith.constant 0 : i32
    %dma_wait3A_1864 = arith.constant 0 : i32
    %dma_wait3A_1865 = arith.constant 0 : i32
    %dma_wait3A_1866 = tpu.memref_slice %arg5[%dma_wait3A_1851, %dma_wait3A_1863, %dma_wait3A_1864, %dma_wait3A_1865] : memref<2x25x8x256xf32, #tpu.memory_space<vmem>> -> memref<1x25x8x256xf32, #tpu.memory_space<vmem>>
    %dma_wait3A_1867 = tpu.memref_squeeze %dma_wait3A_1866 : memref<1x25x8x256xf32, #tpu.memory_space<vmem>> -> memref<25x8x256xf32, #tpu.memory_space<vmem>>
    tpu.wait_dma2 semaphore(%arg8 : memref<!tpu.dma_semaphore, #tpu.memory_space<semaphore_mem>>) src(%dma_wait3A_1867 : memref<25x8x256xf32, #tpu.memory_space<vmem>>) dst(%dma_wait3A_1862 : memref<25x8x256xf32, #tpu.memory_space<hbm>>)
    %dma_wait3A_1868 = arith.constant 1 : i32
    %dma_wait3A_1869 = arith.constant 0 : i32
    %dma_wait3A_1870 = arith.constant 0 : i32
    %dma_wait3A_1871 = arith.constant 0 : i32
    %dma_wait3A_1872 = tpu.memref_slice %arg5[%dma_wait3A_1868, %dma_wait3A_1869, %dma_wait3A_1870, %dma_wait3A_1871] : memref<2x25x8x256xf32, #tpu.memory_space<vmem>> -> memref<1x25x8x256xf32, #tpu.memory_space<vmem>>
    %dma_wait3A_1873 = tpu.memref_squeeze %dma_wait3A_1872 : memref<1x25x8x256xf32, #tpu.memory_space<vmem>> -> memref<25x8x256xf32, #tpu.memory_space<vmem>>
    %dma_wait3A_1874 = arith.constant 75 : i32
    %dma_wait3A_1875 = arith.constant 0 : i32
    %dma_wait3A_1876 = tpu.memref_slice %arg4[%dma_wait3A_1874, %add3A_1477, %dma_wait3A_1875] : memref<100x4096x256xf32, #tpu.memory_space<hbm>> -> memref<25x8x256xf32, #tpu.memory_space<hbm>>
    %dma_wait3A_1877 = arith.constant 75 : i32
    %dma_wait3A_1878 = arith.constant 0 : i32
    %dma_wait3A_1879 = tpu.memref_slice %arg4[%dma_wait3A_1877, %add3A_1477, %dma_wait3A_1878] : memref<100x4096x256xf32, #tpu.memory_space<hbm>> -> memref<25x8x256xf32, #tpu.memory_space<hbm>>
    %dma_wait3A_1880 = arith.constant 0 : i32
    %dma_wait3A_1881 = arith.constant 0 : i32
    %dma_wait3A_1882 = arith.constant 0 : i32
    %dma_wait3A_1883 = tpu.memref_slice %arg5[%dma_wait3A_1868, %dma_wait3A_1880, %dma_wait3A_1881, %dma_wait3A_1882] : memref<2x25x8x256xf32, #tpu.memory_space<vmem>> -> memref<1x25x8x256xf32, #tpu.memory_space<vmem>>
    %dma_wait3A_1884 = tpu.memref_squeeze %dma_wait3A_1883 : memref<1x25x8x256xf32, #tpu.memory_space<vmem>> -> memref<25x8x256xf32, #tpu.memory_space<vmem>>
    tpu.wait_dma2 semaphore(%arg8 : memref<!tpu.dma_semaphore, #tpu.memory_space<semaphore_mem>>) src(%dma_wait3A_1884 : memref<25x8x256xf32, #tpu.memory_space<vmem>>) dst(%dma_wait3A_1879 : memref<25x8x256xf32, #tpu.memory_space<hbm>>)
    %dma_wait3A_1885 = arith.constant 1 : i32
    %dma_wait3A_1886 = arith.constant 0 : i32
    %dma_wait3A_1887 = arith.constant 0 : i32
    %dma_wait3A_1888 = arith.constant 0 : i32
    %dma_wait3A_1889 = tpu.memref_slice %arg5[%dma_wait3A_1885, %dma_wait3A_1886, %dma_wait3A_1887, %dma_wait3A_1888] : memref<2x25x8x256xf32, #tpu.memory_space<vmem>> -> memref<1x25x8x256xf32, #tpu.memory_space<vmem>>
    %dma_wait3A_1890 = tpu.memref_squeeze %dma_wait3A_1889 : memref<1x25x8x256xf32, #tpu.memory_space<vmem>> -> memref<25x8x256xf32, #tpu.memory_space<vmem>>
    %dma_wait3A_1891 = arith.constant 75 : i32
    %dma_wait3A_1892 = arith.constant 0 : i32
    %dma_wait3A_1893 = tpu.memref_slice %arg4[%dma_wait3A_1891, %add3A_1496, %dma_wait3A_1892] : memref<100x4096x256xf32, #tpu.memory_space<hbm>> -> memref<25x8x256xf32, #tpu.memory_space<hbm>>
    %dma_wait3A_1894 = arith.constant 75 : i32
    %dma_wait3A_1895 = arith.constant 0 : i32
    %dma_wait3A_1896 = tpu.memref_slice %arg4[%dma_wait3A_1894, %add3A_1496, %dma_wait3A_1895] : memref<100x4096x256xf32, #tpu.memory_space<hbm>> -> memref<25x8x256xf32, #tpu.memory_space<hbm>>
    %dma_wait3A_1897 = arith.constant 0 : i32
    %dma_wait3A_1898 = arith.constant 0 : i32
    %dma_wait3A_1899 = arith.constant 0 : i32
    %dma_wait3A_1900 = tpu.memref_slice %arg5[%dma_wait3A_1885, %dma_wait3A_1897, %dma_wait3A_1898, %dma_wait3A_1899] : memref<2x25x8x256xf32, #tpu.memory_space<vmem>> -> memref<1x25x8x256xf32, #tpu.memory_space<vmem>>
    %dma_wait3A_1901 = tpu.memref_squeeze %dma_wait3A_1900 : memref<1x25x8x256xf32, #tpu.memory_space<vmem>> -> memref<25x8x256xf32, #tpu.memory_space<vmem>>
    tpu.wait_dma2 semaphore(%arg8 : memref<!tpu.dma_semaphore, #tpu.memory_space<semaphore_mem>>) src(%dma_wait3A_1901 : memref<25x8x256xf32, #tpu.memory_space<vmem>>) dst(%dma_wait3A_1896 : memref<25x8x256xf32, #tpu.memory_space<hbm>>)
    %dma_wait3A_1902 = arith.constant 1 : i32
    %dma_wait3A_1903 = arith.constant 0 : i32
    %dma_wait3A_1904 = arith.constant 0 : i32
    %dma_wait3A_1905 = arith.constant 0 : i32
    %dma_wait3A_1906 = tpu.memref_slice %arg5[%dma_wait3A_1902, %dma_wait3A_1903, %dma_wait3A_1904, %dma_wait3A_1905] : memref<2x25x8x256xf32, #tpu.memory_space<vmem>> -> memref<1x25x8x256xf32, #tpu.memory_space<vmem>>
    %dma_wait3A_1907 = tpu.memref_squeeze %dma_wait3A_1906 : memref<1x25x8x256xf32, #tpu.memory_space<vmem>> -> memref<25x8x256xf32, #tpu.memory_space<vmem>>
    %dma_wait3A_1908 = arith.constant 75 : i32
    %dma_wait3A_1909 = arith.constant 0 : i32
    %dma_wait3A_1910 = tpu.memref_slice %arg4[%dma_wait3A_1908, %add3A_1515, %dma_wait3A_1909] : memref<100x4096x256xf32, #tpu.memory_space<hbm>> -> memref<25x8x256xf32, #tpu.memory_space<hbm>>
    %dma_wait3A_1911 = arith.constant 75 : i32
    %dma_wait3A_1912 = arith.constant 0 : i32
    %dma_wait3A_1913 = tpu.memref_slice %arg4[%dma_wait3A_1911, %add3A_1515, %dma_wait3A_1912] : memref<100x4096x256xf32, #tpu.memory_space<hbm>> -> memref<25x8x256xf32, #tpu.memory_space<hbm>>
    %dma_wait3A_1914 = arith.constant 0 : i32
    %dma_wait3A_1915 = arith.constant 0 : i32
    %dma_wait3A_1916 = arith.constant 0 : i32
    %dma_wait3A_1917 = tpu.memref_slice %arg5[%dma_wait3A_1902, %dma_wait3A_1914, %dma_wait3A_1915, %dma_wait3A_1916] : memref<2x25x8x256xf32, #tpu.memory_space<vmem>> -> memref<1x25x8x256xf32, #tpu.memory_space<vmem>>
    %dma_wait3A_1918 = tpu.memref_squeeze %dma_wait3A_1917 : memref<1x25x8x256xf32, #tpu.memory_space<vmem>> -> memref<25x8x256xf32, #tpu.memory_space<vmem>>
    tpu.wait_dma2 semaphore(%arg8 : memref<!tpu.dma_semaphore, #tpu.memory_space<semaphore_mem>>) src(%dma_wait3A_1918 : memref<25x8x256xf32, #tpu.memory_space<vmem>>) dst(%dma_wait3A_1913 : memref<25x8x256xf32, #tpu.memory_space<hbm>>)
    %dma_wait3A_1919 = arith.constant 1 : i32
    %dma_wait3A_1920 = arith.constant 0 : i32
    %dma_wait3A_1921 = arith.constant 0 : i32
    %dma_wait3A_1922 = arith.constant 0 : i32
    %dma_wait3A_1923 = tpu.memref_slice %arg5[%dma_wait3A_1919, %dma_wait3A_1920, %dma_wait3A_1921, %dma_wait3A_1922] : memref<2x25x8x256xf32, #tpu.memory_space<vmem>> -> memref<1x25x8x256xf32, #tpu.memory_space<vmem>>
    %dma_wait3A_1924 = tpu.memref_squeeze %dma_wait3A_1923 : memref<1x25x8x256xf32, #tpu.memory_space<vmem>> -> memref<25x8x256xf32, #tpu.memory_space<vmem>>
    %dma_wait3A_1925 = arith.constant 75 : i32
    %dma_wait3A_1926 = arith.constant 0 : i32
    %dma_wait3A_1927 = tpu.memref_slice %arg4[%dma_wait3A_1925, %add3A_1534, %dma_wait3A_1926] : memref<100x4096x256xf32, #tpu.memory_space<hbm>> -> memref<25x8x256xf32, #tpu.memory_space<hbm>>
    %dma_wait3A_1928 = arith.constant 75 : i32
    %dma_wait3A_1929 = arith.constant 0 : i32
    %dma_wait3A_1930 = tpu.memref_slice %arg4[%dma_wait3A_1928, %add3A_1534, %dma_wait3A_1929] : memref<100x4096x256xf32, #tpu.memory_space<hbm>> -> memref<25x8x256xf32, #tpu.memory_space<hbm>>
    %dma_wait3A_1931 = arith.constant 0 : i32
    %dma_wait3A_1932 = arith.constant 0 : i32
    %dma_wait3A_1933 = arith.constant 0 : i32
    %dma_wait3A_1934 = tpu.memref_slice %arg5[%dma_wait3A_1919, %dma_wait3A_1931, %dma_wait3A_1932, %dma_wait3A_1933] : memref<2x25x8x256xf32, #tpu.memory_space<vmem>> -> memref<1x25x8x256xf32, #tpu.memory_space<vmem>>
    %dma_wait3A_1935 = tpu.memref_squeeze %dma_wait3A_1934 : memref<1x25x8x256xf32, #tpu.memory_space<vmem>> -> memref<25x8x256xf32, #tpu.memory_space<vmem>>
    tpu.wait_dma2 semaphore(%arg8 : memref<!tpu.dma_semaphore, #tpu.memory_space<semaphore_mem>>) src(%dma_wait3A_1935 : memref<25x8x256xf32, #tpu.memory_space<vmem>>) dst(%dma_wait3A_1930 : memref<25x8x256xf32, #tpu.memory_space<hbm>>)
    %dma_wait3A_1936 = arith.constant 1 : i32
    %dma_wait3A_1937 = arith.constant 0 : i32
    %dma_wait3A_1938 = arith.constant 0 : i32
    %dma_wait3A_1939 = arith.constant 0 : i32
    %dma_wait3A_1940 = tpu.memref_slice %arg5[%dma_wait3A_1936, %dma_wait3A_1937, %dma_wait3A_1938, %dma_wait3A_1939] : memref<2x25x8x256xf32, #tpu.memory_space<vmem>> -> memref<1x25x8x256xf32, #tpu.memory_space<vmem>>
    %dma_wait3A_1941 = tpu.memref_squeeze %dma_wait3A_1940 : memref<1x25x8x256xf32, #tpu.memory_space<vmem>> -> memref<25x8x256xf32, #tpu.memory_space<vmem>>
    %dma_wait3A_1942 = arith.constant 75 : i32
    %dma_wait3A_1943 = arith.constant 0 : i32
    %dma_wait3A_1944 = tpu.memref_slice %arg4[%dma_wait3A_1942, %add3A_1553, %dma_wait3A_1943] : memref<100x4096x256xf32, #tpu.memory_space<hbm>> -> memref<25x8x256xf32, #tpu.memory_space<hbm>>
    %dma_wait3A_1945 = arith.constant 75 : i32
    %dma_wait3A_1946 = arith.constant 0 : i32
    %dma_wait3A_1947 = tpu.memref_slice %arg4[%dma_wait3A_1945, %add3A_1553, %dma_wait3A_1946] : memref<100x4096x256xf32, #tpu.memory_space<hbm>> -> memref<25x8x256xf32, #tpu.memory_space<hbm>>
    %dma_wait3A_1948 = arith.constant 0 : i32
    %dma_wait3A_1949 = arith.constant 0 : i32
    %dma_wait3A_1950 = arith.constant 0 : i32
    %dma_wait3A_1951 = tpu.memref_slice %arg5[%dma_wait3A_1936, %dma_wait3A_1948, %dma_wait3A_1949, %dma_wait3A_1950] : memref<2x25x8x256xf32, #tpu.memory_space<vmem>> -> memref<1x25x8x256xf32, #tpu.memory_space<vmem>>
    %dma_wait3A_1952 = tpu.memref_squeeze %dma_wait3A_1951 : memref<1x25x8x256xf32, #tpu.memory_space<vmem>> -> memref<25x8x256xf32, #tpu.memory_space<vmem>>
    tpu.wait_dma2 semaphore(%arg8 : memref<!tpu.dma_semaphore, #tpu.memory_space<semaphore_mem>>) src(%dma_wait3A_1952 : memref<25x8x256xf32, #tpu.memory_space<vmem>>) dst(%dma_wait3A_1947 : memref<25x8x256xf32, #tpu.memory_space<hbm>>)
    %dma_wait3A_1953 = arith.constant 1 : i32
    %dma_wait3A_1954 = arith.constant 0 : i32
    %dma_wait3A_1955 = arith.constant 0 : i32
    %dma_wait3A_1956 = arith.constant 0 : i32
    %dma_wait3A_1957 = tpu.memref_slice %arg5[%dma_wait3A_1953, %dma_wait3A_1954, %dma_wait3A_1955, %dma_wait3A_1956] : memref<2x25x8x256xf32, #tpu.memory_space<vmem>> -> memref<1x25x8x256xf32, #tpu.memory_space<vmem>>
    %dma_wait3A_1958 = tpu.memref_squeeze %dma_wait3A_1957 : memref<1x25x8x256xf32, #tpu.memory_space<vmem>> -> memref<25x8x256xf32, #tpu.memory_space<vmem>>
    %dma_wait3A_1959 = arith.constant 75 : i32
    %dma_wait3A_1960 = arith.constant 0 : i32
    %dma_wait3A_1961 = tpu.memref_slice %arg4[%dma_wait3A_1959, %add3A_1572, %dma_wait3A_1960] : memref<100x4096x256xf32, #tpu.memory_space<hbm>> -> memref<25x8x256xf32, #tpu.memory_space<hbm>>
    %dma_wait3A_1962 = arith.constant 75 : i32
    %dma_wait3A_1963 = arith.constant 0 : i32
    %dma_wait3A_1964 = tpu.memref_slice %arg4[%dma_wait3A_1962, %add3A_1572, %dma_wait3A_1963] : memref<100x4096x256xf32, #tpu.memory_space<hbm>> -> memref<25x8x256xf32, #tpu.memory_space<hbm>>
    %dma_wait3A_1965 = arith.constant 0 : i32
    %dma_wait3A_1966 = arith.constant 0 : i32
    %dma_wait3A_1967 = arith.constant 0 : i32
    %dma_wait3A_1968 = tpu.memref_slice %arg5[%dma_wait3A_1953, %dma_wait3A_1965, %dma_wait3A_1966, %dma_wait3A_1967] : memref<2x25x8x256xf32, #tpu.memory_space<vmem>> -> memref<1x25x8x256xf32, #tpu.memory_space<vmem>>
    %dma_wait3A_1969 = tpu.memref_squeeze %dma_wait3A_1968 : memref<1x25x8x256xf32, #tpu.memory_space<vmem>> -> memref<25x8x256xf32, #tpu.memory_space<vmem>>
    tpu.wait_dma2 semaphore(%arg8 : memref<!tpu.dma_semaphore, #tpu.memory_space<semaphore_mem>>) src(%dma_wait3A_1969 : memref<25x8x256xf32, #tpu.memory_space<vmem>>) dst(%dma_wait3A_1964 : memref<25x8x256xf32, #tpu.memory_space<hbm>>)
    %dma_wait3A_1970 = arith.constant 1 : i32
    %dma_wait3A_1971 = arith.constant 0 : i32
    %dma_wait3A_1972 = arith.constant 0 : i32
    %dma_wait3A_1973 = arith.constant 0 : i32
    %dma_wait3A_1974 = tpu.memref_slice %arg5[%dma_wait3A_1970, %dma_wait3A_1971, %dma_wait3A_1972, %dma_wait3A_1973] : memref<2x25x8x256xf32, #tpu.memory_space<vmem>> -> memref<1x25x8x256xf32, #tpu.memory_space<vmem>>
    %dma_wait3A_1975 = tpu.memref_squeeze %dma_wait3A_1974 : memref<1x25x8x256xf32, #tpu.memory_space<vmem>> -> memref<25x8x256xf32, #tpu.memory_space<vmem>>
    %dma_wait3A_1976 = arith.constant 75 : i32
    %dma_wait3A_1977 = arith.constant 0 : i32
    %dma_wait3A_1978 = tpu.memref_slice %arg4[%dma_wait3A_1976, %add3A_1591, %dma_wait3A_1977] : memref<100x4096x256xf32, #tpu.memory_space<hbm>> -> memref<25x8x256xf32, #tpu.memory_space<hbm>>
    %dma_wait3A_1979 = arith.constant 75 : i32
    %dma_wait3A_1980 = arith.constant 0 : i32
    %dma_wait3A_1981 = tpu.memref_slice %arg4[%dma_wait3A_1979, %add3A_1591, %dma_wait3A_1980] : memref<100x4096x256xf32, #tpu.memory_space<hbm>> -> memref<25x8x256xf32, #tpu.memory_space<hbm>>
    %dma_wait3A_1982 = arith.constant 0 : i32
    %dma_wait3A_1983 = arith.constant 0 : i32
    %dma_wait3A_1984 = arith.constant 0 : i32
    %dma_wait3A_1985 = tpu.memref_slice %arg5[%dma_wait3A_1970, %dma_wait3A_1982, %dma_wait3A_1983, %dma_wait3A_1984] : memref<2x25x8x256xf32, #tpu.memory_space<vmem>> -> memref<1x25x8x256xf32, #tpu.memory_space<vmem>>
    %dma_wait3A_1986 = tpu.memref_squeeze %dma_wait3A_1985 : memref<1x25x8x256xf32, #tpu.memory_space<vmem>> -> memref<25x8x256xf32, #tpu.memory_space<vmem>>
    tpu.wait_dma2 semaphore(%arg8 : memref<!tpu.dma_semaphore, #tpu.memory_space<semaphore_mem>>) src(%dma_wait3A_1986 : memref<25x8x256xf32, #tpu.memory_space<vmem>>) dst(%dma_wait3A_1981 : memref<25x8x256xf32, #tpu.memory_space<hbm>>)
    %dma_wait3A_1987 = arith.constant 1 : i32
    %dma_wait3A_1988 = arith.constant 0 : i32
    %dma_wait3A_1989 = arith.constant 0 : i32
    %dma_wait3A_1990 = arith.constant 0 : i32
    %dma_wait3A_1991 = tpu.memref_slice %arg5[%dma_wait3A_1987, %dma_wait3A_1988, %dma_wait3A_1989, %dma_wait3A_1990] : memref<2x25x8x256xf32, #tpu.memory_space<vmem>> -> memref<1x25x8x256xf32, #tpu.memory_space<vmem>>
    %dma_wait3A_1992 = tpu.memref_squeeze %dma_wait3A_1991 : memref<1x25x8x256xf32, #tpu.memory_space<vmem>> -> memref<25x8x256xf32, #tpu.memory_space<vmem>>
    %dma_wait3A_1993 = arith.constant 75 : i32
    %dma_wait3A_1994 = arith.constant 0 : i32
    %dma_wait3A_1995 = tpu.memref_slice %arg4[%dma_wait3A_1993, %add3A_1610, %dma_wait3A_1994] : memref<100x4096x256xf32, #tpu.memory_space<hbm>> -> memref<25x8x256xf32, #tpu.memory_space<hbm>>
    %dma_wait3A_1996 = arith.constant 75 : i32
    %dma_wait3A_1997 = arith.constant 0 : i32
    %dma_wait3A_1998 = tpu.memref_slice %arg4[%dma_wait3A_1996, %add3A_1610, %dma_wait3A_1997] : memref<100x4096x256xf32, #tpu.memory_space<hbm>> -> memref<25x8x256xf32, #tpu.memory_space<hbm>>
    %dma_wait3A_1999 = arith.constant 0 : i32
    %dma_wait3A_2000 = arith.constant 0 : i32
    %dma_wait3A_2001 = arith.constant 0 : i32
    %dma_wait3A_2002 = tpu.memref_slice %arg5[%dma_wait3A_1987, %dma_wait3A_1999, %dma_wait3A_2000, %dma_wait3A_2001] : memref<2x25x8x256xf32, #tpu.memory_space<vmem>> -> memref<1x25x8x256xf32, #tpu.memory_space<vmem>>
    %dma_wait3A_2003 = tpu.memref_squeeze %dma_wait3A_2002 : memref<1x25x8x256xf32, #tpu.memory_space<vmem>> -> memref<25x8x256xf32, #tpu.memory_space<vmem>>
    tpu.wait_dma2 semaphore(%arg8 : memref<!tpu.dma_semaphore, #tpu.memory_space<semaphore_mem>>) src(%dma_wait3A_2003 : memref<25x8x256xf32, #tpu.memory_space<vmem>>) dst(%dma_wait3A_1998 : memref<25x8x256xf32, #tpu.memory_space<hbm>>)
    %dma_wait3A_2004 = arith.constant 1 : i32
    %dma_wait3A_2005 = arith.constant 0 : i32
    %dma_wait3A_2006 = arith.constant 0 : i32
    %dma_wait3A_2007 = arith.constant 0 : i32
    %dma_wait3A_2008 = tpu.memref_slice %arg5[%dma_wait3A_2004, %dma_wait3A_2005, %dma_wait3A_2006, %dma_wait3A_2007] : memref<2x25x8x256xf32, #tpu.memory_space<vmem>> -> memref<1x25x8x256xf32, #tpu.memory_space<vmem>>
    %dma_wait3A_2009 = tpu.memref_squeeze %dma_wait3A_2008 : memref<1x25x8x256xf32, #tpu.memory_space<vmem>> -> memref<25x8x256xf32, #tpu.memory_space<vmem>>
    %dma_wait3A_2010 = arith.constant 75 : i32
    %dma_wait3A_2011 = arith.constant 0 : i32
    %dma_wait3A_2012 = tpu.memref_slice %arg4[%dma_wait3A_2010, %add3A_1629, %dma_wait3A_2011] : memref<100x4096x256xf32, #tpu.memory_space<hbm>> -> memref<25x8x256xf32, #tpu.memory_space<hbm>>
    %dma_wait3A_2013 = arith.constant 75 : i32
    %dma_wait3A_2014 = arith.constant 0 : i32
    %dma_wait3A_2015 = tpu.memref_slice %arg4[%dma_wait3A_2013, %add3A_1629, %dma_wait3A_2014] : memref<100x4096x256xf32, #tpu.memory_space<hbm>> -> memref<25x8x256xf32, #tpu.memory_space<hbm>>
    %dma_wait3A_2016 = arith.constant 0 : i32
    %dma_wait3A_2017 = arith.constant 0 : i32
    %dma_wait3A_2018 = arith.constant 0 : i32
    %dma_wait3A_2019 = tpu.memref_slice %arg5[%dma_wait3A_2004, %dma_wait3A_2016, %dma_wait3A_2017, %dma_wait3A_2018] : memref<2x25x8x256xf32, #tpu.memory_space<vmem>> -> memref<1x25x8x256xf32, #tpu.memory_space<vmem>>
    %dma_wait3A_2020 = tpu.memref_squeeze %dma_wait3A_2019 : memref<1x25x8x256xf32, #tpu.memory_space<vmem>> -> memref<25x8x256xf32, #tpu.memory_space<vmem>>
    tpu.wait_dma2 semaphore(%arg8 : memref<!tpu.dma_semaphore, #tpu.memory_space<semaphore_mem>>) src(%dma_wait3A_2020 : memref<25x8x256xf32, #tpu.memory_space<vmem>>) dst(%dma_wait3A_2015 : memref<25x8x256xf32, #tpu.memory_space<hbm>>)
    %dma_wait3A_2021 = arith.constant 50 : i32
    %dma_wait3A_2022 = arith.constant 0 : i32
    %dma_wait3A_2023 = tpu.memref_slice %arg4[%dma_wait3A_2021, %add3A_909, %dma_wait3A_2022] : memref<100x4096x256xf32, #tpu.memory_space<hbm>> -> memref<25x8x256xf32, #tpu.memory_space<hbm>>
    %dma_wait3A_2024 = arith.constant 0 : i32
    %dma_wait3A_2025 = arith.constant 0 : i32
    %dma_wait3A_2026 = arith.constant 0 : i32
    %dma_wait3A_2027 = tpu.memref_slice %arg6[%dma_wait3A_2024, %dma_wait3A_2025, %dma_wait3A_2026] : memref<50x8x256xf32, #tpu.memory_space<vmem_shared>> -> memref<25x8x256xf32, #tpu.memory_space<vmem_shared>>
    tpu.wait_dma2 semaphore(%arg9 : memref<!tpu.dma_semaphore, #tpu.memory_space<semaphore_mem>>) src(%dma_wait3A_2027 : memref<25x8x256xf32, #tpu.memory_space<vmem_shared>>) dst(%dma_wait3A_2023 : memref<25x8x256xf32, #tpu.memory_space<hbm>>)
    %dma_wait3A_2028 = arith.constant 50 : i32
    %dma_wait3A_2029 = arith.constant 0 : i32
    %dma_wait3A_2030 = tpu.memref_slice %arg4[%dma_wait3A_2028, %add3A_918, %dma_wait3A_2029] : memref<100x4096x256xf32, #tpu.memory_space<hbm>> -> memref<25x8x256xf32, #tpu.memory_space<hbm>>
    %dma_wait3A_2031 = arith.constant 0 : i32
    %dma_wait3A_2032 = arith.constant 0 : i32
    %dma_wait3A_2033 = arith.constant 0 : i32
    %dma_wait3A_2034 = tpu.memref_slice %arg6[%dma_wait3A_2031, %dma_wait3A_2032, %dma_wait3A_2033] : memref<50x8x256xf32, #tpu.memory_space<vmem_shared>> -> memref<25x8x256xf32, #tpu.memory_space<vmem_shared>>
    tpu.wait_dma2 semaphore(%arg9 : memref<!tpu.dma_semaphore, #tpu.memory_space<semaphore_mem>>) src(%dma_wait3A_2034 : memref<25x8x256xf32, #tpu.memory_space<vmem_shared>>) dst(%dma_wait3A_2030 : memref<25x8x256xf32, #tpu.memory_space<hbm>>)
    %dma_wait3A_2035 = arith.constant 50 : i32
    %dma_wait3A_2036 = arith.constant 0 : i32
    %dma_wait3A_2037 = tpu.memref_slice %arg4[%dma_wait3A_2035, %add3A_927, %dma_wait3A_2036] : memref<100x4096x256xf32, #tpu.memory_space<hbm>> -> memref<25x8x256xf32, #tpu.memory_space<hbm>>
    %dma_wait3A_2038 = arith.constant 0 : i32
    %dma_wait3A_2039 = arith.constant 0 : i32
    %dma_wait3A_2040 = arith.constant 0 : i32
    %dma_wait3A_2041 = tpu.memref_slice %arg6[%dma_wait3A_2038, %dma_wait3A_2039, %dma_wait3A_2040] : memref<50x8x256xf32, #tpu.memory_space<vmem_shared>> -> memref<25x8x256xf32, #tpu.memory_space<vmem_shared>>
    tpu.wait_dma2 semaphore(%arg9 : memref<!tpu.dma_semaphore, #tpu.memory_space<semaphore_mem>>) src(%dma_wait3A_2041 : memref<25x8x256xf32, #tpu.memory_space<vmem_shared>>) dst(%dma_wait3A_2037 : memref<25x8x256xf32, #tpu.memory_space<hbm>>)
    %dma_wait3A_2042 = arith.constant 50 : i32
    %dma_wait3A_2043 = arith.constant 0 : i32
    %dma_wait3A_2044 = tpu.memref_slice %arg4[%dma_wait3A_2042, %add3A_936, %dma_wait3A_2043] : memref<100x4096x256xf32, #tpu.memory_space<hbm>> -> memref<25x8x256xf32, #tpu.memory_space<hbm>>
    %dma_wait3A_2045 = arith.constant 0 : i32
    %dma_wait3A_2046 = arith.constant 0 : i32
    %dma_wait3A_2047 = arith.constant 0 : i32
    %dma_wait3A_2048 = tpu.memref_slice %arg6[%dma_wait3A_2045, %dma_wait3A_2046, %dma_wait3A_2047] : memref<50x8x256xf32, #tpu.memory_space<vmem_shared>> -> memref<25x8x256xf32, #tpu.memory_space<vmem_shared>>
    tpu.wait_dma2 semaphore(%arg9 : memref<!tpu.dma_semaphore, #tpu.memory_space<semaphore_mem>>) src(%dma_wait3A_2048 : memref<25x8x256xf32, #tpu.memory_space<vmem_shared>>) dst(%dma_wait3A_2044 : memref<25x8x256xf32, #tpu.memory_space<hbm>>)
    %dma_wait3A_2049 = arith.constant 50 : i32
    %dma_wait3A_2050 = arith.constant 0 : i32
    %dma_wait3A_2051 = tpu.memref_slice %arg4[%dma_wait3A_2049, %add3A_945, %dma_wait3A_2050] : memref<100x4096x256xf32, #tpu.memory_space<hbm>> -> memref<25x8x256xf32, #tpu.memory_space<hbm>>
    %dma_wait3A_2052 = arith.constant 0 : i32
    %dma_wait3A_2053 = arith.constant 0 : i32
    %dma_wait3A_2054 = arith.constant 0 : i32
    %dma_wait3A_2055 = tpu.memref_slice %arg6[%dma_wait3A_2052, %dma_wait3A_2053, %dma_wait3A_2054] : memref<50x8x256xf32, #tpu.memory_space<vmem_shared>> -> memref<25x8x256xf32, #tpu.memory_space<vmem_shared>>
    tpu.wait_dma2 semaphore(%arg9 : memref<!tpu.dma_semaphore, #tpu.memory_space<semaphore_mem>>) src(%dma_wait3A_2055 : memref<25x8x256xf32, #tpu.memory_space<vmem_shared>>) dst(%dma_wait3A_2051 : memref<25x8x256xf32, #tpu.memory_space<hbm>>)
    %dma_wait3A_2056 = arith.constant 75 : i32
    %dma_wait3A_2057 = arith.constant 0 : i32
    %dma_wait3A_2058 = tpu.memref_slice %arg4[%dma_wait3A_2056, %add3A_1394, %dma_wait3A_2057] : memref<100x4096x256xf32, #tpu.memory_space<hbm>> -> memref<25x8x256xf32, #tpu.memory_space<hbm>>
    %dma_wait3A_2059 = arith.constant 25 : i32
    %dma_wait3A_2060 = arith.constant 0 : i32
    %dma_wait3A_2061 = arith.constant 0 : i32
    %dma_wait3A_2062 = tpu.memref_slice %arg6[%dma_wait3A_2059, %dma_wait3A_2060, %dma_wait3A_2061] : memref<50x8x256xf32, #tpu.memory_space<vmem_shared>> -> memref<25x8x256xf32, #tpu.memory_space<vmem_shared>>
    tpu.wait_dma2 semaphore(%arg9 : memref<!tpu.dma_semaphore, #tpu.memory_space<semaphore_mem>>) src(%dma_wait3A_2062 : memref<25x8x256xf32, #tpu.memory_space<vmem_shared>>) dst(%dma_wait3A_2058 : memref<25x8x256xf32, #tpu.memory_space<hbm>>)
    %dma_wait3A_2063 = arith.constant 75 : i32
    %dma_wait3A_2064 = arith.constant 0 : i32
    %dma_wait3A_2065 = tpu.memref_slice %arg4[%dma_wait3A_2063, %add3A_1403, %dma_wait3A_2064] : memref<100x4096x256xf32, #tpu.memory_space<hbm>> -> memref<25x8x256xf32, #tpu.memory_space<hbm>>
    %dma_wait3A_2066 = arith.constant 25 : i32
    %dma_wait3A_2067 = arith.constant 0 : i32
    %dma_wait3A_2068 = arith.constant 0 : i32
    %dma_wait3A_2069 = tpu.memref_slice %arg6[%dma_wait3A_2066, %dma_wait3A_2067, %dma_wait3A_2068] : memref<50x8x256xf32, #tpu.memory_space<vmem_shared>> -> memref<25x8x256xf32, #tpu.memory_space<vmem_shared>>
    tpu.wait_dma2 semaphore(%arg9 : memref<!tpu.dma_semaphore, #tpu.memory_space<semaphore_mem>>) src(%dma_wait3A_2069 : memref<25x8x256xf32, #tpu.memory_space<vmem_shared>>) dst(%dma_wait3A_2065 : memref<25x8x256xf32, #tpu.memory_space<hbm>>)
    %dma_wait3A_2070 = arith.constant 75 : i32
    %dma_wait3A_2071 = arith.constant 0 : i32
    %dma_wait3A_2072 = tpu.memref_slice %arg4[%dma_wait3A_2070, %add3A_1412, %dma_wait3A_2071] : memref<100x4096x256xf32, #tpu.memory_space<hbm>> -> memref<25x8x256xf32, #tpu.memory_space<hbm>>
    %dma_wait3A_2073 = arith.constant 25 : i32
    %dma_wait3A_2074 = arith.constant 0 : i32
    %dma_wait3A_2075 = arith.constant 0 : i32
    %dma_wait3A_2076 = tpu.memref_slice %arg6[%dma_wait3A_2073, %dma_wait3A_2074, %dma_wait3A_2075] : memref<50x8x256xf32, #tpu.memory_space<vmem_shared>> -> memref<25x8x256xf32, #tpu.memory_space<vmem_shared>>
    tpu.wait_dma2 semaphore(%arg9 : memref<!tpu.dma_semaphore, #tpu.memory_space<semaphore_mem>>) src(%dma_wait3A_2076 : memref<25x8x256xf32, #tpu.memory_space<vmem_shared>>) dst(%dma_wait3A_2072 : memref<25x8x256xf32, #tpu.memory_space<hbm>>)
    %dma_wait3A_2077 = arith.constant 75 : i32
    %dma_wait3A_2078 = arith.constant 0 : i32
    %dma_wait3A_2079 = tpu.memref_slice %arg4[%dma_wait3A_2077, %add3A_1421, %dma_wait3A_2078] : memref<100x4096x256xf32, #tpu.memory_space<hbm>> -> memref<25x8x256xf32, #tpu.memory_space<hbm>>
    %dma_wait3A_2080 = arith.constant 25 : i32
    %dma_wait3A_2081 = arith.constant 0 : i32
    %dma_wait3A_2082 = arith.constant 0 : i32
    %dma_wait3A_2083 = tpu.memref_slice %arg6[%dma_wait3A_2080, %dma_wait3A_2081, %dma_wait3A_2082] : memref<50x8x256xf32, #tpu.memory_space<vmem_shared>> -> memref<25x8x256xf32, #tpu.memory_space<vmem_shared>>
    tpu.wait_dma2 semaphore(%arg9 : memref<!tpu.dma_semaphore, #tpu.memory_space<semaphore_mem>>) src(%dma_wait3A_2083 : memref<25x8x256xf32, #tpu.memory_space<vmem_shared>>) dst(%dma_wait3A_2079 : memref<25x8x256xf32, #tpu.memory_space<hbm>>)
    %dma_wait3A_2084 = arith.constant 75 : i32
    %dma_wait3A_2085 = arith.constant 0 : i32
    %dma_wait3A_2086 = tpu.memref_slice %arg4[%dma_wait3A_2084, %add3A_1430, %dma_wait3A_2085] : memref<100x4096x256xf32, #tpu.memory_space<hbm>> -> memref<25x8x256xf32, #tpu.memory_space<hbm>>
    %dma_wait3A_2087 = arith.constant 25 : i32
    %dma_wait3A_2088 = arith.constant 0 : i32
    %dma_wait3A_2089 = arith.constant 0 : i32
    %dma_wait3A_2090 = tpu.memref_slice %arg6[%dma_wait3A_2087, %dma_wait3A_2088, %dma_wait3A_2089] : memref<50x8x256xf32, #tpu.memory_space<vmem_shared>> -> memref<25x8x256xf32, #tpu.memory_space<vmem_shared>>
    tpu.wait_dma2 semaphore(%arg9 : memref<!tpu.dma_semaphore, #tpu.memory_space<semaphore_mem>>) src(%dma_wait3A_2090 : memref<25x8x256xf32, #tpu.memory_space<vmem_shared>>) dst(%dma_wait3A_2086 : memref<25x8x256xf32, #tpu.memory_space<hbm>>)
    return
  }
}

</mosaic_0001>

<sc_bundles>
// kernel: kernel.3.cloned.1.call-start
scs
__scs_entry_jumppad:
0x0: {  	(pc) =	sbr.rel $0x88, $3  }
0x1: {  	(tag) =	ssettag $0x0;
	lr =	simm.s32 $0x1  }
0x2: {  	[smem:$0x3FA0] =	sst lr;
	_ =	strace $0xD0000000  }
0x3: {  	_ = 	snop  }
0x4: {  	_ = 	snop  }
0x5: {  	_ = 	snop  }
0x6: {  	_ = 	snop  }
0x7: {  	_ = 	snop  }
__scs_overlays_trampoline_lowered:
0x8: {  	[smem:$0x3FAF] =	sst s0  }
0x9: {  	[smem:$0x3FB0] =	sst s1  }
0xa: {  	[smem:$0x3FB1] =	sst s2  }
0xb: {  	[smem:$0x3FB2] =	sst s3  }
0xc: {  	[smem:$0x3FB3] =	sst s4  }
0xd: {  	[smem:$0x3FB4] =	sst s5  }
0xe: {  	[smem:$0x3FB5] =	sst s6  }
0xf: {  	[smem:$0x3FB6] =	sst s7  }
0x10: {  	[smem:$0x3FB7] =	sst s8  }
0x11: {  	[smem:$0x3FB8] =	sst s9;
	s0 =	simm.s32 @!p0 $0x0  }
0x12: {  	s1 =	sld [smem:$0x3F9E];
	s0 =	simm.s32 @p0 $0x1  }
0x13: {  	[smem:$0x3FB9] =	sst s0;
	s0 =	simm.s32 @!p1 $0x0  }
0x14: {  	s2 =	sld [smem:$0x3F9D];
	s0 =	simm.s32 @p1 $0x1  }
0x15: {  	[smem:$0x3FBA] =	sst s0;
	s0 =	simm.s32 @!p2 $0x0  }
0x16: {  	s3 =	sld [smem:$0x3FDB];
	s0 =	simm.s32 @p2 $0x1  }
0x17: {  	s4 =	simm.s32 $0x1BF5;
	[smem:$0x3FBC] =	sst s0  }
0x18: {  	s0 =	sld [smem:$0x3F9F];
	_ =	swait.ge [sflag:s4], $0x0  }
0x19: {  	s7 =	sld [smem:$0x3FA0]  }
0x1a: {  	s8 =	sadd.s32 $0xFFFFE003, lr  }
0x1b: {  	s9 =	sadd.s32 $0xFFFFFEF7, lr;
	s5 =	simm.s32 $0xFFFFFFFF;
	p2 =	slt.u32 s8, $0xFFFFF086  }
0x1c: {  	p1 =	slt.u32 s9, $0xF7A;
	s5 =	simm.s32 @!p2 $0x0  }
0x1d: {  	s5 =	simm.s32 @p1 $0x1;
	p0 =	seq.s32 s7, s2  }
0x1e: {  	s7 =	smul.u32 @!p0 $0xF7A, s2;
	p2 =	seq.s32 @!p0 s5, $0x0  }
0x1f: {  	s9 =	smul.u32 $0xF7A, s1;
	s8 =	simm.s32 @!p0 $0x1BF5;
	p2 =	por !p2, p0  }
0x20: {  	[sflag:s8] =	ssyncset.s32 @!p0 $0xFFFFF086;
	s6 =	sadd.s32 @!p0 s3, s7;
	s7 =	simm.s32 @!p0 $0x108  }
0x21: {  	s3 =	sadd.s32 s3, s9;
	s6 =	sadd.s32 @!p0 $0x88, s6;
	s7 =	simm.s32 @p2 $0x1082  }
0x22: {  	[simem:s7], [sflag:s8] =	dma.local @!p0 [hbm:s6], $0xF7A  }
0x23: {  	s9 =	sor.u32 $0xD0000000, s2;
	s6 =	simm.s32 $0x108;
	_ =	swait.ge @!p0 [sflag:s8], $0x0  }
0x24: {  	s3 =	sadd.s32 $0x88, s3;
	s6 =	simm.s32 @!p1 $0x1082;
	[sflag:s4] =	ssyncset.s32 $0xFFFFF086  }
0x25: {  	[simem:s6], [sflag:s4] =	dma.local [hbm:s3], $0xF7A  }
0x26: {  	[smem:$0x3FA0] =	sst s1;
	(tag) =	ssettag s2;
	_ =	strace s9  }
0x27: {  	s1 =	sld [smem:$0x3FB0]  }
0x28: {  	s2 =	sld [smem:$0x3FB1]  }
0x29: {  	s4 =	sld [smem:$0x3FB3]  }
0x2a: {  	p0 =	seq.s32 s5, $0x0;
	s5 =	sld [smem:$0x3FB4]  }
0x2b: {  	s6 =	sld [smem:$0x3FB5]  }
0x2c: {  	s7 =	sld [smem:$0x3FB6]  }
0x2d: {  	s3 =	simm.s32 $0x108;
	s8 =	sld [smem:$0x3FB7]  }
0x2e: {  	s3 =	simm.s32 @!p0 $0x1082;
	s9 =	sld [smem:$0x3FB8]  }
0x2f: {  	lr =	sadd.s32 s0, s3;
	s0 =	sld [smem:$0x3FAF]  }
0x30: {  	s3 =	sld [smem:$0x3FB2]  }
0x31: {  	[smem:$0x3FBB] =	sst s10  }
0x32: {  	s10 =	sld [smem:$0x3FB9];
	_ =	sdelay $0x3  }
0x33: {  	p0 =	seq.s32 s10, $0x1;
	s10 =	sld [smem:$0x3FBB];
	_ =	sdelay $0x3  }
0x34: {  	[smem:$0x3FBB] =	sst s10  }
0x35: {  	s10 =	sld [smem:$0x3FBA];
	_ =	sdelay $0x3  }
0x36: {  	p1 =	seq.s32 s10, $0x1;
	s10 =	sld [smem:$0x3FBB];
	_ =	sdelay $0x3  }
0x37: {  	[smem:$0x3FBB] =	sst s10  }
0x38: {  	s10 =	sld [smem:$0x3FBC]  }
0x39: {  	_ = 	snop;
	(pc) =	sbr.ind lr, $3  }
0x3a: {  	_ = 	snop  }
0x3b: {  	_ = 	snop  }
0x3c: {  	p2 =	seq.s32 s10, $0x1;
	s10 =	sld [smem:$0x3FBB]  }
0x3d: {  	_ =	shalt  }
0x3e: {  	_ =	shalt  }
0x3f: {  	_ =	shalt  }
0x40: {  	_ =	shalt  }
0x41: {  	_ =	shalt  }
0x42: {  	_ =	shalt  }
0x43: {  	_ =	shalt  }
0x44: {  	_ =	shalt  }
0x45: {  	_ =	shalt  }
0x46: {  	_ =	shalt  }
0x47: {  	_ =	shalt  }
0x48: {  	_ =	shalt  }
0x49: {  	_ =	shalt  }
0x4a: {  	_ =	shalt  }
0x4b: {  	_ =	shalt  }
0x4c: {  	_ =	shalt  }
0x4d: {  	_ =	shalt  }
0x4e: {  	_ =	shalt  }
0x4f: {  	_ =	shalt  }
0x50: {  	_ =	shalt  }
0x51: {  	_ =	shalt  }
0x52: {  	_ =	shalt  }
0x53: {  	_ =	shalt  }
0x54: {  	_ =	shalt  }
0x55: {  	_ =	shalt  }
0x56: {  	_ =	shalt  }
0x57: {  	_ =	shalt  }
0x58: {  	_ =	shalt  }
0x59: {  	_ =	shalt  }
0x5a: {  	_ =	shalt  }
0x5b: {  	_ =	shalt  }
0x5c: {  	_ =	shalt  }
0x5d: {  	_ =	shalt  }
0x5e: {  	_ =	shalt  }
0x5f: {  	_ =	shalt  }
0x60: {  	_ =	shalt  }
0x61: {  	_ =	shalt  }
0x62: {  	_ =	shalt  }
0x63: {  	_ =	shalt  }
0x64: {  	_ =	shalt  }
0x65: {  	_ =	shalt  }
0x66: {  	_ =	shalt  }
0x67: {  	_ =	shalt  }
0x68: {  	_ =	shalt  }
0x69: {  	_ =	shalt  }
0x6a: {  	_ =	shalt  }
0x6b: {  	_ =	shalt  }
0x6c: {  	_ =	shalt  }
0x6d: {  	_ =	shalt  }
0x6e: {  	_ =	shalt  }
0x6f: {  	_ =	shalt  }
0x70: {  	_ =	shalt  }
0x71: {  	_ =	shalt  }
0x72: {  	_ =	shalt  }
0x73: {  	_ =	shalt  }
0x74: {  	_ =	shalt  }
0x75: {  	_ =	shalt  }
0x76: {  	_ =	shalt  }
0x77: {  	_ =	shalt  }
0x78: {  	_ =	shalt  }
0x79: {  	_ =	shalt  }
0x7a: {  	_ =	shalt  }
0x7b: {  	_ =	shalt  }
0x7c: {  	_ =	shalt  }
0x7d: {  	_ =	shalt  }
0x7e: {  	_ =	shalt  }
0x7f: {  	_ =	shalt  }
0x80: {  	_ =	shalt  }
0x81: {  	_ =	shalt  }
0x82: {  	_ =	shalt  }
0x83: {  	_ =	shalt  }
0x84: {  	_ =	shalt  }
0x85: {  	_ =	shalt  }
0x86: {  	_ =	shalt  }
0x87: {  	_ =	shalt  }
.Lfunc_end0:
.L_simem_size_0:
called_computation_lowered:
.L_overlay_start_0:
0x88: {  	s2 =	sld [smem:$0x3FD9]  }
0x89: {  	s3 =	sld [smem:$0x3FFE];
	_ =	sdelay $0x1  }
0x8a: {  	s1 =	srdreg.scid  }
0x8b: {  	s0 =	sand.u32 $0x1, s1  }
0x8c: {  	s17 =	sshll.u32 s0, $0xA;
	s2 =	sadd.s32 s3, s2  }
0x8d: {  	s2 =	sadd.s32 s2, s17  }
0x8e: {  	[smem:$0x3FC7] =	sst s2  }
0x8f: {  	_ = 	snop  }
0x90: {  	s2 =	sld [smem:$0x3FD0];
	(tm) =	ssettm $0x1  }
0x91: {  	s18 =	sld [smem:$0x3FFB];
	_ =	sdelay $0x3  }
0x92: {  	_ =	strace s18  }
0x93: {  	s3 =	sld [smem:$0x3FFC];
	_ =	sdelay $0x3  }
0x94: {  	_ =	strace s3  }
0x95: {  	s3 =	sld [smem:$0x3FFD];
	_ =	sdelay $0x3  }
0x96: {  	_ =	strace s3  }
0x97: {  	_ =	strace $0x8FFFFFFF  }
0x98: {  	s19 =	sld [smem:$0x3FDB];
	_ =	sdelay $0x1  }
0x99: {  	s4 =	simm.s32 $_scs_section_size  }
0x9a: {  	s5 =	simm.s32 $_size__tile_overlayer_lowered;
	s6 =	simm.s32 $_tile_overlayer_lowered  }
0x9b: {  	s22 =	simm.s32 $0x1BFF;
	s21 =	sshll.u32 s6, $0x1;
	s3 =	sadd.s32 s4, s19  }
0x9c: {  	s7 =	simm.s32 $0x0;
	s20 =	sshll.u32 s5, $0x1;
	s5 =	sadd.s32 s21, s3  }
0x9d: {  	[timem:s7], [sflag:s22] =	dma.local [hbm:s5], s20  }
0x9e: {  	_ =	swait.ge [sflag:s22], s20  }
0x9f: {  	s4 =	ssub.s32 $0x0, s20;
	[sflag:s22] =	ssyncset.done $0x0  }
0xa0: {  	[sflag:s22] =	ssyncadd.s32 s4;
	_ =	sdelay $0x1  }
0xa1: {  	s23 =	simm.s32 $0x1B8B  }
0xa2: {  	_ =	swait.ge [sflag:s23], $0x1  }
0xa3: {  	[sflag:s23] =	ssyncset.done $0x0  }
0xa4: {  	s25 =	simm.s32 $0x1B8E;
	s24 =	sld [smem:$0x3FFE];
	[sflag:s23] =	ssyncadd.s32 $0xFFFFFFFF  }
0xa5: {  	s26 =	simm.s32 $execute0_lowered;
	[smem:$0x3FD2] =	sst s25  }
0xa6: {  	s5 =	sshll.u32 s26, $0x1;
	_ =	strace $0x80000046;
	[dreg:$0x1] =	wrdreg $0xFFFFFFFF  }
0xa7: {  	s28 =	simm.s32 $_size_execute0_lowered;
	s3 =	sadd.s32 s3, s5;
	[dreg:$0x0] =	wrdreg $0x0  }
0xa8: {  	s5 =	sshll.u32 s28, $0x1;
	[dreg:$0x2] =	wrdreg s3  }
0xa9: {  	[dreg:$0x3] =	wrdreg s5  }
0xaa: {  	[dreg:$0x4] =	wrdreg $0xC0  }
0xab: {  	_ =	task [dreg:s7], $0x5FFFF  }
0xac: {  	[dreg:$0x1] =	wrdreg $0xFFFFFFFF  }
0xad: {  	[dreg:$0x0] =	wrdreg $0x60  }
0xae: {  	[dreg:$0x2] =	wrdreg s24  }
0xaf: {  	[dreg:$0x3] =	wrdreg s2  }
0xb0: {  	[dreg:$0x4] =	wrdreg $0x190000  }
0xb1: {  	[dreg:$0x5] =	wrdreg $0x9  }
0xb2: {  	_ =	task.clear_ibuf [dreg:s7], $0x6FFFF;
	_ =	strace $0x90000046  }
0xb3: {  	s29 =	simm.s32 $0x9;
	_ =	strace $0x80000048  }
0xb4: {  	_ =	swait.ge [sflag:s29], $0x1  }
0xb5: {  	[sflag:s29] =	ssyncadd.s32 $0xFFFFFFFF  }
0xb6: {  	_ =	strace $0x90000048  }
0xb7: {  	_ =	sfence  }
0xb8: {  	s30 =	sld [smem:$0x0];
	_ =	sdelay $0x2  }
0xb9: {  	s31 =	sshll.u32 s1, $0xD;
	s1 =	sshrl.u32 s1, $0x2  }
0xba: {  	s3 =	sand.u32 $0x4000, s31;
	s1 =	sadd.s32 s1, s30  }
0xbb: {  	s0 =	sor.u32 s3, s0;
	s1 =	sshll.u32 s1, $0x11  }
0xbc: {  	s0 =	sor.u32 s1, s0  }
0xbd: {  	s0 =	sadd.s32 $0x8F2B, s0  }
0xbe: {  	[sflag:s0] =	ssyncadd.remote.s32 $0x1  }
0xbf: {  	_ =	sfence.sel $0xFFFF  }
0xc0: {  	[dreg:$0x0] =	wrdreg $0xFFFFFFFF;
	(pc) =	sbr.abs _section_cstart, $3  }
0xc1: {  	[dreg:$0x1] =	wrdreg $0xFFFFFFFF  }
0xc2: {  	_ =	task.clear_ibuf [dreg:s7], $0x2FFFF;
	_ =	strace $0x9FFFFFFF  }
0xc3: {  	(tm) =	ssettm $0x7FFFFFFF  }
tec
execute0_lowered:
.L_overlay_start_1:
0x0: {  	(tag) =	ssettag $0x1  }
0x1: {  	s2 =	rddreg [dreg:$0x0]  }
0x2: {  	s4 =	rddreg [dreg:$0x1]  }
0x3: {  	s21 =	rddreg [dreg:$0x2]  }
0x4: {  	s29 =	rddreg [dreg:$0x3];
	s3 =	srdreg.scid  }
0x5: {  	s1 =	simm.s32 $0x0;
	s22 =	stileid.u32;
	s3 =	sand.u32 $0x1, s3  }
0x6: {  	[smem:$0x7FF] =	sst s1;
	s5 =	sshll.u32 s22, $0xD;
	s7 =	sadd.s32 $0x400, s2  }
0x7: {  	s10 =	sadd.s32 $0x6800, s2;
	_ =	strace $0x80000047;
	[dreg:$0x4] =	wrdreg s7  }
0x8: {  	s0 =	sadd.s32 $0x1D00, s2;
	s6 =	sshll.u32 s3, $0xC;
	[dreg:$0x5] =	wrdreg s10  }
0x9: {  	[dreg:$0x15] =	wrdreg s0;
	s5 =	sor.u32 s6, s5  }
0xa: {  	s31 =	rddreg [dreg:$0x4];
	s23 =	sadd.s32 s4, s5;
	s5 =	sadd.s32 $0xC800, s21  }
0xb: {  	s4 =	sadd.s32 $0x100, s23;
	[dreg:$0x16] =	wrdreg s5  }
0xc: {  	s11 =	sadd.s32 $0x200, s23;
	[dreg:$0x6] =	wrdreg s4  }
0xd: {  	s12 =	sadd.s32 $0x300, s23;
	[dreg:$0x7] =	wrdreg s11  }
0xe: {  	s13 =	sadd.s32 $0x400, s23;
	[dreg:$0x8] =	wrdreg s12  }
0xf: {  	s14 =	sadd.s32 $0x500, s23;
	[dreg:$0x9] =	wrdreg s13  }
0x10: {  	s15 =	sadd.s32 $0x600, s23;
	[dreg:$0xa] =	wrdreg s14  }
0x11: {  	s16 =	sadd.s32 $0x700, s23;
	[dreg:$0xb] =	wrdreg s15  }
0x12: {  	s17 =	sadd.s32 $0x800, s23;
	[dreg:$0xc] =	wrdreg s16  }
0x13: {  	s18 =	sadd.s32 $0x900, s23;
	[dreg:$0xd] =	wrdreg s17  }
0x14: {  	s19 =	sadd.s32 $0xA00, s23;
	[dreg:$0xe] =	wrdreg s18  }
0x15: {  	s20 =	sadd.s32 $0xB00, s23;
	[dreg:$0xf] =	wrdreg s19  }
0x16: {  	s24 =	sadd.s32 $0xC00, s23;
	[dreg:$0x10] =	wrdreg s20  }
0x17: {  	s25 =	sadd.s32 $0xD00, s23;
	[dreg:$0x11] =	wrdreg s24  }
0x18: {  	s26 =	sadd.s32 $0xE00, s23;
	[dreg:$0x12] =	wrdreg s25  }
0x19: {  	s28 =	sadd.s32 $0xF00, s23;
	[dreg:$0x13] =	wrdreg s26  }
0x1a: {  	s6 =	sadd.s32 $0x320000, s23;
	[dreg:$0x14] =	wrdreg s28  }
0x1b: {  	s7 =	sadd.s32 $0x320100, s23;
	[dreg:$0x17] =	wrdreg s6  }
0x1c: {  	s8 =	sadd.s32 $0x320200, s23;
	[dreg:$0x18] =	wrdreg s7  }
0x1d: {  	s9 =	sadd.s32 $0x320300, s23;
	[dreg:$0x19] =	wrdreg s8  }
0x1e: {  	s10 =	sadd.s32 $0x320400, s23;
	[dreg:$0x1a] =	wrdreg s9  }
0x1f: {  	s0 =	sadd.s32 $0x640100, s23;
	[dreg:$0x1b] =	wrdreg s10  }
0x20: {  	s5 =	sadd.s32 $0x640200, s23;
	[smem:$0x7E8] =	sst s0  }
0x21: {  	s11 =	sadd.s32 $0x320500, s23;
	[smem:$0x7E9] =	sst s5  }
0x22: {  	s12 =	sadd.s32 $0x320600, s23;
	[dreg:$0x1c] =	wrdreg s11  }
0x23: {  	s15 =	sadd.s32 $0x320900, s23;
	[dreg:$0x1d] =	wrdreg s12  }
0x24: {  	s16 =	sadd.s32 $0x320A00, s23;
	[smem:$0x7DE] =	sst s15  }
0x25: {  	s17 =	sadd.s32 $0x320B00, s23;
	[smem:$0x7DF] =	sst s16  }
0x26: {  	s18 =	sadd.s32 $0x320C00, s23;
	[smem:$0x7E0] =	sst s17  }
0x27: {  	s19 =	sadd.s32 $0x320D00, s23;
	[smem:$0x7E1] =	sst s18  }
0x28: {  	s20 =	sadd.s32 $0x320E00, s23;
	[smem:$0x7E2] =	sst s19  }
0x29: {  	s24 =	sadd.s32 $0x320F00, s23;
	[smem:$0x7E3] =	sst s20  }
0x2a: {  	s13 =	sadd.s32 $0x320700, s23;
	s25 =	sadd.s32 $0x3600, s2;
	[smem:$0x7E4] =	sst s24  }
0x2b: {  	s14 =	sadd.s32 $0x320800, s23;
	s26 =	sadd.s32 $0x9A00, s2;
	[smem:$0x7E5] =	sst s25  }
0x2c: {  	s28 =	sadd.s32 $0x640000, s23;
	s6 =	sadd.s32 $0x640300, s23;
	[smem:$0x7E6] =	sst s26  }
0x2d: {  	s7 =	sadd.s32 $0x640400, s23;
	[smem:$0x7E7] =	sst s28  }
0x2e: {  	s8 =	sadd.s32 $0x640500, s23;
	[smem:$0x7EA] =	sst s6  }
0x2f: {  	s9 =	sadd.s32 $0x640600, s23;
	[smem:$0x7EB] =	sst s7  }
0x30: {  	s10 =	sadd.s32 $0x640700, s23;
	[smem:$0x7EC] =	sst s8  }
0x31: {  	s4 =	sadd.s32 $0x960600, s23;
	[smem:$0x7ED] =	sst s9  }
0x32: {  	s2 =	sadd.s32 $0x4F00, s2;
	s5 =	sadd.s32 $0x960700, s23;
	[smem:$0x7EE] =	sst s10  }
0x33: {  	[dreg:$0x1e] =	wrdreg s13;
	s11 =	sadd.s32 $0x640800, s23;
	s12 =	sadd.s32 $0x640900, s23  }
0x34: {  	[dreg:$0x1f] =	wrdreg s14;
	s13 =	sadd.s32 $0x640A00, s23;
	s14 =	sadd.s32 $0x640B00, s23  }
0x35: {  	s15 =	sadd.s32 $0x640C00, s23;
	[smem:$0x7F7] =	sst s2  }
0x36: {  	s16 =	sadd.s32 $0x640D00, s23;
	[smem:$0x7EF] =	sst s11  }
0x37: {  	s17 =	sadd.s32 $0x640E00, s23;
	[smem:$0x7F0] =	sst s12  }
0x38: {  	s19 =	sadd.s32 $0x640F00, s23;
	[smem:$0x7F1] =	sst s13  }
0x39: {  	s24 =	sadd.s32 $0x960100, s23;
	[smem:$0x7F2] =	sst s14  }
0x3a: {  	p1 =	por $0x0, $0x0;
	s25 =	sadd.s32 $0x960200, s23;
	[smem:$0x7F3] =	sst s15  }
0x3b: {  	p0 =	sne.s32 s22, $0x0;
	s26 =	sadd.s32 $0x960300, s23;
	[smem:$0x7F4] =	sst s16  }
0x3c: {  	s3 =	ssub.s32 $0x2, s3;
	s8 =	sadd.s32 $0x960400, s23;
	[smem:$0x7F5] =	sst s17  }
0x3d: {  	s20 =	sadd.s32 $0x960000, s23;
	s10 =	sadd.s32 $0x960500, s23;
	[smem:$0x7F6] =	sst s19  }
0x3e: {  	s18 =	sshrl.u32 s3, $0x1;
	s6 =	sadd.s32 $0x960800, s23;
	[smem:$0x7F8] =	sst s20  }
0x3f: {  	s7 =	sadd.s32 $0x960900, s23;
	s3 =	ssub.s32 s3, s18;
	[smem:$0x7F9] =	sst s24  }
0x40: {  	s9 =	sadd.s32 $0x960B00, s23;
	[smem:$0x7FA] =	sst s25;
	s28 =	smax.u32 s3, $0x1  }
0x41: {  	[smem:$0x7FC] =	sst s8;
	s8 =	sadd.s32 $0x960A00, s23;
	s30 =	sadd.s32 $0xFFFFFFFF, s28  }
0x42: {  	[smem:$0x7FD] =	sst s10;
	s10 =	sadd.s32 $0x960C00, s23;
	p2 =	sne.s32 s30, $0x0  }
.Ltmp0:
0x43: {  	[smem:$0x7FB] =	sst s26;
	s11 =	sadd.s32 $0x960D00, s23;
	(pc) =	sbr.rel @!p2 .LBB2_5-.Ltmp0, $4  }
0x44: {  	s2 =	simm.s32 $0x3;
	s12 =	sadd.s32 $0x960E00, s23;
	s13 =	sadd.s32 $0x960F00, s23  }
0x45: {  	s20 =	simm.s32 $0x1;
	s17 =	simm.s32 $0x10;
	s18 =	simm.s32 $0x20000  }
0x46: {  	s19 =	simm.s32 $0x100;
	s14 =	simm.s32 $0x800;
	s15 =	simm.s32 $0x100000  }
0x47: {  	s16 =	simm.s32 $0xC800;
	s24 =	sshrl.u32 @!p0 s21, $0x3;
	s3 =	simm.s32 $0x2  }
0x48: {  	[tilespmem:s1], [sflag:$0x1] =	stream.linear.gather [hbm4b:s31+s1], $0xC800, $0x38;
	[tilespmem:$0x1A900] =	vst v63  }
0x49: {  	[bflag:$0x0] =	sbarrier.arrive $0xFFFF  }
0x4a: {  	s25 =	simm.s32 @!p0 $0x1C04;
	s26 =	simm.s32 @!p0 $0x4;
	s28 =	rddreg [dreg:$0x5]  }
0x4b: {  	[spmem:s24], [sflag:s25] =	dma.local @!p0 [hbm:s28], $0x3200  }
0x4c: {  	_ =	swait.ge @!p0 [sflag:s26], $0x3200  }
0x4d: {  	[sflag:s26] =	ssyncset.done @!p0 $0x0  }
0x4e: {  	[sflag:s26] =	ssyncadd.s32 @!p0 $0xFFFFCE00  }
0x4f: {  	[bflag:$0x0] =	sbarrier.arrive $0xFFFF  }
0x50: {  	_ =	swait.ge [sflag:s20], $0xC800  }
0x51: {  	s28 =	sshll.u32 s22, $0x6;
	[sflag:s20] =	ssyncset.done $0x0  }
0x52: {  	s29 =	sshrl.u32 s21, $0x3;
	s28 =	sor.u32 $0x1C03, s28;
	[sflag:s20] =	ssyncadd.s32 $0xFFFF3800  }
0x53: {  	[hbm:s23@s18], [sflag:s28] =	dma.strided [spmem:s29@s19], $0x1900, s17, $0x10   }
0x54: {  	s31 =	rddreg [dreg:$0x6]  }
0x55: {  	[hbm:s31@s18], [sflag:s28] =	dma.strided [spmem:s29@s19], $0x1900, s17, $0x10   }
0x56: {  	s31 =	rddreg [dreg:$0x7]  }
0x57: {  	[hbm:s31@s18], [sflag:s28] =	dma.strided [spmem:s29@s19], $0x1900, s17, $0x10   }
0x58: {  	s31 =	rddreg [dreg:$0x8]  }
0x59: {  	[hbm:s31@s18], [sflag:s28] =	dma.strided [spmem:s29@s19], $0x1900, s17, $0x10   }
0x5a: {  	s31 =	rddreg [dreg:$0x9]  }
0x5b: {  	[hbm:s31@s18], [sflag:s28] =	dma.strided [spmem:s29@s19], $0x1900, s17, $0x10   }
0x5c: {  	s31 =	rddreg [dreg:$0xa]  }
0x5d: {  	[hbm4b:s31+s14] =	stream.strided.scatter [tilespmem:s1], [sflag:$0x2], $0xC800, s15, s14, $0x38;
	[tilespmem:$0x1A900] =	vst v63  }
0x5e: {  	s0 =	rddreg [dreg:$0xb]  }
0x5f: {  	[hbm4b:s0+s14] =	stream.strided.scatter [tilespmem:s1], [sflag:$0x2], $0xC800, s15, s14, $0x38;
	[tilespmem:$0x1A900] =	vst v63  }
0x60: {  	s31 =	rddreg [dreg:$0xc]  }
0x61: {  	[hbm4b:s31+s14] =	stream.strided.scatter [tilespmem:s1], [sflag:$0x2], $0xC800, s15, s14, $0x38;
	[tilespmem:$0x1A900] =	vst v63  }
0x62: {  	s21 =	rddreg [dreg:$0xd]  }
0x63: {  	[hbm4b:s21+s14] =	stream.strided.scatter [tilespmem:s1], [sflag:$0x2], $0xC800, s15, s14, $0x38;
	[tilespmem:$0x1A900] =	vst v63  }
0x64: {  	s31 =	rddreg [dreg:$0xe]  }
0x65: {  	[hbm4b:s31+s14] =	stream.strided.scatter [tilespmem:s1], [sflag:$0x2], $0xC800, s15, s14, $0x38;
	[tilespmem:$0x1A900] =	vst v63  }
0x66: {  	s21 =	rddreg [dreg:$0xf]  }
0x67: {  	[hbm4b:s21+s14] =	stream.strided.scatter [tilespmem:s1], [sflag:$0x2], $0xC800, s15, s14, $0x38;
	[tilespmem:$0x1A900] =	vst v63  }
0x68: {  	s31 =	rddreg [dreg:$0x10]  }
0x69: {  	[hbm4b:s31+s14] =	stream.strided.scatter [tilespmem:s1], [sflag:$0x2], $0xC800, s15, s14, $0x38;
	[tilespmem:$0x1A900] =	vst v63  }
0x6a: {  	s21 =	rddreg [dreg:$0x11]  }
0x6b: {  	[hbm4b:s21+s14] =	stream.strided.scatter [tilespmem:s1], [sflag:$0x2], $0xC800, s15, s14, $0x38;
	[tilespmem:$0x1A900] =	vst v63  }
0x6c: {  	s31 =	rddreg [dreg:$0x12]  }
0x6d: {  	[hbm4b:s31+s14] =	stream.strided.scatter [tilespmem:s1], [sflag:$0x2], $0xC800, s15, s14, $0x38;
	[tilespmem:$0x1A900] =	vst v63  }
0x6e: {  	s21 =	rddreg [dreg:$0x13]  }
0x6f: {  	[hbm4b:s21+s14] =	stream.strided.scatter [tilespmem:s1], [sflag:$0x2], $0xC800, s15, s14, $0x38;
	[tilespmem:$0x1A900] =	vst v63  }
0x70: {  	s31 =	rddreg [dreg:$0x14]  }
0x71: {  	[hbm4b:s31+s14] =	stream.strided.scatter [tilespmem:s1], [sflag:$0x2], $0xC800, s15, s14, $0x38;
	[tilespmem:$0x1A900] =	vst v63  }
0x72: {  	s21 =	rddreg [dreg:$0x15]  }
0x73: {  	[tilespmem:s16], [sflag:$0x1] =	stream.linear.gather [hbm4b:s21+s1], $0xC800, $0x38;
	[tilespmem:$0x1A900] =	vst v63  }
0x74: {  	_ =	swait.ge [sflag:s20], $0xC800  }
0x75: {  	s0 =	rddreg [dreg:$0x16];
	[sflag:s20] =	ssyncset.done $0x0  }
0x76: {  	s21 =	rddreg [dreg:$0x17];
	[sflag:s20] =	ssyncadd.s32 $0xFFFF3800;
	s31 =	sshrl.u32 s0, $0x3  }
0x77: {  	[hbm:s21@s18], [sflag:s28] =	dma.strided [spmem:s31@s19], $0x1900, s17, $0x10   }
0x78: {  	s21 =	rddreg [dreg:$0x18]  }
0x79: {  	[hbm:s21@s18], [sflag:s28] =	dma.strided [spmem:s31@s19], $0x1900, s17, $0x10   }
0x7a: {  	s0 =	rddreg [dreg:$0x19]  }
0x7b: {  	[hbm:s0@s18], [sflag:s28] =	dma.strided [spmem:s31@s19], $0x1900, s17, $0x10   }
0x7c: {  	s0 =	rddreg [dreg:$0x1a]  }
0x7d: {  	[hbm:s0@s18], [sflag:s28] =	dma.strided [spmem:s31@s19], $0x1900, s17, $0x10   }
0x7e: {  	s0 =	rddreg [dreg:$0x1b]  }
0x7f: {  	[hbm:s0@s18], [sflag:s28] =	dma.strided [spmem:s31@s19], $0x1900, s17, $0x10   }
0x80: {  	s0 =	rddreg [dreg:$0x1c]  }
0x81: {  	s21 =	rddreg [dreg:$0x1d]  }
0x82: {  	[hbm4b:s0+s14] =	stream.strided.scatter [tilespmem:s16], [sflag:$0x2], $0xC800, s15, s14, $0x38;
	[tilespmem:$0x1A900] =	vst v63  }
0x83: {  	s0 =	rddreg [dreg:$0x1e]  }
0x84: {  	[hbm4b:s21+s14] =	stream.strided.scatter [tilespmem:s16], [sflag:$0x2], $0xC800, s15, s14, $0x38;
	[tilespmem:$0x1A900] =	vst v63  }
0x85: {  	s21 =	rddreg [dreg:$0x1f]  }
0x86: {  	[hbm4b:s0+s14] =	stream.strided.scatter [tilespmem:s16], [sflag:$0x2], $0xC800, s15, s14, $0x38;
	[tilespmem:$0x1A900] =	vst v63  }
0x87: {  	s0 =	sld [smem:$0x7DE]  }
0x88: {  	[hbm4b:s21+s14] =	stream.strided.scatter [tilespmem:s16], [sflag:$0x2], $0xC800, s15, s14, $0x38;
	[tilespmem:$0x1A900] =	vst v63  }
0x89: {  	s21 =	sld [smem:$0x7DF]  }
0x8a: {  	[hbm4b:s0+s14] =	stream.strided.scatter [tilespmem:s16], [sflag:$0x2], $0xC800, s15, s14, $0x38;
	[tilespmem:$0x1A900] =	vst v63  }
0x8b: {  	s0 =	sld [smem:$0x7E0]  }
0x8c: {  	[hbm4b:s21+s14] =	stream.strided.scatter [tilespmem:s16], [sflag:$0x2], $0xC800, s15, s14, $0x38;
	[tilespmem:$0x1A900] =	vst v63  }
0x8d: {  	s21 =	sld [smem:$0x7E1]  }
0x8e: {  	[hbm4b:s0+s14] =	stream.strided.scatter [tilespmem:s16], [sflag:$0x2], $0xC800, s15, s14, $0x38;
	[tilespmem:$0x1A900] =	vst v63  }
0x8f: {  	s0 =	sld [smem:$0x7E2]  }
0x90: {  	[hbm4b:s21+s14] =	stream.strided.scatter [tilespmem:s16], [sflag:$0x2], $0xC800, s15, s14, $0x38;
	[tilespmem:$0x1A900] =	vst v63  }
0x91: {  	s21 =	sld [smem:$0x7E3]  }
0x92: {  	[hbm4b:s0+s14] =	stream.strided.scatter [tilespmem:s16], [sflag:$0x2], $0xC800, s15, s14, $0x38;
	[tilespmem:$0x1A900] =	vst v63  }
0x93: {  	s0 =	sld [smem:$0x7E4]  }
0x94: {  	[hbm4b:s21+s14] =	stream.strided.scatter [tilespmem:s16], [sflag:$0x2], $0xC800, s15, s14, $0x38;
	[tilespmem:$0x1A900] =	vst v63  }
0x95: {  	_ = 	snop  }
0x96: {  	[hbm4b:s0+s14] =	stream.strided.scatter [tilespmem:s16], [sflag:$0x2], $0xC800, s15, s14, $0x38;
	[tilespmem:$0x1A900] =	vst v63  }
0x97: {  	_ =	swait.ge [sflag:s3], $0xC800  }
0x98: {  	[sflag:s3] =	ssyncset.done $0x0  }
0x99: {  	[sflag:s3] =	ssyncadd.s32 $0xFFFF3800  }
0x9a: {  	_ =	swait.ge [sflag:s3], $0xC800  }
0x9b: {  	[sflag:s3] =	ssyncset.done $0x0  }
0x9c: {  	[sflag:s3] =	ssyncadd.s32 $0xFFFF3800  }
0x9d: {  	_ =	swait.ge [sflag:s3], $0xC800  }
0x9e: {  	[sflag:s3] =	ssyncset.done $0x0  }
0x9f: {  	[sflag:s3] =	ssyncadd.s32 $0xFFFF3800  }
0xa0: {  	_ =	swait.ge [sflag:s3], $0xC800  }
0xa1: {  	[sflag:s3] =	ssyncset.done $0x0  }
0xa2: {  	[sflag:s3] =	ssyncadd.s32 $0xFFFF3800  }
0xa3: {  	_ =	swait.ge [sflag:s3], $0xC800  }
0xa4: {  	[sflag:s3] =	ssyncset.done $0x0  }
0xa5: {  	[sflag:s3] =	ssyncadd.s32 $0xFFFF3800  }
0xa6: {  	_ =	swait.ge [sflag:s3], $0xC800  }
0xa7: {  	[sflag:s3] =	ssyncset.done $0x0  }
0xa8: {  	[sflag:s3] =	ssyncadd.s32 $0xFFFF3800  }
0xa9: {  	_ =	swait.ge [sflag:s3], $0xC800  }
0xaa: {  	[sflag:s3] =	ssyncset.done $0x0  }
0xab: {  	[sflag:s3] =	ssyncadd.s32 $0xFFFF3800  }
0xac: {  	_ =	swait.ge [sflag:s3], $0xC800  }
0xad: {  	[sflag:s3] =	ssyncset.done $0x0  }
0xae: {  	[sflag:s3] =	ssyncadd.s32 $0xFFFF3800  }
0xaf: {  	_ =	swait.ge [sflag:s3], $0xC800  }
0xb0: {  	[sflag:s3] =	ssyncset.done $0x0  }
0xb1: {  	[sflag:s3] =	ssyncadd.s32 $0xFFFF3800  }
0xb2: {  	_ =	swait.ge [sflag:s3], $0xC800  }
0xb3: {  	[sflag:s3] =	ssyncset.done $0x0  }
0xb4: {  	[sflag:s3] =	ssyncadd.s32 $0xFFFF3800  }
0xb5: {  	_ =	swait.ge [sflag:s3], $0xC800  }
0xb6: {  	s21 =	sld [smem:$0x7E5]  }
0xb7: {  	[sflag:s3] =	ssyncset.done $0x0  }
0xb8: {  	[sflag:s3] =	ssyncadd.s32 $0xFFFF3800  }
0xb9: {  	[tilespmem:s1], [sflag:$0x1] =	stream.linear.gather [hbm4b:s21+s1], $0xC800, $0x38;
	[tilespmem:$0x1A900] =	vst v63  }
0xba: {  	_ =	swait.ge [sflag:s2], $0x1900  }
0xbb: {  	[sflag:s2] =	ssyncset.done $0x0  }
0xbc: {  	[sflag:s2] =	ssyncadd.s32 $0xFFFFE700  }
0xbd: {  	_ =	swait.ge [sflag:s2], $0x1900  }
0xbe: {  	[sflag:s2] =	ssyncset.done $0x0  }
0xbf: {  	[sflag:s2] =	ssyncadd.s32 $0xFFFFE700  }
0xc0: {  	_ =	swait.ge [sflag:s2], $0x1900  }
0xc1: {  	[sflag:s2] =	ssyncset.done $0x0  }
0xc2: {  	[sflag:s2] =	ssyncadd.s32 $0xFFFFE700  }
0xc3: {  	_ =	swait.ge [sflag:s2], $0x1900  }
0xc4: {  	[sflag:s2] =	ssyncset.done $0x0  }
0xc5: {  	[sflag:s2] =	ssyncadd.s32 $0xFFFFE700  }
0xc6: {  	_ =	swait.ge [sflag:s2], $0x1900  }
0xc7: {  	[sflag:s2] =	ssyncset.done $0x0  }
0xc8: {  	[sflag:s2] =	ssyncadd.s32 $0xFFFFE700  }
0xc9: {  	_ =	swait.ge [sflag:s2], $0x1900  }
0xca: {  	[sflag:s2] =	ssyncset.done $0x0  }
0xcb: {  	[sflag:s2] =	ssyncadd.s32 $0xFFFFE700  }
0xcc: {  	_ =	swait.ge [sflag:s2], $0x1900  }
0xcd: {  	[sflag:s2] =	ssyncset.done $0x0  }
0xce: {  	[sflag:s2] =	ssyncadd.s32 $0xFFFFE700  }
0xcf: {  	_ =	swait.ge [sflag:s2], $0x1900  }
0xd0: {  	[sflag:s2] =	ssyncset.done $0x0  }
0xd1: {  	[sflag:s2] =	ssyncadd.s32 $0xFFFFE700  }
0xd2: {  	_ =	swait.ge [sflag:s2], $0x1900  }
0xd3: {  	[sflag:s2] =	ssyncset.done $0x0  }
0xd4: {  	[sflag:s2] =	ssyncadd.s32 $0xFFFFE700  }
0xd5: {  	_ =	swait.ge [sflag:s2], $0x1900  }
0xd6: {  	[sflag:s2] =	ssyncset.done $0x0  }
0xd7: {  	[sflag:s2] =	ssyncadd.s32 $0xFFFFE700  }
0xd8: {  	[bflag:$0x0] =	sbarrier.arrive $0xFFFF  }
0xd9: {  	s0 =	sld [smem:$0x7E6];
	_ =	sdelay $0x2  }
0xda: {  	[spmem:s24], [sflag:s25] =	dma.local @!p0 [hbm:s0], $0x3200  }
0xdb: {  	_ =	swait.ge @!p0 [sflag:s26], $0x3200  }
0xdc: {  	[sflag:s26] =	ssyncset.done @!p0 $0x0  }
0xdd: {  	[sflag:s26] =	ssyncadd.s32 @!p0 $0xFFFFCE00  }
0xde: {  	[bflag:$0x0] =	sbarrier.arrive $0xFFFF  }
0xdf: {  	_ =	swait.ge [sflag:s20], $0xC800  }
0xe0: {  	s21 =	sld [smem:$0x7E7]  }
0xe1: {  	[sflag:s20] =	ssyncset.done $0x0  }
0xe2: {  	[sflag:s20] =	ssyncadd.s32 $0xFFFF3800  }
0xe3: {  	[hbm:s21@s18], [sflag:s28] =	dma.strided [spmem:s29@s19], $0x1900, s17, $0x10   }
0xe4: {  	s0 =	sld [smem:$0x7E8];
	_ =	sdelay $0x2  }
0xe5: {  	[hbm:s0@s18], [sflag:s28] =	dma.strided [spmem:s29@s19], $0x1900, s17, $0x10   }
0xe6: {  	s0 =	sld [smem:$0x7E9];
	_ =	sdelay $0x2  }
0xe7: {  	[hbm:s0@s18], [sflag:s28] =	dma.strided [spmem:s29@s19], $0x1900, s17, $0x10   }
0xe8: {  	s0 =	sld [smem:$0x7EA];
	_ =	sdelay $0x2  }
0xe9: {  	[hbm:s0@s18], [sflag:s28] =	dma.strided [spmem:s29@s19], $0x1900, s17, $0x10   }
0xea: {  	s0 =	sld [smem:$0x7EB];
	_ =	sdelay $0x2  }
0xeb: {  	[hbm:s0@s18], [sflag:s28] =	dma.strided [spmem:s29@s19], $0x1900, s17, $0x10   }
0xec: {  	s0 =	sld [smem:$0x7EC];
	_ =	sdelay $0x1  }
0xed: {  	s21 =	sld [smem:$0x7ED]  }
0xee: {  	[hbm4b:s0+s14] =	stream.strided.scatter [tilespmem:s1], [sflag:$0x2], $0xC800, s15, s14, $0x38;
	[tilespmem:$0x1A900] =	vst v63  }
0xef: {  	s0 =	sld [smem:$0x7EE]  }
0xf0: {  	[hbm4b:s21+s14] =	stream.strided.scatter [tilespmem:s1], [sflag:$0x2], $0xC800, s15, s14, $0x38;
	[tilespmem:$0x1A900] =	vst v63  }
0xf1: {  	s21 =	sld [smem:$0x7EF]  }
0xf2: {  	[hbm4b:s0+s14] =	stream.strided.scatter [tilespmem:s1], [sflag:$0x2], $0xC800, s15, s14, $0x38;
	[tilespmem:$0x1A900] =	vst v63  }
0xf3: {  	s0 =	sld [smem:$0x7F0]  }
0xf4: {  	[hbm4b:s21+s14] =	stream.strided.scatter [tilespmem:s1], [sflag:$0x2], $0xC800, s15, s14, $0x38;
	[tilespmem:$0x1A900] =	vst v63  }
0xf5: {  	s21 =	sld [smem:$0x7F1]  }
0xf6: {  	[hbm4b:s0+s14] =	stream.strided.scatter [tilespmem:s1], [sflag:$0x2], $0xC800, s15, s14, $0x38;
	[tilespmem:$0x1A900] =	vst v63  }
0xf7: {  	s0 =	sld [smem:$0x7F2]  }
0xf8: {  	[hbm4b:s21+s14] =	stream.strided.scatter [tilespmem:s1], [sflag:$0x2], $0xC800, s15, s14, $0x38;
	[tilespmem:$0x1A900] =	vst v63  }
0xf9: {  	s21 =	sld [smem:$0x7F3]  }
0xfa: {  	[hbm4b:s0+s14] =	stream.strided.scatter [tilespmem:s1], [sflag:$0x2], $0xC800, s15, s14, $0x38;
	[tilespmem:$0x1A900] =	vst v63  }
0xfb: {  	s0 =	sld [smem:$0x7F4]  }
0xfc: {  	[hbm4b:s21+s14] =	stream.strided.scatter [tilespmem:s1], [sflag:$0x2], $0xC800, s15, s14, $0x38;
	[tilespmem:$0x1A900] =	vst v63  }
0xfd: {  	s21 =	sld [smem:$0x7F5]  }
0xfe: {  	[hbm4b:s0+s14] =	stream.strided.scatter [tilespmem:s1], [sflag:$0x2], $0xC800, s15, s14, $0x38;
	[tilespmem:$0x1A900] =	vst v63  }
0xff: {  	s0 =	sld [smem:$0x7F6]  }
0x100: {  	[hbm4b:s21+s14] =	stream.strided.scatter [tilespmem:s1], [sflag:$0x2], $0xC800, s15, s14, $0x38;
	[tilespmem:$0x1A900] =	vst v63  }
0x101: {  	_ = 	snop  }
0x102: {  	[hbm4b:s0+s14] =	stream.strided.scatter [tilespmem:s1], [sflag:$0x2], $0xC800, s15, s14, $0x38;
	[tilespmem:$0x1A900] =	vst v63  }
0x103: {  	_ =	swait.ge [sflag:s3], $0xC800  }
0x104: {  	[sflag:s3] =	ssyncset.done $0x0  }
0x105: {  	[sflag:s3] =	ssyncadd.s32 $0xFFFF3800  }
0x106: {  	_ =	swait.ge [sflag:s3], $0xC800  }
0x107: {  	[sflag:s3] =	ssyncset.done $0x0  }
0x108: {  	[sflag:s3] =	ssyncadd.s32 $0xFFFF3800  }
0x109: {  	_ =	swait.ge [sflag:s3], $0xC800  }
0x10a: {  	[sflag:s3] =	ssyncset.done $0x0  }
0x10b: {  	[sflag:s3] =	ssyncadd.s32 $0xFFFF3800  }
0x10c: {  	_ =	swait.ge [sflag:s3], $0xC800  }
0x10d: {  	[sflag:s3] =	ssyncset.done $0x0  }
0x10e: {  	[sflag:s3] =	ssyncadd.s32 $0xFFFF3800  }
0x10f: {  	_ =	swait.ge [sflag:s3], $0xC800  }
0x110: {  	[sflag:s3] =	ssyncset.done $0x0  }
0x111: {  	[sflag:s3] =	ssyncadd.s32 $0xFFFF3800  }
0x112: {  	_ =	swait.ge [sflag:s3], $0xC800  }
0x113: {  	[sflag:s3] =	ssyncset.done $0x0  }
0x114: {  	[sflag:s3] =	ssyncadd.s32 $0xFFFF3800  }
0x115: {  	_ =	swait.ge [sflag:s3], $0xC800  }
0x116: {  	[sflag:s3] =	ssyncset.done $0x0  }
0x117: {  	[sflag:s3] =	ssyncadd.s32 $0xFFFF3800  }
0x118: {  	_ =	swait.ge [sflag:s3], $0xC800  }
0x119: {  	[sflag:s3] =	ssyncset.done $0x0  }
0x11a: {  	[sflag:s3] =	ssyncadd.s32 $0xFFFF3800  }
0x11b: {  	_ =	swait.ge [sflag:s3], $0xC800  }
0x11c: {  	[sflag:s3] =	ssyncset.done $0x0  }
0x11d: {  	[sflag:s3] =	ssyncadd.s32 $0xFFFF3800  }
0x11e: {  	_ =	swait.ge [sflag:s3], $0xC800  }
0x11f: {  	[sflag:s3] =	ssyncset.done $0x0  }
0x120: {  	[sflag:s3] =	ssyncadd.s32 $0xFFFF3800  }
0x121: {  	_ =	swait.ge [sflag:s3], $0xC800  }
0x122: {  	s21 =	sld [smem:$0x7F7]  }
0x123: {  	[sflag:s3] =	ssyncset.done $0x0  }
0x124: {  	[sflag:s3] =	ssyncadd.s32 $0xFFFF3800  }
0x125: {  	[tilespmem:s16], [sflag:$0x1] =	stream.linear.gather [hbm4b:s21+s1], $0xC800, $0x38;
	[tilespmem:$0x1A900] =	vst v63  }
0x126: {  	_ =	swait.ge [sflag:s20], $0xC800  }
0x127: {  	s21 =	sld [smem:$0x7F8]  }
0x128: {  	[sflag:s20] =	ssyncset.done $0x0  }
0x129: {  	[sflag:s20] =	ssyncadd.s32 $0xFFFF3800  }
0x12a: {  	[hbm:s21@s18], [sflag:s28] =	dma.strided [spmem:s31@s19], $0x1900, s17, $0x10   }
0x12b: {  	s0 =	sld [smem:$0x7F9];
	_ =	sdelay $0x2  }
0x12c: {  	[hbm:s0@s18], [sflag:s28] =	dma.strided [spmem:s31@s19], $0x1900, s17, $0x10   }
0x12d: {  	s0 =	sld [smem:$0x7FA];
	_ =	sdelay $0x2  }
0x12e: {  	[hbm:s0@s18], [sflag:s28] =	dma.strided [spmem:s31@s19], $0x1900, s17, $0x10   }
0x12f: {  	s0 =	sld [smem:$0x7FB];
	_ =	sdelay $0x2  }
0x130: {  	[hbm:s0@s18], [sflag:s28] =	dma.strided [spmem:s31@s19], $0x1900, s17, $0x10   }
0x131: {  	s0 =	sld [smem:$0x7FC];
	_ =	sdelay $0x2  }
0x132: {  	[hbm:s0@s18], [sflag:s28] =	dma.strided [spmem:s31@s19], $0x1900, s17, $0x10   }
0x133: {  	s0 =	sld [smem:$0x7FD];
	_ =	sdelay $0x2  }
0x134: {  	[hbm4b:s0+s14] =	stream.strided.scatter [tilespmem:s16], [sflag:$0x2], $0xC800, s15, s14, $0x38;
	[tilespmem:$0x1A900] =	vst v63  }
0x135: {  	_ = 	snop  }
0x136: {  	[hbm4b:s4+s14] =	stream.strided.scatter [tilespmem:s16], [sflag:$0x2], $0xC800, s15, s14, $0x38;
	[tilespmem:$0x1A900] =	vst v63  }
0x137: {  	_ = 	snop  }
0x138: {  	[hbm4b:s5+s14] =	stream.strided.scatter [tilespmem:s16], [sflag:$0x2], $0xC800, s15, s14, $0x38;
	[tilespmem:$0x1A900] =	vst v63  }
0x139: {  	_ = 	snop  }
0x13a: {  	[hbm4b:s6+s14] =	stream.strided.scatter [tilespmem:s16], [sflag:$0x2], $0xC800, s15, s14, $0x38;
	[tilespmem:$0x1A900] =	vst v63  }
0x13b: {  	_ = 	snop  }
0x13c: {  	[hbm4b:s7+s14] =	stream.strided.scatter [tilespmem:s16], [sflag:$0x2], $0xC800, s15, s14, $0x38;
	[tilespmem:$0x1A900] =	vst v63  }
0x13d: {  	_ = 	snop  }
0x13e: {  	[hbm4b:s8+s14] =	stream.strided.scatter [tilespmem:s16], [sflag:$0x2], $0xC800, s15, s14, $0x38;
	[tilespmem:$0x1A900] =	vst v63  }
0x13f: {  	_ = 	snop  }
0x140: {  	[hbm4b:s9+s14] =	stream.strided.scatter [tilespmem:s16], [sflag:$0x2], $0xC800, s15, s14, $0x38;
	[tilespmem:$0x1A900] =	vst v63  }
0x141: {  	_ = 	snop  }
0x142: {  	[hbm4b:s10+s14] =	stream.strided.scatter [tilespmem:s16], [sflag:$0x2], $0xC800, s15, s14, $0x38;
	[tilespmem:$0x1A900] =	vst v63  }
0x143: {  	_ = 	snop  }
0x144: {  	[hbm4b:s11+s14] =	stream.strided.scatter [tilespmem:s16], [sflag:$0x2], $0xC800, s15, s14, $0x38;
	[tilespmem:$0x1A900] =	vst v63  }
0x145: {  	_ = 	snop  }
0x146: {  	[hbm4b:s12+s14] =	stream.strided.scatter [tilespmem:s16], [sflag:$0x2], $0xC800, s15, s14, $0x38;
	[tilespmem:$0x1A900] =	vst v63  }
0x147: {  	_ = 	snop  }
0x148: {  	[hbm4b:s13+s14] =	stream.strided.scatter [tilespmem:s16], [sflag:$0x2], $0xC800, s15, s14, $0x38;
	[tilespmem:$0x1A900] =	vst v63  }
0x149: {  	_ =	swait.ge [sflag:s3], $0xC800  }
0x14a: {  	[sflag:s3] =	ssyncset.done $0x0  }
0x14b: {  	[sflag:s3] =	ssyncadd.s32 $0xFFFF3800  }
0x14c: {  	_ =	swait.ge [sflag:s3], $0xC800  }
0x14d: {  	[sflag:s3] =	ssyncset.done $0x0  }
0x14e: {  	[sflag:s3] =	ssyncadd.s32 $0xFFFF3800  }
0x14f: {  	_ =	swait.ge [sflag:s3], $0xC800  }
0x150: {  	[sflag:s3] =	ssyncset.done $0x0  }
0x151: {  	[sflag:s3] =	ssyncadd.s32 $0xFFFF3800  }
0x152: {  	_ =	swait.ge [sflag:s3], $0xC800  }
0x153: {  	[sflag:s3] =	ssyncset.done $0x0  }
0x154: {  	[sflag:s3] =	ssyncadd.s32 $0xFFFF3800  }
0x155: {  	_ =	swait.ge [sflag:s3], $0xC800  }
0x156: {  	[sflag:s3] =	ssyncset.done $0x0  }
0x157: {  	[sflag:s3] =	ssyncadd.s32 $0xFFFF3800  }
0x158: {  	_ =	swait.ge [sflag:s3], $0xC800  }
0x159: {  	[sflag:s3] =	ssyncset.done $0x0  }
0x15a: {  	[sflag:s3] =	ssyncadd.s32 $0xFFFF3800  }
0x15b: {  	_ =	swait.ge [sflag:s3], $0xC800  }
0x15c: {  	[sflag:s3] =	ssyncset.done $0x0  }
0x15d: {  	[sflag:s3] =	ssyncadd.s32 $0xFFFF3800  }
0x15e: {  	_ =	swait.ge [sflag:s3], $0xC800  }
0x15f: {  	[sflag:s3] =	ssyncset.done $0x0  }
0x160: {  	[sflag:s3] =	ssyncadd.s32 $0xFFFF3800  }
0x161: {  	_ =	swait.ge [sflag:s3], $0xC800  }
0x162: {  	[sflag:s3] =	ssyncset.done $0x0  }
0x163: {  	[sflag:s3] =	ssyncadd.s32 $0xFFFF3800  }
0x164: {  	_ =	swait.ge [sflag:s3], $0xC800  }
0x165: {  	[sflag:s3] =	ssyncset.done $0x0  }
0x166: {  	[sflag:s3] =	ssyncadd.s32 $0xFFFF3800  }
0x167: {  	_ =	swait.ge [sflag:s3], $0xC800  }
0x168: {  	[sflag:s3] =	ssyncset.done $0x0  }
0x169: {  	[sflag:s3] =	ssyncadd.s32 $0xFFFF3800  }
0x16a: {  	_ =	swait.ge [sflag:s3], $0xC800  }
0x16b: {  	[sflag:s3] =	ssyncset.done $0x0  }
0x16c: {  	[sflag:s3] =	ssyncadd.s32 $0xFFFF3800  }
0x16d: {  	_ =	swait.ge [sflag:s3], $0xC800  }
0x16e: {  	[sflag:s3] =	ssyncset.done $0x0  }
0x16f: {  	[sflag:s3] =	ssyncadd.s32 $0xFFFF3800  }
0x170: {  	_ =	swait.ge [sflag:s3], $0xC800  }
0x171: {  	[sflag:s3] =	ssyncset.done $0x0  }
0x172: {  	[sflag:s3] =	ssyncadd.s32 $0xFFFF3800  }
0x173: {  	_ =	swait.ge [sflag:s3], $0xC800  }
0x174: {  	[sflag:s3] =	ssyncset.done $0x0  }
0x175: {  	[sflag:s3] =	ssyncadd.s32 $0xFFFF3800  }
0x176: {  	_ =	swait.ge [sflag:s3], $0xC800  }
0x177: {  	[sflag:s3] =	ssyncset.done $0x0  }
0x178: {  	[sflag:s3] =	ssyncadd.s32 $0xFFFF3800  }
0x179: {  	_ =	swait.ge [sflag:s3], $0xC800  }
0x17a: {  	[sflag:s3] =	ssyncset.done $0x0  }
0x17b: {  	[sflag:s3] =	ssyncadd.s32 $0xFFFF3800  }
0x17c: {  	_ =	swait.ge [sflag:s3], $0xC800  }
0x17d: {  	[sflag:s3] =	ssyncset.done $0x0  }
0x17e: {  	[sflag:s3] =	ssyncadd.s32 $0xFFFF3800  }
0x17f: {  	_ =	swait.ge [sflag:s3], $0xC800  }
0x180: {  	[sflag:s3] =	ssyncset.done $0x0  }
0x181: {  	[sflag:s3] =	ssyncadd.s32 $0xFFFF3800  }
0x182: {  	_ =	swait.ge [sflag:s3], $0xC800  }
0x183: {  	[sflag:s3] =	ssyncset.done $0x0  }
0x184: {  	[sflag:s3] =	ssyncadd.s32 $0xFFFF3800  }
0x185: {  	_ =	swait.ge [sflag:s3], $0xC800  }
0x186: {  	[sflag:s3] =	ssyncset.done $0x0  }
0x187: {  	[sflag:s3] =	ssyncadd.s32 $0xFFFF3800  }
0x188: {  	_ =	swait.ge [sflag:s3], $0xC800  }
0x189: {  	[sflag:s3] =	ssyncset.done $0x0  }
0x18a: {  	[sflag:s3] =	ssyncadd.s32 $0xFFFF3800  }
0x18b: {  	_ =	swait.ge [sflag:s2], $0x1900  }
0x18c: {  	[sflag:s2] =	ssyncset.done $0x0  }
0x18d: {  	[sflag:s2] =	ssyncadd.s32 $0xFFFFE700  }
0x18e: {  	_ =	swait.ge [sflag:s2], $0x1900  }
0x18f: {  	[sflag:s2] =	ssyncset.done $0x0  }
0x190: {  	[sflag:s2] =	ssyncadd.s32 $0xFFFFE700  }
0x191: {  	_ =	swait.ge [sflag:s2], $0x1900  }
0x192: {  	[sflag:s2] =	ssyncset.done $0x0  }
0x193: {  	[sflag:s2] =	ssyncadd.s32 $0xFFFFE700  }
0x194: {  	_ =	swait.ge [sflag:s2], $0x1900  }
0x195: {  	[sflag:s2] =	ssyncset.done $0x0  }
0x196: {  	[sflag:s2] =	ssyncadd.s32 $0xFFFFE700  }
0x197: {  	_ =	swait.ge [sflag:s2], $0x1900  }
0x198: {  	[sflag:s2] =	ssyncset.done $0x0  }
0x199: {  	[sflag:s2] =	ssyncadd.s32 $0xFFFFE700  }
0x19a: {  	_ =	swait.ge [sflag:s2], $0x1900  }
0x19b: {  	[sflag:s2] =	ssyncset.done $0x0  }
0x19c: {  	[sflag:s2] =	ssyncadd.s32 $0xFFFFE700  }
0x19d: {  	_ =	swait.ge [sflag:s2], $0x1900  }
0x19e: {  	[sflag:s2] =	ssyncset.done $0x0  }
0x19f: {  	[sflag:s2] =	ssyncadd.s32 $0xFFFFE700  }
0x1a0: {  	_ =	swait.ge [sflag:s2], $0x1900  }
0x1a1: {  	s30 =	sadd.s32 $0xFFFFFFFF, s30;
	[sflag:s2] =	ssyncset.done $0x0  }
0x1a2: {  	p2 =	sne.s32 s30, $0x0;
	[sflag:s2] =	ssyncadd.s32 $0xFFFFE700  }
.Ltmp1:
0x1a3: {  	_ =	swait.ge [sflag:s2], $0x1900;
	(pc) =	sbr.rel @!p2 .LBB2_2-.Ltmp1, $4  }
0x1a4: {  	[sflag:s2] =	ssyncset.done $0x0  }
0x1a5: {  	[sflag:s2] =	ssyncadd.s32 $0xFFFFE700  }
0x1a6: {  	_ =	swait.ge [sflag:s2], $0x1900  }
0x1a7: {  	p1 =	por $0x1, $0x1;
	s31 =	rddreg [dreg:$0x4];
	[sflag:s2] =	ssyncset.done $0x0  }
.LBB2_3:
0x1a8: {  	[sflag:s2] =	ssyncadd.s32 $0xFFFFE700  }
0x1a9: {  	[tilespmem:s1], [sflag:$0x1] =	stream.linear.gather [hbm4b:s31+s1], $0xC800, $0x38;
	[tilespmem:$0x1A900] =	vst v63  }
0x1aa: {  	[bflag:$0x0] =	sbarrier.arrive $0xFFFF  }
0x1ab: {  	s0 =	rddreg [dreg:$0x5]  }
0x1ac: {  	[spmem:s24], [sflag:s25] =	dma.local @!p0 [hbm:s0], $0x3200  }
0x1ad: {  	_ =	swait.ge @!p0 [sflag:s26], $0x3200  }
0x1ae: {  	[sflag:s26] =	ssyncset.done @!p0 $0x0  }
0x1af: {  	[sflag:s26] =	ssyncadd.s32 @!p0 $0xFFFFCE00  }
0x1b0: {  	[bflag:$0x0] =	sbarrier.arrive $0xFFFF  }
0x1b1: {  	_ =	swait.ge [sflag:s20], $0xC800  }
0x1b2: {  	[sflag:s20] =	ssyncset.done $0x0  }
0x1b3: {  	[sflag:s20] =	ssyncadd.s32 $0xFFFF3800  }
0x1b4: {  	[hbm:s23@s18], [sflag:s28] =	dma.strided [spmem:s29@s19], $0x1900, s17, $0x10   }
0x1b5: {  	s21 =	rddreg [dreg:$0x6]  }
0x1b6: {  	[hbm:s21@s18], [sflag:s28] =	dma.strided [spmem:s29@s19], $0x1900, s17, $0x10   }
0x1b7: {  	s0 =	rddreg [dreg:$0x7]  }
0x1b8: {  	[hbm:s0@s18], [sflag:s28] =	dma.strided [spmem:s29@s19], $0x1900, s17, $0x10   }
0x1b9: {  	s0 =	rddreg [dreg:$0x8]  }
0x1ba: {  	[hbm:s0@s18], [sflag:s28] =	dma.strided [spmem:s29@s19], $0x1900, s17, $0x10   }
0x1bb: {  	s0 =	rddreg [dreg:$0x9]  }
0x1bc: {  	[hbm:s0@s18], [sflag:s28] =	dma.strided [spmem:s29@s19], $0x1900, s17, $0x10   }
0x1bd: {  	s0 =	rddreg [dreg:$0xa]  }
0x1be: {  	[hbm4b:s0+s14] =	stream.strided.scatter [tilespmem:s1], [sflag:$0x2], $0xC800, s15, s14, $0x38;
	[tilespmem:$0x1A900] =	vst v63  }
0x1bf: {  	s21 =	rddreg [dreg:$0xb]  }
0x1c0: {  	[hbm4b:s21+s14] =	stream.strided.scatter [tilespmem:s1], [sflag:$0x2], $0xC800, s15, s14, $0x38;
	[tilespmem:$0x1A900] =	vst v63  }
0x1c1: {  	s0 =	rddreg [dreg:$0xc]  }
0x1c2: {  	[hbm4b:s0+s14] =	stream.strided.scatter [tilespmem:s1], [sflag:$0x2], $0xC800, s15, s14, $0x38;
	[tilespmem:$0x1A900] =	vst v63  }
0x1c3: {  	s21 =	rddreg [dreg:$0xd]  }
0x1c4: {  	[hbm4b:s21+s14] =	stream.strided.scatter [tilespmem:s1], [sflag:$0x2], $0xC800, s15, s14, $0x38;
	[tilespmem:$0x1A900] =	vst v63  }
0x1c5: {  	s0 =	rddreg [dreg:$0xe]  }
0x1c6: {  	[hbm4b:s0+s14] =	stream.strided.scatter [tilespmem:s1], [sflag:$0x2], $0xC800, s15, s14, $0x38;
	[tilespmem:$0x1A900] =	vst v63  }
0x1c7: {  	s21 =	rddreg [dreg:$0xf]  }
0x1c8: {  	[hbm4b:s21+s14] =	stream.strided.scatter [tilespmem:s1], [sflag:$0x2], $0xC800, s15, s14, $0x38;
	[tilespmem:$0x1A900] =	vst v63  }
0x1c9: {  	s0 =	rddreg [dreg:$0x10]  }
0x1ca: {  	[hbm4b:s0+s14] =	stream.strided.scatter [tilespmem:s1], [sflag:$0x2], $0xC800, s15, s14, $0x38;
	[tilespmem:$0x1A900] =	vst v63  }
0x1cb: {  	s21 =	rddreg [dreg:$0x11]  }
0x1cc: {  	[hbm4b:s21+s14] =	stream.strided.scatter [tilespmem:s1], [sflag:$0x2], $0xC800, s15, s14, $0x38;
	[tilespmem:$0x1A900] =	vst v63  }
0x1cd: {  	s0 =	rddreg [dreg:$0x12]  }
0x1ce: {  	[hbm4b:s0+s14] =	stream.strided.scatter [tilespmem:s1], [sflag:$0x2], $0xC800, s15, s14, $0x38;
	[tilespmem:$0x1A900] =	vst v63  }
0x1cf: {  	s21 =	rddreg [dreg:$0x13]  }
0x1d0: {  	[hbm4b:s21+s14] =	stream.strided.scatter [tilespmem:s1], [sflag:$0x2], $0xC800, s15, s14, $0x38;
	[tilespmem:$0x1A900] =	vst v63  }
0x1d1: {  	s0 =	rddreg [dreg:$0x14]  }
0x1d2: {  	[hbm4b:s0+s14] =	stream.strided.scatter [tilespmem:s1], [sflag:$0x2], $0xC800, s15, s14, $0x38;
	[tilespmem:$0x1A900] =	vst v63  }
0x1d3: {  	s21 =	rddreg [dreg:$0x15]  }
0x1d4: {  	[tilespmem:s16], [sflag:$0x1] =	stream.linear.gather [hbm4b:s21+s1], $0xC800, $0x38;
	[tilespmem:$0x1A900] =	vst v63  }
0x1d5: {  	_ =	swait.ge [sflag:s20], $0xC800  }
0x1d6: {  	[sflag:s20] =	ssyncset.done $0x0;
	s0 =	rddreg [dreg:$0x16]  }
0x1d7: {  	s21 =	rddreg [dreg:$0x17];
	[sflag:s20] =	ssyncadd.s32 $0xFFFF3800;
	s31 =	sshrl.u32 s0, $0x3  }
0x1d8: {  	[hbm:s21@s18], [sflag:s28] =	dma.strided [spmem:s31@s19], $0x1900, s17, $0x10   }
0x1d9: {  	s21 =	rddreg [dreg:$0x18]  }
0x1da: {  	[hbm:s21@s18], [sflag:s28] =	dma.strided [spmem:s31@s19], $0x1900, s17, $0x10   }
0x1db: {  	s0 =	rddreg [dreg:$0x19]  }
0x1dc: {  	[hbm:s0@s18], [sflag:s28] =	dma.strided [spmem:s31@s19], $0x1900, s17, $0x10   }
0x1dd: {  	s0 =	rddreg [dreg:$0x1a]  }
0x1de: {  	[hbm:s0@s18], [sflag:s28] =	dma.strided [spmem:s31@s19], $0x1900, s17, $0x10   }
0x1df: {  	s0 =	rddreg [dreg:$0x1b]  }
0x1e0: {  	[hbm:s0@s18], [sflag:s28] =	dma.strided [spmem:s31@s19], $0x1900, s17, $0x10   }
0x1e1: {  	s0 =	rddreg [dreg:$0x1c]  }
0x1e2: {  	s21 =	rddreg [dreg:$0x1d]  }
0x1e3: {  	[hbm4b:s0+s14] =	stream.strided.scatter [tilespmem:s16], [sflag:$0x2], $0xC800, s15, s14, $0x38;
	[tilespmem:$0x1A900] =	vst v63  }
0x1e4: {  	s0 =	rddreg [dreg:$0x1e]  }
0x1e5: {  	[hbm4b:s21+s14] =	stream.strided.scatter [tilespmem:s16], [sflag:$0x2], $0xC800, s15, s14, $0x38;
	[tilespmem:$0x1A900] =	vst v63  }
0x1e6: {  	s21 =	rddreg [dreg:$0x1f]  }
0x1e7: {  	[hbm4b:s0+s14] =	stream.strided.scatter [tilespmem:s16], [sflag:$0x2], $0xC800, s15, s14, $0x38;
	[tilespmem:$0x1A900] =	vst v63  }
0x1e8: {  	s0 =	sld [smem:$0x7DE]  }
0x1e9: {  	[hbm4b:s21+s14] =	stream.strided.scatter [tilespmem:s16], [sflag:$0x2], $0xC800, s15, s14, $0x38;
	[tilespmem:$0x1A900] =	vst v63  }
0x1ea: {  	s21 =	sld [smem:$0x7DF]  }
0x1eb: {  	[hbm4b:s0+s14] =	stream.strided.scatter [tilespmem:s16], [sflag:$0x2], $0xC800, s15, s14, $0x38;
	[tilespmem:$0x1A900] =	vst v63  }
0x1ec: {  	s0 =	sld [smem:$0x7E0]  }
0x1ed: {  	[hbm4b:s21+s14] =	stream.strided.scatter [tilespmem:s16], [sflag:$0x2], $0xC800, s15, s14, $0x38;
	[tilespmem:$0x1A900] =	vst v63  }
0x1ee: {  	s21 =	sld [smem:$0x7E1]  }
0x1ef: {  	[hbm4b:s0+s14] =	stream.strided.scatter [tilespmem:s16], [sflag:$0x2], $0xC800, s15, s14, $0x38;
	[tilespmem:$0x1A900] =	vst v63  }
0x1f0: {  	s0 =	sld [smem:$0x7E2]  }
0x1f1: {  	[hbm4b:s21+s14] =	stream.strided.scatter [tilespmem:s16], [sflag:$0x2], $0xC800, s15, s14, $0x38;
	[tilespmem:$0x1A900] =	vst v63  }
0x1f2: {  	s21 =	sld [smem:$0x7E3]  }
0x1f3: {  	[hbm4b:s0+s14] =	stream.strided.scatter [tilespmem:s16], [sflag:$0x2], $0xC800, s15, s14, $0x38;
	[tilespmem:$0x1A900] =	vst v63  }
0x1f4: {  	s0 =	sld [smem:$0x7E4]  }
0x1f5: {  	[hbm4b:s21+s14] =	stream.strided.scatter [tilespmem:s16], [sflag:$0x2], $0xC800, s15, s14, $0x38;
	[tilespmem:$0x1A900] =	vst v63  }
0x1f6: {  	_ = 	snop  }
0x1f7: {  	[hbm4b:s0+s14] =	stream.strided.scatter [tilespmem:s16], [sflag:$0x2], $0xC800, s15, s14, $0x38;
	[tilespmem:$0x1A900] =	vst v63  }
0x1f8: {  	_ =	swait.ge [sflag:s3], $0xC800  }
0x1f9: {  	[sflag:s3] =	ssyncset.done $0x0  }
0x1fa: {  	[sflag:s3] =	ssyncadd.s32 $0xFFFF3800  }
0x1fb: {  	_ =	swait.ge [sflag:s3], $0xC800  }
0x1fc: {  	[sflag:s3] =	ssyncset.done $0x0  }
0x1fd: {  	[sflag:s3] =	ssyncadd.s32 $0xFFFF3800  }
0x1fe: {  	_ =	swait.ge [sflag:s3], $0xC800  }
0x1ff: {  	[sflag:s3] =	ssyncset.done $0x0  }
0x200: {  	[sflag:s3] =	ssyncadd.s32 $0xFFFF3800  }
0x201: {  	_ =	swait.ge [sflag:s3], $0xC800  }
0x202: {  	[sflag:s3] =	ssyncset.done $0x0  }
0x203: {  	[sflag:s3] =	ssyncadd.s32 $0xFFFF3800  }
0x204: {  	_ =	swait.ge [sflag:s3], $0xC800  }
0x205: {  	[sflag:s3] =	ssyncset.done $0x0  }
0x206: {  	[sflag:s3] =	ssyncadd.s32 $0xFFFF3800  }
0x207: {  	_ =	swait.ge [sflag:s3], $0xC800  }
0x208: {  	[sflag:s3] =	ssyncset.done $0x0  }
0x209: {  	[sflag:s3] =	ssyncadd.s32 $0xFFFF3800  }
0x20a: {  	_ =	swait.ge [sflag:s3], $0xC800  }
0x20b: {  	[sflag:s3] =	ssyncset.done $0x0  }
0x20c: {  	[sflag:s3] =	ssyncadd.s32 $0xFFFF3800  }
0x20d: {  	_ =	swait.ge [sflag:s3], $0xC800  }
0x20e: {  	[sflag:s3] =	ssyncset.done $0x0  }
0x20f: {  	[sflag:s3] =	ssyncadd.s32 $0xFFFF3800  }
0x210: {  	_ =	swait.ge [sflag:s3], $0xC800  }
0x211: {  	[sflag:s3] =	ssyncset.done $0x0  }
0x212: {  	[sflag:s3] =	ssyncadd.s32 $0xFFFF3800  }
0x213: {  	_ =	swait.ge [sflag:s3], $0xC800  }
0x214: {  	[sflag:s3] =	ssyncset.done $0x0  }
0x215: {  	[sflag:s3] =	ssyncadd.s32 $0xFFFF3800  }
0x216: {  	_ =	swait.ge [sflag:s3], $0xC800  }
0x217: {  	s21 =	sld [smem:$0x7E5]  }
0x218: {  	[sflag:s3] =	ssyncset.done $0x0  }
0x219: {  	[sflag:s3] =	ssyncadd.s32 $0xFFFF3800  }
0x21a: {  	[tilespmem:s1], [sflag:$0x1] =	stream.linear.gather [hbm4b:s21+s1], $0xC800, $0x38;
	[tilespmem:$0x1A900] =	vst v63  }
0x21b: {  	_ =	swait.ge [sflag:s2], $0x1900  }
0x21c: {  	[sflag:s2] =	ssyncset.done $0x0  }
0x21d: {  	[sflag:s2] =	ssyncadd.s32 $0xFFFFE700  }
0x21e: {  	_ =	swait.ge [sflag:s2], $0x1900  }
0x21f: {  	[sflag:s2] =	ssyncset.done $0x0  }
0x220: {  	[sflag:s2] =	ssyncadd.s32 $0xFFFFE700  }
0x221: {  	_ =	swait.ge [sflag:s2], $0x1900  }
0x222: {  	[sflag:s2] =	ssyncset.done $0x0  }
0x223: {  	[sflag:s2] =	ssyncadd.s32 $0xFFFFE700  }
0x224: {  	_ =	swait.ge [sflag:s2], $0x1900  }
0x225: {  	[sflag:s2] =	ssyncset.done $0x0  }
0x226: {  	[sflag:s2] =	ssyncadd.s32 $0xFFFFE700  }
0x227: {  	_ =	swait.ge [sflag:s2], $0x1900  }
0x228: {  	[sflag:s2] =	ssyncset.done $0x0  }
0x229: {  	[sflag:s2] =	ssyncadd.s32 $0xFFFFE700  }
0x22a: {  	_ =	swait.ge [sflag:s2], $0x1900  }
0x22b: {  	[sflag:s2] =	ssyncset.done $0x0  }
0x22c: {  	[sflag:s2] =	ssyncadd.s32 $0xFFFFE700  }
0x22d: {  	_ =	swait.ge [sflag:s2], $0x1900  }
0x22e: {  	[sflag:s2] =	ssyncset.done $0x0  }
0x22f: {  	[sflag:s2] =	ssyncadd.s32 $0xFFFFE700  }
0x230: {  	_ =	swait.ge [sflag:s2], $0x1900  }
0x231: {  	[sflag:s2] =	ssyncset.done $0x0  }
0x232: {  	[sflag:s2] =	ssyncadd.s32 $0xFFFFE700  }
0x233: {  	_ =	swait.ge [sflag:s2], $0x1900  }
0x234: {  	[sflag:s2] =	ssyncset.done $0x0  }
0x235: {  	[sflag:s2] =	ssyncadd.s32 $0xFFFFE700  }
0x236: {  	_ =	swait.ge [sflag:s2], $0x1900  }
0x237: {  	[sflag:s2] =	ssyncset.done $0x0  }
0x238: {  	[sflag:s2] =	ssyncadd.s32 $0xFFFFE700  }
0x239: {  	[bflag:$0x0] =	sbarrier.arrive $0xFFFF  }
0x23a: {  	s0 =	sld [smem:$0x7E6];
	_ =	sdelay $0x2  }
0x23b: {  	[spmem:s24], [sflag:s25] =	dma.local @!p0 [hbm:s0], $0x3200  }
0x23c: {  	_ =	swait.ge @!p0 [sflag:s26], $0x3200  }
0x23d: {  	[sflag:s26] =	ssyncset.done @!p0 $0x0  }
0x23e: {  	[sflag:s26] =	ssyncadd.s32 @!p0 $0xFFFFCE00  }
0x23f: {  	[bflag:$0x0] =	sbarrier.arrive $0xFFFF  }
0x240: {  	_ =	swait.ge [sflag:s20], $0xC800  }
0x241: {  	s21 =	sld [smem:$0x7E7]  }
0x242: {  	[sflag:s20] =	ssyncset.done $0x0  }
0x243: {  	[sflag:s20] =	ssyncadd.s32 $0xFFFF3800  }
0x244: {  	[hbm:s21@s18], [sflag:s28] =	dma.strided [spmem:s29@s19], $0x1900, s17, $0x10   }
0x245: {  	s0 =	sld [smem:$0x7E8];
	_ =	sdelay $0x2  }
0x246: {  	[hbm:s0@s18], [sflag:s28] =	dma.strided [spmem:s29@s19], $0x1900, s17, $0x10   }
0x247: {  	s0 =	sld [smem:$0x7E9];
	_ =	sdelay $0x2  }
0x248: {  	[hbm:s0@s18], [sflag:s28] =	dma.strided [spmem:s29@s19], $0x1900, s17, $0x10   }
0x249: {  	s0 =	sld [smem:$0x7EA];
	_ =	sdelay $0x2  }
0x24a: {  	[hbm:s0@s18], [sflag:s28] =	dma.strided [spmem:s29@s19], $0x1900, s17, $0x10   }
0x24b: {  	s0 =	sld [smem:$0x7EB];
	_ =	sdelay $0x2  }
0x24c: {  	[hbm:s0@s18], [sflag:s28] =	dma.strided [spmem:s29@s19], $0x1900, s17, $0x10   }
0x24d: {  	s0 =	sld [smem:$0x7EC];
	_ =	sdelay $0x1  }
0x24e: {  	s21 =	sld [smem:$0x7ED]  }
0x24f: {  	[hbm4b:s0+s14] =	stream.strided.scatter [tilespmem:s1], [sflag:$0x2], $0xC800, s15, s14, $0x38;
	[tilespmem:$0x1A900] =	vst v63  }
0x250: {  	s0 =	sld [smem:$0x7EE]  }
0x251: {  	[hbm4b:s21+s14] =	stream.strided.scatter [tilespmem:s1], [sflag:$0x2], $0xC800, s15, s14, $0x38;
	[tilespmem:$0x1A900] =	vst v63  }
0x252: {  	s21 =	sld [smem:$0x7EF]  }
0x253: {  	[hbm4b:s0+s14] =	stream.strided.scatter [tilespmem:s1], [sflag:$0x2], $0xC800, s15, s14, $0x38;
	[tilespmem:$0x1A900] =	vst v63  }
0x254: {  	s0 =	sld [smem:$0x7F0]  }
0x255: {  	[hbm4b:s21+s14] =	stream.strided.scatter [tilespmem:s1], [sflag:$0x2], $0xC800, s15, s14, $0x38;
	[tilespmem:$0x1A900] =	vst v63  }
0x256: {  	s21 =	sld [smem:$0x7F1]  }
0x257: {  	[hbm4b:s0+s14] =	stream.strided.scatter [tilespmem:s1], [sflag:$0x2], $0xC800, s15, s14, $0x38;
	[tilespmem:$0x1A900] =	vst v63  }
0x258: {  	s0 =	sld [smem:$0x7F2]  }
0x259: {  	[hbm4b:s21+s14] =	stream.strided.scatter [tilespmem:s1], [sflag:$0x2], $0xC800, s15, s14, $0x38;
	[tilespmem:$0x1A900] =	vst v63  }
0x25a: {  	s21 =	sld [smem:$0x7F3]  }
0x25b: {  	[hbm4b:s0+s14] =	stream.strided.scatter [tilespmem:s1], [sflag:$0x2], $0xC800, s15, s14, $0x38;
	[tilespmem:$0x1A900] =	vst v63  }
0x25c: {  	s0 =	sld [smem:$0x7F4]  }
0x25d: {  	[hbm4b:s21+s14] =	stream.strided.scatter [tilespmem:s1], [sflag:$0x2], $0xC800, s15, s14, $0x38;
	[tilespmem:$0x1A900] =	vst v63  }
0x25e: {  	s21 =	sld [smem:$0x7F5]  }
0x25f: {  	[hbm4b:s0+s14] =	stream.strided.scatter [tilespmem:s1], [sflag:$0x2], $0xC800, s15, s14, $0x38;
	[tilespmem:$0x1A900] =	vst v63  }
0x260: {  	s0 =	sld [smem:$0x7F6]  }
0x261: {  	[hbm4b:s21+s14] =	stream.strided.scatter [tilespmem:s1], [sflag:$0x2], $0xC800, s15, s14, $0x38;
	[tilespmem:$0x1A900] =	vst v63  }
0x262: {  	_ = 	snop  }
0x263: {  	[hbm4b:s0+s14] =	stream.strided.scatter [tilespmem:s1], [sflag:$0x2], $0xC800, s15, s14, $0x38;
	[tilespmem:$0x1A900] =	vst v63  }
0x264: {  	_ =	swait.ge [sflag:s3], $0xC800  }
0x265: {  	[sflag:s3] =	ssyncset.done $0x0  }
0x266: {  	[sflag:s3] =	ssyncadd.s32 $0xFFFF3800  }
0x267: {  	_ =	swait.ge [sflag:s3], $0xC800  }
0x268: {  	[sflag:s3] =	ssyncset.done $0x0  }
0x269: {  	[sflag:s3] =	ssyncadd.s32 $0xFFFF3800  }
0x26a: {  	_ =	swait.ge [sflag:s3], $0xC800  }
0x26b: {  	[sflag:s3] =	ssyncset.done $0x0  }
0x26c: {  	[sflag:s3] =	ssyncadd.s32 $0xFFFF3800  }
0x26d: {  	_ =	swait.ge [sflag:s3], $0xC800  }
0x26e: {  	[sflag:s3] =	ssyncset.done $0x0  }
0x26f: {  	[sflag:s3] =	ssyncadd.s32 $0xFFFF3800  }
0x270: {  	_ =	swait.ge [sflag:s3], $0xC800  }
0x271: {  	[sflag:s3] =	ssyncset.done $0x0  }
0x272: {  	[sflag:s3] =	ssyncadd.s32 $0xFFFF3800  }
0x273: {  	_ =	swait.ge [sflag:s3], $0xC800  }
0x274: {  	[sflag:s3] =	ssyncset.done $0x0  }
0x275: {  	[sflag:s3] =	ssyncadd.s32 $0xFFFF3800  }
0x276: {  	_ =	swait.ge [sflag:s3], $0xC800  }
0x277: {  	[sflag:s3] =	ssyncset.done $0x0  }
0x278: {  	[sflag:s3] =	ssyncadd.s32 $0xFFFF3800  }
0x279: {  	_ =	swait.ge [sflag:s3], $0xC800  }
0x27a: {  	[sflag:s3] =	ssyncset.done $0x0  }
0x27b: {  	[sflag:s3] =	ssyncadd.s32 $0xFFFF3800  }
0x27c: {  	_ =	swait.ge [sflag:s3], $0xC800  }
0x27d: {  	[sflag:s3] =	ssyncset.done $0x0  }
0x27e: {  	[sflag:s3] =	ssyncadd.s32 $0xFFFF3800  }
0x27f: {  	_ =	swait.ge [sflag:s3], $0xC800  }
0x280: {  	[sflag:s3] =	ssyncset.done $0x0  }
0x281: {  	[sflag:s3] =	ssyncadd.s32 $0xFFFF3800  }
0x282: {  	_ =	swait.ge [sflag:s3], $0xC800  }
0x283: {  	s21 =	sld [smem:$0x7F7]  }
0x284: {  	[sflag:s3] =	ssyncset.done $0x0  }
0x285: {  	[sflag:s3] =	ssyncadd.s32 $0xFFFF3800  }
0x286: {  	[tilespmem:s16], [sflag:$0x1] =	stream.linear.gather [hbm4b:s21+s1], $0xC800, $0x38;
	[tilespmem:$0x1A900] =	vst v63  }
0x287: {  	_ =	swait.ge [sflag:s20], $0xC800  }
0x288: {  	s21 =	sld [smem:$0x7F8]  }
0x289: {  	[sflag:s20] =	ssyncset.done $0x0  }
0x28a: {  	[sflag:s20] =	ssyncadd.s32 $0xFFFF3800  }
0x28b: {  	[hbm:s21@s18], [sflag:s28] =	dma.strided [spmem:s31@s19], $0x1900, s17, $0x10   }
0x28c: {  	s0 =	sld [smem:$0x7F9];
	_ =	sdelay $0x2  }
0x28d: {  	[hbm:s0@s18], [sflag:s28] =	dma.strided [spmem:s31@s19], $0x1900, s17, $0x10   }
0x28e: {  	s0 =	sld [smem:$0x7FA];
	_ =	sdelay $0x2  }
0x28f: {  	[hbm:s0@s18], [sflag:s28] =	dma.strided [spmem:s31@s19], $0x1900, s17, $0x10   }
0x290: {  	s0 =	sld [smem:$0x7FB];
	_ =	sdelay $0x2  }
0x291: {  	[hbm:s0@s18], [sflag:s28] =	dma.strided [spmem:s31@s19], $0x1900, s17, $0x10   }
0x292: {  	s0 =	sld [smem:$0x7FC];
	_ =	sdelay $0x2  }
0x293: {  	[hbm:s0@s18], [sflag:s28] =	dma.strided [spmem:s31@s19], $0x1900, s17, $0x10   }
0x294: {  	s0 =	sld [smem:$0x7FD];
	_ =	sdelay $0x2  }
0x295: {  	[hbm4b:s0+s14] =	stream.strided.scatter [tilespmem:s16], [sflag:$0x2], $0xC800, s15, s14, $0x38;
	[tilespmem:$0x1A900] =	vst v63  }
0x296: {  	_ = 	snop  }
0x297: {  	[hbm4b:s4+s14] =	stream.strided.scatter [tilespmem:s16], [sflag:$0x2], $0xC800, s15, s14, $0x38;
	[tilespmem:$0x1A900] =	vst v63  }
0x298: {  	_ = 	snop  }
0x299: {  	[hbm4b:s5+s14] =	stream.strided.scatter [tilespmem:s16], [sflag:$0x2], $0xC800, s15, s14, $0x38;
	[tilespmem:$0x1A900] =	vst v63  }
0x29a: {  	_ = 	snop  }
0x29b: {  	[hbm4b:s6+s14] =	stream.strided.scatter [tilespmem:s16], [sflag:$0x2], $0xC800, s15, s14, $0x38;
	[tilespmem:$0x1A900] =	vst v63  }
0x29c: {  	_ = 	snop  }
0x29d: {  	[hbm4b:s7+s14] =	stream.strided.scatter [tilespmem:s16], [sflag:$0x2], $0xC800, s15, s14, $0x38;
	[tilespmem:$0x1A900] =	vst v63  }
0x29e: {  	_ = 	snop  }
0x29f: {  	[hbm4b:s8+s14] =	stream.strided.scatter [tilespmem:s16], [sflag:$0x2], $0xC800, s15, s14, $0x38;
	[tilespmem:$0x1A900] =	vst v63  }
0x2a0: {  	_ = 	snop  }
0x2a1: {  	[hbm4b:s9+s14] =	stream.strided.scatter [tilespmem:s16], [sflag:$0x2], $0xC800, s15, s14, $0x38;
	[tilespmem:$0x1A900] =	vst v63  }
0x2a2: {  	_ = 	snop  }
0x2a3: {  	[hbm4b:s10+s14] =	stream.strided.scatter [tilespmem:s16], [sflag:$0x2], $0xC800, s15, s14, $0x38;
	[tilespmem:$0x1A900] =	vst v63  }
0x2a4: {  	_ = 	snop  }
0x2a5: {  	[hbm4b:s11+s14] =	stream.strided.scatter [tilespmem:s16], [sflag:$0x2], $0xC800, s15, s14, $0x38;
	[tilespmem:$0x1A900] =	vst v63  }
0x2a6: {  	_ = 	snop  }
0x2a7: {  	[hbm4b:s12+s14] =	stream.strided.scatter [tilespmem:s16], [sflag:$0x2], $0xC800, s15, s14, $0x38;
	[tilespmem:$0x1A900] =	vst v63  }
0x2a8: {  	_ = 	snop  }
0x2a9: {  	[hbm4b:s13+s14] =	stream.strided.scatter [tilespmem:s16], [sflag:$0x2], $0xC800, s15, s14, $0x38;
	[tilespmem:$0x1A900] =	vst v63  }
0x2aa: {  	_ =	swait.ge [sflag:s3], $0xC800  }
0x2ab: {  	[sflag:s3] =	ssyncset.done $0x0  }
0x2ac: {  	[sflag:s3] =	ssyncadd.s32 $0xFFFF3800  }
0x2ad: {  	_ =	swait.ge [sflag:s3], $0xC800  }
0x2ae: {  	[sflag:s3] =	ssyncset.done $0x0  }
0x2af: {  	[sflag:s3] =	ssyncadd.s32 $0xFFFF3800  }
0x2b0: {  	_ =	swait.ge [sflag:s3], $0xC800  }
0x2b1: {  	[sflag:s3] =	ssyncset.done $0x0  }
0x2b2: {  	[sflag:s3] =	ssyncadd.s32 $0xFFFF3800  }
0x2b3: {  	_ =	swait.ge [sflag:s3], $0xC800  }
0x2b4: {  	[sflag:s3] =	ssyncset.done $0x0  }
0x2b5: {  	[sflag:s3] =	ssyncadd.s32 $0xFFFF3800  }
0x2b6: {  	_ =	swait.ge [sflag:s3], $0xC800  }
0x2b7: {  	[sflag:s3] =	ssyncset.done $0x0  }
0x2b8: {  	[sflag:s3] =	ssyncadd.s32 $0xFFFF3800  }
0x2b9: {  	_ =	swait.ge [sflag:s3], $0xC800  }
0x2ba: {  	[sflag:s3] =	ssyncset.done $0x0  }
0x2bb: {  	[sflag:s3] =	ssyncadd.s32 $0xFFFF3800  }
0x2bc: {  	_ =	swait.ge [sflag:s3], $0xC800  }
0x2bd: {  	[sflag:s3] =	ssyncset.done $0x0  }
0x2be: {  	[sflag:s3] =	ssyncadd.s32 $0xFFFF3800  }
0x2bf: {  	_ =	swait.ge [sflag:s3], $0xC800  }
0x2c0: {  	[sflag:s3] =	ssyncset.done $0x0  }
0x2c1: {  	[sflag:s3] =	ssyncadd.s32 $0xFFFF3800  }
0x2c2: {  	_ =	swait.ge [sflag:s3], $0xC800  }
0x2c3: {  	[sflag:s3] =	ssyncset.done $0x0  }
0x2c4: {  	[sflag:s3] =	ssyncadd.s32 $0xFFFF3800  }
0x2c5: {  	_ =	swait.ge [sflag:s3], $0xC800  }
0x2c6: {  	[sflag:s3] =	ssyncset.done $0x0  }
0x2c7: {  	[sflag:s3] =	ssyncadd.s32 $0xFFFF3800  }
0x2c8: {  	_ =	swait.ge [sflag:s3], $0xC800  }
0x2c9: {  	[sflag:s3] =	ssyncset.done $0x0  }
0x2ca: {  	[sflag:s3] =	ssyncadd.s32 $0xFFFF3800  }
0x2cb: {  	_ =	swait.ge [sflag:s3], $0xC800  }
0x2cc: {  	[sflag:s3] =	ssyncset.done $0x0  }
0x2cd: {  	[sflag:s3] =	ssyncadd.s32 $0xFFFF3800  }
0x2ce: {  	_ =	swait.ge [sflag:s3], $0xC800  }
0x2cf: {  	[sflag:s3] =	ssyncset.done $0x0  }
0x2d0: {  	[sflag:s3] =	ssyncadd.s32 $0xFFFF3800  }
0x2d1: {  	_ =	swait.ge [sflag:s3], $0xC800  }
0x2d2: {  	[sflag:s3] =	ssyncset.done $0x0  }
0x2d3: {  	[sflag:s3] =	ssyncadd.s32 $0xFFFF3800  }
0x2d4: {  	_ =	swait.ge [sflag:s3], $0xC800  }
0x2d5: {  	[sflag:s3] =	ssyncset.done $0x0  }
0x2d6: {  	[sflag:s3] =	ssyncadd.s32 $0xFFFF3800  }
0x2d7: {  	_ =	swait.ge [sflag:s3], $0xC800  }
0x2d8: {  	[sflag:s3] =	ssyncset.done $0x0  }
0x2d9: {  	[sflag:s3] =	ssyncadd.s32 $0xFFFF3800  }
0x2da: {  	_ =	swait.ge [sflag:s3], $0xC800  }
0x2db: {  	[sflag:s3] =	ssyncset.done $0x0  }
0x2dc: {  	[sflag:s3] =	ssyncadd.s32 $0xFFFF3800  }
0x2dd: {  	_ =	swait.ge [sflag:s3], $0xC800  }
0x2de: {  	[sflag:s3] =	ssyncset.done $0x0  }
0x2df: {  	[sflag:s3] =	ssyncadd.s32 $0xFFFF3800  }
0x2e0: {  	_ =	swait.ge [sflag:s3], $0xC800  }
0x2e1: {  	[sflag:s3] =	ssyncset.done $0x0  }
0x2e2: {  	[sflag:s3] =	ssyncadd.s32 $0xFFFF3800  }
0x2e3: {  	_ =	swait.ge [sflag:s3], $0xC800  }
0x2e4: {  	[sflag:s3] =	ssyncset.done $0x0  }
0x2e5: {  	[sflag:s3] =	ssyncadd.s32 $0xFFFF3800  }
0x2e6: {  	_ =	swait.ge [sflag:s3], $0xC800  }
0x2e7: {  	[sflag:s3] =	ssyncset.done $0x0  }
0x2e8: {  	[sflag:s3] =	ssyncadd.s32 $0xFFFF3800  }
0x2e9: {  	_ =	swait.ge [sflag:s3], $0xC800  }
0x2ea: {  	[sflag:s3] =	ssyncset.done $0x0  }
0x2eb: {  	[sflag:s3] =	ssyncadd.s32 $0xFFFF3800  }
0x2ec: {  	_ =	swait.ge [sflag:s2], $0x1900  }
0x2ed: {  	[sflag:s2] =	ssyncset.done $0x0  }
0x2ee: {  	[sflag:s2] =	ssyncadd.s32 $0xFFFFE700  }
0x2ef: {  	_ =	swait.ge [sflag:s2], $0x1900  }
0x2f0: {  	[sflag:s2] =	ssyncset.done $0x0  }
0x2f1: {  	[sflag:s2] =	ssyncadd.s32 $0xFFFFE700  }
0x2f2: {  	_ =	swait.ge [sflag:s2], $0x1900  }
0x2f3: {  	[sflag:s2] =	ssyncset.done $0x0  }
0x2f4: {  	[sflag:s2] =	ssyncadd.s32 $0xFFFFE700  }
0x2f5: {  	_ =	swait.ge [sflag:s2], $0x1900  }
0x2f6: {  	[sflag:s2] =	ssyncset.done $0x0  }
0x2f7: {  	[sflag:s2] =	ssyncadd.s32 $0xFFFFE700  }
0x2f8: {  	_ =	swait.ge [sflag:s2], $0x1900  }
0x2f9: {  	[sflag:s2] =	ssyncset.done $0x0  }
0x2fa: {  	[sflag:s2] =	ssyncadd.s32 $0xFFFFE700  }
0x2fb: {  	_ =	swait.ge [sflag:s2], $0x1900  }
0x2fc: {  	[sflag:s2] =	ssyncset.done $0x0  }
0x2fd: {  	[sflag:s2] =	ssyncadd.s32 $0xFFFFE700  }
0x2fe: {  	_ =	swait.ge [sflag:s2], $0x1900  }
0x2ff: {  	[sflag:s2] =	ssyncset.done $0x0  }
0x300: {  	[sflag:s2] =	ssyncadd.s32 $0xFFFFE700  }
0x301: {  	_ =	swait.ge [sflag:s2], $0x1900  }
0x302: {  	s30 =	sadd.s32 $0xFFFFFFFF, s30;
	[sflag:s2] =	ssyncset.done $0x0  }
0x303: {  	p2 =	sne.s32 s30, $0x0;
	[sflag:s2] =	ssyncadd.s32 $0xFFFFE700  }
.Ltmp2:
0x304: {  	_ =	swait.ge [sflag:s2], $0x1900;
	(pc) =	sbr.rel @p2 .LBB2_3-.Ltmp2, $4  }
0x305: {  	[sflag:s2] =	ssyncset.done $0x0  }
0x306: {  	[sflag:s2] =	ssyncadd.s32 $0xFFFFE700  }
0x307: {  	_ =	swait.ge [sflag:s2], $0x1900  }
0x308: {  	s31 =	rddreg [dreg:$0x4];
	[sflag:s2] =	ssyncset.done $0x0  }
0x309: {  	s29 =	rddreg [dreg:$0x3]  }
0x30a: {  	s21 =	rddreg [dreg:$0x2]  }
.LBB2_5:
0x30b: {  	[sflag:s2] =	ssyncadd.s32 @p1 $0xFFFFE700  }
0x30c: {  	[tilespmem:s1], [sflag:$0x1] =	stream.linear.gather [hbm4b:s31+s1], $0xC800, $0x38;
	[tilespmem:$0x1A900] =	vst v63  }
0x30d: {  	[bflag:$0x0] =	sbarrier.arrive $0xFFFF  }
0x30e: {  	s28 =	simm.s32 @!p0 $0x1C04;
	s26 =	simm.s32 @!p0 $0x4;
	s0 =	rddreg [dreg:$0x5]  }
0x30f: {  	[spmem:s24], [sflag:s28] =	dma.local @!p0 [hbm:s0], $0x3200  }
0x310: {  	_ =	swait.ge @!p0 [sflag:s26], $0x3200  }
0x311: {  	[sflag:s26] =	ssyncset.done @!p0 $0x0  }
0x312: {  	[sflag:s26] =	ssyncadd.s32 @!p0 $0xFFFFCE00  }
0x313: {  	[bflag:$0x0] =	sbarrier.arrive $0xFFFF  }
0x314: {  	_ =	swait.ge [sflag:s20], $0xC800  }
0x315: {  	s25 =	sshll.u32 s22, $0x6;
	[sflag:s20] =	ssyncset.done $0x0  }
0x316: {  	s22 =	sor.u32 $0x1C03, s25;
	s25 =	sshrl.u32 s21, $0x3;
	[sflag:s20] =	ssyncadd.s32 $0xFFFF3800  }
0x317: {  	[hbm:s23@s18], [sflag:s22] =	dma.strided [spmem:s25@s19], $0x1900, s17, $0x10   }
0x318: {  	s30 =	rddreg [dreg:$0x6]  }
0x319: {  	[hbm:s30@s18], [sflag:s22] =	dma.strided [spmem:s25@s19], $0x1900, s17, $0x10   }
0x31a: {  	s0 =	rddreg [dreg:$0x7]  }
0x31b: {  	[hbm:s0@s18], [sflag:s22] =	dma.strided [spmem:s25@s19], $0x1900, s17, $0x10   }
0x31c: {  	s0 =	rddreg [dreg:$0x8]  }
0x31d: {  	[hbm:s0@s18], [sflag:s22] =	dma.strided [spmem:s25@s19], $0x1900, s17, $0x10   }
0x31e: {  	s0 =	rddreg [dreg:$0x9]  }
0x31f: {  	[hbm:s0@s18], [sflag:s22] =	dma.strided [spmem:s25@s19], $0x1900, s17, $0x10   }
0x320: {  	s0 =	rddreg [dreg:$0xa]  }
0x321: {  	[hbm4b:s0+s14] =	stream.strided.scatter [tilespmem:s1], [sflag:$0x2], $0xC800, s15, s14, $0x38;
	[tilespmem:$0x1A900] =	vst v63  }
0x322: {  	s31 =	rddreg [dreg:$0xb]  }
0x323: {  	[hbm4b:s31+s14] =	stream.strided.scatter [tilespmem:s1], [sflag:$0x2], $0xC800, s15, s14, $0x38;
	[tilespmem:$0x1A900] =	vst v63  }
0x324: {  	s23 =	rddreg [dreg:$0xc]  }
0x325: {  	[hbm4b:s23+s14] =	stream.strided.scatter [tilespmem:s1], [sflag:$0x2], $0xC800, s15, s14, $0x38;
	[tilespmem:$0x1A900] =	vst v63  }
0x326: {  	s30 =	rddreg [dreg:$0xd]  }
0x327: {  	[hbm4b:s30+s14] =	stream.strided.scatter [tilespmem:s1], [sflag:$0x2], $0xC800, s15, s14, $0x38;
	[tilespmem:$0x1A900] =	vst v63  }
0x328: {  	s31 =	rddreg [dreg:$0xe]  }
0x329: {  	[hbm4b:s31+s14] =	stream.strided.scatter [tilespmem:s1], [sflag:$0x2], $0xC800, s15, s14, $0x38;
	[tilespmem:$0x1A900] =	vst v63  }
0x32a: {  	s23 =	rddreg [dreg:$0xf]  }
0x32b: {  	[hbm4b:s23+s14] =	stream.strided.scatter [tilespmem:s1], [sflag:$0x2], $0xC800, s15, s14, $0x38;
	[tilespmem:$0x1A900] =	vst v63  }
0x32c: {  	s30 =	rddreg [dreg:$0x10]  }
0x32d: {  	[hbm4b:s30+s14] =	stream.strided.scatter [tilespmem:s1], [sflag:$0x2], $0xC800, s15, s14, $0x38;
	[tilespmem:$0x1A900] =	vst v63  }
0x32e: {  	s31 =	rddreg [dreg:$0x11]  }
0x32f: {  	[hbm4b:s31+s14] =	stream.strided.scatter [tilespmem:s1], [sflag:$0x2], $0xC800, s15, s14, $0x38;
	[tilespmem:$0x1A900] =	vst v63  }
0x330: {  	s23 =	rddreg [dreg:$0x12]  }
0x331: {  	[hbm4b:s23+s14] =	stream.strided.scatter [tilespmem:s1], [sflag:$0x2], $0xC800, s15, s14, $0x38;
	[tilespmem:$0x1A900] =	vst v63  }
0x332: {  	s30 =	rddreg [dreg:$0x13]  }
0x333: {  	[hbm4b:s30+s14] =	stream.strided.scatter [tilespmem:s1], [sflag:$0x2], $0xC800, s15, s14, $0x38;
	[tilespmem:$0x1A900] =	vst v63  }
0x334: {  	s31 =	rddreg [dreg:$0x14]  }
0x335: {  	[hbm4b:s31+s14] =	stream.strided.scatter [tilespmem:s1], [sflag:$0x2], $0xC800, s15, s14, $0x38;
	[tilespmem:$0x1A900] =	vst v63  }
0x336: {  	s23 =	rddreg [dreg:$0x15]  }
0x337: {  	[tilespmem:s16], [sflag:$0x1] =	stream.linear.gather [hbm4b:s23+s1], $0xC800, $0x38;
	[tilespmem:$0x1A900] =	vst v63  }
0x338: {  	_ =	swait.ge [sflag:s20], $0xC800  }
0x339: {  	s30 =	rddreg [dreg:$0x16];
	[sflag:s20] =	ssyncset.done $0x0  }
0x33a: {  	s31 =	rddreg [dreg:$0x17];
	[sflag:s20] =	ssyncadd.s32 $0xFFFF3800;
	s21 =	sshrl.u32 s30, $0x3  }
0x33b: {  	[hbm:s31@s18], [sflag:s22] =	dma.strided [spmem:s21@s19], $0x1900, s17, $0x10   }
0x33c: {  	s30 =	rddreg [dreg:$0x18]  }
0x33d: {  	[hbm:s30@s18], [sflag:s22] =	dma.strided [spmem:s21@s19], $0x1900, s17, $0x10   }
0x33e: {  	s0 =	rddreg [dreg:$0x19]  }
0x33f: {  	[hbm:s0@s18], [sflag:s22] =	dma.strided [spmem:s21@s19], $0x1900, s17, $0x10   }
0x340: {  	s0 =	rddreg [dreg:$0x1a]  }
0x341: {  	[hbm:s0@s18], [sflag:s22] =	dma.strided [spmem:s21@s19], $0x1900, s17, $0x10   }
0x342: {  	s0 =	rddreg [dreg:$0x1b]  }
0x343: {  	[hbm:s0@s18], [sflag:s22] =	dma.strided [spmem:s21@s19], $0x1900, s17, $0x10   }
0x344: {  	s0 =	rddreg [dreg:$0x1c]  }
0x345: {  	s31 =	rddreg [dreg:$0x1d]  }
0x346: {  	[hbm4b:s0+s14] =	stream.strided.scatter [tilespmem:s16], [sflag:$0x2], $0xC800, s15, s14, $0x38;
	[tilespmem:$0x1A900] =	vst v63  }
0x347: {  	s30 =	rddreg [dreg:$0x1e]  }
0x348: {  	[hbm4b:s31+s14] =	stream.strided.scatter [tilespmem:s16], [sflag:$0x2], $0xC800, s15, s14, $0x38;
	[tilespmem:$0x1A900] =	vst v63  }
0x349: {  	s31 =	rddreg [dreg:$0x1f]  }
0x34a: {  	[hbm4b:s30+s14] =	stream.strided.scatter [tilespmem:s16], [sflag:$0x2], $0xC800, s15, s14, $0x38;
	[tilespmem:$0x1A900] =	vst v63  }
0x34b: {  	s30 =	sld [smem:$0x7DE]  }
0x34c: {  	[hbm4b:s31+s14] =	stream.strided.scatter [tilespmem:s16], [sflag:$0x2], $0xC800, s15, s14, $0x38;
	[tilespmem:$0x1A900] =	vst v63  }
0x34d: {  	s31 =	sld [smem:$0x7DF]  }
0x34e: {  	[hbm4b:s30+s14] =	stream.strided.scatter [tilespmem:s16], [sflag:$0x2], $0xC800, s15, s14, $0x38;
	[tilespmem:$0x1A900] =	vst v63  }
0x34f: {  	s30 =	sld [smem:$0x7E0]  }
0x350: {  	[hbm4b:s31+s14] =	stream.strided.scatter [tilespmem:s16], [sflag:$0x2], $0xC800, s15, s14, $0x38;
	[tilespmem:$0x1A900] =	vst v63  }
0x351: {  	s31 =	sld [smem:$0x7E1]  }
0x352: {  	[hbm4b:s30+s14] =	stream.strided.scatter [tilespmem:s16], [sflag:$0x2], $0xC800, s15, s14, $0x38;
	[tilespmem:$0x1A900] =	vst v63  }
0x353: {  	s30 =	sld [smem:$0x7E2]  }
0x354: {  	[hbm4b:s31+s14] =	stream.strided.scatter [tilespmem:s16], [sflag:$0x2], $0xC800, s15, s14, $0x38;
	[tilespmem:$0x1A900] =	vst v63  }
0x355: {  	s31 =	sld [smem:$0x7E3]  }
0x356: {  	[hbm4b:s30+s14] =	stream.strided.scatter [tilespmem:s16], [sflag:$0x2], $0xC800, s15, s14, $0x38;
	[tilespmem:$0x1A900] =	vst v63  }
0x357: {  	s30 =	sld [smem:$0x7E4]  }
0x358: {  	[hbm4b:s31+s14] =	stream.strided.scatter [tilespmem:s16], [sflag:$0x2], $0xC800, s15, s14, $0x38;
	[tilespmem:$0x1A900] =	vst v63  }
0x359: {  	_ = 	snop  }
0x35a: {  	[hbm4b:s30+s14] =	stream.strided.scatter [tilespmem:s16], [sflag:$0x2], $0xC800, s15, s14, $0x38;
	[tilespmem:$0x1A900] =	vst v63  }
0x35b: {  	_ =	swait.ge [sflag:s3], $0xC800  }
0x35c: {  	[sflag:s3] =	ssyncset.done $0x0  }
0x35d: {  	[sflag:s3] =	ssyncadd.s32 $0xFFFF3800  }
0x35e: {  	_ =	swait.ge [sflag:s3], $0xC800  }
0x35f: {  	[sflag:s3] =	ssyncset.done $0x0  }
0x360: {  	[sflag:s3] =	ssyncadd.s32 $0xFFFF3800  }
0x361: {  	_ =	swait.ge [sflag:s3], $0xC800  }
0x362: {  	[sflag:s3] =	ssyncset.done $0x0  }
0x363: {  	[sflag:s3] =	ssyncadd.s32 $0xFFFF3800  }
0x364: {  	_ =	swait.ge [sflag:s3], $0xC800  }
0x365: {  	[sflag:s3] =	ssyncset.done $0x0  }
0x366: {  	[sflag:s3] =	ssyncadd.s32 $0xFFFF3800  }
0x367: {  	_ =	swait.ge [sflag:s3], $0xC800  }
0x368: {  	[sflag:s3] =	ssyncset.done $0x0  }
0x369: {  	[sflag:s3] =	ssyncadd.s32 $0xFFFF3800  }
0x36a: {  	_ =	swait.ge [sflag:s3], $0xC800  }
0x36b: {  	[sflag:s3] =	ssyncset.done $0x0  }
0x36c: {  	[sflag:s3] =	ssyncadd.s32 $0xFFFF3800  }
0x36d: {  	_ =	swait.ge [sflag:s3], $0xC800  }
0x36e: {  	[sflag:s3] =	ssyncset.done $0x0  }
0x36f: {  	[sflag:s3] =	ssyncadd.s32 $0xFFFF3800  }
0x370: {  	_ =	swait.ge [sflag:s3], $0xC800  }
0x371: {  	[sflag:s3] =	ssyncset.done $0x0  }
0x372: {  	[sflag:s3] =	ssyncadd.s32 $0xFFFF3800  }
0x373: {  	_ =	swait.ge [sflag:s3], $0xC800  }
0x374: {  	[sflag:s3] =	ssyncset.done $0x0  }
0x375: {  	[sflag:s3] =	ssyncadd.s32 $0xFFFF3800  }
0x376: {  	_ =	swait.ge [sflag:s3], $0xC800  }
0x377: {  	[sflag:s3] =	ssyncset.done $0x0  }
0x378: {  	[sflag:s3] =	ssyncadd.s32 $0xFFFF3800  }
0x379: {  	_ =	swait.ge [sflag:s3], $0xC800  }
0x37a: {  	s31 =	sld [smem:$0x7E5]  }
0x37b: {  	[sflag:s3] =	ssyncset.done $0x0  }
0x37c: {  	[sflag:s3] =	ssyncadd.s32 $0xFFFF3800  }
0x37d: {  	[tilespmem:s1], [sflag:$0x1] =	stream.linear.gather [hbm4b:s31+s1], $0xC800, $0x38;
	[tilespmem:$0x1A900] =	vst v63  }
0x37e: {  	_ =	swait.ge [sflag:s2], $0x1900  }
0x37f: {  	[sflag:s2] =	ssyncset.done $0x0  }
0x380: {  	[sflag:s2] =	ssyncadd.s32 $0xFFFFE700  }
0x381: {  	_ =	swait.ge [sflag:s2], $0x1900  }
0x382: {  	[sflag:s2] =	ssyncset.done $0x0  }
0x383: {  	[sflag:s2] =	ssyncadd.s32 $0xFFFFE700  }
0x384: {  	_ =	swait.ge [sflag:s2], $0x1900  }
0x385: {  	[sflag:s2] =	ssyncset.done $0x0  }
0x386: {  	[sflag:s2] =	ssyncadd.s32 $0xFFFFE700  }
0x387: {  	_ =	swait.ge [sflag:s2], $0x1900  }
0x388: {  	[sflag:s2] =	ssyncset.done $0x0  }
0x389: {  	[sflag:s2] =	ssyncadd.s32 $0xFFFFE700  }
0x38a: {  	_ =	swait.ge [sflag:s2], $0x1900  }
0x38b: {  	[sflag:s2] =	ssyncset.done $0x0  }
0x38c: {  	[sflag:s2] =	ssyncadd.s32 $0xFFFFE700  }
0x38d: {  	_ =	swait.ge [sflag:s2], $0x1900  }
0x38e: {  	[sflag:s2] =	ssyncset.done $0x0  }
0x38f: {  	[sflag:s2] =	ssyncadd.s32 $0xFFFFE700  }
0x390: {  	_ =	swait.ge [sflag:s2], $0x1900  }
0x391: {  	[sflag:s2] =	ssyncset.done $0x0  }
0x392: {  	[sflag:s2] =	ssyncadd.s32 $0xFFFFE700  }
0x393: {  	_ =	swait.ge [sflag:s2], $0x1900  }
0x394: {  	[sflag:s2] =	ssyncset.done $0x0  }
0x395: {  	[sflag:s2] =	ssyncadd.s32 $0xFFFFE700  }
0x396: {  	_ =	swait.ge [sflag:s2], $0x1900  }
0x397: {  	[sflag:s2] =	ssyncset.done $0x0  }
0x398: {  	[sflag:s2] =	ssyncadd.s32 $0xFFFFE700  }
0x399: {  	_ =	swait.ge [sflag:s2], $0x1900  }
0x39a: {  	[sflag:s2] =	ssyncset.done $0x0  }
0x39b: {  	[sflag:s2] =	ssyncadd.s32 $0xFFFFE700  }
0x39c: {  	[bflag:$0x0] =	sbarrier.arrive $0xFFFF  }
0x39d: {  	s0 =	sld [smem:$0x7E6];
	_ =	sdelay $0x2  }
0x39e: {  	[spmem:s24], [sflag:s28] =	dma.local @!p0 [hbm:s0], $0x3200  }
0x39f: {  	_ =	swait.ge @!p0 [sflag:s26], $0x3200  }
0x3a0: {  	[sflag:s26] =	ssyncset.done @!p0 $0x0  }
0x3a1: {  	[sflag:s26] =	ssyncadd.s32 @!p0 $0xFFFFCE00  }
0x3a2: {  	[bflag:$0x0] =	sbarrier.arrive $0xFFFF  }
0x3a3: {  	_ =	swait.ge [sflag:s20], $0xC800  }
0x3a4: {  	s23 =	sld [smem:$0x7E7]  }
0x3a5: {  	[sflag:s20] =	ssyncset.done $0x0  }
0x3a6: {  	[sflag:s20] =	ssyncadd.s32 $0xFFFF3800  }
0x3a7: {  	[hbm:s23@s18], [sflag:s22] =	dma.strided [spmem:s25@s19], $0x1900, s17, $0x10   }
0x3a8: {  	s0 =	sld [smem:$0x7E8];
	_ =	sdelay $0x2  }
0x3a9: {  	[hbm:s0@s18], [sflag:s22] =	dma.strided [spmem:s25@s19], $0x1900, s17, $0x10   }
0x3aa: {  	s0 =	sld [smem:$0x7E9];
	_ =	sdelay $0x2  }
0x3ab: {  	[hbm:s0@s18], [sflag:s22] =	dma.strided [spmem:s25@s19], $0x1900, s17, $0x10   }
0x3ac: {  	s0 =	sld [smem:$0x7EA];
	_ =	sdelay $0x2  }
0x3ad: {  	[hbm:s0@s18], [sflag:s22] =	dma.strided [spmem:s25@s19], $0x1900, s17, $0x10   }
0x3ae: {  	s0 =	sld [smem:$0x7EB];
	_ =	sdelay $0x2  }
0x3af: {  	[hbm:s0@s18], [sflag:s22] =	dma.strided [spmem:s25@s19], $0x1900, s17, $0x10   }
0x3b0: {  	s0 =	sld [smem:$0x7EC];
	_ =	sdelay $0x1  }
0x3b1: {  	s24 =	sld [smem:$0x7ED]  }
0x3b2: {  	[hbm4b:s0+s14] =	stream.strided.scatter [tilespmem:s1], [sflag:$0x2], $0xC800, s15, s14, $0x38;
	[tilespmem:$0x1A900] =	vst v63  }
0x3b3: {  	s25 =	sld [smem:$0x7EE]  }
0x3b4: {  	[hbm4b:s24+s14] =	stream.strided.scatter [tilespmem:s1], [sflag:$0x2], $0xC800, s15, s14, $0x38;
	[tilespmem:$0x1A900] =	vst v63  }
0x3b5: {  	s26 =	sld [smem:$0x7EF]  }
0x3b6: {  	[hbm4b:s25+s14] =	stream.strided.scatter [tilespmem:s1], [sflag:$0x2], $0xC800, s15, s14, $0x38;
	[tilespmem:$0x1A900] =	vst v63  }
0x3b7: {  	s28 =	sld [smem:$0x7F0]  }
0x3b8: {  	[hbm4b:s26+s14] =	stream.strided.scatter [tilespmem:s1], [sflag:$0x2], $0xC800, s15, s14, $0x38;
	[tilespmem:$0x1A900] =	vst v63  }
0x3b9: {  	s30 =	sld [smem:$0x7F1]  }
0x3ba: {  	[hbm4b:s28+s14] =	stream.strided.scatter [tilespmem:s1], [sflag:$0x2], $0xC800, s15, s14, $0x38;
	[tilespmem:$0x1A900] =	vst v63  }
0x3bb: {  	s31 =	sld [smem:$0x7F2]  }
0x3bc: {  	[hbm4b:s30+s14] =	stream.strided.scatter [tilespmem:s1], [sflag:$0x2], $0xC800, s15, s14, $0x38;
	[tilespmem:$0x1A900] =	vst v63  }
0x3bd: {  	s24 =	sld [smem:$0x7F3]  }
0x3be: {  	[hbm4b:s31+s14] =	stream.strided.scatter [tilespmem:s1], [sflag:$0x2], $0xC800, s15, s14, $0x38;
	[tilespmem:$0x1A900] =	vst v63  }
0x3bf: {  	s25 =	sld [smem:$0x7F4]  }
0x3c0: {  	[hbm4b:s24+s14] =	stream.strided.scatter [tilespmem:s1], [sflag:$0x2], $0xC800, s15, s14, $0x38;
	[tilespmem:$0x1A900] =	vst v63  }
0x3c1: {  	s26 =	sld [smem:$0x7F5]  }
0x3c2: {  	[hbm4b:s25+s14] =	stream.strided.scatter [tilespmem:s1], [sflag:$0x2], $0xC800, s15, s14, $0x38;
	[tilespmem:$0x1A900] =	vst v63  }
0x3c3: {  	s28 =	sld [smem:$0x7F6]  }
0x3c4: {  	[hbm4b:s26+s14] =	stream.strided.scatter [tilespmem:s1], [sflag:$0x2], $0xC800, s15, s14, $0x38;
	[tilespmem:$0x1A900] =	vst v63  }
0x3c5: {  	_ = 	snop  }
0x3c6: {  	[hbm4b:s28+s14] =	stream.strided.scatter [tilespmem:s1], [sflag:$0x2], $0xC800, s15, s14, $0x38;
	[tilespmem:$0x1A900] =	vst v63  }
0x3c7: {  	_ =	swait.ge [sflag:s3], $0xC800  }
0x3c8: {  	[sflag:s3] =	ssyncset.done $0x0  }
0x3c9: {  	[sflag:s3] =	ssyncadd.s32 $0xFFFF3800  }
0x3ca: {  	_ =	swait.ge [sflag:s3], $0xC800  }
0x3cb: {  	[sflag:s3] =	ssyncset.done $0x0  }
0x3cc: {  	[sflag:s3] =	ssyncadd.s32 $0xFFFF3800  }
0x3cd: {  	_ =	swait.ge [sflag:s3], $0xC800  }
0x3ce: {  	[sflag:s3] =	ssyncset.done $0x0  }
0x3cf: {  	[sflag:s3] =	ssyncadd.s32 $0xFFFF3800  }
0x3d0: {  	_ =	swait.ge [sflag:s3], $0xC800  }
0x3d1: {  	[sflag:s3] =	ssyncset.done $0x0  }
0x3d2: {  	[sflag:s3] =	ssyncadd.s32 $0xFFFF3800  }
0x3d3: {  	_ =	swait.ge [sflag:s3], $0xC800  }
0x3d4: {  	[sflag:s3] =	ssyncset.done $0x0  }
0x3d5: {  	[sflag:s3] =	ssyncadd.s32 $0xFFFF3800  }
0x3d6: {  	_ =	swait.ge [sflag:s3], $0xC800  }
0x3d7: {  	[sflag:s3] =	ssyncset.done $0x0  }
0x3d8: {  	[sflag:s3] =	ssyncadd.s32 $0xFFFF3800  }
0x3d9: {  	_ =	swait.ge [sflag:s3], $0xC800  }
0x3da: {  	[sflag:s3] =	ssyncset.done $0x0  }
0x3db: {  	[sflag:s3] =	ssyncadd.s32 $0xFFFF3800  }
0x3dc: {  	_ =	swait.ge [sflag:s3], $0xC800  }
0x3dd: {  	[sflag:s3] =	ssyncset.done $0x0  }
0x3de: {  	[sflag:s3] =	ssyncadd.s32 $0xFFFF3800  }
0x3df: {  	_ =	swait.ge [sflag:s3], $0xC800  }
0x3e0: {  	[sflag:s3] =	ssyncset.done $0x0  }
0x3e1: {  	[sflag:s3] =	ssyncadd.s32 $0xFFFF3800  }
0x3e2: {  	_ =	swait.ge [sflag:s3], $0xC800  }
0x3e3: {  	[sflag:s3] =	ssyncset.done $0x0  }
0x3e4: {  	[sflag:s3] =	ssyncadd.s32 $0xFFFF3800  }
0x3e5: {  	_ =	swait.ge [sflag:s3], $0xC800  }
0x3e6: {  	s30 =	sld [smem:$0x7F7]  }
0x3e7: {  	[sflag:s3] =	ssyncset.done $0x0  }
0x3e8: {  	[sflag:s3] =	ssyncadd.s32 $0xFFFF3800  }
0x3e9: {  	[tilespmem:s16], [sflag:$0x1] =	stream.linear.gather [hbm4b:s30+s1], $0xC800, $0x38;
	[tilespmem:$0x1A900] =	vst v63  }
0x3ea: {  	_ =	swait.ge [sflag:s20], $0xC800  }
0x3eb: {  	s31 =	sld [smem:$0x7F8]  }
0x3ec: {  	[sflag:s20] =	ssyncset.done $0x0  }
0x3ed: {  	[sflag:s20] =	ssyncadd.s32 $0xFFFF3800  }
0x3ee: {  	[hbm:s31@s18], [sflag:s22] =	dma.strided [spmem:s21@s19], $0x1900, s17, $0x10   }
0x3ef: {  	s0 =	sld [smem:$0x7F9];
	_ =	sdelay $0x2  }
0x3f0: {  	[hbm:s0@s18], [sflag:s22] =	dma.strided [spmem:s21@s19], $0x1900, s17, $0x10   }
0x3f1: {  	s0 =	sld [smem:$0x7FA];
	_ =	sdelay $0x2  }
0x3f2: {  	[hbm:s0@s18], [sflag:s22] =	dma.strided [spmem:s21@s19], $0x1900, s17, $0x10   }
0x3f3: {  	s0 =	sld [smem:$0x7FB];
	_ =	sdelay $0x2  }
0x3f4: {  	[hbm:s0@s18], [sflag:s22] =	dma.strided [spmem:s21@s19], $0x1900, s17, $0x10   }
0x3f5: {  	s0 =	sld [smem:$0x7FC];
	_ =	sdelay $0x2  }
0x3f6: {  	[hbm:s0@s18], [sflag:s22] =	dma.strided [spmem:s21@s19], $0x1900, s17, $0x10   }
0x3f7: {  	s0 =	sld [smem:$0x7FD];
	_ =	sdelay $0x2  }
0x3f8: {  	[hbm4b:s0+s14] =	stream.strided.scatter [tilespmem:s16], [sflag:$0x2], $0xC800, s15, s14, $0x38;
	[tilespmem:$0x1A900] =	vst v63  }
0x3f9: {  	_ = 	snop  }
0x3fa: {  	[hbm4b:s4+s14] =	stream.strided.scatter [tilespmem:s16], [sflag:$0x2], $0xC800, s15, s14, $0x38;
	[tilespmem:$0x1A900] =	vst v63  }
0x3fb: {  	_ = 	snop  }
0x3fc: {  	[hbm4b:s5+s14] =	stream.strided.scatter [tilespmem:s16], [sflag:$0x2], $0xC800, s15, s14, $0x38;
	[tilespmem:$0x1A900] =	vst v63  }
0x3fd: {  	_ = 	snop  }
0x3fe: {  	[hbm4b:s6+s14] =	stream.strided.scatter [tilespmem:s16], [sflag:$0x2], $0xC800, s15, s14, $0x38;
	[tilespmem:$0x1A900] =	vst v63  }
0x3ff: {  	_ = 	snop  }
0x400: {  	[hbm4b:s7+s14] =	stream.strided.scatter [tilespmem:s16], [sflag:$0x2], $0xC800, s15, s14, $0x38;
	[tilespmem:$0x1A900] =	vst v63  }
0x401: {  	_ = 	snop  }
0x402: {  	[hbm4b:s8+s14] =	stream.strided.scatter [tilespmem:s16], [sflag:$0x2], $0xC800, s15, s14, $0x38;
	[tilespmem:$0x1A900] =	vst v63  }
0x403: {  	_ = 	snop  }
0x404: {  	[hbm4b:s9+s14] =	stream.strided.scatter [tilespmem:s16], [sflag:$0x2], $0xC800, s15, s14, $0x38;
	[tilespmem:$0x1A900] =	vst v63  }
0x405: {  	_ = 	snop  }
0x406: {  	[hbm4b:s10+s14] =	stream.strided.scatter [tilespmem:s16], [sflag:$0x2], $0xC800, s15, s14, $0x38;
	[tilespmem:$0x1A900] =	vst v63  }
0x407: {  	_ = 	snop  }
0x408: {  	[hbm4b:s11+s14] =	stream.strided.scatter [tilespmem:s16], [sflag:$0x2], $0xC800, s15, s14, $0x38;
	[tilespmem:$0x1A900] =	vst v63  }
0x409: {  	_ = 	snop  }
0x40a: {  	[hbm4b:s12+s14] =	stream.strided.scatter [tilespmem:s16], [sflag:$0x2], $0xC800, s15, s14, $0x38;
	[tilespmem:$0x1A900] =	vst v63  }
0x40b: {  	_ = 	snop  }
0x40c: {  	[hbm4b:s13+s14] =	stream.strided.scatter [tilespmem:s16], [sflag:$0x2], $0xC800, s15, s14, $0x38;
	[tilespmem:$0x1A900] =	vst v63  }
0x40d: {  	_ =	swait.ge [sflag:s3], $0xC800  }
0x40e: {  	[sflag:s3] =	ssyncset.done $0x0  }
0x40f: {  	[sflag:s3] =	ssyncadd.s32 $0xFFFF3800  }
0x410: {  	_ =	swait.ge [sflag:s3], $0xC800  }
0x411: {  	[sflag:s3] =	ssyncset.done $0x0  }
0x412: {  	[sflag:s3] =	ssyncadd.s32 $0xFFFF3800  }
0x413: {  	_ =	swait.ge [sflag:s3], $0xC800  }
0x414: {  	[sflag:s3] =	ssyncset.done $0x0  }
0x415: {  	[sflag:s3] =	ssyncadd.s32 $0xFFFF3800  }
0x416: {  	_ =	swait.ge [sflag:s3], $0xC800  }
0x417: {  	[sflag:s3] =	ssyncset.done $0x0  }
0x418: {  	[sflag:s3] =	ssyncadd.s32 $0xFFFF3800  }
0x419: {  	_ =	swait.ge [sflag:s3], $0xC800  }
0x41a: {  	[sflag:s3] =	ssyncset.done $0x0  }
0x41b: {  	[sflag:s3] =	ssyncadd.s32 $0xFFFF3800  }
0x41c: {  	_ =	swait.ge [sflag:s3], $0xC800  }
0x41d: {  	[sflag:s3] =	ssyncset.done $0x0  }
0x41e: {  	[sflag:s3] =	ssyncadd.s32 $0xFFFF3800  }
0x41f: {  	_ =	swait.ge [sflag:s3], $0xC800  }
0x420: {  	[sflag:s3] =	ssyncset.done $0x0  }
0x421: {  	[sflag:s3] =	ssyncadd.s32 $0xFFFF3800  }
0x422: {  	_ =	swait.ge [sflag:s3], $0xC800  }
0x423: {  	[sflag:s3] =	ssyncset.done $0x0  }
0x424: {  	[sflag:s3] =	ssyncadd.s32 $0xFFFF3800  }
0x425: {  	_ =	swait.ge [sflag:s3], $0xC800  }
0x426: {  	[sflag:s3] =	ssyncset.done $0x0  }
0x427: {  	[sflag:s3] =	ssyncadd.s32 $0xFFFF3800  }
0x428: {  	_ =	swait.ge [sflag:s3], $0xC800  }
0x429: {  	[sflag:s3] =	ssyncset.done $0x0  }
0x42a: {  	[sflag:s3] =	ssyncadd.s32 $0xFFFF3800  }
0x42b: {  	_ =	swait.ge [sflag:s3], $0xC800  }
0x42c: {  	[sflag:s3] =	ssyncset.done $0x0  }
0x42d: {  	[sflag:s3] =	ssyncadd.s32 $0xFFFF3800  }
0x42e: {  	_ =	swait.ge [sflag:s3], $0xC800  }
0x42f: {  	[sflag:s3] =	ssyncset.done $0x0  }
0x430: {  	[sflag:s3] =	ssyncadd.s32 $0xFFFF3800  }
0x431: {  	_ =	swait.ge [sflag:s3], $0xC800  }
0x432: {  	[sflag:s3] =	ssyncset.done $0x0  }
0x433: {  	[sflag:s3] =	ssyncadd.s32 $0xFFFF3800  }
0x434: {  	_ =	swait.ge [sflag:s3], $0xC800  }
0x435: {  	[sflag:s3] =	ssyncset.done $0x0  }
0x436: {  	[sflag:s3] =	ssyncadd.s32 $0xFFFF3800  }
0x437: {  	_ =	swait.ge [sflag:s3], $0xC800  }
0x438: {  	[sflag:s3] =	ssyncset.done $0x0  }
0x439: {  	[sflag:s3] =	ssyncadd.s32 $0xFFFF3800  }
0x43a: {  	_ =	swait.ge [sflag:s3], $0xC800  }
0x43b: {  	[sflag:s3] =	ssyncset.done $0x0  }
0x43c: {  	[sflag:s3] =	ssyncadd.s32 $0xFFFF3800  }
0x43d: {  	_ =	swait.ge [sflag:s3], $0xC800  }
0x43e: {  	[sflag:s3] =	ssyncset.done $0x0  }
0x43f: {  	[sflag:s3] =	ssyncadd.s32 $0xFFFF3800  }
0x440: {  	_ =	swait.ge [sflag:s3], $0xC800  }
0x441: {  	[sflag:s3] =	ssyncset.done $0x0  }
0x442: {  	[sflag:s3] =	ssyncadd.s32 $0xFFFF3800  }
0x443: {  	_ =	swait.ge [sflag:s3], $0xC800  }
0x444: {  	[sflag:s3] =	ssyncset.done $0x0  }
0x445: {  	[sflag:s3] =	ssyncadd.s32 $0xFFFF3800  }
0x446: {  	_ =	swait.ge [sflag:s3], $0xC800  }
0x447: {  	[sflag:s3] =	ssyncset.done $0x0  }
0x448: {  	[sflag:s3] =	ssyncadd.s32 $0xFFFF3800  }
0x449: {  	_ =	swait.ge [sflag:s3], $0xC800  }
0x44a: {  	[sflag:s3] =	ssyncset.done $0x0  }
0x44b: {  	[sflag:s3] =	ssyncadd.s32 $0xFFFF3800  }
0x44c: {  	_ =	swait.ge [sflag:s3], $0xC800  }
0x44d: {  	[sflag:s3] =	ssyncset.done $0x0  }
0x44e: {  	[sflag:s3] =	ssyncadd.s32 $0xFFFF3800  }
0x44f: {  	_ =	swait.ge [sflag:s2], $0x1900  }
0x450: {  	[sflag:s2] =	ssyncset.done $0x0  }
0x451: {  	[sflag:s2] =	ssyncadd.s32 $0xFFFFE700  }
0x452: {  	_ =	swait.ge [sflag:s2], $0x1900  }
0x453: {  	[sflag:s2] =	ssyncset.done $0x0  }
0x454: {  	[sflag:s2] =	ssyncadd.s32 $0xFFFFE700  }
0x455: {  	_ =	swait.ge [sflag:s2], $0x1900  }
0x456: {  	[sflag:s2] =	ssyncset.done $0x0  }
0x457: {  	[sflag:s2] =	ssyncadd.s32 $0xFFFFE700  }
0x458: {  	_ =	swait.ge [sflag:s2], $0x1900  }
0x459: {  	[sflag:s2] =	ssyncset.done $0x0  }
0x45a: {  	[sflag:s2] =	ssyncadd.s32 $0xFFFFE700  }
0x45b: {  	_ =	swait.ge [sflag:s2], $0x1900  }
0x45c: {  	[sflag:s2] =	ssyncset.done $0x0  }
0x45d: {  	[sflag:s2] =	ssyncadd.s32 $0xFFFFE700  }
0x45e: {  	_ =	swait.ge [sflag:s2], $0x1900  }
0x45f: {  	[sflag:s2] =	ssyncset.done $0x0  }
0x460: {  	[sflag:s2] =	ssyncadd.s32 $0xFFFFE700  }
0x461: {  	_ =	swait.ge [sflag:s2], $0x1900  }
0x462: {  	[sflag:s2] =	ssyncset.done $0x0  }
0x463: {  	[sflag:s2] =	ssyncadd.s32 $0xFFFFE700  }
0x464: {  	_ =	swait.ge [sflag:s2], $0x1900  }
0x465: {  	[sflag:s2] =	ssyncset.done $0x0  }
0x466: {  	[sflag:s2] =	ssyncadd.s32 $0xFFFFE700  }
0x467: {  	_ =	swait.ge [sflag:s2], $0x1900  }
0x468: {  	[sflag:s2] =	ssyncset.done $0x0  }
0x469: {  	[sflag:s2] =	ssyncadd.s32 $0xFFFFE700  }
0x46a: {  	_ =	swait.ge [sflag:s2], $0x1900  }
0x46b: {  	[sflag:s2] =	ssyncset.done $0x0  }
0x46c: {  	[sflag:s2] =	ssyncadd.s32 $0xFFFFE700  }
0x46d: {  	_ =	sfence.sel $0x180000  }
0x46e: {  	[bflag:$0x0] =	sbarrier.arrive $0xFFFF  }
0x46f: {  	_ =	strace $0x90000047  }
0x470: {  	s0 =	sadd.s32 @!p0 $0x100000, s29;
	[bflag:$0x2] =	sbarrier.arrive $0xFFFF  }
0x471: {  	[sflag:s0] =	ssyncadd.tile.s32 @!p0 $0x1;
	_ =	shalt  }
.LBB2_2:
.Ltmp3:
0x472: {  	(pc) =	sbr.rel .LBB2_5-.Ltmp3, $3  }
0x473: {  	_ =	sdelay $0x1  }
0x474: {  	s29 =	rddreg [dreg:$0x3]  }
0x475: {  	s21 =	rddreg [dreg:$0x2]  }
.Lfunc_end2:
_tile_overlayer_lowered:
.L_overlay_start_2:
0x476: {  	(tag) =	ssettag $0x2  }
0x477: {  	s0 =	rddreg [dreg:$0x0];
	s2 =	stileid.u32  }
0x478: {  	s1 =	rddreg [dreg:$0x1];
	p0 =	sne.s32 s2, $0x0  }
0x479: {  	s3 =	rddreg [dreg:$0x2];
	[bflag:$0x3] =	sbarrier.arrive $0xFFFF;
	s2 =	simm.s32 @!p0 $0x1C04  }
0x47a: {  	[timem:s3], [sflag:s2] =	dma.local @!p0 [hbm:s0], s1  }
0x47b: {  	s0 =	simm.s32 @!p0 $0x4  }
0x47c: {  	_ =	swait.ge @!p0 [sflag:s0], s1  }
0x47d: {  	s1 =	ssub.s32 @!p0 $0x0, s1;
	[sflag:s0] =	ssyncset.done @!p0 $0x0  }
0x47e: {  	[sflag:s0] =	ssyncadd.s32 @!p0 s1  }
0x47f: {  	[bflag:$0x3] =	sbarrier.arrive $0xFFFF  }
0x480: {  	_ =	shalt  }

</sc_bundles>
